<compile_context>
chip_gen: v7x
topology: tpu7x:2x2x1
jax: 0.10.2.dev20260603
libtpu: 0.0.44.dev20260713+nightly
codegen_flags: <defaults>
</compile_context>

<pallas_src>
import jax
import jax.numpy as jnp
from jax import lax
from jax.experimental import pallas as pl
from jax.experimental.pallas import tpu as pltpu
from jax.experimental.pallas import tpu_sc as plsc

_NB = 4
_NC = 768
_D = 8192
_K = 16
_QD = 2048
_NQ = _D // _QD
_NCG = _NC // _K
_TASKS = _NB * _NCG * _NQ
_NW = 32
_TPW = _TASKS // _NW
_NCGW = _TPW // _NQ
_NSLOT = 3


def _body(in_hbm, out_hbm,
          idx0, idx1, idx2, idx3, idx4, idx5,
          buf0, buf1, buf2, sem_g, sem_s):
    cid = lax.axis_index("c")
    sid = lax.axis_index("s")
    wid = cid * 16 + sid
    t0 = wid * _TPW

    iv = lax.iota(jnp.int32, _K)
    idxs = (idx0, idx1, idx2, idx3, idx4, idx5)
    bufs = (buf0, buf1, buf2)

    def task(k):
        t = t0 + k
        b = t // (_NCG * _NQ)
        rem = t % (_NCG * _NQ)
        cg = rem // _NQ
        q = rem % _NQ
        return b, cg * _K, q * _QD

    for j in range(_NCGW):
        _, o0, _ = task(4 * j)
        idxs[j][...] = (_NC - 1 - o0) - iv

    def start_gather(k, slot):
        b, _, qq = task(k)
        src = in_hbm.at[b, :, pl.ds(qq, _QD)]
        return pltpu.async_copy(src.at[idxs[k // _NQ]], bufs[slot], sem_g)

    def start_store(k, slot):
        b, o0, qq = task(k)
        dst = out_hbm.at[b, pl.ds(o0, _K), pl.ds(qq, _QD)]
        return pltpu.async_copy(bufs[slot], dst, sem_s)

    gath = {}
    for k in range(_NSLOT):
        gath[k] = start_gather(k, k % _NSLOT)
    st = {}
    for k in range(_TPW):
        if k > 0:
            st[k - 1].wait()
            if k - 1 + _NSLOT < _TPW:
                gath[k - 1 + _NSLOT] = start_gather(
                    k - 1 + _NSLOT, (k - 1) % _NSLOT)
        gath[k].wait()
        st[k] = start_store(k, k % _NSLOT)
    st[_TPW - 1].wait()


@jax.jit
def _permute(x):
    mesh = plsc.VectorSubcoreMesh(core_axis_name="c", subcore_axis_name="s")
    return pl.kernel(
        _body,
        mesh=mesh,
        out_type=jax.ShapeDtypeStruct((_NB, _NC, _D), jnp.float32),
        scratch_types=[
            pltpu.VMEM((_K,), jnp.int32),
            pltpu.VMEM((_K,), jnp.int32),
            pltpu.VMEM((_K,), jnp.int32),
            pltpu.VMEM((_K,), jnp.int32),
            pltpu.VMEM((_K,), jnp.int32),
            pltpu.VMEM((_K,), jnp.int32),
            pltpu.VMEM((_K, _QD), jnp.float32),
            pltpu.VMEM((_K, _QD), jnp.float32),
            pltpu.VMEM((_K, _QD), jnp.float32),
            pltpu.SemaphoreType.DMA,
            pltpu.SemaphoreType.DMA,
        ],
    )(x)


def kernel(input):
    return _permute(input)

# --- scband reference (transcript-rebuilt; emitter-appended) ---
"""Pipeline reference for scband-permute2d-76355928588989 (READ-ONLY COPY).

The authoritative reference and input builder live on the scoring server;
editing this copy changes nothing except your own understanding.
"""

import jax, jax.numpy as jnp
import numpy as np

NUM_CHANNELS = 768
# shuffle=False -> indices are the deterministic channel reversal, as in __init__
INDICES = np.arange(NUM_CHANNELS - 1, -1, -1).astype(np.int64)
INDICES_INVERSE = np.zeros(NUM_CHANNELS, dtype=np.int64)
for i in range(NUM_CHANNELS):
    INDICES_INVERSE[INDICES[i]] = i


def setup_inputs(seed: int = 0) -> dict:
    key = jax.random.key(seed)
    x = jax.random.normal(key, (4, NUM_CHANNELS, 8192), dtype=jnp.float32)
    return {"input": x}


def reference(input) -> jnp.ndarray:
    # forward with reverse=False: gather channels by self.indices
    idx = jnp.asarray(INDICES)
    return jnp.take(input, idx, axis=1)

if __name__ == "__main__":
    import jax
    _d = setup_inputs()
    print(jax.jit(kernel)(*tuple(_d.values())))

</pallas_src>

<mosaic_0001>
#map = affine_map<(d0, d1) -> (0, 0, 0)>
module attributes {stable_mosaic.version = 14 : i64} {
  func.func @_body(%arg0: i32, %arg1: i32, %arg2: memref<4x768x8192xf32, #tpu.memory_space<hbm>>, %arg3: memref<4x768x8192xf32, #tpu.memory_space<hbm>>, %arg4: memref<16xi32, #tpu.memory_space<vmem>>, %arg5: memref<16xi32, #tpu.memory_space<vmem>>, %arg6: memref<16xi32, #tpu.memory_space<vmem>>, %arg7: memref<16xi32, #tpu.memory_space<vmem>>, %arg8: memref<16xi32, #tpu.memory_space<vmem>>, %arg9: memref<16xi32, #tpu.memory_space<vmem>>, %arg10: memref<16x2048xf32, #tpu.memory_space<vmem>>, %arg11: memref<16x2048xf32, #tpu.memory_space<vmem>>, %arg12: memref<16x2048xf32, #tpu.memory_space<vmem>>, %arg13: memref<!tpu.dma_semaphore, #tpu.memory_space<semaphore_mem>>, %arg14: memref<!tpu.dma_semaphore, #tpu.memory_space<semaphore_mem>>) attributes {dimension_semantics = [#tpu.dimension_semantics<core_parallel>, #tpu.dimension_semantics<subcore_parallel>], iteration_bounds = array<i64: 2, 16>, scalar_prefetch = 0 : i64, scratch_operands = 11 : i64, tpu.core_type = #tpu.core_type<sc_vector_subcore>, window_params = [{transform_indices = #map}, {transform_indices = #map}]} {
    %mul3A = arith.constant 16 : i32
    %mul3A_0 = arith.muli %arg0, %mul3A : i32
    %add3A = arith.addi %mul3A_0, %arg1 : i32
    %mul3A_1 = arith.constant 24 : i32
    %mul3A_2 = arith.muli %add3A, %mul3A_1 : i32
    %iota3A = tpu.iota {dimensions = array<i32: 0>} : vector<16xi32>
    %add3A_3 = arith.constant 0 : i32
    %add3A_4 = arith.addi %mul3A_2, %add3A_3 : i32
    %jit3A = arith.constant 192 : i32
    %div3A = arith.divsi %add3A_4, %jit3A : i32
    %sign3A = arith.constant 0 : i32
    %sign3A_5 = arith.cmpi sgt, %add3A_4, %sign3A : i32
    %sign3A_6 = arith.extui %sign3A_5 : i1 to i32
    %sign3A_7 = arith.constant 0 : i32
    %sign3A_8 = arith.cmpi slt, %add3A_4, %sign3A_7 : i32
    %sign3A_9 = arith.extui %sign3A_8 : i1 to i32
    %sign3A_10 = arith.subi %sign3A_6, %sign3A_9 : i32
    %sign3A_11 = arith.constant 0 : i32
    %sign3A_12 = arith.cmpi sgt, %jit3A, %sign3A_11 : i32
    %sign3A_13 = arith.extui %sign3A_12 : i1 to i32
    %sign3A_14 = arith.constant 0 : i32
    %sign3A_15 = arith.cmpi slt, %jit3A, %sign3A_14 : i32
    %sign3A_16 = arith.extui %sign3A_15 : i1 to i32
    %sign3A_17 = arith.subi %sign3A_13, %sign3A_16 : i32
    %ne3A = arith.cmpi ne, %sign3A_10, %sign3A_17 : i32
    %rem3A = arith.remsi %add3A_4, %jit3A : i32
    %ne3A_18 = arith.constant 0 : i32
    %ne3A_19 = arith.cmpi ne, %rem3A, %ne3A_18 : i32
    %and3A = arith.andi %ne3A, %ne3A_19 : i1
    %sub3A = arith.constant 1 : i32
    %sub3A_20 = arith.subi %div3A, %sub3A : i32
    %select_n3A = arith.select %and3A, %sub3A_20, %div3A : i32
    %jit3A_21 = arith.constant 192 : i32
    %eq3A = arith.constant 0 : i32
    %eq3A_22 = arith.cmpi eq, %jit3A_21, %eq3A : i32
    %jit3A_23 = arith.constant 1 : i32
    %select_n3A_24 = arith.select %eq3A_22, %jit3A_23, %jit3A_21 : i32
    %rem3A_25 = arith.remsi %add3A_4, %select_n3A_24 : i32
    %ne3A_26 = arith.constant 0 : i32
    %ne3A_27 = arith.cmpi ne, %rem3A_25, %ne3A_26 : i32
    %lt3A = arith.constant 0 : i32
    %lt3A_28 = arith.cmpi slt, %rem3A_25, %lt3A : i32
    %lt3A_29 = arith.constant 0 : i32
    %lt3A_30 = arith.cmpi slt, %select_n3A_24, %lt3A_29 : i32
    %ne3A_31 = arith.xori %lt3A_28, %lt3A_30 : i1
    %and3A_32 = arith.andi %ne3A_31, %ne3A_27 : i1
    %add3A_33 = arith.addi %rem3A_25, %select_n3A_24 : i32
    %select_n3A_34 = arith.select %and3A_32, %add3A_33, %rem3A_25 : i32
    %jit3A_35 = arith.constant 4 : i32
    %div3A_36 = arith.divsi %select_n3A_34, %jit3A_35 : i32
    %sign3A_37 = arith.constant 0 : i32
    %sign3A_38 = arith.cmpi sgt, %select_n3A_34, %sign3A_37 : i32
    %sign3A_39 = arith.extui %sign3A_38 : i1 to i32
    %sign3A_40 = arith.constant 0 : i32
    %sign3A_41 = arith.cmpi slt, %select_n3A_34, %sign3A_40 : i32
    %sign3A_42 = arith.extui %sign3A_41 : i1 to i32
    %sign3A_43 = arith.subi %sign3A_39, %sign3A_42 : i32
    %sign3A_44 = arith.constant 0 : i32
    %sign3A_45 = arith.cmpi sgt, %jit3A_35, %sign3A_44 : i32
    %sign3A_46 = arith.extui %sign3A_45 : i1 to i32
    %sign3A_47 = arith.constant 0 : i32
    %sign3A_48 = arith.cmpi slt, %jit3A_35, %sign3A_47 : i32
    %sign3A_49 = arith.extui %sign3A_48 : i1 to i32
    %sign3A_50 = arith.subi %sign3A_46, %sign3A_49 : i32
    %ne3A_51 = arith.cmpi ne, %sign3A_43, %sign3A_50 : i32
    %rem3A_52 = arith.remsi %select_n3A_34, %jit3A_35 : i32
    %ne3A_53 = arith.constant 0 : i32
    %ne3A_54 = arith.cmpi ne, %rem3A_52, %ne3A_53 : i32
    %and3A_55 = arith.andi %ne3A_51, %ne3A_54 : i1
    %sub3A_56 = arith.constant 1 : i32
    %sub3A_57 = arith.subi %div3A_36, %sub3A_56 : i32
    %select_n3A_58 = arith.select %and3A_55, %sub3A_57, %div3A_36 : i32
    %jit3A_59 = arith.constant 4 : i32
    %eq3A_60 = arith.constant 0 : i32
    %eq3A_61 = arith.cmpi eq, %jit3A_59, %eq3A_60 : i32
    %jit3A_62 = arith.constant 1 : i32
    %select_n3A_63 = arith.select %eq3A_61, %jit3A_62, %jit3A_59 : i32
    %rem3A_64 = arith.remsi %select_n3A_34, %select_n3A_63 : i32
    %ne3A_65 = arith.constant 0 : i32
    %ne3A_66 = arith.cmpi ne, %rem3A_64, %ne3A_65 : i32
    %lt3A_67 = arith.constant 0 : i32
    %lt3A_68 = arith.cmpi slt, %rem3A_64, %lt3A_67 : i32
    %lt3A_69 = arith.constant 0 : i32
    %lt3A_70 = arith.cmpi slt, %select_n3A_63, %lt3A_69 : i32
    %ne3A_71 = arith.xori %lt3A_68, %lt3A_70 : i1
    %and3A_72 = arith.andi %ne3A_71, %ne3A_66 : i1
    %add3A_73 = arith.addi %rem3A_64, %select_n3A_63 : i32
    %select_n3A_74 = arith.select %and3A_72, %add3A_73, %rem3A_64 : i32
    %mul3A_75 = arith.constant 16 : i32
    %mul3A_76 = arith.muli %select_n3A_58, %mul3A_75 : i32
    %mul3A_77 = arith.constant 2048 : i32
    %mul3A_78 = arith.muli %select_n3A_74, %mul3A_77 : i32
    %sub3A_79 = arith.constant 767 : i32
    %sub3A_80 = arith.subi %sub3A_79, %mul3A_76 : i32
    %sub3A_81 = vector.broadcast %sub3A_80 : i32 to vector<16xi32>
    %sub3A_82 = arith.subi %sub3A_81, %iota3A : vector<16xi32>
    %swap3A = arith.constant 0 : index
    %swap3A_83 = tpu.vector_load %arg4[%swap3A] {strides = array<i32>} : memref<16xi32, #tpu.memory_space<vmem>>, vector<16xi32>,
    %swap3A_84 = vector.shape_cast %swap3A_83 : vector<16xi32> to vector<16xi32>
    %swap3A_85 = vector.shape_cast %sub3A_82 : vector<16xi32> to vector<16xi32>
    tpu.vector_store %arg4[%swap3A], %swap3A_85 {strides = array<i32>} : memref<16xi32, #tpu.memory_space<vmem>>, vector<16xi32>,
    %add3A_86 = arith.constant 4 : i32
    %add3A_87 = arith.addi %mul3A_2, %add3A_86 : i32
    %jit3A_88 = arith.constant 192 : i32
    %div3A_89 = arith.divsi %add3A_87, %jit3A_88 : i32
    %sign3A_90 = arith.constant 0 : i32
    %sign3A_91 = arith.cmpi sgt, %add3A_87, %sign3A_90 : i32
    %sign3A_92 = arith.extui %sign3A_91 : i1 to i32
    %sign3A_93 = arith.constant 0 : i32
    %sign3A_94 = arith.cmpi slt, %add3A_87, %sign3A_93 : i32
    %sign3A_95 = arith.extui %sign3A_94 : i1 to i32
    %sign3A_96 = arith.subi %sign3A_92, %sign3A_95 : i32
    %sign3A_97 = arith.constant 0 : i32
    %sign3A_98 = arith.cmpi sgt, %jit3A_88, %sign3A_97 : i32
    %sign3A_99 = arith.extui %sign3A_98 : i1 to i32
    %sign3A_100 = arith.constant 0 : i32
    %sign3A_101 = arith.cmpi slt, %jit3A_88, %sign3A_100 : i32
    %sign3A_102 = arith.extui %sign3A_101 : i1 to i32
    %sign3A_103 = arith.subi %sign3A_99, %sign3A_102 : i32
    %ne3A_104 = arith.cmpi ne, %sign3A_96, %sign3A_103 : i32
    %rem3A_105 = arith.remsi %add3A_87, %jit3A_88 : i32
    %ne3A_106 = arith.constant 0 : i32
    %ne3A_107 = arith.cmpi ne, %rem3A_105, %ne3A_106 : i32
    %and3A_108 = arith.andi %ne3A_104, %ne3A_107 : i1
    %sub3A_109 = arith.constant 1 : i32
    %sub3A_110 = arith.subi %div3A_89, %sub3A_109 : i32
    %select_n3A_111 = arith.select %and3A_108, %sub3A_110, %div3A_89 : i32
    %jit3A_112 = arith.constant 192 : i32
    %eq3A_113 = arith.constant 0 : i32
    %eq3A_114 = arith.cmpi eq, %jit3A_112, %eq3A_113 : i32
    %jit3A_115 = arith.constant 1 : i32
    %select_n3A_116 = arith.select %eq3A_114, %jit3A_115, %jit3A_112 : i32
    %rem3A_117 = arith.remsi %add3A_87, %select_n3A_116 : i32
    %ne3A_118 = arith.constant 0 : i32
    %ne3A_119 = arith.cmpi ne, %rem3A_117, %ne3A_118 : i32
    %lt3A_120 = arith.constant 0 : i32
    %lt3A_121 = arith.cmpi slt, %rem3A_117, %lt3A_120 : i32
    %lt3A_122 = arith.constant 0 : i32
    %lt3A_123 = arith.cmpi slt, %select_n3A_116, %lt3A_122 : i32
    %ne3A_124 = arith.xori %lt3A_121, %lt3A_123 : i1
    %and3A_125 = arith.andi %ne3A_124, %ne3A_119 : i1
    %add3A_126 = arith.addi %rem3A_117, %select_n3A_116 : i32
    %select_n3A_127 = arith.select %and3A_125, %add3A_126, %rem3A_117 : i32
    %jit3A_128 = arith.constant 4 : i32
    %div3A_129 = arith.divsi %select_n3A_127, %jit3A_128 : i32
    %sign3A_130 = arith.constant 0 : i32
    %sign3A_131 = arith.cmpi sgt, %select_n3A_127, %sign3A_130 : i32
    %sign3A_132 = arith.extui %sign3A_131 : i1 to i32
    %sign3A_133 = arith.constant 0 : i32
    %sign3A_134 = arith.cmpi slt, %select_n3A_127, %sign3A_133 : i32
    %sign3A_135 = arith.extui %sign3A_134 : i1 to i32
    %sign3A_136 = arith.subi %sign3A_132, %sign3A_135 : i32
    %sign3A_137 = arith.constant 0 : i32
    %sign3A_138 = arith.cmpi sgt, %jit3A_128, %sign3A_137 : i32
    %sign3A_139 = arith.extui %sign3A_138 : i1 to i32
    %sign3A_140 = arith.constant 0 : i32
    %sign3A_141 = arith.cmpi slt, %jit3A_128, %sign3A_140 : i32
    %sign3A_142 = arith.extui %sign3A_141 : i1 to i32
    %sign3A_143 = arith.subi %sign3A_139, %sign3A_142 : i32
    %ne3A_144 = arith.cmpi ne, %sign3A_136, %sign3A_143 : i32
    %rem3A_145 = arith.remsi %select_n3A_127, %jit3A_128 : i32
    %ne3A_146 = arith.constant 0 : i32
    %ne3A_147 = arith.cmpi ne, %rem3A_145, %ne3A_146 : i32
    %and3A_148 = arith.andi %ne3A_144, %ne3A_147 : i1
    %sub3A_149 = arith.constant 1 : i32
    %sub3A_150 = arith.subi %div3A_129, %sub3A_149 : i32
    %select_n3A_151 = arith.select %and3A_148, %sub3A_150, %div3A_129 : i32
    %jit3A_152 = arith.constant 4 : i32
    %eq3A_153 = arith.constant 0 : i32
    %eq3A_154 = arith.cmpi eq, %jit3A_152, %eq3A_153 : i32
    %jit3A_155 = arith.constant 1 : i32
    %select_n3A_156 = arith.select %eq3A_154, %jit3A_155, %jit3A_152 : i32
    %rem3A_157 = arith.remsi %select_n3A_127, %select_n3A_156 : i32
    %ne3A_158 = arith.constant 0 : i32
    %ne3A_159 = arith.cmpi ne, %rem3A_157, %ne3A_158 : i32
    %lt3A_160 = arith.constant 0 : i32
    %lt3A_161 = arith.cmpi slt, %rem3A_157, %lt3A_160 : i32
    %lt3A_162 = arith.constant 0 : i32
    %lt3A_163 = arith.cmpi slt, %select_n3A_156, %lt3A_162 : i32
    %ne3A_164 = arith.xori %lt3A_161, %lt3A_163 : i1
    %and3A_165 = arith.andi %ne3A_164, %ne3A_159 : i1
    %add3A_166 = arith.addi %rem3A_157, %select_n3A_156 : i32
    %select_n3A_167 = arith.select %and3A_165, %add3A_166, %rem3A_157 : i32
    %mul3A_168 = arith.constant 16 : i32
    %mul3A_169 = arith.muli %select_n3A_151, %mul3A_168 : i32
    %mul3A_170 = arith.constant 2048 : i32
    %mul3A_171 = arith.muli %select_n3A_167, %mul3A_170 : i32
    %sub3A_172 = arith.constant 767 : i32
    %sub3A_173 = arith.subi %sub3A_172, %mul3A_169 : i32
    %sub3A_174 = vector.broadcast %sub3A_173 : i32 to vector<16xi32>
    %sub3A_175 = arith.subi %sub3A_174, %iota3A : vector<16xi32>
    %swap3A_176 = arith.constant 0 : index
    %swap3A_177 = tpu.vector_load %arg5[%swap3A_176] {strides = array<i32>} : memref<16xi32, #tpu.memory_space<vmem>>, vector<16xi32>,
    %swap3A_178 = vector.shape_cast %swap3A_177 : vector<16xi32> to vector<16xi32>
    %swap3A_179 = vector.shape_cast %sub3A_175 : vector<16xi32> to vector<16xi32>
    tpu.vector_store %arg5[%swap3A_176], %swap3A_179 {strides = array<i32>} : memref<16xi32, #tpu.memory_space<vmem>>, vector<16xi32>,
    %add3A_180 = arith.constant 8 : i32
    %add3A_181 = arith.addi %mul3A_2, %add3A_180 : i32
    %jit3A_182 = arith.constant 192 : i32
    %div3A_183 = arith.divsi %add3A_181, %jit3A_182 : i32
    %sign3A_184 = arith.constant 0 : i32
    %sign3A_185 = arith.cmpi sgt, %add3A_181, %sign3A_184 : i32
    %sign3A_186 = arith.extui %sign3A_185 : i1 to i32
    %sign3A_187 = arith.constant 0 : i32
    %sign3A_188 = arith.cmpi slt, %add3A_181, %sign3A_187 : i32
    %sign3A_189 = arith.extui %sign3A_188 : i1 to i32
    %sign3A_190 = arith.subi %sign3A_186, %sign3A_189 : i32
    %sign3A_191 = arith.constant 0 : i32
    %sign3A_192 = arith.cmpi sgt, %jit3A_182, %sign3A_191 : i32
    %sign3A_193 = arith.extui %sign3A_192 : i1 to i32
    %sign3A_194 = arith.constant 0 : i32
    %sign3A_195 = arith.cmpi slt, %jit3A_182, %sign3A_194 : i32
    %sign3A_196 = arith.extui %sign3A_195 : i1 to i32
    %sign3A_197 = arith.subi %sign3A_193, %sign3A_196 : i32
    %ne3A_198 = arith.cmpi ne, %sign3A_190, %sign3A_197 : i32
    %rem3A_199 = arith.remsi %add3A_181, %jit3A_182 : i32
    %ne3A_200 = arith.constant 0 : i32
    %ne3A_201 = arith.cmpi ne, %rem3A_199, %ne3A_200 : i32
    %and3A_202 = arith.andi %ne3A_198, %ne3A_201 : i1
    %sub3A_203 = arith.constant 1 : i32
    %sub3A_204 = arith.subi %div3A_183, %sub3A_203 : i32
    %select_n3A_205 = arith.select %and3A_202, %sub3A_204, %div3A_183 : i32
    %jit3A_206 = arith.constant 192 : i32
    %eq3A_207 = arith.constant 0 : i32
    %eq3A_208 = arith.cmpi eq, %jit3A_206, %eq3A_207 : i32
    %jit3A_209 = arith.constant 1 : i32
    %select_n3A_210 = arith.select %eq3A_208, %jit3A_209, %jit3A_206 : i32
    %rem3A_211 = arith.remsi %add3A_181, %select_n3A_210 : i32
    %ne3A_212 = arith.constant 0 : i32
    %ne3A_213 = arith.cmpi ne, %rem3A_211, %ne3A_212 : i32
    %lt3A_214 = arith.constant 0 : i32
    %lt3A_215 = arith.cmpi slt, %rem3A_211, %lt3A_214 : i32
    %lt3A_216 = arith.constant 0 : i32
    %lt3A_217 = arith.cmpi slt, %select_n3A_210, %lt3A_216 : i32
    %ne3A_218 = arith.xori %lt3A_215, %lt3A_217 : i1
    %and3A_219 = arith.andi %ne3A_218, %ne3A_213 : i1
    %add3A_220 = arith.addi %rem3A_211, %select_n3A_210 : i32
    %select_n3A_221 = arith.select %and3A_219, %add3A_220, %rem3A_211 : i32
    %jit3A_222 = arith.constant 4 : i32
    %div3A_223 = arith.divsi %select_n3A_221, %jit3A_222 : i32
    %sign3A_224 = arith.constant 0 : i32
    %sign3A_225 = arith.cmpi sgt, %select_n3A_221, %sign3A_224 : i32
    %sign3A_226 = arith.extui %sign3A_225 : i1 to i32
    %sign3A_227 = arith.constant 0 : i32
    %sign3A_228 = arith.cmpi slt, %select_n3A_221, %sign3A_227 : i32
    %sign3A_229 = arith.extui %sign3A_228 : i1 to i32
    %sign3A_230 = arith.subi %sign3A_226, %sign3A_229 : i32
    %sign3A_231 = arith.constant 0 : i32
    %sign3A_232 = arith.cmpi sgt, %jit3A_222, %sign3A_231 : i32
    %sign3A_233 = arith.extui %sign3A_232 : i1 to i32
    %sign3A_234 = arith.constant 0 : i32
    %sign3A_235 = arith.cmpi slt, %jit3A_222, %sign3A_234 : i32
    %sign3A_236 = arith.extui %sign3A_235 : i1 to i32
    %sign3A_237 = arith.subi %sign3A_233, %sign3A_236 : i32
    %ne3A_238 = arith.cmpi ne, %sign3A_230, %sign3A_237 : i32
    %rem3A_239 = arith.remsi %select_n3A_221, %jit3A_222 : i32
    %ne3A_240 = arith.constant 0 : i32
    %ne3A_241 = arith.cmpi ne, %rem3A_239, %ne3A_240 : i32
    %and3A_242 = arith.andi %ne3A_238, %ne3A_241 : i1
    %sub3A_243 = arith.constant 1 : i32
    %sub3A_244 = arith.subi %div3A_223, %sub3A_243 : i32
    %select_n3A_245 = arith.select %and3A_242, %sub3A_244, %div3A_223 : i32
    %jit3A_246 = arith.constant 4 : i32
    %eq3A_247 = arith.constant 0 : i32
    %eq3A_248 = arith.cmpi eq, %jit3A_246, %eq3A_247 : i32
    %jit3A_249 = arith.constant 1 : i32
    %select_n3A_250 = arith.select %eq3A_248, %jit3A_249, %jit3A_246 : i32
    %rem3A_251 = arith.remsi %select_n3A_221, %select_n3A_250 : i32
    %ne3A_252 = arith.constant 0 : i32
    %ne3A_253 = arith.cmpi ne, %rem3A_251, %ne3A_252 : i32
    %lt3A_254 = arith.constant 0 : i32
    %lt3A_255 = arith.cmpi slt, %rem3A_251, %lt3A_254 : i32
    %lt3A_256 = arith.constant 0 : i32
    %lt3A_257 = arith.cmpi slt, %select_n3A_250, %lt3A_256 : i32
    %ne3A_258 = arith.xori %lt3A_255, %lt3A_257 : i1
    %and3A_259 = arith.andi %ne3A_258, %ne3A_253 : i1
    %add3A_260 = arith.addi %rem3A_251, %select_n3A_250 : i32
    %select_n3A_261 = arith.select %and3A_259, %add3A_260, %rem3A_251 : i32
    %mul3A_262 = arith.constant 16 : i32
    %mul3A_263 = arith.muli %select_n3A_245, %mul3A_262 : i32
    %mul3A_264 = arith.constant 2048 : i32
    %mul3A_265 = arith.muli %select_n3A_261, %mul3A_264 : i32
    %sub3A_266 = arith.constant 767 : i32
    %sub3A_267 = arith.subi %sub3A_266, %mul3A_263 : i32
    %sub3A_268 = vector.broadcast %sub3A_267 : i32 to vector<16xi32>
    %sub3A_269 = arith.subi %sub3A_268, %iota3A : vector<16xi32>
    %swap3A_270 = arith.constant 0 : index
    %swap3A_271 = tpu.vector_load %arg6[%swap3A_270] {strides = array<i32>} : memref<16xi32, #tpu.memory_space<vmem>>, vector<16xi32>,
    %swap3A_272 = vector.shape_cast %swap3A_271 : vector<16xi32> to vector<16xi32>
    %swap3A_273 = vector.shape_cast %sub3A_269 : vector<16xi32> to vector<16xi32>
    tpu.vector_store %arg6[%swap3A_270], %swap3A_273 {strides = array<i32>} : memref<16xi32, #tpu.memory_space<vmem>>, vector<16xi32>,
    %add3A_274 = arith.constant 12 : i32
    %add3A_275 = arith.addi %mul3A_2, %add3A_274 : i32
    %jit3A_276 = arith.constant 192 : i32
    %div3A_277 = arith.divsi %add3A_275, %jit3A_276 : i32
    %sign3A_278 = arith.constant 0 : i32
    %sign3A_279 = arith.cmpi sgt, %add3A_275, %sign3A_278 : i32
    %sign3A_280 = arith.extui %sign3A_279 : i1 to i32
    %sign3A_281 = arith.constant 0 : i32
    %sign3A_282 = arith.cmpi slt, %add3A_275, %sign3A_281 : i32
    %sign3A_283 = arith.extui %sign3A_282 : i1 to i32
    %sign3A_284 = arith.subi %sign3A_280, %sign3A_283 : i32
    %sign3A_285 = arith.constant 0 : i32
    %sign3A_286 = arith.cmpi sgt, %jit3A_276, %sign3A_285 : i32
    %sign3A_287 = arith.extui %sign3A_286 : i1 to i32
    %sign3A_288 = arith.constant 0 : i32
    %sign3A_289 = arith.cmpi slt, %jit3A_276, %sign3A_288 : i32
    %sign3A_290 = arith.extui %sign3A_289 : i1 to i32
    %sign3A_291 = arith.subi %sign3A_287, %sign3A_290 : i32
    %ne3A_292 = arith.cmpi ne, %sign3A_284, %sign3A_291 : i32
    %rem3A_293 = arith.remsi %add3A_275, %jit3A_276 : i32
    %ne3A_294 = arith.constant 0 : i32
    %ne3A_295 = arith.cmpi ne, %rem3A_293, %ne3A_294 : i32
    %and3A_296 = arith.andi %ne3A_292, %ne3A_295 : i1
    %sub3A_297 = arith.constant 1 : i32
    %sub3A_298 = arith.subi %div3A_277, %sub3A_297 : i32
    %select_n3A_299 = arith.select %and3A_296, %sub3A_298, %div3A_277 : i32
    %jit3A_300 = arith.constant 192 : i32
    %eq3A_301 = arith.constant 0 : i32
    %eq3A_302 = arith.cmpi eq, %jit3A_300, %eq3A_301 : i32
    %jit3A_303 = arith.constant 1 : i32
    %select_n3A_304 = arith.select %eq3A_302, %jit3A_303, %jit3A_300 : i32
    %rem3A_305 = arith.remsi %add3A_275, %select_n3A_304 : i32
    %ne3A_306 = arith.constant 0 : i32
    %ne3A_307 = arith.cmpi ne, %rem3A_305, %ne3A_306 : i32
    %lt3A_308 = arith.constant 0 : i32
    %lt3A_309 = arith.cmpi slt, %rem3A_305, %lt3A_308 : i32
    %lt3A_310 = arith.constant 0 : i32
    %lt3A_311 = arith.cmpi slt, %select_n3A_304, %lt3A_310 : i32
    %ne3A_312 = arith.xori %lt3A_309, %lt3A_311 : i1
    %and3A_313 = arith.andi %ne3A_312, %ne3A_307 : i1
    %add3A_314 = arith.addi %rem3A_305, %select_n3A_304 : i32
    %select_n3A_315 = arith.select %and3A_313, %add3A_314, %rem3A_305 : i32
    %jit3A_316 = arith.constant 4 : i32
    %div3A_317 = arith.divsi %select_n3A_315, %jit3A_316 : i32
    %sign3A_318 = arith.constant 0 : i32
    %sign3A_319 = arith.cmpi sgt, %select_n3A_315, %sign3A_318 : i32
    %sign3A_320 = arith.extui %sign3A_319 : i1 to i32
    %sign3A_321 = arith.constant 0 : i32
    %sign3A_322 = arith.cmpi slt, %select_n3A_315, %sign3A_321 : i32
    %sign3A_323 = arith.extui %sign3A_322 : i1 to i32
    %sign3A_324 = arith.subi %sign3A_320, %sign3A_323 : i32
    %sign3A_325 = arith.constant 0 : i32
    %sign3A_326 = arith.cmpi sgt, %jit3A_316, %sign3A_325 : i32
    %sign3A_327 = arith.extui %sign3A_326 : i1 to i32
    %sign3A_328 = arith.constant 0 : i32
    %sign3A_329 = arith.cmpi slt, %jit3A_316, %sign3A_328 : i32
    %sign3A_330 = arith.extui %sign3A_329 : i1 to i32
    %sign3A_331 = arith.subi %sign3A_327, %sign3A_330 : i32
    %ne3A_332 = arith.cmpi ne, %sign3A_324, %sign3A_331 : i32
    %rem3A_333 = arith.remsi %select_n3A_315, %jit3A_316 : i32
    %ne3A_334 = arith.constant 0 : i32
    %ne3A_335 = arith.cmpi ne, %rem3A_333, %ne3A_334 : i32
    %and3A_336 = arith.andi %ne3A_332, %ne3A_335 : i1
    %sub3A_337 = arith.constant 1 : i32
    %sub3A_338 = arith.subi %div3A_317, %sub3A_337 : i32
    %select_n3A_339 = arith.select %and3A_336, %sub3A_338, %div3A_317 : i32
    %jit3A_340 = arith.constant 4 : i32
    %eq3A_341 = arith.constant 0 : i32
    %eq3A_342 = arith.cmpi eq, %jit3A_340, %eq3A_341 : i32
    %jit3A_343 = arith.constant 1 : i32
    %select_n3A_344 = arith.select %eq3A_342, %jit3A_343, %jit3A_340 : i32
    %rem3A_345 = arith.remsi %select_n3A_315, %select_n3A_344 : i32
    %ne3A_346 = arith.constant 0 : i32
    %ne3A_347 = arith.cmpi ne, %rem3A_345, %ne3A_346 : i32
    %lt3A_348 = arith.constant 0 : i32
    %lt3A_349 = arith.cmpi slt, %rem3A_345, %lt3A_348 : i32
    %lt3A_350 = arith.constant 0 : i32
    %lt3A_351 = arith.cmpi slt, %select_n3A_344, %lt3A_350 : i32
    %ne3A_352 = arith.xori %lt3A_349, %lt3A_351 : i1
    %and3A_353 = arith.andi %ne3A_352, %ne3A_347 : i1
    %add3A_354 = arith.addi %rem3A_345, %select_n3A_344 : i32
    %select_n3A_355 = arith.select %and3A_353, %add3A_354, %rem3A_345 : i32
    %mul3A_356 = arith.constant 16 : i32
    %mul3A_357 = arith.muli %select_n3A_339, %mul3A_356 : i32
    %mul3A_358 = arith.constant 2048 : i32
    %mul3A_359 = arith.muli %select_n3A_355, %mul3A_358 : i32
    %sub3A_360 = arith.constant 767 : i32
    %sub3A_361 = arith.subi %sub3A_360, %mul3A_357 : i32
    %sub3A_362 = vector.broadcast %sub3A_361 : i32 to vector<16xi32>
    %sub3A_363 = arith.subi %sub3A_362, %iota3A : vector<16xi32>
    %swap3A_364 = arith.constant 0 : index
    %swap3A_365 = tpu.vector_load %arg7[%swap3A_364] {strides = array<i32>} : memref<16xi32, #tpu.memory_space<vmem>>, vector<16xi32>,
    %swap3A_366 = vector.shape_cast %swap3A_365 : vector<16xi32> to vector<16xi32>
    %swap3A_367 = vector.shape_cast %sub3A_363 : vector<16xi32> to vector<16xi32>
    tpu.vector_store %arg7[%swap3A_364], %swap3A_367 {strides = array<i32>} : memref<16xi32, #tpu.memory_space<vmem>>, vector<16xi32>,
    %add3A_368 = arith.constant 16 : i32
    %add3A_369 = arith.addi %mul3A_2, %add3A_368 : i32
    %jit3A_370 = arith.constant 192 : i32
    %div3A_371 = arith.divsi %add3A_369, %jit3A_370 : i32
    %sign3A_372 = arith.constant 0 : i32
    %sign3A_373 = arith.cmpi sgt, %add3A_369, %sign3A_372 : i32
    %sign3A_374 = arith.extui %sign3A_373 : i1 to i32
    %sign3A_375 = arith.constant 0 : i32
    %sign3A_376 = arith.cmpi slt, %add3A_369, %sign3A_375 : i32
    %sign3A_377 = arith.extui %sign3A_376 : i1 to i32
    %sign3A_378 = arith.subi %sign3A_374, %sign3A_377 : i32
    %sign3A_379 = arith.constant 0 : i32
    %sign3A_380 = arith.cmpi sgt, %jit3A_370, %sign3A_379 : i32
    %sign3A_381 = arith.extui %sign3A_380 : i1 to i32
    %sign3A_382 = arith.constant 0 : i32
    %sign3A_383 = arith.cmpi slt, %jit3A_370, %sign3A_382 : i32
    %sign3A_384 = arith.extui %sign3A_383 : i1 to i32
    %sign3A_385 = arith.subi %sign3A_381, %sign3A_384 : i32
    %ne3A_386 = arith.cmpi ne, %sign3A_378, %sign3A_385 : i32
    %rem3A_387 = arith.remsi %add3A_369, %jit3A_370 : i32
    %ne3A_388 = arith.constant 0 : i32
    %ne3A_389 = arith.cmpi ne, %rem3A_387, %ne3A_388 : i32
    %and3A_390 = arith.andi %ne3A_386, %ne3A_389 : i1
    %sub3A_391 = arith.constant 1 : i32
    %sub3A_392 = arith.subi %div3A_371, %sub3A_391 : i32
    %select_n3A_393 = arith.select %and3A_390, %sub3A_392, %div3A_371 : i32
    %jit3A_394 = arith.constant 192 : i32
    %eq3A_395 = arith.constant 0 : i32
    %eq3A_396 = arith.cmpi eq, %jit3A_394, %eq3A_395 : i32
    %jit3A_397 = arith.constant 1 : i32
    %select_n3A_398 = arith.select %eq3A_396, %jit3A_397, %jit3A_394 : i32
    %rem3A_399 = arith.remsi %add3A_369, %select_n3A_398 : i32
    %ne3A_400 = arith.constant 0 : i32
    %ne3A_401 = arith.cmpi ne, %rem3A_399, %ne3A_400 : i32
    %lt3A_402 = arith.constant 0 : i32
    %lt3A_403 = arith.cmpi slt, %rem3A_399, %lt3A_402 : i32
    %lt3A_404 = arith.constant 0 : i32
    %lt3A_405 = arith.cmpi slt, %select_n3A_398, %lt3A_404 : i32
    %ne3A_406 = arith.xori %lt3A_403, %lt3A_405 : i1
    %and3A_407 = arith.andi %ne3A_406, %ne3A_401 : i1
    %add3A_408 = arith.addi %rem3A_399, %select_n3A_398 : i32
    %select_n3A_409 = arith.select %and3A_407, %add3A_408, %rem3A_399 : i32
    %jit3A_410 = arith.constant 4 : i32
    %div3A_411 = arith.divsi %select_n3A_409, %jit3A_410 : i32
    %sign3A_412 = arith.constant 0 : i32
    %sign3A_413 = arith.cmpi sgt, %select_n3A_409, %sign3A_412 : i32
    %sign3A_414 = arith.extui %sign3A_413 : i1 to i32
    %sign3A_415 = arith.constant 0 : i32
    %sign3A_416 = arith.cmpi slt, %select_n3A_409, %sign3A_415 : i32
    %sign3A_417 = arith.extui %sign3A_416 : i1 to i32
    %sign3A_418 = arith.subi %sign3A_414, %sign3A_417 : i32
    %sign3A_419 = arith.constant 0 : i32
    %sign3A_420 = arith.cmpi sgt, %jit3A_410, %sign3A_419 : i32
    %sign3A_421 = arith.extui %sign3A_420 : i1 to i32
    %sign3A_422 = arith.constant 0 : i32
    %sign3A_423 = arith.cmpi slt, %jit3A_410, %sign3A_422 : i32
    %sign3A_424 = arith.extui %sign3A_423 : i1 to i32
    %sign3A_425 = arith.subi %sign3A_421, %sign3A_424 : i32
    %ne3A_426 = arith.cmpi ne, %sign3A_418, %sign3A_425 : i32
    %rem3A_427 = arith.remsi %select_n3A_409, %jit3A_410 : i32
    %ne3A_428 = arith.constant 0 : i32
    %ne3A_429 = arith.cmpi ne, %rem3A_427, %ne3A_428 : i32
    %and3A_430 = arith.andi %ne3A_426, %ne3A_429 : i1
    %sub3A_431 = arith.constant 1 : i32
    %sub3A_432 = arith.subi %div3A_411, %sub3A_431 : i32
    %select_n3A_433 = arith.select %and3A_430, %sub3A_432, %div3A_411 : i32
    %jit3A_434 = arith.constant 4 : i32
    %eq3A_435 = arith.constant 0 : i32
    %eq3A_436 = arith.cmpi eq, %jit3A_434, %eq3A_435 : i32
    %jit3A_437 = arith.constant 1 : i32
    %select_n3A_438 = arith.select %eq3A_436, %jit3A_437, %jit3A_434 : i32
    %rem3A_439 = arith.remsi %select_n3A_409, %select_n3A_438 : i32
    %ne3A_440 = arith.constant 0 : i32
    %ne3A_441 = arith.cmpi ne, %rem3A_439, %ne3A_440 : i32
    %lt3A_442 = arith.constant 0 : i32
    %lt3A_443 = arith.cmpi slt, %rem3A_439, %lt3A_442 : i32
    %lt3A_444 = arith.constant 0 : i32
    %lt3A_445 = arith.cmpi slt, %select_n3A_438, %lt3A_444 : i32
    %ne3A_446 = arith.xori %lt3A_443, %lt3A_445 : i1
    %and3A_447 = arith.andi %ne3A_446, %ne3A_441 : i1
    %add3A_448 = arith.addi %rem3A_439, %select_n3A_438 : i32
    %select_n3A_449 = arith.select %and3A_447, %add3A_448, %rem3A_439 : i32
    %mul3A_450 = arith.constant 16 : i32
    %mul3A_451 = arith.muli %select_n3A_433, %mul3A_450 : i32
    %mul3A_452 = arith.constant 2048 : i32
    %mul3A_453 = arith.muli %select_n3A_449, %mul3A_452 : i32
    %sub3A_454 = arith.constant 767 : i32
    %sub3A_455 = arith.subi %sub3A_454, %mul3A_451 : i32
    %sub3A_456 = vector.broadcast %sub3A_455 : i32 to vector<16xi32>
    %sub3A_457 = arith.subi %sub3A_456, %iota3A : vector<16xi32>
    %swap3A_458 = arith.constant 0 : index
    %swap3A_459 = tpu.vector_load %arg8[%swap3A_458] {strides = array<i32>} : memref<16xi32, #tpu.memory_space<vmem>>, vector<16xi32>,
    %swap3A_460 = vector.shape_cast %swap3A_459 : vector<16xi32> to vector<16xi32>
    %swap3A_461 = vector.shape_cast %sub3A_457 : vector<16xi32> to vector<16xi32>
    tpu.vector_store %arg8[%swap3A_458], %swap3A_461 {strides = array<i32>} : memref<16xi32, #tpu.memory_space<vmem>>, vector<16xi32>,
    %add3A_462 = arith.constant 20 : i32
    %add3A_463 = arith.addi %mul3A_2, %add3A_462 : i32
    %jit3A_464 = arith.constant 192 : i32
    %div3A_465 = arith.divsi %add3A_463, %jit3A_464 : i32
    %sign3A_466 = arith.constant 0 : i32
    %sign3A_467 = arith.cmpi sgt, %add3A_463, %sign3A_466 : i32
    %sign3A_468 = arith.extui %sign3A_467 : i1 to i32
    %sign3A_469 = arith.constant 0 : i32
    %sign3A_470 = arith.cmpi slt, %add3A_463, %sign3A_469 : i32
    %sign3A_471 = arith.extui %sign3A_470 : i1 to i32
    %sign3A_472 = arith.subi %sign3A_468, %sign3A_471 : i32
    %sign3A_473 = arith.constant 0 : i32
    %sign3A_474 = arith.cmpi sgt, %jit3A_464, %sign3A_473 : i32
    %sign3A_475 = arith.extui %sign3A_474 : i1 to i32
    %sign3A_476 = arith.constant 0 : i32
    %sign3A_477 = arith.cmpi slt, %jit3A_464, %sign3A_476 : i32
    %sign3A_478 = arith.extui %sign3A_477 : i1 to i32
    %sign3A_479 = arith.subi %sign3A_475, %sign3A_478 : i32
    %ne3A_480 = arith.cmpi ne, %sign3A_472, %sign3A_479 : i32
    %rem3A_481 = arith.remsi %add3A_463, %jit3A_464 : i32
    %ne3A_482 = arith.constant 0 : i32
    %ne3A_483 = arith.cmpi ne, %rem3A_481, %ne3A_482 : i32
    %and3A_484 = arith.andi %ne3A_480, %ne3A_483 : i1
    %sub3A_485 = arith.constant 1 : i32
    %sub3A_486 = arith.subi %div3A_465, %sub3A_485 : i32
    %select_n3A_487 = arith.select %and3A_484, %sub3A_486, %div3A_465 : i32
    %jit3A_488 = arith.constant 192 : i32
    %eq3A_489 = arith.constant 0 : i32
    %eq3A_490 = arith.cmpi eq, %jit3A_488, %eq3A_489 : i32
    %jit3A_491 = arith.constant 1 : i32
    %select_n3A_492 = arith.select %eq3A_490, %jit3A_491, %jit3A_488 : i32
    %rem3A_493 = arith.remsi %add3A_463, %select_n3A_492 : i32
    %ne3A_494 = arith.constant 0 : i32
    %ne3A_495 = arith.cmpi ne, %rem3A_493, %ne3A_494 : i32
    %lt3A_496 = arith.constant 0 : i32
    %lt3A_497 = arith.cmpi slt, %rem3A_493, %lt3A_496 : i32
    %lt3A_498 = arith.constant 0 : i32
    %lt3A_499 = arith.cmpi slt, %select_n3A_492, %lt3A_498 : i32
    %ne3A_500 = arith.xori %lt3A_497, %lt3A_499 : i1
    %and3A_501 = arith.andi %ne3A_500, %ne3A_495 : i1
    %add3A_502 = arith.addi %rem3A_493, %select_n3A_492 : i32
    %select_n3A_503 = arith.select %and3A_501, %add3A_502, %rem3A_493 : i32
    %jit3A_504 = arith.constant 4 : i32
    %div3A_505 = arith.divsi %select_n3A_503, %jit3A_504 : i32
    %sign3A_506 = arith.constant 0 : i32
    %sign3A_507 = arith.cmpi sgt, %select_n3A_503, %sign3A_506 : i32
    %sign3A_508 = arith.extui %sign3A_507 : i1 to i32
    %sign3A_509 = arith.constant 0 : i32
    %sign3A_510 = arith.cmpi slt, %select_n3A_503, %sign3A_509 : i32
    %sign3A_511 = arith.extui %sign3A_510 : i1 to i32
    %sign3A_512 = arith.subi %sign3A_508, %sign3A_511 : i32
    %sign3A_513 = arith.constant 0 : i32
    %sign3A_514 = arith.cmpi sgt, %jit3A_504, %sign3A_513 : i32
    %sign3A_515 = arith.extui %sign3A_514 : i1 to i32
    %sign3A_516 = arith.constant 0 : i32
    %sign3A_517 = arith.cmpi slt, %jit3A_504, %sign3A_516 : i32
    %sign3A_518 = arith.extui %sign3A_517 : i1 to i32
    %sign3A_519 = arith.subi %sign3A_515, %sign3A_518 : i32
    %ne3A_520 = arith.cmpi ne, %sign3A_512, %sign3A_519 : i32
    %rem3A_521 = arith.remsi %select_n3A_503, %jit3A_504 : i32
    %ne3A_522 = arith.constant 0 : i32
    %ne3A_523 = arith.cmpi ne, %rem3A_521, %ne3A_522 : i32
    %and3A_524 = arith.andi %ne3A_520, %ne3A_523 : i1
    %sub3A_525 = arith.constant 1 : i32
    %sub3A_526 = arith.subi %div3A_505, %sub3A_525 : i32
    %select_n3A_527 = arith.select %and3A_524, %sub3A_526, %div3A_505 : i32
    %jit3A_528 = arith.constant 4 : i32
    %eq3A_529 = arith.constant 0 : i32
    %eq3A_530 = arith.cmpi eq, %jit3A_528, %eq3A_529 : i32
    %jit3A_531 = arith.constant 1 : i32
    %select_n3A_532 = arith.select %eq3A_530, %jit3A_531, %jit3A_528 : i32
    %rem3A_533 = arith.remsi %select_n3A_503, %select_n3A_532 : i32
    %ne3A_534 = arith.constant 0 : i32
    %ne3A_535 = arith.cmpi ne, %rem3A_533, %ne3A_534 : i32
    %lt3A_536 = arith.constant 0 : i32
    %lt3A_537 = arith.cmpi slt, %rem3A_533, %lt3A_536 : i32
    %lt3A_538 = arith.constant 0 : i32
    %lt3A_539 = arith.cmpi slt, %select_n3A_532, %lt3A_538 : i32
    %ne3A_540 = arith.xori %lt3A_537, %lt3A_539 : i1
    %and3A_541 = arith.andi %ne3A_540, %ne3A_535 : i1
    %add3A_542 = arith.addi %rem3A_533, %select_n3A_532 : i32
    %select_n3A_543 = arith.select %and3A_541, %add3A_542, %rem3A_533 : i32
    %mul3A_544 = arith.constant 16 : i32
    %mul3A_545 = arith.muli %select_n3A_527, %mul3A_544 : i32
    %mul3A_546 = arith.constant 2048 : i32
    %mul3A_547 = arith.muli %select_n3A_543, %mul3A_546 : i32
    %sub3A_548 = arith.constant 767 : i32
    %sub3A_549 = arith.subi %sub3A_548, %mul3A_545 : i32
    %sub3A_550 = vector.broadcast %sub3A_549 : i32 to vector<16xi32>
    %sub3A_551 = arith.subi %sub3A_550, %iota3A : vector<16xi32>
    %swap3A_552 = arith.constant 0 : index
    %swap3A_553 = tpu.vector_load %arg9[%swap3A_552] {strides = array<i32>} : memref<16xi32, #tpu.memory_space<vmem>>, vector<16xi32>,
    %swap3A_554 = vector.shape_cast %swap3A_553 : vector<16xi32> to vector<16xi32>
    %swap3A_555 = vector.shape_cast %sub3A_551 : vector<16xi32> to vector<16xi32>
    tpu.vector_store %arg9[%swap3A_552], %swap3A_555 {strides = array<i32>} : memref<16xi32, #tpu.memory_space<vmem>>, vector<16xi32>,
    %add3A_556 = arith.constant 0 : i32
    %add3A_557 = arith.addi %mul3A_2, %add3A_556 : i32
    %jit3A_558 = arith.constant 192 : i32
    %div3A_559 = arith.divsi %add3A_557, %jit3A_558 : i32
    %sign3A_560 = arith.constant 0 : i32
    %sign3A_561 = arith.cmpi sgt, %add3A_557, %sign3A_560 : i32
    %sign3A_562 = arith.extui %sign3A_561 : i1 to i32
    %sign3A_563 = arith.constant 0 : i32
    %sign3A_564 = arith.cmpi slt, %add3A_557, %sign3A_563 : i32
    %sign3A_565 = arith.extui %sign3A_564 : i1 to i32
    %sign3A_566 = arith.subi %sign3A_562, %sign3A_565 : i32
    %sign3A_567 = arith.constant 0 : i32
    %sign3A_568 = arith.cmpi sgt, %jit3A_558, %sign3A_567 : i32
    %sign3A_569 = arith.extui %sign3A_568 : i1 to i32
    %sign3A_570 = arith.constant 0 : i32
    %sign3A_571 = arith.cmpi slt, %jit3A_558, %sign3A_570 : i32
    %sign3A_572 = arith.extui %sign3A_571 : i1 to i32
    %sign3A_573 = arith.subi %sign3A_569, %sign3A_572 : i32
    %ne3A_574 = arith.cmpi ne, %sign3A_566, %sign3A_573 : i32
    %rem3A_575 = arith.remsi %add3A_557, %jit3A_558 : i32
    %ne3A_576 = arith.constant 0 : i32
    %ne3A_577 = arith.cmpi ne, %rem3A_575, %ne3A_576 : i32
    %and3A_578 = arith.andi %ne3A_574, %ne3A_577 : i1
    %sub3A_579 = arith.constant 1 : i32
    %sub3A_580 = arith.subi %div3A_559, %sub3A_579 : i32
    %select_n3A_581 = arith.select %and3A_578, %sub3A_580, %div3A_559 : i32
    %jit3A_582 = arith.constant 192 : i32
    %eq3A_583 = arith.constant 0 : i32
    %eq3A_584 = arith.cmpi eq, %jit3A_582, %eq3A_583 : i32
    %jit3A_585 = arith.constant 1 : i32
    %select_n3A_586 = arith.select %eq3A_584, %jit3A_585, %jit3A_582 : i32
    %rem3A_587 = arith.remsi %add3A_557, %select_n3A_586 : i32
    %ne3A_588 = arith.constant 0 : i32
    %ne3A_589 = arith.cmpi ne, %rem3A_587, %ne3A_588 : i32
    %lt3A_590 = arith.constant 0 : i32
    %lt3A_591 = arith.cmpi slt, %rem3A_587, %lt3A_590 : i32
    %lt3A_592 = arith.constant 0 : i32
    %lt3A_593 = arith.cmpi slt, %select_n3A_586, %lt3A_592 : i32
    %ne3A_594 = arith.xori %lt3A_591, %lt3A_593 : i1
    %and3A_595 = arith.andi %ne3A_594, %ne3A_589 : i1
    %add3A_596 = arith.addi %rem3A_587, %select_n3A_586 : i32
    %select_n3A_597 = arith.select %and3A_595, %add3A_596, %rem3A_587 : i32
    %jit3A_598 = arith.constant 4 : i32
    %div3A_599 = arith.divsi %select_n3A_597, %jit3A_598 : i32
    %sign3A_600 = arith.constant 0 : i32
    %sign3A_601 = arith.cmpi sgt, %select_n3A_597, %sign3A_600 : i32
    %sign3A_602 = arith.extui %sign3A_601 : i1 to i32
    %sign3A_603 = arith.constant 0 : i32
    %sign3A_604 = arith.cmpi slt, %select_n3A_597, %sign3A_603 : i32
    %sign3A_605 = arith.extui %sign3A_604 : i1 to i32
    %sign3A_606 = arith.subi %sign3A_602, %sign3A_605 : i32
    %sign3A_607 = arith.constant 0 : i32
    %sign3A_608 = arith.cmpi sgt, %jit3A_598, %sign3A_607 : i32
    %sign3A_609 = arith.extui %sign3A_608 : i1 to i32
    %sign3A_610 = arith.constant 0 : i32
    %sign3A_611 = arith.cmpi slt, %jit3A_598, %sign3A_610 : i32
    %sign3A_612 = arith.extui %sign3A_611 : i1 to i32
    %sign3A_613 = arith.subi %sign3A_609, %sign3A_612 : i32
    %ne3A_614 = arith.cmpi ne, %sign3A_606, %sign3A_613 : i32
    %rem3A_615 = arith.remsi %select_n3A_597, %jit3A_598 : i32
    %ne3A_616 = arith.constant 0 : i32
    %ne3A_617 = arith.cmpi ne, %rem3A_615, %ne3A_616 : i32
    %and3A_618 = arith.andi %ne3A_614, %ne3A_617 : i1
    %sub3A_619 = arith.constant 1 : i32
    %sub3A_620 = arith.subi %div3A_599, %sub3A_619 : i32
    %select_n3A_621 = arith.select %and3A_618, %sub3A_620, %div3A_599 : i32
    %jit3A_622 = arith.constant 4 : i32
    %eq3A_623 = arith.constant 0 : i32
    %eq3A_624 = arith.cmpi eq, %jit3A_622, %eq3A_623 : i32
    %jit3A_625 = arith.constant 1 : i32
    %select_n3A_626 = arith.select %eq3A_624, %jit3A_625, %jit3A_622 : i32
    %rem3A_627 = arith.remsi %select_n3A_597, %select_n3A_626 : i32
    %ne3A_628 = arith.constant 0 : i32
    %ne3A_629 = arith.cmpi ne, %rem3A_627, %ne3A_628 : i32
    %lt3A_630 = arith.constant 0 : i32
    %lt3A_631 = arith.cmpi slt, %rem3A_627, %lt3A_630 : i32
    %lt3A_632 = arith.constant 0 : i32
    %lt3A_633 = arith.cmpi slt, %select_n3A_626, %lt3A_632 : i32
    %ne3A_634 = arith.xori %lt3A_631, %lt3A_633 : i1
    %and3A_635 = arith.andi %ne3A_634, %ne3A_629 : i1
    %add3A_636 = arith.addi %rem3A_627, %select_n3A_626 : i32
    %select_n3A_637 = arith.select %and3A_635, %add3A_636, %rem3A_627 : i32
    %mul3A_638 = arith.constant 16 : i32
    %mul3A_639 = arith.muli %select_n3A_621, %mul3A_638 : i32
    %mul3A_640 = arith.constant 2048 : i32
    %mul3A_641 = arith.muli %select_n3A_637, %mul3A_640 : i32
    %dma_start3A = arith.constant 0 : i32
    %dma_start3A_642 = tpu.memref_slice %arg2[%select_n3A_581, %dma_start3A, %mul3A_641] : memref<4x768x8192xf32, #tpu.memory_space<hbm>> -> memref<1x768x2048xf32, #tpu.memory_space<hbm>>
    %dma_start3A_643 = tpu.memref_squeeze %dma_start3A_642 : memref<1x768x2048xf32, #tpu.memory_space<hbm>> -> memref<768x2048xf32, #tpu.memory_space<hbm>>
    %dma_start3A_644 = arith.constant 0 : i32
    %dma_start3A_645 = arith.constant 0 : i32
    %dma_start3A_646 = tpu.memref_slice %dma_start3A_643[%dma_start3A_644, %dma_start3A_645] : memref<768x2048xf32, #tpu.memory_space<hbm>> -> memref<768x2048xf32, #tpu.memory_space<hbm>>
    tpu.enqueue_indirect_dma source(%dma_start3A_646 : memref<768x2048xf32, #tpu.memory_space<hbm>>) target(%arg10 : memref<16x2048xf32, #tpu.memory_space<vmem>>) offsets(%arg4 : memref<16xi32, #tpu.memory_space<vmem>>) semaphore(%arg13 : memref<!tpu.dma_semaphore, #tpu.memory_space<semaphore_mem>>)
    %add3A_647 = arith.constant 1 : i32
    %add3A_648 = arith.addi %mul3A_2, %add3A_647 : i32
    %jit3A_649 = arith.constant 192 : i32
    %div3A_650 = arith.divsi %add3A_648, %jit3A_649 : i32
    %sign3A_651 = arith.constant 0 : i32
    %sign3A_652 = arith.cmpi sgt, %add3A_648, %sign3A_651 : i32
    %sign3A_653 = arith.extui %sign3A_652 : i1 to i32
    %sign3A_654 = arith.constant 0 : i32
    %sign3A_655 = arith.cmpi slt, %add3A_648, %sign3A_654 : i32
    %sign3A_656 = arith.extui %sign3A_655 : i1 to i32
    %sign3A_657 = arith.subi %sign3A_653, %sign3A_656 : i32
    %sign3A_658 = arith.constant 0 : i32
    %sign3A_659 = arith.cmpi sgt, %jit3A_649, %sign3A_658 : i32
    %sign3A_660 = arith.extui %sign3A_659 : i1 to i32
    %sign3A_661 = arith.constant 0 : i32
    %sign3A_662 = arith.cmpi slt, %jit3A_649, %sign3A_661 : i32
    %sign3A_663 = arith.extui %sign3A_662 : i1 to i32
    %sign3A_664 = arith.subi %sign3A_660, %sign3A_663 : i32
    %ne3A_665 = arith.cmpi ne, %sign3A_657, %sign3A_664 : i32
    %rem3A_666 = arith.remsi %add3A_648, %jit3A_649 : i32
    %ne3A_667 = arith.constant 0 : i32
    %ne3A_668 = arith.cmpi ne, %rem3A_666, %ne3A_667 : i32
    %and3A_669 = arith.andi %ne3A_665, %ne3A_668 : i1
    %sub3A_670 = arith.constant 1 : i32
    %sub3A_671 = arith.subi %div3A_650, %sub3A_670 : i32
    %select_n3A_672 = arith.select %and3A_669, %sub3A_671, %div3A_650 : i32
    %jit3A_673 = arith.constant 192 : i32
    %eq3A_674 = arith.constant 0 : i32
    %eq3A_675 = arith.cmpi eq, %jit3A_673, %eq3A_674 : i32
    %jit3A_676 = arith.constant 1 : i32
    %select_n3A_677 = arith.select %eq3A_675, %jit3A_676, %jit3A_673 : i32
    %rem3A_678 = arith.remsi %add3A_648, %select_n3A_677 : i32
    %ne3A_679 = arith.constant 0 : i32
    %ne3A_680 = arith.cmpi ne, %rem3A_678, %ne3A_679 : i32
    %lt3A_681 = arith.constant 0 : i32
    %lt3A_682 = arith.cmpi slt, %rem3A_678, %lt3A_681 : i32
    %lt3A_683 = arith.constant 0 : i32
    %lt3A_684 = arith.cmpi slt, %select_n3A_677, %lt3A_683 : i32
    %ne3A_685 = arith.xori %lt3A_682, %lt3A_684 : i1
    %and3A_686 = arith.andi %ne3A_685, %ne3A_680 : i1
    %add3A_687 = arith.addi %rem3A_678, %select_n3A_677 : i32
    %select_n3A_688 = arith.select %and3A_686, %add3A_687, %rem3A_678 : i32
    %jit3A_689 = arith.constant 4 : i32
    %div3A_690 = arith.divsi %select_n3A_688, %jit3A_689 : i32
    %sign3A_691 = arith.constant 0 : i32
    %sign3A_692 = arith.cmpi sgt, %select_n3A_688, %sign3A_691 : i32
    %sign3A_693 = arith.extui %sign3A_692 : i1 to i32
    %sign3A_694 = arith.constant 0 : i32
    %sign3A_695 = arith.cmpi slt, %select_n3A_688, %sign3A_694 : i32
    %sign3A_696 = arith.extui %sign3A_695 : i1 to i32
    %sign3A_697 = arith.subi %sign3A_693, %sign3A_696 : i32
    %sign3A_698 = arith.constant 0 : i32
    %sign3A_699 = arith.cmpi sgt, %jit3A_689, %sign3A_698 : i32
    %sign3A_700 = arith.extui %sign3A_699 : i1 to i32
    %sign3A_701 = arith.constant 0 : i32
    %sign3A_702 = arith.cmpi slt, %jit3A_689, %sign3A_701 : i32
    %sign3A_703 = arith.extui %sign3A_702 : i1 to i32
    %sign3A_704 = arith.subi %sign3A_700, %sign3A_703 : i32
    %ne3A_705 = arith.cmpi ne, %sign3A_697, %sign3A_704 : i32
    %rem3A_706 = arith.remsi %select_n3A_688, %jit3A_689 : i32
    %ne3A_707 = arith.constant 0 : i32
    %ne3A_708 = arith.cmpi ne, %rem3A_706, %ne3A_707 : i32
    %and3A_709 = arith.andi %ne3A_705, %ne3A_708 : i1
    %sub3A_710 = arith.constant 1 : i32
    %sub3A_711 = arith.subi %div3A_690, %sub3A_710 : i32
    %select_n3A_712 = arith.select %and3A_709, %sub3A_711, %div3A_690 : i32
    %jit3A_713 = arith.constant 4 : i32
    %eq3A_714 = arith.constant 0 : i32
    %eq3A_715 = arith.cmpi eq, %jit3A_713, %eq3A_714 : i32
    %jit3A_716 = arith.constant 1 : i32
    %select_n3A_717 = arith.select %eq3A_715, %jit3A_716, %jit3A_713 : i32
    %rem3A_718 = arith.remsi %select_n3A_688, %select_n3A_717 : i32
    %ne3A_719 = arith.constant 0 : i32
    %ne3A_720 = arith.cmpi ne, %rem3A_718, %ne3A_719 : i32
    %lt3A_721 = arith.constant 0 : i32
    %lt3A_722 = arith.cmpi slt, %rem3A_718, %lt3A_721 : i32
    %lt3A_723 = arith.constant 0 : i32
    %lt3A_724 = arith.cmpi slt, %select_n3A_717, %lt3A_723 : i32
    %ne3A_725 = arith.xori %lt3A_722, %lt3A_724 : i1
    %and3A_726 = arith.andi %ne3A_725, %ne3A_720 : i1
    %add3A_727 = arith.addi %rem3A_718, %select_n3A_717 : i32
    %select_n3A_728 = arith.select %and3A_726, %add3A_727, %rem3A_718 : i32
    %mul3A_729 = arith.constant 16 : i32
    %mul3A_730 = arith.muli %select_n3A_712, %mul3A_729 : i32
    %mul3A_731 = arith.constant 2048 : i32
    %mul3A_732 = arith.muli %select_n3A_728, %mul3A_731 : i32
    %dma_start3A_733 = arith.constant 0 : i32
    %dma_start3A_734 = tpu.memref_slice %arg2[%select_n3A_672, %dma_start3A_733, %mul3A_732] : memref<4x768x8192xf32, #tpu.memory_space<hbm>> -> memref<1x768x2048xf32, #tpu.memory_space<hbm>>
    %dma_start3A_735 = tpu.memref_squeeze %dma_start3A_734 : memref<1x768x2048xf32, #tpu.memory_space<hbm>> -> memref<768x2048xf32, #tpu.memory_space<hbm>>
    %dma_start3A_736 = arith.constant 0 : i32
    %dma_start3A_737 = arith.constant 0 : i32
    %dma_start3A_738 = tpu.memref_slice %dma_start3A_735[%dma_start3A_736, %dma_start3A_737] : memref<768x2048xf32, #tpu.memory_space<hbm>> -> memref<768x2048xf32, #tpu.memory_space<hbm>>
    tpu.enqueue_indirect_dma source(%dma_start3A_738 : memref<768x2048xf32, #tpu.memory_space<hbm>>) target(%arg11 : memref<16x2048xf32, #tpu.memory_space<vmem>>) offsets(%arg4 : memref<16xi32, #tpu.memory_space<vmem>>) semaphore(%arg13 : memref<!tpu.dma_semaphore, #tpu.memory_space<semaphore_mem>>)
    %add3A_739 = arith.constant 2 : i32
    %add3A_740 = arith.addi %mul3A_2, %add3A_739 : i32
    %jit3A_741 = arith.constant 192 : i32
    %div3A_742 = arith.divsi %add3A_740, %jit3A_741 : i32
    %sign3A_743 = arith.constant 0 : i32
    %sign3A_744 = arith.cmpi sgt, %add3A_740, %sign3A_743 : i32
    %sign3A_745 = arith.extui %sign3A_744 : i1 to i32
    %sign3A_746 = arith.constant 0 : i32
    %sign3A_747 = arith.cmpi slt, %add3A_740, %sign3A_746 : i32
    %sign3A_748 = arith.extui %sign3A_747 : i1 to i32
    %sign3A_749 = arith.subi %sign3A_745, %sign3A_748 : i32
    %sign3A_750 = arith.constant 0 : i32
    %sign3A_751 = arith.cmpi sgt, %jit3A_741, %sign3A_750 : i32
    %sign3A_752 = arith.extui %sign3A_751 : i1 to i32
    %sign3A_753 = arith.constant 0 : i32
    %sign3A_754 = arith.cmpi slt, %jit3A_741, %sign3A_753 : i32
    %sign3A_755 = arith.extui %sign3A_754 : i1 to i32
    %sign3A_756 = arith.subi %sign3A_752, %sign3A_755 : i32
    %ne3A_757 = arith.cmpi ne, %sign3A_749, %sign3A_756 : i32
    %rem3A_758 = arith.remsi %add3A_740, %jit3A_741 : i32
    %ne3A_759 = arith.constant 0 : i32
    %ne3A_760 = arith.cmpi ne, %rem3A_758, %ne3A_759 : i32
    %and3A_761 = arith.andi %ne3A_757, %ne3A_760 : i1
    %sub3A_762 = arith.constant 1 : i32
    %sub3A_763 = arith.subi %div3A_742, %sub3A_762 : i32
    %select_n3A_764 = arith.select %and3A_761, %sub3A_763, %div3A_742 : i32
    %jit3A_765 = arith.constant 192 : i32
    %eq3A_766 = arith.constant 0 : i32
    %eq3A_767 = arith.cmpi eq, %jit3A_765, %eq3A_766 : i32
    %jit3A_768 = arith.constant 1 : i32
    %select_n3A_769 = arith.select %eq3A_767, %jit3A_768, %jit3A_765 : i32
    %rem3A_770 = arith.remsi %add3A_740, %select_n3A_769 : i32
    %ne3A_771 = arith.constant 0 : i32
    %ne3A_772 = arith.cmpi ne, %rem3A_770, %ne3A_771 : i32
    %lt3A_773 = arith.constant 0 : i32
    %lt3A_774 = arith.cmpi slt, %rem3A_770, %lt3A_773 : i32
    %lt3A_775 = arith.constant 0 : i32
    %lt3A_776 = arith.cmpi slt, %select_n3A_769, %lt3A_775 : i32
    %ne3A_777 = arith.xori %lt3A_774, %lt3A_776 : i1
    %and3A_778 = arith.andi %ne3A_777, %ne3A_772 : i1
    %add3A_779 = arith.addi %rem3A_770, %select_n3A_769 : i32
    %select_n3A_780 = arith.select %and3A_778, %add3A_779, %rem3A_770 : i32
    %jit3A_781 = arith.constant 4 : i32
    %div3A_782 = arith.divsi %select_n3A_780, %jit3A_781 : i32
    %sign3A_783 = arith.constant 0 : i32
    %sign3A_784 = arith.cmpi sgt, %select_n3A_780, %sign3A_783 : i32
    %sign3A_785 = arith.extui %sign3A_784 : i1 to i32
    %sign3A_786 = arith.constant 0 : i32
    %sign3A_787 = arith.cmpi slt, %select_n3A_780, %sign3A_786 : i32
    %sign3A_788 = arith.extui %sign3A_787 : i1 to i32
    %sign3A_789 = arith.subi %sign3A_785, %sign3A_788 : i32
    %sign3A_790 = arith.constant 0 : i32
    %sign3A_791 = arith.cmpi sgt, %jit3A_781, %sign3A_790 : i32
    %sign3A_792 = arith.extui %sign3A_791 : i1 to i32
    %sign3A_793 = arith.constant 0 : i32
    %sign3A_794 = arith.cmpi slt, %jit3A_781, %sign3A_793 : i32
    %sign3A_795 = arith.extui %sign3A_794 : i1 to i32
    %sign3A_796 = arith.subi %sign3A_792, %sign3A_795 : i32
    %ne3A_797 = arith.cmpi ne, %sign3A_789, %sign3A_796 : i32
    %rem3A_798 = arith.remsi %select_n3A_780, %jit3A_781 : i32
    %ne3A_799 = arith.constant 0 : i32
    %ne3A_800 = arith.cmpi ne, %rem3A_798, %ne3A_799 : i32
    %and3A_801 = arith.andi %ne3A_797, %ne3A_800 : i1
    %sub3A_802 = arith.constant 1 : i32
    %sub3A_803 = arith.subi %div3A_782, %sub3A_802 : i32
    %select_n3A_804 = arith.select %and3A_801, %sub3A_803, %div3A_782 : i32
    %jit3A_805 = arith.constant 4 : i32
    %eq3A_806 = arith.constant 0 : i32
    %eq3A_807 = arith.cmpi eq, %jit3A_805, %eq3A_806 : i32
    %jit3A_808 = arith.constant 1 : i32
    %select_n3A_809 = arith.select %eq3A_807, %jit3A_808, %jit3A_805 : i32
    %rem3A_810 = arith.remsi %select_n3A_780, %select_n3A_809 : i32
    %ne3A_811 = arith.constant 0 : i32
    %ne3A_812 = arith.cmpi ne, %rem3A_810, %ne3A_811 : i32
    %lt3A_813 = arith.constant 0 : i32
    %lt3A_814 = arith.cmpi slt, %rem3A_810, %lt3A_813 : i32
    %lt3A_815 = arith.constant 0 : i32
    %lt3A_816 = arith.cmpi slt, %select_n3A_809, %lt3A_815 : i32
    %ne3A_817 = arith.xori %lt3A_814, %lt3A_816 : i1
    %and3A_818 = arith.andi %ne3A_817, %ne3A_812 : i1
    %add3A_819 = arith.addi %rem3A_810, %select_n3A_809 : i32
    %select_n3A_820 = arith.select %and3A_818, %add3A_819, %rem3A_810 : i32
    %mul3A_821 = arith.constant 16 : i32
    %mul3A_822 = arith.muli %select_n3A_804, %mul3A_821 : i32
    %mul3A_823 = arith.constant 2048 : i32
    %mul3A_824 = arith.muli %select_n3A_820, %mul3A_823 : i32
    %dma_start3A_825 = arith.constant 0 : i32
    %dma_start3A_826 = tpu.memref_slice %arg2[%select_n3A_764, %dma_start3A_825, %mul3A_824] : memref<4x768x8192xf32, #tpu.memory_space<hbm>> -> memref<1x768x2048xf32, #tpu.memory_space<hbm>>
    %dma_start3A_827 = tpu.memref_squeeze %dma_start3A_826 : memref<1x768x2048xf32, #tpu.memory_space<hbm>> -> memref<768x2048xf32, #tpu.memory_space<hbm>>
    %dma_start3A_828 = arith.constant 0 : i32
    %dma_start3A_829 = arith.constant 0 : i32
    %dma_start3A_830 = tpu.memref_slice %dma_start3A_827[%dma_start3A_828, %dma_start3A_829] : memref<768x2048xf32, #tpu.memory_space<hbm>> -> memref<768x2048xf32, #tpu.memory_space<hbm>>
    tpu.enqueue_indirect_dma source(%dma_start3A_830 : memref<768x2048xf32, #tpu.memory_space<hbm>>) target(%arg12 : memref<16x2048xf32, #tpu.memory_space<vmem>>) offsets(%arg4 : memref<16xi32, #tpu.memory_space<vmem>>) semaphore(%arg13 : memref<!tpu.dma_semaphore, #tpu.memory_space<semaphore_mem>>)
    %dma_wait3A = arith.constant 0 : i32
    %dma_wait3A_831 = tpu.memref_slice %arg2[%select_n3A_581, %dma_wait3A, %mul3A_641] : memref<4x768x8192xf32, #tpu.memory_space<hbm>> -> memref<1x768x2048xf32, #tpu.memory_space<hbm>>
    %dma_wait3A_832 = tpu.memref_squeeze %dma_wait3A_831 : memref<1x768x2048xf32, #tpu.memory_space<hbm>> -> memref<768x2048xf32, #tpu.memory_space<hbm>>
    %dma_wait3A_833 = arith.constant 0 : i32
    %dma_wait3A_834 = arith.constant 0 : i32
    %dma_wait3A_835 = tpu.memref_slice %dma_wait3A_832[%dma_wait3A_833, %dma_wait3A_834] : memref<768x2048xf32, #tpu.memory_space<hbm>> -> memref<768x2048xf32, #tpu.memory_space<hbm>>
    tpu.wait_indirect_dma semaphore(%arg13 : memref<!tpu.dma_semaphore, #tpu.memory_space<semaphore_mem>>) src(%dma_wait3A_835 : memref<768x2048xf32, #tpu.memory_space<hbm>>) dst(%arg10 : memref<16x2048xf32, #tpu.memory_space<vmem>>)
    %add3A_836 = arith.constant 0 : i32
    %add3A_837 = arith.addi %mul3A_2, %add3A_836 : i32
    %jit3A_838 = arith.constant 192 : i32
    %div3A_839 = arith.divsi %add3A_837, %jit3A_838 : i32
    %sign3A_840 = arith.constant 0 : i32
    %sign3A_841 = arith.cmpi sgt, %add3A_837, %sign3A_840 : i32
    %sign3A_842 = arith.extui %sign3A_841 : i1 to i32
    %sign3A_843 = arith.constant 0 : i32
    %sign3A_844 = arith.cmpi slt, %add3A_837, %sign3A_843 : i32
    %sign3A_845 = arith.extui %sign3A_844 : i1 to i32
    %sign3A_846 = arith.subi %sign3A_842, %sign3A_845 : i32
    %sign3A_847 = arith.constant 0 : i32
    %sign3A_848 = arith.cmpi sgt, %jit3A_838, %sign3A_847 : i32
    %sign3A_849 = arith.extui %sign3A_848 : i1 to i32
    %sign3A_850 = arith.constant 0 : i32
    %sign3A_851 = arith.cmpi slt, %jit3A_838, %sign3A_850 : i32
    %sign3A_852 = arith.extui %sign3A_851 : i1 to i32
    %sign3A_853 = arith.subi %sign3A_849, %sign3A_852 : i32
    %ne3A_854 = arith.cmpi ne, %sign3A_846, %sign3A_853 : i32
    %rem3A_855 = arith.remsi %add3A_837, %jit3A_838 : i32
    %ne3A_856 = arith.constant 0 : i32
    %ne3A_857 = arith.cmpi ne, %rem3A_855, %ne3A_856 : i32
    %and3A_858 = arith.andi %ne3A_854, %ne3A_857 : i1
    %sub3A_859 = arith.constant 1 : i32
    %sub3A_860 = arith.subi %div3A_839, %sub3A_859 : i32
    %select_n3A_861 = arith.select %and3A_858, %sub3A_860, %div3A_839 : i32
    %jit3A_862 = arith.constant 192 : i32
    %eq3A_863 = arith.constant 0 : i32
    %eq3A_864 = arith.cmpi eq, %jit3A_862, %eq3A_863 : i32
    %jit3A_865 = arith.constant 1 : i32
    %select_n3A_866 = arith.select %eq3A_864, %jit3A_865, %jit3A_862 : i32
    %rem3A_867 = arith.remsi %add3A_837, %select_n3A_866 : i32
    %ne3A_868 = arith.constant 0 : i32
    %ne3A_869 = arith.cmpi ne, %rem3A_867, %ne3A_868 : i32
    %lt3A_870 = arith.constant 0 : i32
    %lt3A_871 = arith.cmpi slt, %rem3A_867, %lt3A_870 : i32
    %lt3A_872 = arith.constant 0 : i32
    %lt3A_873 = arith.cmpi slt, %select_n3A_866, %lt3A_872 : i32
    %ne3A_874 = arith.xori %lt3A_871, %lt3A_873 : i1
    %and3A_875 = arith.andi %ne3A_874, %ne3A_869 : i1
    %add3A_876 = arith.addi %rem3A_867, %select_n3A_866 : i32
    %select_n3A_877 = arith.select %and3A_875, %add3A_876, %rem3A_867 : i32
    %jit3A_878 = arith.constant 4 : i32
    %div3A_879 = arith.divsi %select_n3A_877, %jit3A_878 : i32
    %sign3A_880 = arith.constant 0 : i32
    %sign3A_881 = arith.cmpi sgt, %select_n3A_877, %sign3A_880 : i32
    %sign3A_882 = arith.extui %sign3A_881 : i1 to i32
    %sign3A_883 = arith.constant 0 : i32
    %sign3A_884 = arith.cmpi slt, %select_n3A_877, %sign3A_883 : i32
    %sign3A_885 = arith.extui %sign3A_884 : i1 to i32
    %sign3A_886 = arith.subi %sign3A_882, %sign3A_885 : i32
    %sign3A_887 = arith.constant 0 : i32
    %sign3A_888 = arith.cmpi sgt, %jit3A_878, %sign3A_887 : i32
    %sign3A_889 = arith.extui %sign3A_888 : i1 to i32
    %sign3A_890 = arith.constant 0 : i32
    %sign3A_891 = arith.cmpi slt, %jit3A_878, %sign3A_890 : i32
    %sign3A_892 = arith.extui %sign3A_891 : i1 to i32
    %sign3A_893 = arith.subi %sign3A_889, %sign3A_892 : i32
    %ne3A_894 = arith.cmpi ne, %sign3A_886, %sign3A_893 : i32
    %rem3A_895 = arith.remsi %select_n3A_877, %jit3A_878 : i32
    %ne3A_896 = arith.constant 0 : i32
    %ne3A_897 = arith.cmpi ne, %rem3A_895, %ne3A_896 : i32
    %and3A_898 = arith.andi %ne3A_894, %ne3A_897 : i1
    %sub3A_899 = arith.constant 1 : i32
    %sub3A_900 = arith.subi %div3A_879, %sub3A_899 : i32
    %select_n3A_901 = arith.select %and3A_898, %sub3A_900, %div3A_879 : i32
    %jit3A_902 = arith.constant 4 : i32
    %eq3A_903 = arith.constant 0 : i32
    %eq3A_904 = arith.cmpi eq, %jit3A_902, %eq3A_903 : i32
    %jit3A_905 = arith.constant 1 : i32
    %select_n3A_906 = arith.select %eq3A_904, %jit3A_905, %jit3A_902 : i32
    %rem3A_907 = arith.remsi %select_n3A_877, %select_n3A_906 : i32
    %ne3A_908 = arith.constant 0 : i32
    %ne3A_909 = arith.cmpi ne, %rem3A_907, %ne3A_908 : i32
    %lt3A_910 = arith.constant 0 : i32
    %lt3A_911 = arith.cmpi slt, %rem3A_907, %lt3A_910 : i32
    %lt3A_912 = arith.constant 0 : i32
    %lt3A_913 = arith.cmpi slt, %select_n3A_906, %lt3A_912 : i32
    %ne3A_914 = arith.xori %lt3A_911, %lt3A_913 : i1
    %and3A_915 = arith.andi %ne3A_914, %ne3A_909 : i1
    %add3A_916 = arith.addi %rem3A_907, %select_n3A_906 : i32
    %select_n3A_917 = arith.select %and3A_915, %add3A_916, %rem3A_907 : i32
    %mul3A_918 = arith.constant 16 : i32
    %mul3A_919 = arith.muli %select_n3A_901, %mul3A_918 : i32
    %mul3A_920 = arith.constant 2048 : i32
    %mul3A_921 = arith.muli %select_n3A_917, %mul3A_920 : i32
    %dma_start3A_922 = tpu.memref_slice %arg3[%select_n3A_861, %mul3A_919, %mul3A_921] : memref<4x768x8192xf32, #tpu.memory_space<hbm>> -> memref<1x16x2048xf32, #tpu.memory_space<hbm>>
    %dma_start3A_923 = tpu.memref_squeeze %dma_start3A_922 : memref<1x16x2048xf32, #tpu.memory_space<hbm>> -> memref<16x2048xf32, #tpu.memory_space<hbm>>
    %dma_start3A_924 = tpu.memref_slice %arg3[%select_n3A_861, %mul3A_919, %mul3A_921] : memref<4x768x8192xf32, #tpu.memory_space<hbm>> -> memref<1x16x2048xf32, #tpu.memory_space<hbm>>
    %dma_start3A_925 = tpu.memref_squeeze %dma_start3A_924 : memref<1x16x2048xf32, #tpu.memory_space<hbm>> -> memref<16x2048xf32, #tpu.memory_space<hbm>>
    tpu.enqueue_dma source(%arg10 : memref<16x2048xf32, #tpu.memory_space<vmem>>) target(%dma_start3A_925 : memref<16x2048xf32, #tpu.memory_space<hbm>>) target_semaphore(%arg14 : memref<!tpu.dma_semaphore, #tpu.memory_space<semaphore_mem>>)
    %dma_wait3A_926 = tpu.memref_slice %arg3[%select_n3A_861, %mul3A_919, %mul3A_921] : memref<4x768x8192xf32, #tpu.memory_space<hbm>> -> memref<1x16x2048xf32, #tpu.memory_space<hbm>>
    %dma_wait3A_927 = tpu.memref_squeeze %dma_wait3A_926 : memref<1x16x2048xf32, #tpu.memory_space<hbm>> -> memref<16x2048xf32, #tpu.memory_space<hbm>>
    %dma_wait3A_928 = tpu.memref_slice %arg3[%select_n3A_861, %mul3A_919, %mul3A_921] : memref<4x768x8192xf32, #tpu.memory_space<hbm>> -> memref<1x16x2048xf32, #tpu.memory_space<hbm>>
    %dma_wait3A_929 = tpu.memref_squeeze %dma_wait3A_928 : memref<1x16x2048xf32, #tpu.memory_space<hbm>> -> memref<16x2048xf32, #tpu.memory_space<hbm>>
    tpu.wait_dma2 semaphore(%arg14 : memref<!tpu.dma_semaphore, #tpu.memory_space<semaphore_mem>>) src(%arg10 : memref<16x2048xf32, #tpu.memory_space<vmem>>) dst(%dma_wait3A_929 : memref<16x2048xf32, #tpu.memory_space<hbm>>)
    %add3A_930 = arith.constant 3 : i32
    %add3A_931 = arith.addi %mul3A_2, %add3A_930 : i32
    %jit3A_932 = arith.constant 192 : i32
    %div3A_933 = arith.divsi %add3A_931, %jit3A_932 : i32
    %sign3A_934 = arith.constant 0 : i32
    %sign3A_935 = arith.cmpi sgt, %add3A_931, %sign3A_934 : i32
    %sign3A_936 = arith.extui %sign3A_935 : i1 to i32
    %sign3A_937 = arith.constant 0 : i32
    %sign3A_938 = arith.cmpi slt, %add3A_931, %sign3A_937 : i32
    %sign3A_939 = arith.extui %sign3A_938 : i1 to i32
    %sign3A_940 = arith.subi %sign3A_936, %sign3A_939 : i32
    %sign3A_941 = arith.constant 0 : i32
    %sign3A_942 = arith.cmpi sgt, %jit3A_932, %sign3A_941 : i32
    %sign3A_943 = arith.extui %sign3A_942 : i1 to i32
    %sign3A_944 = arith.constant 0 : i32
    %sign3A_945 = arith.cmpi slt, %jit3A_932, %sign3A_944 : i32
    %sign3A_946 = arith.extui %sign3A_945 : i1 to i32
    %sign3A_947 = arith.subi %sign3A_943, %sign3A_946 : i32
    %ne3A_948 = arith.cmpi ne, %sign3A_940, %sign3A_947 : i32
    %rem3A_949 = arith.remsi %add3A_931, %jit3A_932 : i32
    %ne3A_950 = arith.constant 0 : i32
    %ne3A_951 = arith.cmpi ne, %rem3A_949, %ne3A_950 : i32
    %and3A_952 = arith.andi %ne3A_948, %ne3A_951 : i1
    %sub3A_953 = arith.constant 1 : i32
    %sub3A_954 = arith.subi %div3A_933, %sub3A_953 : i32
    %select_n3A_955 = arith.select %and3A_952, %sub3A_954, %div3A_933 : i32
    %jit3A_956 = arith.constant 192 : i32
    %eq3A_957 = arith.constant 0 : i32
    %eq3A_958 = arith.cmpi eq, %jit3A_956, %eq3A_957 : i32
    %jit3A_959 = arith.constant 1 : i32
    %select_n3A_960 = arith.select %eq3A_958, %jit3A_959, %jit3A_956 : i32
    %rem3A_961 = arith.remsi %add3A_931, %select_n3A_960 : i32
    %ne3A_962 = arith.constant 0 : i32
    %ne3A_963 = arith.cmpi ne, %rem3A_961, %ne3A_962 : i32
    %lt3A_964 = arith.constant 0 : i32
    %lt3A_965 = arith.cmpi slt, %rem3A_961, %lt3A_964 : i32
    %lt3A_966 = arith.constant 0 : i32
    %lt3A_967 = arith.cmpi slt, %select_n3A_960, %lt3A_966 : i32
    %ne3A_968 = arith.xori %lt3A_965, %lt3A_967 : i1
    %and3A_969 = arith.andi %ne3A_968, %ne3A_963 : i1
    %add3A_970 = arith.addi %rem3A_961, %select_n3A_960 : i32
    %select_n3A_971 = arith.select %and3A_969, %add3A_970, %rem3A_961 : i32
    %jit3A_972 = arith.constant 4 : i32
    %div3A_973 = arith.divsi %select_n3A_971, %jit3A_972 : i32
    %sign3A_974 = arith.constant 0 : i32
    %sign3A_975 = arith.cmpi sgt, %select_n3A_971, %sign3A_974 : i32
    %sign3A_976 = arith.extui %sign3A_975 : i1 to i32
    %sign3A_977 = arith.constant 0 : i32
    %sign3A_978 = arith.cmpi slt, %select_n3A_971, %sign3A_977 : i32
    %sign3A_979 = arith.extui %sign3A_978 : i1 to i32
    %sign3A_980 = arith.subi %sign3A_976, %sign3A_979 : i32
    %sign3A_981 = arith.constant 0 : i32
    %sign3A_982 = arith.cmpi sgt, %jit3A_972, %sign3A_981 : i32
    %sign3A_983 = arith.extui %sign3A_982 : i1 to i32
    %sign3A_984 = arith.constant 0 : i32
    %sign3A_985 = arith.cmpi slt, %jit3A_972, %sign3A_984 : i32
    %sign3A_986 = arith.extui %sign3A_985 : i1 to i32
    %sign3A_987 = arith.subi %sign3A_983, %sign3A_986 : i32
    %ne3A_988 = arith.cmpi ne, %sign3A_980, %sign3A_987 : i32
    %rem3A_989 = arith.remsi %select_n3A_971, %jit3A_972 : i32
    %ne3A_990 = arith.constant 0 : i32
    %ne3A_991 = arith.cmpi ne, %rem3A_989, %ne3A_990 : i32
    %and3A_992 = arith.andi %ne3A_988, %ne3A_991 : i1
    %sub3A_993 = arith.constant 1 : i32
    %sub3A_994 = arith.subi %div3A_973, %sub3A_993 : i32
    %select_n3A_995 = arith.select %and3A_992, %sub3A_994, %div3A_973 : i32
    %jit3A_996 = arith.constant 4 : i32
    %eq3A_997 = arith.constant 0 : i32
    %eq3A_998 = arith.cmpi eq, %jit3A_996, %eq3A_997 : i32
    %jit3A_999 = arith.constant 1 : i32
    %select_n3A_1000 = arith.select %eq3A_998, %jit3A_999, %jit3A_996 : i32
    %rem3A_1001 = arith.remsi %select_n3A_971, %select_n3A_1000 : i32
    %ne3A_1002 = arith.constant 0 : i32
    %ne3A_1003 = arith.cmpi ne, %rem3A_1001, %ne3A_1002 : i32
    %lt3A_1004 = arith.constant 0 : i32
    %lt3A_1005 = arith.cmpi slt, %rem3A_1001, %lt3A_1004 : i32
    %lt3A_1006 = arith.constant 0 : i32
    %lt3A_1007 = arith.cmpi slt, %select_n3A_1000, %lt3A_1006 : i32
    %ne3A_1008 = arith.xori %lt3A_1005, %lt3A_1007 : i1
    %and3A_1009 = arith.andi %ne3A_1008, %ne3A_1003 : i1
    %add3A_1010 = arith.addi %rem3A_1001, %select_n3A_1000 : i32
    %select_n3A_1011 = arith.select %and3A_1009, %add3A_1010, %rem3A_1001 : i32
    %mul3A_1012 = arith.constant 16 : i32
    %mul3A_1013 = arith.muli %select_n3A_995, %mul3A_1012 : i32
    %mul3A_1014 = arith.constant 2048 : i32
    %mul3A_1015 = arith.muli %select_n3A_1011, %mul3A_1014 : i32
    %dma_start3A_1016 = arith.constant 0 : i32
    %dma_start3A_1017 = tpu.memref_slice %arg2[%select_n3A_955, %dma_start3A_1016, %mul3A_1015] : memref<4x768x8192xf32, #tpu.memory_space<hbm>> -> memref<1x768x2048xf32, #tpu.memory_space<hbm>>
    %dma_start3A_1018 = tpu.memref_squeeze %dma_start3A_1017 : memref<1x768x2048xf32, #tpu.memory_space<hbm>> -> memref<768x2048xf32, #tpu.memory_space<hbm>>
    %dma_start3A_1019 = arith.constant 0 : i32
    %dma_start3A_1020 = arith.constant 0 : i32
    %dma_start3A_1021 = tpu.memref_slice %dma_start3A_1018[%dma_start3A_1019, %dma_start3A_1020] : memref<768x2048xf32, #tpu.memory_space<hbm>> -> memref<768x2048xf32, #tpu.memory_space<hbm>>
    tpu.enqueue_indirect_dma source(%dma_start3A_1021 : memref<768x2048xf32, #tpu.memory_space<hbm>>) target(%arg10 : memref<16x2048xf32, #tpu.memory_space<vmem>>) offsets(%arg4 : memref<16xi32, #tpu.memory_space<vmem>>) semaphore(%arg13 : memref<!tpu.dma_semaphore, #tpu.memory_space<semaphore_mem>>)
    %dma_wait3A_1022 = arith.constant 0 : i32
    %dma_wait3A_1023 = tpu.memref_slice %arg2[%select_n3A_672, %dma_wait3A_1022, %mul3A_732] : memref<4x768x8192xf32, #tpu.memory_space<hbm>> -> memref<1x768x2048xf32, #tpu.memory_space<hbm>>
    %dma_wait3A_1024 = tpu.memref_squeeze %dma_wait3A_1023 : memref<1x768x2048xf32, #tpu.memory_space<hbm>> -> memref<768x2048xf32, #tpu.memory_space<hbm>>
    %dma_wait3A_1025 = arith.constant 0 : i32
    %dma_wait3A_1026 = arith.constant 0 : i32
    %dma_wait3A_1027 = tpu.memref_slice %dma_wait3A_1024[%dma_wait3A_1025, %dma_wait3A_1026] : memref<768x2048xf32, #tpu.memory_space<hbm>> -> memref<768x2048xf32, #tpu.memory_space<hbm>>
    tpu.wait_indirect_dma semaphore(%arg13 : memref<!tpu.dma_semaphore, #tpu.memory_space<semaphore_mem>>) src(%dma_wait3A_1027 : memref<768x2048xf32, #tpu.memory_space<hbm>>) dst(%arg11 : memref<16x2048xf32, #tpu.memory_space<vmem>>)
    %add3A_1028 = arith.constant 1 : i32
    %add3A_1029 = arith.addi %mul3A_2, %add3A_1028 : i32
    %jit3A_1030 = arith.constant 192 : i32
    %div3A_1031 = arith.divsi %add3A_1029, %jit3A_1030 : i32
    %sign3A_1032 = arith.constant 0 : i32
    %sign3A_1033 = arith.cmpi sgt, %add3A_1029, %sign3A_1032 : i32
    %sign3A_1034 = arith.extui %sign3A_1033 : i1 to i32
    %sign3A_1035 = arith.constant 0 : i32
    %sign3A_1036 = arith.cmpi slt, %add3A_1029, %sign3A_1035 : i32
    %sign3A_1037 = arith.extui %sign3A_1036 : i1 to i32
    %sign3A_1038 = arith.subi %sign3A_1034, %sign3A_1037 : i32
    %sign3A_1039 = arith.constant 0 : i32
    %sign3A_1040 = arith.cmpi sgt, %jit3A_1030, %sign3A_1039 : i32
    %sign3A_1041 = arith.extui %sign3A_1040 : i1 to i32
    %sign3A_1042 = arith.constant 0 : i32
    %sign3A_1043 = arith.cmpi slt, %jit3A_1030, %sign3A_1042 : i32
    %sign3A_1044 = arith.extui %sign3A_1043 : i1 to i32
    %sign3A_1045 = arith.subi %sign3A_1041, %sign3A_1044 : i32
    %ne3A_1046 = arith.cmpi ne, %sign3A_1038, %sign3A_1045 : i32
    %rem3A_1047 = arith.remsi %add3A_1029, %jit3A_1030 : i32
    %ne3A_1048 = arith.constant 0 : i32
    %ne3A_1049 = arith.cmpi ne, %rem3A_1047, %ne3A_1048 : i32
    %and3A_1050 = arith.andi %ne3A_1046, %ne3A_1049 : i1
    %sub3A_1051 = arith.constant 1 : i32
    %sub3A_1052 = arith.subi %div3A_1031, %sub3A_1051 : i32
    %select_n3A_1053 = arith.select %and3A_1050, %sub3A_1052, %div3A_1031 : i32
    %jit3A_1054 = arith.constant 192 : i32
    %eq3A_1055 = arith.constant 0 : i32
    %eq3A_1056 = arith.cmpi eq, %jit3A_1054, %eq3A_1055 : i32
    %jit3A_1057 = arith.constant 1 : i32
    %select_n3A_1058 = arith.select %eq3A_1056, %jit3A_1057, %jit3A_1054 : i32
    %rem3A_1059 = arith.remsi %add3A_1029, %select_n3A_1058 : i32
    %ne3A_1060 = arith.constant 0 : i32
    %ne3A_1061 = arith.cmpi ne, %rem3A_1059, %ne3A_1060 : i32
    %lt3A_1062 = arith.constant 0 : i32
    %lt3A_1063 = arith.cmpi slt, %rem3A_1059, %lt3A_1062 : i32
    %lt3A_1064 = arith.constant 0 : i32
    %lt3A_1065 = arith.cmpi slt, %select_n3A_1058, %lt3A_1064 : i32
    %ne3A_1066 = arith.xori %lt3A_1063, %lt3A_1065 : i1
    %and3A_1067 = arith.andi %ne3A_1066, %ne3A_1061 : i1
    %add3A_1068 = arith.addi %rem3A_1059, %select_n3A_1058 : i32
    %select_n3A_1069 = arith.select %and3A_1067, %add3A_1068, %rem3A_1059 : i32
    %jit3A_1070 = arith.constant 4 : i32
    %div3A_1071 = arith.divsi %select_n3A_1069, %jit3A_1070 : i32
    %sign3A_1072 = arith.constant 0 : i32
    %sign3A_1073 = arith.cmpi sgt, %select_n3A_1069, %sign3A_1072 : i32
    %sign3A_1074 = arith.extui %sign3A_1073 : i1 to i32
    %sign3A_1075 = arith.constant 0 : i32
    %sign3A_1076 = arith.cmpi slt, %select_n3A_1069, %sign3A_1075 : i32
    %sign3A_1077 = arith.extui %sign3A_1076 : i1 to i32
    %sign3A_1078 = arith.subi %sign3A_1074, %sign3A_1077 : i32
    %sign3A_1079 = arith.constant 0 : i32
    %sign3A_1080 = arith.cmpi sgt, %jit3A_1070, %sign3A_1079 : i32
    %sign3A_1081 = arith.extui %sign3A_1080 : i1 to i32
    %sign3A_1082 = arith.constant 0 : i32
    %sign3A_1083 = arith.cmpi slt, %jit3A_1070, %sign3A_1082 : i32
    %sign3A_1084 = arith.extui %sign3A_1083 : i1 to i32
    %sign3A_1085 = arith.subi %sign3A_1081, %sign3A_1084 : i32
    %ne3A_1086 = arith.cmpi ne, %sign3A_1078, %sign3A_1085 : i32
    %rem3A_1087 = arith.remsi %select_n3A_1069, %jit3A_1070 : i32
    %ne3A_1088 = arith.constant 0 : i32
    %ne3A_1089 = arith.cmpi ne, %rem3A_1087, %ne3A_1088 : i32
    %and3A_1090 = arith.andi %ne3A_1086, %ne3A_1089 : i1
    %sub3A_1091 = arith.constant 1 : i32
    %sub3A_1092 = arith.subi %div3A_1071, %sub3A_1091 : i32
    %select_n3A_1093 = arith.select %and3A_1090, %sub3A_1092, %div3A_1071 : i32
    %jit3A_1094 = arith.constant 4 : i32
    %eq3A_1095 = arith.constant 0 : i32
    %eq3A_1096 = arith.cmpi eq, %jit3A_1094, %eq3A_1095 : i32
    %jit3A_1097 = arith.constant 1 : i32
    %select_n3A_1098 = arith.select %eq3A_1096, %jit3A_1097, %jit3A_1094 : i32
    %rem3A_1099 = arith.remsi %select_n3A_1069, %select_n3A_1098 : i32
    %ne3A_1100 = arith.constant 0 : i32
    %ne3A_1101 = arith.cmpi ne, %rem3A_1099, %ne3A_1100 : i32
    %lt3A_1102 = arith.constant 0 : i32
    %lt3A_1103 = arith.cmpi slt, %rem3A_1099, %lt3A_1102 : i32
    %lt3A_1104 = arith.constant 0 : i32
    %lt3A_1105 = arith.cmpi slt, %select_n3A_1098, %lt3A_1104 : i32
    %ne3A_1106 = arith.xori %lt3A_1103, %lt3A_1105 : i1
    %and3A_1107 = arith.andi %ne3A_1106, %ne3A_1101 : i1
    %add3A_1108 = arith.addi %rem3A_1099, %select_n3A_1098 : i32
    %select_n3A_1109 = arith.select %and3A_1107, %add3A_1108, %rem3A_1099 : i32
    %mul3A_1110 = arith.constant 16 : i32
    %mul3A_1111 = arith.muli %select_n3A_1093, %mul3A_1110 : i32
    %mul3A_1112 = arith.constant 2048 : i32
    %mul3A_1113 = arith.muli %select_n3A_1109, %mul3A_1112 : i32
    %dma_start3A_1114 = tpu.memref_slice %arg3[%select_n3A_1053, %mul3A_1111, %mul3A_1113] : memref<4x768x8192xf32, #tpu.memory_space<hbm>> -> memref<1x16x2048xf32, #tpu.memory_space<hbm>>
    %dma_start3A_1115 = tpu.memref_squeeze %dma_start3A_1114 : memref<1x16x2048xf32, #tpu.memory_space<hbm>> -> memref<16x2048xf32, #tpu.memory_space<hbm>>
    %dma_start3A_1116 = tpu.memref_slice %arg3[%select_n3A_1053, %mul3A_1111, %mul3A_1113] : memref<4x768x8192xf32, #tpu.memory_space<hbm>> -> memref<1x16x2048xf32, #tpu.memory_space<hbm>>
    %dma_start3A_1117 = tpu.memref_squeeze %dma_start3A_1116 : memref<1x16x2048xf32, #tpu.memory_space<hbm>> -> memref<16x2048xf32, #tpu.memory_space<hbm>>
    tpu.enqueue_dma source(%arg11 : memref<16x2048xf32, #tpu.memory_space<vmem>>) target(%dma_start3A_1117 : memref<16x2048xf32, #tpu.memory_space<hbm>>) target_semaphore(%arg14 : memref<!tpu.dma_semaphore, #tpu.memory_space<semaphore_mem>>)
    %dma_wait3A_1118 = tpu.memref_slice %arg3[%select_n3A_1053, %mul3A_1111, %mul3A_1113] : memref<4x768x8192xf32, #tpu.memory_space<hbm>> -> memref<1x16x2048xf32, #tpu.memory_space<hbm>>
    %dma_wait3A_1119 = tpu.memref_squeeze %dma_wait3A_1118 : memref<1x16x2048xf32, #tpu.memory_space<hbm>> -> memref<16x2048xf32, #tpu.memory_space<hbm>>
    %dma_wait3A_1120 = tpu.memref_slice %arg3[%select_n3A_1053, %mul3A_1111, %mul3A_1113] : memref<4x768x8192xf32, #tpu.memory_space<hbm>> -> memref<1x16x2048xf32, #tpu.memory_space<hbm>>
    %dma_wait3A_1121 = tpu.memref_squeeze %dma_wait3A_1120 : memref<1x16x2048xf32, #tpu.memory_space<hbm>> -> memref<16x2048xf32, #tpu.memory_space<hbm>>
    tpu.wait_dma2 semaphore(%arg14 : memref<!tpu.dma_semaphore, #tpu.memory_space<semaphore_mem>>) src(%arg11 : memref<16x2048xf32, #tpu.memory_space<vmem>>) dst(%dma_wait3A_1121 : memref<16x2048xf32, #tpu.memory_space<hbm>>)
    %add3A_1122 = arith.constant 4 : i32
    %add3A_1123 = arith.addi %mul3A_2, %add3A_1122 : i32
    %jit3A_1124 = arith.constant 192 : i32
    %div3A_1125 = arith.divsi %add3A_1123, %jit3A_1124 : i32
    %sign3A_1126 = arith.constant 0 : i32
    %sign3A_1127 = arith.cmpi sgt, %add3A_1123, %sign3A_1126 : i32
    %sign3A_1128 = arith.extui %sign3A_1127 : i1 to i32
    %sign3A_1129 = arith.constant 0 : i32
    %sign3A_1130 = arith.cmpi slt, %add3A_1123, %sign3A_1129 : i32
    %sign3A_1131 = arith.extui %sign3A_1130 : i1 to i32
    %sign3A_1132 = arith.subi %sign3A_1128, %sign3A_1131 : i32
    %sign3A_1133 = arith.constant 0 : i32
    %sign3A_1134 = arith.cmpi sgt, %jit3A_1124, %sign3A_1133 : i32
    %sign3A_1135 = arith.extui %sign3A_1134 : i1 to i32
    %sign3A_1136 = arith.constant 0 : i32
    %sign3A_1137 = arith.cmpi slt, %jit3A_1124, %sign3A_1136 : i32
    %sign3A_1138 = arith.extui %sign3A_1137 : i1 to i32
    %sign3A_1139 = arith.subi %sign3A_1135, %sign3A_1138 : i32
    %ne3A_1140 = arith.cmpi ne, %sign3A_1132, %sign3A_1139 : i32
    %rem3A_1141 = arith.remsi %add3A_1123, %jit3A_1124 : i32
    %ne3A_1142 = arith.constant 0 : i32
    %ne3A_1143 = arith.cmpi ne, %rem3A_1141, %ne3A_1142 : i32
    %and3A_1144 = arith.andi %ne3A_1140, %ne3A_1143 : i1
    %sub3A_1145 = arith.constant 1 : i32
    %sub3A_1146 = arith.subi %div3A_1125, %sub3A_1145 : i32
    %select_n3A_1147 = arith.select %and3A_1144, %sub3A_1146, %div3A_1125 : i32
    %jit3A_1148 = arith.constant 192 : i32
    %eq3A_1149 = arith.constant 0 : i32
    %eq3A_1150 = arith.cmpi eq, %jit3A_1148, %eq3A_1149 : i32
    %jit3A_1151 = arith.constant 1 : i32
    %select_n3A_1152 = arith.select %eq3A_1150, %jit3A_1151, %jit3A_1148 : i32
    %rem3A_1153 = arith.remsi %add3A_1123, %select_n3A_1152 : i32
    %ne3A_1154 = arith.constant 0 : i32
    %ne3A_1155 = arith.cmpi ne, %rem3A_1153, %ne3A_1154 : i32
    %lt3A_1156 = arith.constant 0 : i32
    %lt3A_1157 = arith.cmpi slt, %rem3A_1153, %lt3A_1156 : i32
    %lt3A_1158 = arith.constant 0 : i32
    %lt3A_1159 = arith.cmpi slt, %select_n3A_1152, %lt3A_1158 : i32
    %ne3A_1160 = arith.xori %lt3A_1157, %lt3A_1159 : i1
    %and3A_1161 = arith.andi %ne3A_1160, %ne3A_1155 : i1
    %add3A_1162 = arith.addi %rem3A_1153, %select_n3A_1152 : i32
    %select_n3A_1163 = arith.select %and3A_1161, %add3A_1162, %rem3A_1153 : i32
    %jit3A_1164 = arith.constant 4 : i32
    %div3A_1165 = arith.divsi %select_n3A_1163, %jit3A_1164 : i32
    %sign3A_1166 = arith.constant 0 : i32
    %sign3A_1167 = arith.cmpi sgt, %select_n3A_1163, %sign3A_1166 : i32
    %sign3A_1168 = arith.extui %sign3A_1167 : i1 to i32
    %sign3A_1169 = arith.constant 0 : i32
    %sign3A_1170 = arith.cmpi slt, %select_n3A_1163, %sign3A_1169 : i32
    %sign3A_1171 = arith.extui %sign3A_1170 : i1 to i32
    %sign3A_1172 = arith.subi %sign3A_1168, %sign3A_1171 : i32
    %sign3A_1173 = arith.constant 0 : i32
    %sign3A_1174 = arith.cmpi sgt, %jit3A_1164, %sign3A_1173 : i32
    %sign3A_1175 = arith.extui %sign3A_1174 : i1 to i32
    %sign3A_1176 = arith.constant 0 : i32
    %sign3A_1177 = arith.cmpi slt, %jit3A_1164, %sign3A_1176 : i32
    %sign3A_1178 = arith.extui %sign3A_1177 : i1 to i32
    %sign3A_1179 = arith.subi %sign3A_1175, %sign3A_1178 : i32
    %ne3A_1180 = arith.cmpi ne, %sign3A_1172, %sign3A_1179 : i32
    %rem3A_1181 = arith.remsi %select_n3A_1163, %jit3A_1164 : i32
    %ne3A_1182 = arith.constant 0 : i32
    %ne3A_1183 = arith.cmpi ne, %rem3A_1181, %ne3A_1182 : i32
    %and3A_1184 = arith.andi %ne3A_1180, %ne3A_1183 : i1
    %sub3A_1185 = arith.constant 1 : i32
    %sub3A_1186 = arith.subi %div3A_1165, %sub3A_1185 : i32
    %select_n3A_1187 = arith.select %and3A_1184, %sub3A_1186, %div3A_1165 : i32
    %jit3A_1188 = arith.constant 4 : i32
    %eq3A_1189 = arith.constant 0 : i32
    %eq3A_1190 = arith.cmpi eq, %jit3A_1188, %eq3A_1189 : i32
    %jit3A_1191 = arith.constant 1 : i32
    %select_n3A_1192 = arith.select %eq3A_1190, %jit3A_1191, %jit3A_1188 : i32
    %rem3A_1193 = arith.remsi %select_n3A_1163, %select_n3A_1192 : i32
    %ne3A_1194 = arith.constant 0 : i32
    %ne3A_1195 = arith.cmpi ne, %rem3A_1193, %ne3A_1194 : i32
    %lt3A_1196 = arith.constant 0 : i32
    %lt3A_1197 = arith.cmpi slt, %rem3A_1193, %lt3A_1196 : i32
    %lt3A_1198 = arith.constant 0 : i32
    %lt3A_1199 = arith.cmpi slt, %select_n3A_1192, %lt3A_1198 : i32
    %ne3A_1200 = arith.xori %lt3A_1197, %lt3A_1199 : i1
    %and3A_1201 = arith.andi %ne3A_1200, %ne3A_1195 : i1
    %add3A_1202 = arith.addi %rem3A_1193, %select_n3A_1192 : i32
    %select_n3A_1203 = arith.select %and3A_1201, %add3A_1202, %rem3A_1193 : i32
    %mul3A_1204 = arith.constant 16 : i32
    %mul3A_1205 = arith.muli %select_n3A_1187, %mul3A_1204 : i32
    %mul3A_1206 = arith.constant 2048 : i32
    %mul3A_1207 = arith.muli %select_n3A_1203, %mul3A_1206 : i32
    %dma_start3A_1208 = arith.constant 0 : i32
    %dma_start3A_1209 = tpu.memref_slice %arg2[%select_n3A_1147, %dma_start3A_1208, %mul3A_1207] : memref<4x768x8192xf32, #tpu.memory_space<hbm>> -> memref<1x768x2048xf32, #tpu.memory_space<hbm>>
    %dma_start3A_1210 = tpu.memref_squeeze %dma_start3A_1209 : memref<1x768x2048xf32, #tpu.memory_space<hbm>> -> memref<768x2048xf32, #tpu.memory_space<hbm>>
    %dma_start3A_1211 = arith.constant 0 : i32
    %dma_start3A_1212 = arith.constant 0 : i32
    %dma_start3A_1213 = tpu.memref_slice %dma_start3A_1210[%dma_start3A_1211, %dma_start3A_1212] : memref<768x2048xf32, #tpu.memory_space<hbm>> -> memref<768x2048xf32, #tpu.memory_space<hbm>>
    tpu.enqueue_indirect_dma source(%dma_start3A_1213 : memref<768x2048xf32, #tpu.memory_space<hbm>>) target(%arg11 : memref<16x2048xf32, #tpu.memory_space<vmem>>) offsets(%arg5 : memref<16xi32, #tpu.memory_space<vmem>>) semaphore(%arg13 : memref<!tpu.dma_semaphore, #tpu.memory_space<semaphore_mem>>)
    %dma_wait3A_1214 = arith.constant 0 : i32
    %dma_wait3A_1215 = tpu.memref_slice %arg2[%select_n3A_764, %dma_wait3A_1214, %mul3A_824] : memref<4x768x8192xf32, #tpu.memory_space<hbm>> -> memref<1x768x2048xf32, #tpu.memory_space<hbm>>
    %dma_wait3A_1216 = tpu.memref_squeeze %dma_wait3A_1215 : memref<1x768x2048xf32, #tpu.memory_space<hbm>> -> memref<768x2048xf32, #tpu.memory_space<hbm>>
    %dma_wait3A_1217 = arith.constant 0 : i32
    %dma_wait3A_1218 = arith.constant 0 : i32
    %dma_wait3A_1219 = tpu.memref_slice %dma_wait3A_1216[%dma_wait3A_1217, %dma_wait3A_1218] : memref<768x2048xf32, #tpu.memory_space<hbm>> -> memref<768x2048xf32, #tpu.memory_space<hbm>>
    tpu.wait_indirect_dma semaphore(%arg13 : memref<!tpu.dma_semaphore, #tpu.memory_space<semaphore_mem>>) src(%dma_wait3A_1219 : memref<768x2048xf32, #tpu.memory_space<hbm>>) dst(%arg12 : memref<16x2048xf32, #tpu.memory_space<vmem>>)
    %add3A_1220 = arith.constant 2 : i32
    %add3A_1221 = arith.addi %mul3A_2, %add3A_1220 : i32
    %jit3A_1222 = arith.constant 192 : i32
    %div3A_1223 = arith.divsi %add3A_1221, %jit3A_1222 : i32
    %sign3A_1224 = arith.constant 0 : i32
    %sign3A_1225 = arith.cmpi sgt, %add3A_1221, %sign3A_1224 : i32
    %sign3A_1226 = arith.extui %sign3A_1225 : i1 to i32
    %sign3A_1227 = arith.constant 0 : i32
    %sign3A_1228 = arith.cmpi slt, %add3A_1221, %sign3A_1227 : i32
    %sign3A_1229 = arith.extui %sign3A_1228 : i1 to i32
    %sign3A_1230 = arith.subi %sign3A_1226, %sign3A_1229 : i32
    %sign3A_1231 = arith.constant 0 : i32
    %sign3A_1232 = arith.cmpi sgt, %jit3A_1222, %sign3A_1231 : i32
    %sign3A_1233 = arith.extui %sign3A_1232 : i1 to i32
    %sign3A_1234 = arith.constant 0 : i32
    %sign3A_1235 = arith.cmpi slt, %jit3A_1222, %sign3A_1234 : i32
    %sign3A_1236 = arith.extui %sign3A_1235 : i1 to i32
    %sign3A_1237 = arith.subi %sign3A_1233, %sign3A_1236 : i32
    %ne3A_1238 = arith.cmpi ne, %sign3A_1230, %sign3A_1237 : i32
    %rem3A_1239 = arith.remsi %add3A_1221, %jit3A_1222 : i32
    %ne3A_1240 = arith.constant 0 : i32
    %ne3A_1241 = arith.cmpi ne, %rem3A_1239, %ne3A_1240 : i32
    %and3A_1242 = arith.andi %ne3A_1238, %ne3A_1241 : i1
    %sub3A_1243 = arith.constant 1 : i32
    %sub3A_1244 = arith.subi %div3A_1223, %sub3A_1243 : i32
    %select_n3A_1245 = arith.select %and3A_1242, %sub3A_1244, %div3A_1223 : i32
    %jit3A_1246 = arith.constant 192 : i32
    %eq3A_1247 = arith.constant 0 : i32
    %eq3A_1248 = arith.cmpi eq, %jit3A_1246, %eq3A_1247 : i32
    %jit3A_1249 = arith.constant 1 : i32
    %select_n3A_1250 = arith.select %eq3A_1248, %jit3A_1249, %jit3A_1246 : i32
    %rem3A_1251 = arith.remsi %add3A_1221, %select_n3A_1250 : i32
    %ne3A_1252 = arith.constant 0 : i32
    %ne3A_1253 = arith.cmpi ne, %rem3A_1251, %ne3A_1252 : i32
    %lt3A_1254 = arith.constant 0 : i32
    %lt3A_1255 = arith.cmpi slt, %rem3A_1251, %lt3A_1254 : i32
    %lt3A_1256 = arith.constant 0 : i32
    %lt3A_1257 = arith.cmpi slt, %select_n3A_1250, %lt3A_1256 : i32
    %ne3A_1258 = arith.xori %lt3A_1255, %lt3A_1257 : i1
    %and3A_1259 = arith.andi %ne3A_1258, %ne3A_1253 : i1
    %add3A_1260 = arith.addi %rem3A_1251, %select_n3A_1250 : i32
    %select_n3A_1261 = arith.select %and3A_1259, %add3A_1260, %rem3A_1251 : i32
    %jit3A_1262 = arith.constant 4 : i32
    %div3A_1263 = arith.divsi %select_n3A_1261, %jit3A_1262 : i32
    %sign3A_1264 = arith.constant 0 : i32
    %sign3A_1265 = arith.cmpi sgt, %select_n3A_1261, %sign3A_1264 : i32
    %sign3A_1266 = arith.extui %sign3A_1265 : i1 to i32
    %sign3A_1267 = arith.constant 0 : i32
    %sign3A_1268 = arith.cmpi slt, %select_n3A_1261, %sign3A_1267 : i32
    %sign3A_1269 = arith.extui %sign3A_1268 : i1 to i32
    %sign3A_1270 = arith.subi %sign3A_1266, %sign3A_1269 : i32
    %sign3A_1271 = arith.constant 0 : i32
    %sign3A_1272 = arith.cmpi sgt, %jit3A_1262, %sign3A_1271 : i32
    %sign3A_1273 = arith.extui %sign3A_1272 : i1 to i32
    %sign3A_1274 = arith.constant 0 : i32
    %sign3A_1275 = arith.cmpi slt, %jit3A_1262, %sign3A_1274 : i32
    %sign3A_1276 = arith.extui %sign3A_1275 : i1 to i32
    %sign3A_1277 = arith.subi %sign3A_1273, %sign3A_1276 : i32
    %ne3A_1278 = arith.cmpi ne, %sign3A_1270, %sign3A_1277 : i32
    %rem3A_1279 = arith.remsi %select_n3A_1261, %jit3A_1262 : i32
    %ne3A_1280 = arith.constant 0 : i32
    %ne3A_1281 = arith.cmpi ne, %rem3A_1279, %ne3A_1280 : i32
    %and3A_1282 = arith.andi %ne3A_1278, %ne3A_1281 : i1
    %sub3A_1283 = arith.constant 1 : i32
    %sub3A_1284 = arith.subi %div3A_1263, %sub3A_1283 : i32
    %select_n3A_1285 = arith.select %and3A_1282, %sub3A_1284, %div3A_1263 : i32
    %jit3A_1286 = arith.constant 4 : i32
    %eq3A_1287 = arith.constant 0 : i32
    %eq3A_1288 = arith.cmpi eq, %jit3A_1286, %eq3A_1287 : i32
    %jit3A_1289 = arith.constant 1 : i32
    %select_n3A_1290 = arith.select %eq3A_1288, %jit3A_1289, %jit3A_1286 : i32
    %rem3A_1291 = arith.remsi %select_n3A_1261, %select_n3A_1290 : i32
    %ne3A_1292 = arith.constant 0 : i32
    %ne3A_1293 = arith.cmpi ne, %rem3A_1291, %ne3A_1292 : i32
    %lt3A_1294 = arith.constant 0 : i32
    %lt3A_1295 = arith.cmpi slt, %rem3A_1291, %lt3A_1294 : i32
    %lt3A_1296 = arith.constant 0 : i32
    %lt3A_1297 = arith.cmpi slt, %select_n3A_1290, %lt3A_1296 : i32
    %ne3A_1298 = arith.xori %lt3A_1295, %lt3A_1297 : i1
    %and3A_1299 = arith.andi %ne3A_1298, %ne3A_1293 : i1
    %add3A_1300 = arith.addi %rem3A_1291, %select_n3A_1290 : i32
    %select_n3A_1301 = arith.select %and3A_1299, %add3A_1300, %rem3A_1291 : i32
    %mul3A_1302 = arith.constant 16 : i32
    %mul3A_1303 = arith.muli %select_n3A_1285, %mul3A_1302 : i32
    %mul3A_1304 = arith.constant 2048 : i32
    %mul3A_1305 = arith.muli %select_n3A_1301, %mul3A_1304 : i32
    %dma_start3A_1306 = tpu.memref_slice %arg3[%select_n3A_1245, %mul3A_1303, %mul3A_1305] : memref<4x768x8192xf32, #tpu.memory_space<hbm>> -> memref<1x16x2048xf32, #tpu.memory_space<hbm>>
    %dma_start3A_1307 = tpu.memref_squeeze %dma_start3A_1306 : memref<1x16x2048xf32, #tpu.memory_space<hbm>> -> memref<16x2048xf32, #tpu.memory_space<hbm>>
    %dma_start3A_1308 = tpu.memref_slice %arg3[%select_n3A_1245, %mul3A_1303, %mul3A_1305] : memref<4x768x8192xf32, #tpu.memory_space<hbm>> -> memref<1x16x2048xf32, #tpu.memory_space<hbm>>
    %dma_start3A_1309 = tpu.memref_squeeze %dma_start3A_1308 : memref<1x16x2048xf32, #tpu.memory_space<hbm>> -> memref<16x2048xf32, #tpu.memory_space<hbm>>
    tpu.enqueue_dma source(%arg12 : memref<16x2048xf32, #tpu.memory_space<vmem>>) target(%dma_start3A_1309 : memref<16x2048xf32, #tpu.memory_space<hbm>>) target_semaphore(%arg14 : memref<!tpu.dma_semaphore, #tpu.memory_space<semaphore_mem>>)
    %dma_wait3A_1310 = tpu.memref_slice %arg3[%select_n3A_1245, %mul3A_1303, %mul3A_1305] : memref<4x768x8192xf32, #tpu.memory_space<hbm>> -> memref<1x16x2048xf32, #tpu.memory_space<hbm>>
    %dma_wait3A_1311 = tpu.memref_squeeze %dma_wait3A_1310 : memref<1x16x2048xf32, #tpu.memory_space<hbm>> -> memref<16x2048xf32, #tpu.memory_space<hbm>>
    %dma_wait3A_1312 = tpu.memref_slice %arg3[%select_n3A_1245, %mul3A_1303, %mul3A_1305] : memref<4x768x8192xf32, #tpu.memory_space<hbm>> -> memref<1x16x2048xf32, #tpu.memory_space<hbm>>
    %dma_wait3A_1313 = tpu.memref_squeeze %dma_wait3A_1312 : memref<1x16x2048xf32, #tpu.memory_space<hbm>> -> memref<16x2048xf32, #tpu.memory_space<hbm>>
    tpu.wait_dma2 semaphore(%arg14 : memref<!tpu.dma_semaphore, #tpu.memory_space<semaphore_mem>>) src(%arg12 : memref<16x2048xf32, #tpu.memory_space<vmem>>) dst(%dma_wait3A_1313 : memref<16x2048xf32, #tpu.memory_space<hbm>>)
    %add3A_1314 = arith.constant 5 : i32
    %add3A_1315 = arith.addi %mul3A_2, %add3A_1314 : i32
    %jit3A_1316 = arith.constant 192 : i32
    %div3A_1317 = arith.divsi %add3A_1315, %jit3A_1316 : i32
    %sign3A_1318 = arith.constant 0 : i32
    %sign3A_1319 = arith.cmpi sgt, %add3A_1315, %sign3A_1318 : i32
    %sign3A_1320 = arith.extui %sign3A_1319 : i1 to i32
    %sign3A_1321 = arith.constant 0 : i32
    %sign3A_1322 = arith.cmpi slt, %add3A_1315, %sign3A_1321 : i32
    %sign3A_1323 = arith.extui %sign3A_1322 : i1 to i32
    %sign3A_1324 = arith.subi %sign3A_1320, %sign3A_1323 : i32
    %sign3A_1325 = arith.constant 0 : i32
    %sign3A_1326 = arith.cmpi sgt, %jit3A_1316, %sign3A_1325 : i32
    %sign3A_1327 = arith.extui %sign3A_1326 : i1 to i32
    %sign3A_1328 = arith.constant 0 : i32
    %sign3A_1329 = arith.cmpi slt, %jit3A_1316, %sign3A_1328 : i32
    %sign3A_1330 = arith.extui %sign3A_1329 : i1 to i32
    %sign3A_1331 = arith.subi %sign3A_1327, %sign3A_1330 : i32
    %ne3A_1332 = arith.cmpi ne, %sign3A_1324, %sign3A_1331 : i32
    %rem3A_1333 = arith.remsi %add3A_1315, %jit3A_1316 : i32
    %ne3A_1334 = arith.constant 0 : i32
    %ne3A_1335 = arith.cmpi ne, %rem3A_1333, %ne3A_1334 : i32
    %and3A_1336 = arith.andi %ne3A_1332, %ne3A_1335 : i1
    %sub3A_1337 = arith.constant 1 : i32
    %sub3A_1338 = arith.subi %div3A_1317, %sub3A_1337 : i32
    %select_n3A_1339 = arith.select %and3A_1336, %sub3A_1338, %div3A_1317 : i32
    %jit3A_1340 = arith.constant 192 : i32
    %eq3A_1341 = arith.constant 0 : i32
    %eq3A_1342 = arith.cmpi eq, %jit3A_1340, %eq3A_1341 : i32
    %jit3A_1343 = arith.constant 1 : i32
    %select_n3A_1344 = arith.select %eq3A_1342, %jit3A_1343, %jit3A_1340 : i32
    %rem3A_1345 = arith.remsi %add3A_1315, %select_n3A_1344 : i32
    %ne3A_1346 = arith.constant 0 : i32
    %ne3A_1347 = arith.cmpi ne, %rem3A_1345, %ne3A_1346 : i32
    %lt3A_1348 = arith.constant 0 : i32
    %lt3A_1349 = arith.cmpi slt, %rem3A_1345, %lt3A_1348 : i32
    %lt3A_1350 = arith.constant 0 : i32
    %lt3A_1351 = arith.cmpi slt, %select_n3A_1344, %lt3A_1350 : i32
    %ne3A_1352 = arith.xori %lt3A_1349, %lt3A_1351 : i1
    %and3A_1353 = arith.andi %ne3A_1352, %ne3A_1347 : i1
    %add3A_1354 = arith.addi %rem3A_1345, %select_n3A_1344 : i32
    %select_n3A_1355 = arith.select %and3A_1353, %add3A_1354, %rem3A_1345 : i32
    %jit3A_1356 = arith.constant 4 : i32
    %div3A_1357 = arith.divsi %select_n3A_1355, %jit3A_1356 : i32
    %sign3A_1358 = arith.constant 0 : i32
    %sign3A_1359 = arith.cmpi sgt, %select_n3A_1355, %sign3A_1358 : i32
    %sign3A_1360 = arith.extui %sign3A_1359 : i1 to i32
    %sign3A_1361 = arith.constant 0 : i32
    %sign3A_1362 = arith.cmpi slt, %select_n3A_1355, %sign3A_1361 : i32
    %sign3A_1363 = arith.extui %sign3A_1362 : i1 to i32
    %sign3A_1364 = arith.subi %sign3A_1360, %sign3A_1363 : i32
    %sign3A_1365 = arith.constant 0 : i32
    %sign3A_1366 = arith.cmpi sgt, %jit3A_1356, %sign3A_1365 : i32
    %sign3A_1367 = arith.extui %sign3A_1366 : i1 to i32
    %sign3A_1368 = arith.constant 0 : i32
    %sign3A_1369 = arith.cmpi slt, %jit3A_1356, %sign3A_1368 : i32
    %sign3A_1370 = arith.extui %sign3A_1369 : i1 to i32
    %sign3A_1371 = arith.subi %sign3A_1367, %sign3A_1370 : i32
    %ne3A_1372 = arith.cmpi ne, %sign3A_1364, %sign3A_1371 : i32
    %rem3A_1373 = arith.remsi %select_n3A_1355, %jit3A_1356 : i32
    %ne3A_1374 = arith.constant 0 : i32
    %ne3A_1375 = arith.cmpi ne, %rem3A_1373, %ne3A_1374 : i32
    %and3A_1376 = arith.andi %ne3A_1372, %ne3A_1375 : i1
    %sub3A_1377 = arith.constant 1 : i32
    %sub3A_1378 = arith.subi %div3A_1357, %sub3A_1377 : i32
    %select_n3A_1379 = arith.select %and3A_1376, %sub3A_1378, %div3A_1357 : i32
    %jit3A_1380 = arith.constant 4 : i32
    %eq3A_1381 = arith.constant 0 : i32
    %eq3A_1382 = arith.cmpi eq, %jit3A_1380, %eq3A_1381 : i32
    %jit3A_1383 = arith.constant 1 : i32
    %select_n3A_1384 = arith.select %eq3A_1382, %jit3A_1383, %jit3A_1380 : i32
    %rem3A_1385 = arith.remsi %select_n3A_1355, %select_n3A_1384 : i32
    %ne3A_1386 = arith.constant 0 : i32
    %ne3A_1387 = arith.cmpi ne, %rem3A_1385, %ne3A_1386 : i32
    %lt3A_1388 = arith.constant 0 : i32
    %lt3A_1389 = arith.cmpi slt, %rem3A_1385, %lt3A_1388 : i32
    %lt3A_1390 = arith.constant 0 : i32
    %lt3A_1391 = arith.cmpi slt, %select_n3A_1384, %lt3A_1390 : i32
    %ne3A_1392 = arith.xori %lt3A_1389, %lt3A_1391 : i1
    %and3A_1393 = arith.andi %ne3A_1392, %ne3A_1387 : i1
    %add3A_1394 = arith.addi %rem3A_1385, %select_n3A_1384 : i32
    %select_n3A_1395 = arith.select %and3A_1393, %add3A_1394, %rem3A_1385 : i32
    %mul3A_1396 = arith.constant 16 : i32
    %mul3A_1397 = arith.muli %select_n3A_1379, %mul3A_1396 : i32
    %mul3A_1398 = arith.constant 2048 : i32
    %mul3A_1399 = arith.muli %select_n3A_1395, %mul3A_1398 : i32
    %dma_start3A_1400 = arith.constant 0 : i32
    %dma_start3A_1401 = tpu.memref_slice %arg2[%select_n3A_1339, %dma_start3A_1400, %mul3A_1399] : memref<4x768x8192xf32, #tpu.memory_space<hbm>> -> memref<1x768x2048xf32, #tpu.memory_space<hbm>>
    %dma_start3A_1402 = tpu.memref_squeeze %dma_start3A_1401 : memref<1x768x2048xf32, #tpu.memory_space<hbm>> -> memref<768x2048xf32, #tpu.memory_space<hbm>>
    %dma_start3A_1403 = arith.constant 0 : i32
    %dma_start3A_1404 = arith.constant 0 : i32
    %dma_start3A_1405 = tpu.memref_slice %dma_start3A_1402[%dma_start3A_1403, %dma_start3A_1404] : memref<768x2048xf32, #tpu.memory_space<hbm>> -> memref<768x2048xf32, #tpu.memory_space<hbm>>
    tpu.enqueue_indirect_dma source(%dma_start3A_1405 : memref<768x2048xf32, #tpu.memory_space<hbm>>) target(%arg12 : memref<16x2048xf32, #tpu.memory_space<vmem>>) offsets(%arg5 : memref<16xi32, #tpu.memory_space<vmem>>) semaphore(%arg13 : memref<!tpu.dma_semaphore, #tpu.memory_space<semaphore_mem>>)
    %dma_wait3A_1406 = arith.constant 0 : i32
    %dma_wait3A_1407 = tpu.memref_slice %arg2[%select_n3A_955, %dma_wait3A_1406, %mul3A_1015] : memref<4x768x8192xf32, #tpu.memory_space<hbm>> -> memref<1x768x2048xf32, #tpu.memory_space<hbm>>
    %dma_wait3A_1408 = tpu.memref_squeeze %dma_wait3A_1407 : memref<1x768x2048xf32, #tpu.memory_space<hbm>> -> memref<768x2048xf32, #tpu.memory_space<hbm>>
    %dma_wait3A_1409 = arith.constant 0 : i32
    %dma_wait3A_1410 = arith.constant 0 : i32
    %dma_wait3A_1411 = tpu.memref_slice %dma_wait3A_1408[%dma_wait3A_1409, %dma_wait3A_1410] : memref<768x2048xf32, #tpu.memory_space<hbm>> -> memref<768x2048xf32, #tpu.memory_space<hbm>>
    tpu.wait_indirect_dma semaphore(%arg13 : memref<!tpu.dma_semaphore, #tpu.memory_space<semaphore_mem>>) src(%dma_wait3A_1411 : memref<768x2048xf32, #tpu.memory_space<hbm>>) dst(%arg10 : memref<16x2048xf32, #tpu.memory_space<vmem>>)
    %add3A_1412 = arith.constant 3 : i32
    %add3A_1413 = arith.addi %mul3A_2, %add3A_1412 : i32
    %jit3A_1414 = arith.constant 192 : i32
    %div3A_1415 = arith.divsi %add3A_1413, %jit3A_1414 : i32
    %sign3A_1416 = arith.constant 0 : i32
    %sign3A_1417 = arith.cmpi sgt, %add3A_1413, %sign3A_1416 : i32
    %sign3A_1418 = arith.extui %sign3A_1417 : i1 to i32
    %sign3A_1419 = arith.constant 0 : i32
    %sign3A_1420 = arith.cmpi slt, %add3A_1413, %sign3A_1419 : i32
    %sign3A_1421 = arith.extui %sign3A_1420 : i1 to i32
    %sign3A_1422 = arith.subi %sign3A_1418, %sign3A_1421 : i32
    %sign3A_1423 = arith.constant 0 : i32
    %sign3A_1424 = arith.cmpi sgt, %jit3A_1414, %sign3A_1423 : i32
    %sign3A_1425 = arith.extui %sign3A_1424 : i1 to i32
    %sign3A_1426 = arith.constant 0 : i32
    %sign3A_1427 = arith.cmpi slt, %jit3A_1414, %sign3A_1426 : i32
    %sign3A_1428 = arith.extui %sign3A_1427 : i1 to i32
    %sign3A_1429 = arith.subi %sign3A_1425, %sign3A_1428 : i32
    %ne3A_1430 = arith.cmpi ne, %sign3A_1422, %sign3A_1429 : i32
    %rem3A_1431 = arith.remsi %add3A_1413, %jit3A_1414 : i32
    %ne3A_1432 = arith.constant 0 : i32
    %ne3A_1433 = arith.cmpi ne, %rem3A_1431, %ne3A_1432 : i32
    %and3A_1434 = arith.andi %ne3A_1430, %ne3A_1433 : i1
    %sub3A_1435 = arith.constant 1 : i32
    %sub3A_1436 = arith.subi %div3A_1415, %sub3A_1435 : i32
    %select_n3A_1437 = arith.select %and3A_1434, %sub3A_1436, %div3A_1415 : i32
    %jit3A_1438 = arith.constant 192 : i32
    %eq3A_1439 = arith.constant 0 : i32
    %eq3A_1440 = arith.cmpi eq, %jit3A_1438, %eq3A_1439 : i32
    %jit3A_1441 = arith.constant 1 : i32
    %select_n3A_1442 = arith.select %eq3A_1440, %jit3A_1441, %jit3A_1438 : i32
    %rem3A_1443 = arith.remsi %add3A_1413, %select_n3A_1442 : i32
    %ne3A_1444 = arith.constant 0 : i32
    %ne3A_1445 = arith.cmpi ne, %rem3A_1443, %ne3A_1444 : i32
    %lt3A_1446 = arith.constant 0 : i32
    %lt3A_1447 = arith.cmpi slt, %rem3A_1443, %lt3A_1446 : i32
    %lt3A_1448 = arith.constant 0 : i32
    %lt3A_1449 = arith.cmpi slt, %select_n3A_1442, %lt3A_1448 : i32
    %ne3A_1450 = arith.xori %lt3A_1447, %lt3A_1449 : i1
    %and3A_1451 = arith.andi %ne3A_1450, %ne3A_1445 : i1
    %add3A_1452 = arith.addi %rem3A_1443, %select_n3A_1442 : i32
    %select_n3A_1453 = arith.select %and3A_1451, %add3A_1452, %rem3A_1443 : i32
    %jit3A_1454 = arith.constant 4 : i32
    %div3A_1455 = arith.divsi %select_n3A_1453, %jit3A_1454 : i32
    %sign3A_1456 = arith.constant 0 : i32
    %sign3A_1457 = arith.cmpi sgt, %select_n3A_1453, %sign3A_1456 : i32
    %sign3A_1458 = arith.extui %sign3A_1457 : i1 to i32
    %sign3A_1459 = arith.constant 0 : i32
    %sign3A_1460 = arith.cmpi slt, %select_n3A_1453, %sign3A_1459 : i32
    %sign3A_1461 = arith.extui %sign3A_1460 : i1 to i32
    %sign3A_1462 = arith.subi %sign3A_1458, %sign3A_1461 : i32
    %sign3A_1463 = arith.constant 0 : i32
    %sign3A_1464 = arith.cmpi sgt, %jit3A_1454, %sign3A_1463 : i32
    %sign3A_1465 = arith.extui %sign3A_1464 : i1 to i32
    %sign3A_1466 = arith.constant 0 : i32
    %sign3A_1467 = arith.cmpi slt, %jit3A_1454, %sign3A_1466 : i32
    %sign3A_1468 = arith.extui %sign3A_1467 : i1 to i32
    %sign3A_1469 = arith.subi %sign3A_1465, %sign3A_1468 : i32
    %ne3A_1470 = arith.cmpi ne, %sign3A_1462, %sign3A_1469 : i32
    %rem3A_1471 = arith.remsi %select_n3A_1453, %jit3A_1454 : i32
    %ne3A_1472 = arith.constant 0 : i32
    %ne3A_1473 = arith.cmpi ne, %rem3A_1471, %ne3A_1472 : i32
    %and3A_1474 = arith.andi %ne3A_1470, %ne3A_1473 : i1
    %sub3A_1475 = arith.constant 1 : i32
    %sub3A_1476 = arith.subi %div3A_1455, %sub3A_1475 : i32
    %select_n3A_1477 = arith.select %and3A_1474, %sub3A_1476, %div3A_1455 : i32
    %jit3A_1478 = arith.constant 4 : i32
    %eq3A_1479 = arith.constant 0 : i32
    %eq3A_1480 = arith.cmpi eq, %jit3A_1478, %eq3A_1479 : i32
    %jit3A_1481 = arith.constant 1 : i32
    %select_n3A_1482 = arith.select %eq3A_1480, %jit3A_1481, %jit3A_1478 : i32
    %rem3A_1483 = arith.remsi %select_n3A_1453, %select_n3A_1482 : i32
    %ne3A_1484 = arith.constant 0 : i32
    %ne3A_1485 = arith.cmpi ne, %rem3A_1483, %ne3A_1484 : i32
    %lt3A_1486 = arith.constant 0 : i32
    %lt3A_1487 = arith.cmpi slt, %rem3A_1483, %lt3A_1486 : i32
    %lt3A_1488 = arith.constant 0 : i32
    %lt3A_1489 = arith.cmpi slt, %select_n3A_1482, %lt3A_1488 : i32
    %ne3A_1490 = arith.xori %lt3A_1487, %lt3A_1489 : i1
    %and3A_1491 = arith.andi %ne3A_1490, %ne3A_1485 : i1
    %add3A_1492 = arith.addi %rem3A_1483, %select_n3A_1482 : i32
    %select_n3A_1493 = arith.select %and3A_1491, %add3A_1492, %rem3A_1483 : i32
    %mul3A_1494 = arith.constant 16 : i32
    %mul3A_1495 = arith.muli %select_n3A_1477, %mul3A_1494 : i32
    %mul3A_1496 = arith.constant 2048 : i32
    %mul3A_1497 = arith.muli %select_n3A_1493, %mul3A_1496 : i32
    %dma_start3A_1498 = tpu.memref_slice %arg3[%select_n3A_1437, %mul3A_1495, %mul3A_1497] : memref<4x768x8192xf32, #tpu.memory_space<hbm>> -> memref<1x16x2048xf32, #tpu.memory_space<hbm>>
    %dma_start3A_1499 = tpu.memref_squeeze %dma_start3A_1498 : memref<1x16x2048xf32, #tpu.memory_space<hbm>> -> memref<16x2048xf32, #tpu.memory_space<hbm>>
    %dma_start3A_1500 = tpu.memref_slice %arg3[%select_n3A_1437, %mul3A_1495, %mul3A_1497] : memref<4x768x8192xf32, #tpu.memory_space<hbm>> -> memref<1x16x2048xf32, #tpu.memory_space<hbm>>
    %dma_start3A_1501 = tpu.memref_squeeze %dma_start3A_1500 : memref<1x16x2048xf32, #tpu.memory_space<hbm>> -> memref<16x2048xf32, #tpu.memory_space<hbm>>
    tpu.enqueue_dma source(%arg10 : memref<16x2048xf32, #tpu.memory_space<vmem>>) target(%dma_start3A_1501 : memref<16x2048xf32, #tpu.memory_space<hbm>>) target_semaphore(%arg14 : memref<!tpu.dma_semaphore, #tpu.memory_space<semaphore_mem>>)
    %dma_wait3A_1502 = tpu.memref_slice %arg3[%select_n3A_1437, %mul3A_1495, %mul3A_1497] : memref<4x768x8192xf32, #tpu.memory_space<hbm>> -> memref<1x16x2048xf32, #tpu.memory_space<hbm>>
    %dma_wait3A_1503 = tpu.memref_squeeze %dma_wait3A_1502 : memref<1x16x2048xf32, #tpu.memory_space<hbm>> -> memref<16x2048xf32, #tpu.memory_space<hbm>>
    %dma_wait3A_1504 = tpu.memref_slice %arg3[%select_n3A_1437, %mul3A_1495, %mul3A_1497] : memref<4x768x8192xf32, #tpu.memory_space<hbm>> -> memref<1x16x2048xf32, #tpu.memory_space<hbm>>
    %dma_wait3A_1505 = tpu.memref_squeeze %dma_wait3A_1504 : memref<1x16x2048xf32, #tpu.memory_space<hbm>> -> memref<16x2048xf32, #tpu.memory_space<hbm>>
    tpu.wait_dma2 semaphore(%arg14 : memref<!tpu.dma_semaphore, #tpu.memory_space<semaphore_mem>>) src(%arg10 : memref<16x2048xf32, #tpu.memory_space<vmem>>) dst(%dma_wait3A_1505 : memref<16x2048xf32, #tpu.memory_space<hbm>>)
    %add3A_1506 = arith.constant 6 : i32
    %add3A_1507 = arith.addi %mul3A_2, %add3A_1506 : i32
    %jit3A_1508 = arith.constant 192 : i32
    %div3A_1509 = arith.divsi %add3A_1507, %jit3A_1508 : i32
    %sign3A_1510 = arith.constant 0 : i32
    %sign3A_1511 = arith.cmpi sgt, %add3A_1507, %sign3A_1510 : i32
    %sign3A_1512 = arith.extui %sign3A_1511 : i1 to i32
    %sign3A_1513 = arith.constant 0 : i32
    %sign3A_1514 = arith.cmpi slt, %add3A_1507, %sign3A_1513 : i32
    %sign3A_1515 = arith.extui %sign3A_1514 : i1 to i32
    %sign3A_1516 = arith.subi %sign3A_1512, %sign3A_1515 : i32
    %sign3A_1517 = arith.constant 0 : i32
    %sign3A_1518 = arith.cmpi sgt, %jit3A_1508, %sign3A_1517 : i32
    %sign3A_1519 = arith.extui %sign3A_1518 : i1 to i32
    %sign3A_1520 = arith.constant 0 : i32
    %sign3A_1521 = arith.cmpi slt, %jit3A_1508, %sign3A_1520 : i32
    %sign3A_1522 = arith.extui %sign3A_1521 : i1 to i32
    %sign3A_1523 = arith.subi %sign3A_1519, %sign3A_1522 : i32
    %ne3A_1524 = arith.cmpi ne, %sign3A_1516, %sign3A_1523 : i32
    %rem3A_1525 = arith.remsi %add3A_1507, %jit3A_1508 : i32
    %ne3A_1526 = arith.constant 0 : i32
    %ne3A_1527 = arith.cmpi ne, %rem3A_1525, %ne3A_1526 : i32
    %and3A_1528 = arith.andi %ne3A_1524, %ne3A_1527 : i1
    %sub3A_1529 = arith.constant 1 : i32
    %sub3A_1530 = arith.subi %div3A_1509, %sub3A_1529 : i32
    %select_n3A_1531 = arith.select %and3A_1528, %sub3A_1530, %div3A_1509 : i32
    %jit3A_1532 = arith.constant 192 : i32
    %eq3A_1533 = arith.constant 0 : i32
    %eq3A_1534 = arith.cmpi eq, %jit3A_1532, %eq3A_1533 : i32
    %jit3A_1535 = arith.constant 1 : i32
    %select_n3A_1536 = arith.select %eq3A_1534, %jit3A_1535, %jit3A_1532 : i32
    %rem3A_1537 = arith.remsi %add3A_1507, %select_n3A_1536 : i32
    %ne3A_1538 = arith.constant 0 : i32
    %ne3A_1539 = arith.cmpi ne, %rem3A_1537, %ne3A_1538 : i32
    %lt3A_1540 = arith.constant 0 : i32
    %lt3A_1541 = arith.cmpi slt, %rem3A_1537, %lt3A_1540 : i32
    %lt3A_1542 = arith.constant 0 : i32
    %lt3A_1543 = arith.cmpi slt, %select_n3A_1536, %lt3A_1542 : i32
    %ne3A_1544 = arith.xori %lt3A_1541, %lt3A_1543 : i1
    %and3A_1545 = arith.andi %ne3A_1544, %ne3A_1539 : i1
    %add3A_1546 = arith.addi %rem3A_1537, %select_n3A_1536 : i32
    %select_n3A_1547 = arith.select %and3A_1545, %add3A_1546, %rem3A_1537 : i32
    %jit3A_1548 = arith.constant 4 : i32
    %div3A_1549 = arith.divsi %select_n3A_1547, %jit3A_1548 : i32
    %sign3A_1550 = arith.constant 0 : i32
    %sign3A_1551 = arith.cmpi sgt, %select_n3A_1547, %sign3A_1550 : i32
    %sign3A_1552 = arith.extui %sign3A_1551 : i1 to i32
    %sign3A_1553 = arith.constant 0 : i32
    %sign3A_1554 = arith.cmpi slt, %select_n3A_1547, %sign3A_1553 : i32
    %sign3A_1555 = arith.extui %sign3A_1554 : i1 to i32
    %sign3A_1556 = arith.subi %sign3A_1552, %sign3A_1555 : i32
    %sign3A_1557 = arith.constant 0 : i32
    %sign3A_1558 = arith.cmpi sgt, %jit3A_1548, %sign3A_1557 : i32
    %sign3A_1559 = arith.extui %sign3A_1558 : i1 to i32
    %sign3A_1560 = arith.constant 0 : i32
    %sign3A_1561 = arith.cmpi slt, %jit3A_1548, %sign3A_1560 : i32
    %sign3A_1562 = arith.extui %sign3A_1561 : i1 to i32
    %sign3A_1563 = arith.subi %sign3A_1559, %sign3A_1562 : i32
    %ne3A_1564 = arith.cmpi ne, %sign3A_1556, %sign3A_1563 : i32
    %rem3A_1565 = arith.remsi %select_n3A_1547, %jit3A_1548 : i32
    %ne3A_1566 = arith.constant 0 : i32
    %ne3A_1567 = arith.cmpi ne, %rem3A_1565, %ne3A_1566 : i32
    %and3A_1568 = arith.andi %ne3A_1564, %ne3A_1567 : i1
    %sub3A_1569 = arith.constant 1 : i32
    %sub3A_1570 = arith.subi %div3A_1549, %sub3A_1569 : i32
    %select_n3A_1571 = arith.select %and3A_1568, %sub3A_1570, %div3A_1549 : i32
    %jit3A_1572 = arith.constant 4 : i32
    %eq3A_1573 = arith.constant 0 : i32
    %eq3A_1574 = arith.cmpi eq, %jit3A_1572, %eq3A_1573 : i32
    %jit3A_1575 = arith.constant 1 : i32
    %select_n3A_1576 = arith.select %eq3A_1574, %jit3A_1575, %jit3A_1572 : i32
    %rem3A_1577 = arith.remsi %select_n3A_1547, %select_n3A_1576 : i32
    %ne3A_1578 = arith.constant 0 : i32
    %ne3A_1579 = arith.cmpi ne, %rem3A_1577, %ne3A_1578 : i32
    %lt3A_1580 = arith.constant 0 : i32
    %lt3A_1581 = arith.cmpi slt, %rem3A_1577, %lt3A_1580 : i32
    %lt3A_1582 = arith.constant 0 : i32
    %lt3A_1583 = arith.cmpi slt, %select_n3A_1576, %lt3A_1582 : i32
    %ne3A_1584 = arith.xori %lt3A_1581, %lt3A_1583 : i1
    %and3A_1585 = arith.andi %ne3A_1584, %ne3A_1579 : i1
    %add3A_1586 = arith.addi %rem3A_1577, %select_n3A_1576 : i32
    %select_n3A_1587 = arith.select %and3A_1585, %add3A_1586, %rem3A_1577 : i32
    %mul3A_1588 = arith.constant 16 : i32
    %mul3A_1589 = arith.muli %select_n3A_1571, %mul3A_1588 : i32
    %mul3A_1590 = arith.constant 2048 : i32
    %mul3A_1591 = arith.muli %select_n3A_1587, %mul3A_1590 : i32
    %dma_start3A_1592 = arith.constant 0 : i32
    %dma_start3A_1593 = tpu.memref_slice %arg2[%select_n3A_1531, %dma_start3A_1592, %mul3A_1591] : memref<4x768x8192xf32, #tpu.memory_space<hbm>> -> memref<1x768x2048xf32, #tpu.memory_space<hbm>>
    %dma_start3A_1594 = tpu.memref_squeeze %dma_start3A_1593 : memref<1x768x2048xf32, #tpu.memory_space<hbm>> -> memref<768x2048xf32, #tpu.memory_space<hbm>>
    %dma_start3A_1595 = arith.constant 0 : i32
    %dma_start3A_1596 = arith.constant 0 : i32
    %dma_start3A_1597 = tpu.memref_slice %dma_start3A_1594[%dma_start3A_1595, %dma_start3A_1596] : memref<768x2048xf32, #tpu.memory_space<hbm>> -> memref<768x2048xf32, #tpu.memory_space<hbm>>
    tpu.enqueue_indirect_dma source(%dma_start3A_1597 : memref<768x2048xf32, #tpu.memory_space<hbm>>) target(%arg10 : memref<16x2048xf32, #tpu.memory_space<vmem>>) offsets(%arg5 : memref<16xi32, #tpu.memory_space<vmem>>) semaphore(%arg13 : memref<!tpu.dma_semaphore, #tpu.memory_space<semaphore_mem>>)
    %dma_wait3A_1598 = arith.constant 0 : i32
    %dma_wait3A_1599 = tpu.memref_slice %arg2[%select_n3A_1147, %dma_wait3A_1598, %mul3A_1207] : memref<4x768x8192xf32, #tpu.memory_space<hbm>> -> memref<1x768x2048xf32, #tpu.memory_space<hbm>>
    %dma_wait3A_1600 = tpu.memref_squeeze %dma_wait3A_1599 : memref<1x768x2048xf32, #tpu.memory_space<hbm>> -> memref<768x2048xf32, #tpu.memory_space<hbm>>
    %dma_wait3A_1601 = arith.constant 0 : i32
    %dma_wait3A_1602 = arith.constant 0 : i32
    %dma_wait3A_1603 = tpu.memref_slice %dma_wait3A_1600[%dma_wait3A_1601, %dma_wait3A_1602] : memref<768x2048xf32, #tpu.memory_space<hbm>> -> memref<768x2048xf32, #tpu.memory_space<hbm>>
    tpu.wait_indirect_dma semaphore(%arg13 : memref<!tpu.dma_semaphore, #tpu.memory_space<semaphore_mem>>) src(%dma_wait3A_1603 : memref<768x2048xf32, #tpu.memory_space<hbm>>) dst(%arg11 : memref<16x2048xf32, #tpu.memory_space<vmem>>)
    %add3A_1604 = arith.constant 4 : i32
    %add3A_1605 = arith.addi %mul3A_2, %add3A_1604 : i32
    %jit3A_1606 = arith.constant 192 : i32
    %div3A_1607 = arith.divsi %add3A_1605, %jit3A_1606 : i32
    %sign3A_1608 = arith.constant 0 : i32
    %sign3A_1609 = arith.cmpi sgt, %add3A_1605, %sign3A_1608 : i32
    %sign3A_1610 = arith.extui %sign3A_1609 : i1 to i32
    %sign3A_1611 = arith.constant 0 : i32
    %sign3A_1612 = arith.cmpi slt, %add3A_1605, %sign3A_1611 : i32
    %sign3A_1613 = arith.extui %sign3A_1612 : i1 to i32
    %sign3A_1614 = arith.subi %sign3A_1610, %sign3A_1613 : i32
    %sign3A_1615 = arith.constant 0 : i32
    %sign3A_1616 = arith.cmpi sgt, %jit3A_1606, %sign3A_1615 : i32
    %sign3A_1617 = arith.extui %sign3A_1616 : i1 to i32
    %sign3A_1618 = arith.constant 0 : i32
    %sign3A_1619 = arith.cmpi slt, %jit3A_1606, %sign3A_1618 : i32
    %sign3A_1620 = arith.extui %sign3A_1619 : i1 to i32
    %sign3A_1621 = arith.subi %sign3A_1617, %sign3A_1620 : i32
    %ne3A_1622 = arith.cmpi ne, %sign3A_1614, %sign3A_1621 : i32
    %rem3A_1623 = arith.remsi %add3A_1605, %jit3A_1606 : i32
    %ne3A_1624 = arith.constant 0 : i32
    %ne3A_1625 = arith.cmpi ne, %rem3A_1623, %ne3A_1624 : i32
    %and3A_1626 = arith.andi %ne3A_1622, %ne3A_1625 : i1
    %sub3A_1627 = arith.constant 1 : i32
    %sub3A_1628 = arith.subi %div3A_1607, %sub3A_1627 : i32
    %select_n3A_1629 = arith.select %and3A_1626, %sub3A_1628, %div3A_1607 : i32
    %jit3A_1630 = arith.constant 192 : i32
    %eq3A_1631 = arith.constant 0 : i32
    %eq3A_1632 = arith.cmpi eq, %jit3A_1630, %eq3A_1631 : i32
    %jit3A_1633 = arith.constant 1 : i32
    %select_n3A_1634 = arith.select %eq3A_1632, %jit3A_1633, %jit3A_1630 : i32
    %rem3A_1635 = arith.remsi %add3A_1605, %select_n3A_1634 : i32
    %ne3A_1636 = arith.constant 0 : i32
    %ne3A_1637 = arith.cmpi ne, %rem3A_1635, %ne3A_1636 : i32
    %lt3A_1638 = arith.constant 0 : i32
    %lt3A_1639 = arith.cmpi slt, %rem3A_1635, %lt3A_1638 : i32
    %lt3A_1640 = arith.constant 0 : i32
    %lt3A_1641 = arith.cmpi slt, %select_n3A_1634, %lt3A_1640 : i32
    %ne3A_1642 = arith.xori %lt3A_1639, %lt3A_1641 : i1
    %and3A_1643 = arith.andi %ne3A_1642, %ne3A_1637 : i1
    %add3A_1644 = arith.addi %rem3A_1635, %select_n3A_1634 : i32
    %select_n3A_1645 = arith.select %and3A_1643, %add3A_1644, %rem3A_1635 : i32
    %jit3A_1646 = arith.constant 4 : i32
    %div3A_1647 = arith.divsi %select_n3A_1645, %jit3A_1646 : i32
    %sign3A_1648 = arith.constant 0 : i32
    %sign3A_1649 = arith.cmpi sgt, %select_n3A_1645, %sign3A_1648 : i32
    %sign3A_1650 = arith.extui %sign3A_1649 : i1 to i32
    %sign3A_1651 = arith.constant 0 : i32
    %sign3A_1652 = arith.cmpi slt, %select_n3A_1645, %sign3A_1651 : i32
    %sign3A_1653 = arith.extui %sign3A_1652 : i1 to i32
    %sign3A_1654 = arith.subi %sign3A_1650, %sign3A_1653 : i32
    %sign3A_1655 = arith.constant 0 : i32
    %sign3A_1656 = arith.cmpi sgt, %jit3A_1646, %sign3A_1655 : i32
    %sign3A_1657 = arith.extui %sign3A_1656 : i1 to i32
    %sign3A_1658 = arith.constant 0 : i32
    %sign3A_1659 = arith.cmpi slt, %jit3A_1646, %sign3A_1658 : i32
    %sign3A_1660 = arith.extui %sign3A_1659 : i1 to i32
    %sign3A_1661 = arith.subi %sign3A_1657, %sign3A_1660 : i32
    %ne3A_1662 = arith.cmpi ne, %sign3A_1654, %sign3A_1661 : i32
    %rem3A_1663 = arith.remsi %select_n3A_1645, %jit3A_1646 : i32
    %ne3A_1664 = arith.constant 0 : i32
    %ne3A_1665 = arith.cmpi ne, %rem3A_1663, %ne3A_1664 : i32
    %and3A_1666 = arith.andi %ne3A_1662, %ne3A_1665 : i1
    %sub3A_1667 = arith.constant 1 : i32
    %sub3A_1668 = arith.subi %div3A_1647, %sub3A_1667 : i32
    %select_n3A_1669 = arith.select %and3A_1666, %sub3A_1668, %div3A_1647 : i32
    %jit3A_1670 = arith.constant 4 : i32
    %eq3A_1671 = arith.constant 0 : i32
    %eq3A_1672 = arith.cmpi eq, %jit3A_1670, %eq3A_1671 : i32
    %jit3A_1673 = arith.constant 1 : i32
    %select_n3A_1674 = arith.select %eq3A_1672, %jit3A_1673, %jit3A_1670 : i32
    %rem3A_1675 = arith.remsi %select_n3A_1645, %select_n3A_1674 : i32
    %ne3A_1676 = arith.constant 0 : i32
    %ne3A_1677 = arith.cmpi ne, %rem3A_1675, %ne3A_1676 : i32
    %lt3A_1678 = arith.constant 0 : i32
    %lt3A_1679 = arith.cmpi slt, %rem3A_1675, %lt3A_1678 : i32
    %lt3A_1680 = arith.constant 0 : i32
    %lt3A_1681 = arith.cmpi slt, %select_n3A_1674, %lt3A_1680 : i32
    %ne3A_1682 = arith.xori %lt3A_1679, %lt3A_1681 : i1
    %and3A_1683 = arith.andi %ne3A_1682, %ne3A_1677 : i1
    %add3A_1684 = arith.addi %rem3A_1675, %select_n3A_1674 : i32
    %select_n3A_1685 = arith.select %and3A_1683, %add3A_1684, %rem3A_1675 : i32
    %mul3A_1686 = arith.constant 16 : i32
    %mul3A_1687 = arith.muli %select_n3A_1669, %mul3A_1686 : i32
    %mul3A_1688 = arith.constant 2048 : i32
    %mul3A_1689 = arith.muli %select_n3A_1685, %mul3A_1688 : i32
    %dma_start3A_1690 = tpu.memref_slice %arg3[%select_n3A_1629, %mul3A_1687, %mul3A_1689] : memref<4x768x8192xf32, #tpu.memory_space<hbm>> -> memref<1x16x2048xf32, #tpu.memory_space<hbm>>
    %dma_start3A_1691 = tpu.memref_squeeze %dma_start3A_1690 : memref<1x16x2048xf32, #tpu.memory_space<hbm>> -> memref<16x2048xf32, #tpu.memory_space<hbm>>
    %dma_start3A_1692 = tpu.memref_slice %arg3[%select_n3A_1629, %mul3A_1687, %mul3A_1689] : memref<4x768x8192xf32, #tpu.memory_space<hbm>> -> memref<1x16x2048xf32, #tpu.memory_space<hbm>>
    %dma_start3A_1693 = tpu.memref_squeeze %dma_start3A_1692 : memref<1x16x2048xf32, #tpu.memory_space<hbm>> -> memref<16x2048xf32, #tpu.memory_space<hbm>>
    tpu.enqueue_dma source(%arg11 : memref<16x2048xf32, #tpu.memory_space<vmem>>) target(%dma_start3A_1693 : memref<16x2048xf32, #tpu.memory_space<hbm>>) target_semaphore(%arg14 : memref<!tpu.dma_semaphore, #tpu.memory_space<semaphore_mem>>)
    %dma_wait3A_1694 = tpu.memref_slice %arg3[%select_n3A_1629, %mul3A_1687, %mul3A_1689] : memref<4x768x8192xf32, #tpu.memory_space<hbm>> -> memref<1x16x2048xf32, #tpu.memory_space<hbm>>
    %dma_wait3A_1695 = tpu.memref_squeeze %dma_wait3A_1694 : memref<1x16x2048xf32, #tpu.memory_space<hbm>> -> memref<16x2048xf32, #tpu.memory_space<hbm>>
    %dma_wait3A_1696 = tpu.memref_slice %arg3[%select_n3A_1629, %mul3A_1687, %mul3A_1689] : memref<4x768x8192xf32, #tpu.memory_space<hbm>> -> memref<1x16x2048xf32, #tpu.memory_space<hbm>>
    %dma_wait3A_1697 = tpu.memref_squeeze %dma_wait3A_1696 : memref<1x16x2048xf32, #tpu.memory_space<hbm>> -> memref<16x2048xf32, #tpu.memory_space<hbm>>
    tpu.wait_dma2 semaphore(%arg14 : memref<!tpu.dma_semaphore, #tpu.memory_space<semaphore_mem>>) src(%arg11 : memref<16x2048xf32, #tpu.memory_space<vmem>>) dst(%dma_wait3A_1697 : memref<16x2048xf32, #tpu.memory_space<hbm>>)
    %add3A_1698 = arith.constant 7 : i32
    %add3A_1699 = arith.addi %mul3A_2, %add3A_1698 : i32
    %jit3A_1700 = arith.constant 192 : i32
    %div3A_1701 = arith.divsi %add3A_1699, %jit3A_1700 : i32
    %sign3A_1702 = arith.constant 0 : i32
    %sign3A_1703 = arith.cmpi sgt, %add3A_1699, %sign3A_1702 : i32
    %sign3A_1704 = arith.extui %sign3A_1703 : i1 to i32
    %sign3A_1705 = arith.constant 0 : i32
    %sign3A_1706 = arith.cmpi slt, %add3A_1699, %sign3A_1705 : i32
    %sign3A_1707 = arith.extui %sign3A_1706 : i1 to i32
    %sign3A_1708 = arith.subi %sign3A_1704, %sign3A_1707 : i32
    %sign3A_1709 = arith.constant 0 : i32
    %sign3A_1710 = arith.cmpi sgt, %jit3A_1700, %sign3A_1709 : i32
    %sign3A_1711 = arith.extui %sign3A_1710 : i1 to i32
    %sign3A_1712 = arith.constant 0 : i32
    %sign3A_1713 = arith.cmpi slt, %jit3A_1700, %sign3A_1712 : i32
    %sign3A_1714 = arith.extui %sign3A_1713 : i1 to i32
    %sign3A_1715 = arith.subi %sign3A_1711, %sign3A_1714 : i32
    %ne3A_1716 = arith.cmpi ne, %sign3A_1708, %sign3A_1715 : i32
    %rem3A_1717 = arith.remsi %add3A_1699, %jit3A_1700 : i32
    %ne3A_1718 = arith.constant 0 : i32
    %ne3A_1719 = arith.cmpi ne, %rem3A_1717, %ne3A_1718 : i32
    %and3A_1720 = arith.andi %ne3A_1716, %ne3A_1719 : i1
    %sub3A_1721 = arith.constant 1 : i32
    %sub3A_1722 = arith.subi %div3A_1701, %sub3A_1721 : i32
    %select_n3A_1723 = arith.select %and3A_1720, %sub3A_1722, %div3A_1701 : i32
    %jit3A_1724 = arith.constant 192 : i32
    %eq3A_1725 = arith.constant 0 : i32
    %eq3A_1726 = arith.cmpi eq, %jit3A_1724, %eq3A_1725 : i32
    %jit3A_1727 = arith.constant 1 : i32
    %select_n3A_1728 = arith.select %eq3A_1726, %jit3A_1727, %jit3A_1724 : i32
    %rem3A_1729 = arith.remsi %add3A_1699, %select_n3A_1728 : i32
    %ne3A_1730 = arith.constant 0 : i32
    %ne3A_1731 = arith.cmpi ne, %rem3A_1729, %ne3A_1730 : i32
    %lt3A_1732 = arith.constant 0 : i32
    %lt3A_1733 = arith.cmpi slt, %rem3A_1729, %lt3A_1732 : i32
    %lt3A_1734 = arith.constant 0 : i32
    %lt3A_1735 = arith.cmpi slt, %select_n3A_1728, %lt3A_1734 : i32
    %ne3A_1736 = arith.xori %lt3A_1733, %lt3A_1735 : i1
    %and3A_1737 = arith.andi %ne3A_1736, %ne3A_1731 : i1
    %add3A_1738 = arith.addi %rem3A_1729, %select_n3A_1728 : i32
    %select_n3A_1739 = arith.select %and3A_1737, %add3A_1738, %rem3A_1729 : i32
    %jit3A_1740 = arith.constant 4 : i32
    %div3A_1741 = arith.divsi %select_n3A_1739, %jit3A_1740 : i32
    %sign3A_1742 = arith.constant 0 : i32
    %sign3A_1743 = arith.cmpi sgt, %select_n3A_1739, %sign3A_1742 : i32
    %sign3A_1744 = arith.extui %sign3A_1743 : i1 to i32
    %sign3A_1745 = arith.constant 0 : i32
    %sign3A_1746 = arith.cmpi slt, %select_n3A_1739, %sign3A_1745 : i32
    %sign3A_1747 = arith.extui %sign3A_1746 : i1 to i32
    %sign3A_1748 = arith.subi %sign3A_1744, %sign3A_1747 : i32
    %sign3A_1749 = arith.constant 0 : i32
    %sign3A_1750 = arith.cmpi sgt, %jit3A_1740, %sign3A_1749 : i32
    %sign3A_1751 = arith.extui %sign3A_1750 : i1 to i32
    %sign3A_1752 = arith.constant 0 : i32
    %sign3A_1753 = arith.cmpi slt, %jit3A_1740, %sign3A_1752 : i32
    %sign3A_1754 = arith.extui %sign3A_1753 : i1 to i32
    %sign3A_1755 = arith.subi %sign3A_1751, %sign3A_1754 : i32
    %ne3A_1756 = arith.cmpi ne, %sign3A_1748, %sign3A_1755 : i32
    %rem3A_1757 = arith.remsi %select_n3A_1739, %jit3A_1740 : i32
    %ne3A_1758 = arith.constant 0 : i32
    %ne3A_1759 = arith.cmpi ne, %rem3A_1757, %ne3A_1758 : i32
    %and3A_1760 = arith.andi %ne3A_1756, %ne3A_1759 : i1
    %sub3A_1761 = arith.constant 1 : i32
    %sub3A_1762 = arith.subi %div3A_1741, %sub3A_1761 : i32
    %select_n3A_1763 = arith.select %and3A_1760, %sub3A_1762, %div3A_1741 : i32
    %jit3A_1764 = arith.constant 4 : i32
    %eq3A_1765 = arith.constant 0 : i32
    %eq3A_1766 = arith.cmpi eq, %jit3A_1764, %eq3A_1765 : i32
    %jit3A_1767 = arith.constant 1 : i32
    %select_n3A_1768 = arith.select %eq3A_1766, %jit3A_1767, %jit3A_1764 : i32
    %rem3A_1769 = arith.remsi %select_n3A_1739, %select_n3A_1768 : i32
    %ne3A_1770 = arith.constant 0 : i32
    %ne3A_1771 = arith.cmpi ne, %rem3A_1769, %ne3A_1770 : i32
    %lt3A_1772 = arith.constant 0 : i32
    %lt3A_1773 = arith.cmpi slt, %rem3A_1769, %lt3A_1772 : i32
    %lt3A_1774 = arith.constant 0 : i32
    %lt3A_1775 = arith.cmpi slt, %select_n3A_1768, %lt3A_1774 : i32
    %ne3A_1776 = arith.xori %lt3A_1773, %lt3A_1775 : i1
    %and3A_1777 = arith.andi %ne3A_1776, %ne3A_1771 : i1
    %add3A_1778 = arith.addi %rem3A_1769, %select_n3A_1768 : i32
    %select_n3A_1779 = arith.select %and3A_1777, %add3A_1778, %rem3A_1769 : i32
    %mul3A_1780 = arith.constant 16 : i32
    %mul3A_1781 = arith.muli %select_n3A_1763, %mul3A_1780 : i32
    %mul3A_1782 = arith.constant 2048 : i32
    %mul3A_1783 = arith.muli %select_n3A_1779, %mul3A_1782 : i32
    %dma_start3A_1784 = arith.constant 0 : i32
    %dma_start3A_1785 = tpu.memref_slice %arg2[%select_n3A_1723, %dma_start3A_1784, %mul3A_1783] : memref<4x768x8192xf32, #tpu.memory_space<hbm>> -> memref<1x768x2048xf32, #tpu.memory_space<hbm>>
    %dma_start3A_1786 = tpu.memref_squeeze %dma_start3A_1785 : memref<1x768x2048xf32, #tpu.memory_space<hbm>> -> memref<768x2048xf32, #tpu.memory_space<hbm>>
    %dma_start3A_1787 = arith.constant 0 : i32
    %dma_start3A_1788 = arith.constant 0 : i32
    %dma_start3A_1789 = tpu.memref_slice %dma_start3A_1786[%dma_start3A_1787, %dma_start3A_1788] : memref<768x2048xf32, #tpu.memory_space<hbm>> -> memref<768x2048xf32, #tpu.memory_space<hbm>>
    tpu.enqueue_indirect_dma source(%dma_start3A_1789 : memref<768x2048xf32, #tpu.memory_space<hbm>>) target(%arg11 : memref<16x2048xf32, #tpu.memory_space<vmem>>) offsets(%arg5 : memref<16xi32, #tpu.memory_space<vmem>>) semaphore(%arg13 : memref<!tpu.dma_semaphore, #tpu.memory_space<semaphore_mem>>)
    %dma_wait3A_1790 = arith.constant 0 : i32
    %dma_wait3A_1791 = tpu.memref_slice %arg2[%select_n3A_1339, %dma_wait3A_1790, %mul3A_1399] : memref<4x768x8192xf32, #tpu.memory_space<hbm>> -> memref<1x768x2048xf32, #tpu.memory_space<hbm>>
    %dma_wait3A_1792 = tpu.memref_squeeze %dma_wait3A_1791 : memref<1x768x2048xf32, #tpu.memory_space<hbm>> -> memref<768x2048xf32, #tpu.memory_space<hbm>>
    %dma_wait3A_1793 = arith.constant 0 : i32
    %dma_wait3A_1794 = arith.constant 0 : i32
    %dma_wait3A_1795 = tpu.memref_slice %dma_wait3A_1792[%dma_wait3A_1793, %dma_wait3A_1794] : memref<768x2048xf32, #tpu.memory_space<hbm>> -> memref<768x2048xf32, #tpu.memory_space<hbm>>
    tpu.wait_indirect_dma semaphore(%arg13 : memref<!tpu.dma_semaphore, #tpu.memory_space<semaphore_mem>>) src(%dma_wait3A_1795 : memref<768x2048xf32, #tpu.memory_space<hbm>>) dst(%arg12 : memref<16x2048xf32, #tpu.memory_space<vmem>>)
    %add3A_1796 = arith.constant 5 : i32
    %add3A_1797 = arith.addi %mul3A_2, %add3A_1796 : i32
    %jit3A_1798 = arith.constant 192 : i32
    %div3A_1799 = arith.divsi %add3A_1797, %jit3A_1798 : i32
    %sign3A_1800 = arith.constant 0 : i32
    %sign3A_1801 = arith.cmpi sgt, %add3A_1797, %sign3A_1800 : i32
    %sign3A_1802 = arith.extui %sign3A_1801 : i1 to i32
    %sign3A_1803 = arith.constant 0 : i32
    %sign3A_1804 = arith.cmpi slt, %add3A_1797, %sign3A_1803 : i32
    %sign3A_1805 = arith.extui %sign3A_1804 : i1 to i32
    %sign3A_1806 = arith.subi %sign3A_1802, %sign3A_1805 : i32
    %sign3A_1807 = arith.constant 0 : i32
    %sign3A_1808 = arith.cmpi sgt, %jit3A_1798, %sign3A_1807 : i32
    %sign3A_1809 = arith.extui %sign3A_1808 : i1 to i32
    %sign3A_1810 = arith.constant 0 : i32
    %sign3A_1811 = arith.cmpi slt, %jit3A_1798, %sign3A_1810 : i32
    %sign3A_1812 = arith.extui %sign3A_1811 : i1 to i32
    %sign3A_1813 = arith.subi %sign3A_1809, %sign3A_1812 : i32
    %ne3A_1814 = arith.cmpi ne, %sign3A_1806, %sign3A_1813 : i32
    %rem3A_1815 = arith.remsi %add3A_1797, %jit3A_1798 : i32
    %ne3A_1816 = arith.constant 0 : i32
    %ne3A_1817 = arith.cmpi ne, %rem3A_1815, %ne3A_1816 : i32
    %and3A_1818 = arith.andi %ne3A_1814, %ne3A_1817 : i1
    %sub3A_1819 = arith.constant 1 : i32
    %sub3A_1820 = arith.subi %div3A_1799, %sub3A_1819 : i32
    %select_n3A_1821 = arith.select %and3A_1818, %sub3A_1820, %div3A_1799 : i32
    %jit3A_1822 = arith.constant 192 : i32
    %eq3A_1823 = arith.constant 0 : i32
    %eq3A_1824 = arith.cmpi eq, %jit3A_1822, %eq3A_1823 : i32
    %jit3A_1825 = arith.constant 1 : i32
    %select_n3A_1826 = arith.select %eq3A_1824, %jit3A_1825, %jit3A_1822 : i32
    %rem3A_1827 = arith.remsi %add3A_1797, %select_n3A_1826 : i32
    %ne3A_1828 = arith.constant 0 : i32
    %ne3A_1829 = arith.cmpi ne, %rem3A_1827, %ne3A_1828 : i32
    %lt3A_1830 = arith.constant 0 : i32
    %lt3A_1831 = arith.cmpi slt, %rem3A_1827, %lt3A_1830 : i32
    %lt3A_1832 = arith.constant 0 : i32
    %lt3A_1833 = arith.cmpi slt, %select_n3A_1826, %lt3A_1832 : i32
    %ne3A_1834 = arith.xori %lt3A_1831, %lt3A_1833 : i1
    %and3A_1835 = arith.andi %ne3A_1834, %ne3A_1829 : i1
    %add3A_1836 = arith.addi %rem3A_1827, %select_n3A_1826 : i32
    %select_n3A_1837 = arith.select %and3A_1835, %add3A_1836, %rem3A_1827 : i32
    %jit3A_1838 = arith.constant 4 : i32
    %div3A_1839 = arith.divsi %select_n3A_1837, %jit3A_1838 : i32
    %sign3A_1840 = arith.constant 0 : i32
    %sign3A_1841 = arith.cmpi sgt, %select_n3A_1837, %sign3A_1840 : i32
    %sign3A_1842 = arith.extui %sign3A_1841 : i1 to i32
    %sign3A_1843 = arith.constant 0 : i32
    %sign3A_1844 = arith.cmpi slt, %select_n3A_1837, %sign3A_1843 : i32
    %sign3A_1845 = arith.extui %sign3A_1844 : i1 to i32
    %sign3A_1846 = arith.subi %sign3A_1842, %sign3A_1845 : i32
    %sign3A_1847 = arith.constant 0 : i32
    %sign3A_1848 = arith.cmpi sgt, %jit3A_1838, %sign3A_1847 : i32
    %sign3A_1849 = arith.extui %sign3A_1848 : i1 to i32
    %sign3A_1850 = arith.constant 0 : i32
    %sign3A_1851 = arith.cmpi slt, %jit3A_1838, %sign3A_1850 : i32
    %sign3A_1852 = arith.extui %sign3A_1851 : i1 to i32
    %sign3A_1853 = arith.subi %sign3A_1849, %sign3A_1852 : i32
    %ne3A_1854 = arith.cmpi ne, %sign3A_1846, %sign3A_1853 : i32
    %rem3A_1855 = arith.remsi %select_n3A_1837, %jit3A_1838 : i32
    %ne3A_1856 = arith.constant 0 : i32
    %ne3A_1857 = arith.cmpi ne, %rem3A_1855, %ne3A_1856 : i32
    %and3A_1858 = arith.andi %ne3A_1854, %ne3A_1857 : i1
    %sub3A_1859 = arith.constant 1 : i32
    %sub3A_1860 = arith.subi %div3A_1839, %sub3A_1859 : i32
    %select_n3A_1861 = arith.select %and3A_1858, %sub3A_1860, %div3A_1839 : i32
    %jit3A_1862 = arith.constant 4 : i32
    %eq3A_1863 = arith.constant 0 : i32
    %eq3A_1864 = arith.cmpi eq, %jit3A_1862, %eq3A_1863 : i32
    %jit3A_1865 = arith.constant 1 : i32
    %select_n3A_1866 = arith.select %eq3A_1864, %jit3A_1865, %jit3A_1862 : i32
    %rem3A_1867 = arith.remsi %select_n3A_1837, %select_n3A_1866 : i32
    %ne3A_1868 = arith.constant 0 : i32
    %ne3A_1869 = arith.cmpi ne, %rem3A_1867, %ne3A_1868 : i32
    %lt3A_1870 = arith.constant 0 : i32
    %lt3A_1871 = arith.cmpi slt, %rem3A_1867, %lt3A_1870 : i32
    %lt3A_1872 = arith.constant 0 : i32
    %lt3A_1873 = arith.cmpi slt, %select_n3A_1866, %lt3A_1872 : i32
    %ne3A_1874 = arith.xori %lt3A_1871, %lt3A_1873 : i1
    %and3A_1875 = arith.andi %ne3A_1874, %ne3A_1869 : i1
    %add3A_1876 = arith.addi %rem3A_1867, %select_n3A_1866 : i32
    %select_n3A_1877 = arith.select %and3A_1875, %add3A_1876, %rem3A_1867 : i32
    %mul3A_1878 = arith.constant 16 : i32
    %mul3A_1879 = arith.muli %select_n3A_1861, %mul3A_1878 : i32
    %mul3A_1880 = arith.constant 2048 : i32
    %mul3A_1881 = arith.muli %select_n3A_1877, %mul3A_1880 : i32
    %dma_start3A_1882 = tpu.memref_slice %arg3[%select_n3A_1821, %mul3A_1879, %mul3A_1881] : memref<4x768x8192xf32, #tpu.memory_space<hbm>> -> memref<1x16x2048xf32, #tpu.memory_space<hbm>>
    %dma_start3A_1883 = tpu.memref_squeeze %dma_start3A_1882 : memref<1x16x2048xf32, #tpu.memory_space<hbm>> -> memref<16x2048xf32, #tpu.memory_space<hbm>>
    %dma_start3A_1884 = tpu.memref_slice %arg3[%select_n3A_1821, %mul3A_1879, %mul3A_1881] : memref<4x768x8192xf32, #tpu.memory_space<hbm>> -> memref<1x16x2048xf32, #tpu.memory_space<hbm>>
    %dma_start3A_1885 = tpu.memref_squeeze %dma_start3A_1884 : memref<1x16x2048xf32, #tpu.memory_space<hbm>> -> memref<16x2048xf32, #tpu.memory_space<hbm>>
    tpu.enqueue_dma source(%arg12 : memref<16x2048xf32, #tpu.memory_space<vmem>>) target(%dma_start3A_1885 : memref<16x2048xf32, #tpu.memory_space<hbm>>) target_semaphore(%arg14 : memref<!tpu.dma_semaphore, #tpu.memory_space<semaphore_mem>>)
    %dma_wait3A_1886 = tpu.memref_slice %arg3[%select_n3A_1821, %mul3A_1879, %mul3A_1881] : memref<4x768x8192xf32, #tpu.memory_space<hbm>> -> memref<1x16x2048xf32, #tpu.memory_space<hbm>>
    %dma_wait3A_1887 = tpu.memref_squeeze %dma_wait3A_1886 : memref<1x16x2048xf32, #tpu.memory_space<hbm>> -> memref<16x2048xf32, #tpu.memory_space<hbm>>
    %dma_wait3A_1888 = tpu.memref_slice %arg3[%select_n3A_1821, %mul3A_1879, %mul3A_1881] : memref<4x768x8192xf32, #tpu.memory_space<hbm>> -> memref<1x16x2048xf32, #tpu.memory_space<hbm>>
    %dma_wait3A_1889 = tpu.memref_squeeze %dma_wait3A_1888 : memref<1x16x2048xf32, #tpu.memory_space<hbm>> -> memref<16x2048xf32, #tpu.memory_space<hbm>>
    tpu.wait_dma2 semaphore(%arg14 : memref<!tpu.dma_semaphore, #tpu.memory_space<semaphore_mem>>) src(%arg12 : memref<16x2048xf32, #tpu.memory_space<vmem>>) dst(%dma_wait3A_1889 : memref<16x2048xf32, #tpu.memory_space<hbm>>)
    %add3A_1890 = arith.constant 8 : i32
    %add3A_1891 = arith.addi %mul3A_2, %add3A_1890 : i32
    %jit3A_1892 = arith.constant 192 : i32
    %div3A_1893 = arith.divsi %add3A_1891, %jit3A_1892 : i32
    %sign3A_1894 = arith.constant 0 : i32
    %sign3A_1895 = arith.cmpi sgt, %add3A_1891, %sign3A_1894 : i32
    %sign3A_1896 = arith.extui %sign3A_1895 : i1 to i32
    %sign3A_1897 = arith.constant 0 : i32
    %sign3A_1898 = arith.cmpi slt, %add3A_1891, %sign3A_1897 : i32
    %sign3A_1899 = arith.extui %sign3A_1898 : i1 to i32
    %sign3A_1900 = arith.subi %sign3A_1896, %sign3A_1899 : i32
    %sign3A_1901 = arith.constant 0 : i32
    %sign3A_1902 = arith.cmpi sgt, %jit3A_1892, %sign3A_1901 : i32
    %sign3A_1903 = arith.extui %sign3A_1902 : i1 to i32
    %sign3A_1904 = arith.constant 0 : i32
    %sign3A_1905 = arith.cmpi slt, %jit3A_1892, %sign3A_1904 : i32
    %sign3A_1906 = arith.extui %sign3A_1905 : i1 to i32
    %sign3A_1907 = arith.subi %sign3A_1903, %sign3A_1906 : i32
    %ne3A_1908 = arith.cmpi ne, %sign3A_1900, %sign3A_1907 : i32
    %rem3A_1909 = arith.remsi %add3A_1891, %jit3A_1892 : i32
    %ne3A_1910 = arith.constant 0 : i32
    %ne3A_1911 = arith.cmpi ne, %rem3A_1909, %ne3A_1910 : i32
    %and3A_1912 = arith.andi %ne3A_1908, %ne3A_1911 : i1
    %sub3A_1913 = arith.constant 1 : i32
    %sub3A_1914 = arith.subi %div3A_1893, %sub3A_1913 : i32
    %select_n3A_1915 = arith.select %and3A_1912, %sub3A_1914, %div3A_1893 : i32
    %jit3A_1916 = arith.constant 192 : i32
    %eq3A_1917 = arith.constant 0 : i32
    %eq3A_1918 = arith.cmpi eq, %jit3A_1916, %eq3A_1917 : i32
    %jit3A_1919 = arith.constant 1 : i32
    %select_n3A_1920 = arith.select %eq3A_1918, %jit3A_1919, %jit3A_1916 : i32
    %rem3A_1921 = arith.remsi %add3A_1891, %select_n3A_1920 : i32
    %ne3A_1922 = arith.constant 0 : i32
    %ne3A_1923 = arith.cmpi ne, %rem3A_1921, %ne3A_1922 : i32
    %lt3A_1924 = arith.constant 0 : i32
    %lt3A_1925 = arith.cmpi slt, %rem3A_1921, %lt3A_1924 : i32
    %lt3A_1926 = arith.constant 0 : i32
    %lt3A_1927 = arith.cmpi slt, %select_n3A_1920, %lt3A_1926 : i32
    %ne3A_1928 = arith.xori %lt3A_1925, %lt3A_1927 : i1
    %and3A_1929 = arith.andi %ne3A_1928, %ne3A_1923 : i1
    %add3A_1930 = arith.addi %rem3A_1921, %select_n3A_1920 : i32
    %select_n3A_1931 = arith.select %and3A_1929, %add3A_1930, %rem3A_1921 : i32
    %jit3A_1932 = arith.constant 4 : i32
    %div3A_1933 = arith.divsi %select_n3A_1931, %jit3A_1932 : i32
    %sign3A_1934 = arith.constant 0 : i32
    %sign3A_1935 = arith.cmpi sgt, %select_n3A_1931, %sign3A_1934 : i32
    %sign3A_1936 = arith.extui %sign3A_1935 : i1 to i32
    %sign3A_1937 = arith.constant 0 : i32
    %sign3A_1938 = arith.cmpi slt, %select_n3A_1931, %sign3A_1937 : i32
    %sign3A_1939 = arith.extui %sign3A_1938 : i1 to i32
    %sign3A_1940 = arith.subi %sign3A_1936, %sign3A_1939 : i32
    %sign3A_1941 = arith.constant 0 : i32
    %sign3A_1942 = arith.cmpi sgt, %jit3A_1932, %sign3A_1941 : i32
    %sign3A_1943 = arith.extui %sign3A_1942 : i1 to i32
    %sign3A_1944 = arith.constant 0 : i32
    %sign3A_1945 = arith.cmpi slt, %jit3A_1932, %sign3A_1944 : i32
    %sign3A_1946 = arith.extui %sign3A_1945 : i1 to i32
    %sign3A_1947 = arith.subi %sign3A_1943, %sign3A_1946 : i32
    %ne3A_1948 = arith.cmpi ne, %sign3A_1940, %sign3A_1947 : i32
    %rem3A_1949 = arith.remsi %select_n3A_1931, %jit3A_1932 : i32
    %ne3A_1950 = arith.constant 0 : i32
    %ne3A_1951 = arith.cmpi ne, %rem3A_1949, %ne3A_1950 : i32
    %and3A_1952 = arith.andi %ne3A_1948, %ne3A_1951 : i1
    %sub3A_1953 = arith.constant 1 : i32
    %sub3A_1954 = arith.subi %div3A_1933, %sub3A_1953 : i32
    %select_n3A_1955 = arith.select %and3A_1952, %sub3A_1954, %div3A_1933 : i32
    %jit3A_1956 = arith.constant 4 : i32
    %eq3A_1957 = arith.constant 0 : i32
    %eq3A_1958 = arith.cmpi eq, %jit3A_1956, %eq3A_1957 : i32
    %jit3A_1959 = arith.constant 1 : i32
    %select_n3A_1960 = arith.select %eq3A_1958, %jit3A_1959, %jit3A_1956 : i32
    %rem3A_1961 = arith.remsi %select_n3A_1931, %select_n3A_1960 : i32
    %ne3A_1962 = arith.constant 0 : i32
    %ne3A_1963 = arith.cmpi ne, %rem3A_1961, %ne3A_1962 : i32
    %lt3A_1964 = arith.constant 0 : i32
    %lt3A_1965 = arith.cmpi slt, %rem3A_1961, %lt3A_1964 : i32
    %lt3A_1966 = arith.constant 0 : i32
    %lt3A_1967 = arith.cmpi slt, %select_n3A_1960, %lt3A_1966 : i32
    %ne3A_1968 = arith.xori %lt3A_1965, %lt3A_1967 : i1
    %and3A_1969 = arith.andi %ne3A_1968, %ne3A_1963 : i1
    %add3A_1970 = arith.addi %rem3A_1961, %select_n3A_1960 : i32
    %select_n3A_1971 = arith.select %and3A_1969, %add3A_1970, %rem3A_1961 : i32
    %mul3A_1972 = arith.constant 16 : i32
    %mul3A_1973 = arith.muli %select_n3A_1955, %mul3A_1972 : i32
    %mul3A_1974 = arith.constant 2048 : i32
    %mul3A_1975 = arith.muli %select_n3A_1971, %mul3A_1974 : i32
    %dma_start3A_1976 = arith.constant 0 : i32
    %dma_start3A_1977 = tpu.memref_slice %arg2[%select_n3A_1915, %dma_start3A_1976, %mul3A_1975] : memref<4x768x8192xf32, #tpu.memory_space<hbm>> -> memref<1x768x2048xf32, #tpu.memory_space<hbm>>
    %dma_start3A_1978 = tpu.memref_squeeze %dma_start3A_1977 : memref<1x768x2048xf32, #tpu.memory_space<hbm>> -> memref<768x2048xf32, #tpu.memory_space<hbm>>
    %dma_start3A_1979 = arith.constant 0 : i32
    %dma_start3A_1980 = arith.constant 0 : i32
    %dma_start3A_1981 = tpu.memref_slice %dma_start3A_1978[%dma_start3A_1979, %dma_start3A_1980] : memref<768x2048xf32, #tpu.memory_space<hbm>> -> memref<768x2048xf32, #tpu.memory_space<hbm>>
    tpu.enqueue_indirect_dma source(%dma_start3A_1981 : memref<768x2048xf32, #tpu.memory_space<hbm>>) target(%arg12 : memref<16x2048xf32, #tpu.memory_space<vmem>>) offsets(%arg6 : memref<16xi32, #tpu.memory_space<vmem>>) semaphore(%arg13 : memref<!tpu.dma_semaphore, #tpu.memory_space<semaphore_mem>>)
    %dma_wait3A_1982 = arith.constant 0 : i32
    %dma_wait3A_1983 = tpu.memref_slice %arg2[%select_n3A_1531, %dma_wait3A_1982, %mul3A_1591] : memref<4x768x8192xf32, #tpu.memory_space<hbm>> -> memref<1x768x2048xf32, #tpu.memory_space<hbm>>
    %dma_wait3A_1984 = tpu.memref_squeeze %dma_wait3A_1983 : memref<1x768x2048xf32, #tpu.memory_space<hbm>> -> memref<768x2048xf32, #tpu.memory_space<hbm>>
    %dma_wait3A_1985 = arith.constant 0 : i32
    %dma_wait3A_1986 = arith.constant 0 : i32
    %dma_wait3A_1987 = tpu.memref_slice %dma_wait3A_1984[%dma_wait3A_1985, %dma_wait3A_1986] : memref<768x2048xf32, #tpu.memory_space<hbm>> -> memref<768x2048xf32, #tpu.memory_space<hbm>>
    tpu.wait_indirect_dma semaphore(%arg13 : memref<!tpu.dma_semaphore, #tpu.memory_space<semaphore_mem>>) src(%dma_wait3A_1987 : memref<768x2048xf32, #tpu.memory_space<hbm>>) dst(%arg10 : memref<16x2048xf32, #tpu.memory_space<vmem>>)
    %add3A_1988 = arith.constant 6 : i32
    %add3A_1989 = arith.addi %mul3A_2, %add3A_1988 : i32
    %jit3A_1990 = arith.constant 192 : i32
    %div3A_1991 = arith.divsi %add3A_1989, %jit3A_1990 : i32
    %sign3A_1992 = arith.constant 0 : i32
    %sign3A_1993 = arith.cmpi sgt, %add3A_1989, %sign3A_1992 : i32
    %sign3A_1994 = arith.extui %sign3A_1993 : i1 to i32
    %sign3A_1995 = arith.constant 0 : i32
    %sign3A_1996 = arith.cmpi slt, %add3A_1989, %sign3A_1995 : i32
    %sign3A_1997 = arith.extui %sign3A_1996 : i1 to i32
    %sign3A_1998 = arith.subi %sign3A_1994, %sign3A_1997 : i32
    %sign3A_1999 = arith.constant 0 : i32
    %sign3A_2000 = arith.cmpi sgt, %jit3A_1990, %sign3A_1999 : i32
    %sign3A_2001 = arith.extui %sign3A_2000 : i1 to i32
    %sign3A_2002 = arith.constant 0 : i32
    %sign3A_2003 = arith.cmpi slt, %jit3A_1990, %sign3A_2002 : i32
    %sign3A_2004 = arith.extui %sign3A_2003 : i1 to i32
    %sign3A_2005 = arith.subi %sign3A_2001, %sign3A_2004 : i32
    %ne3A_2006 = arith.cmpi ne, %sign3A_1998, %sign3A_2005 : i32
    %rem3A_2007 = arith.remsi %add3A_1989, %jit3A_1990 : i32
    %ne3A_2008 = arith.constant 0 : i32
    %ne3A_2009 = arith.cmpi ne, %rem3A_2007, %ne3A_2008 : i32
    %and3A_2010 = arith.andi %ne3A_2006, %ne3A_2009 : i1
    %sub3A_2011 = arith.constant 1 : i32
    %sub3A_2012 = arith.subi %div3A_1991, %sub3A_2011 : i32
    %select_n3A_2013 = arith.select %and3A_2010, %sub3A_2012, %div3A_1991 : i32
    %jit3A_2014 = arith.constant 192 : i32
    %eq3A_2015 = arith.constant 0 : i32
    %eq3A_2016 = arith.cmpi eq, %jit3A_2014, %eq3A_2015 : i32
    %jit3A_2017 = arith.constant 1 : i32
    %select_n3A_2018 = arith.select %eq3A_2016, %jit3A_2017, %jit3A_2014 : i32
    %rem3A_2019 = arith.remsi %add3A_1989, %select_n3A_2018 : i32
    %ne3A_2020 = arith.constant 0 : i32
    %ne3A_2021 = arith.cmpi ne, %rem3A_2019, %ne3A_2020 : i32
    %lt3A_2022 = arith.constant 0 : i32
    %lt3A_2023 = arith.cmpi slt, %rem3A_2019, %lt3A_2022 : i32
    %lt3A_2024 = arith.constant 0 : i32
    %lt3A_2025 = arith.cmpi slt, %select_n3A_2018, %lt3A_2024 : i32
    %ne3A_2026 = arith.xori %lt3A_2023, %lt3A_2025 : i1
    %and3A_2027 = arith.andi %ne3A_2026, %ne3A_2021 : i1
    %add3A_2028 = arith.addi %rem3A_2019, %select_n3A_2018 : i32
    %select_n3A_2029 = arith.select %and3A_2027, %add3A_2028, %rem3A_2019 : i32
    %jit3A_2030 = arith.constant 4 : i32
    %div3A_2031 = arith.divsi %select_n3A_2029, %jit3A_2030 : i32
    %sign3A_2032 = arith.constant 0 : i32
    %sign3A_2033 = arith.cmpi sgt, %select_n3A_2029, %sign3A_2032 : i32
    %sign3A_2034 = arith.extui %sign3A_2033 : i1 to i32
    %sign3A_2035 = arith.constant 0 : i32
    %sign3A_2036 = arith.cmpi slt, %select_n3A_2029, %sign3A_2035 : i32
    %sign3A_2037 = arith.extui %sign3A_2036 : i1 to i32
    %sign3A_2038 = arith.subi %sign3A_2034, %sign3A_2037 : i32
    %sign3A_2039 = arith.constant 0 : i32
    %sign3A_2040 = arith.cmpi sgt, %jit3A_2030, %sign3A_2039 : i32
    %sign3A_2041 = arith.extui %sign3A_2040 : i1 to i32
    %sign3A_2042 = arith.constant 0 : i32
    %sign3A_2043 = arith.cmpi slt, %jit3A_2030, %sign3A_2042 : i32
    %sign3A_2044 = arith.extui %sign3A_2043 : i1 to i32
    %sign3A_2045 = arith.subi %sign3A_2041, %sign3A_2044 : i32
    %ne3A_2046 = arith.cmpi ne, %sign3A_2038, %sign3A_2045 : i32
    %rem3A_2047 = arith.remsi %select_n3A_2029, %jit3A_2030 : i32
    %ne3A_2048 = arith.constant 0 : i32
    %ne3A_2049 = arith.cmpi ne, %rem3A_2047, %ne3A_2048 : i32
    %and3A_2050 = arith.andi %ne3A_2046, %ne3A_2049 : i1
    %sub3A_2051 = arith.constant 1 : i32
    %sub3A_2052 = arith.subi %div3A_2031, %sub3A_2051 : i32
    %select_n3A_2053 = arith.select %and3A_2050, %sub3A_2052, %div3A_2031 : i32
    %jit3A_2054 = arith.constant 4 : i32
    %eq3A_2055 = arith.constant 0 : i32
    %eq3A_2056 = arith.cmpi eq, %jit3A_2054, %eq3A_2055 : i32
    %jit3A_2057 = arith.constant 1 : i32
    %select_n3A_2058 = arith.select %eq3A_2056, %jit3A_2057, %jit3A_2054 : i32
    %rem3A_2059 = arith.remsi %select_n3A_2029, %select_n3A_2058 : i32
    %ne3A_2060 = arith.constant 0 : i32
    %ne3A_2061 = arith.cmpi ne, %rem3A_2059, %ne3A_2060 : i32
    %lt3A_2062 = arith.constant 0 : i32
    %lt3A_2063 = arith.cmpi slt, %rem3A_2059, %lt3A_2062 : i32
    %lt3A_2064 = arith.constant 0 : i32
    %lt3A_2065 = arith.cmpi slt, %select_n3A_2058, %lt3A_2064 : i32
    %ne3A_2066 = arith.xori %lt3A_2063, %lt3A_2065 : i1
    %and3A_2067 = arith.andi %ne3A_2066, %ne3A_2061 : i1
    %add3A_2068 = arith.addi %rem3A_2059, %select_n3A_2058 : i32
    %select_n3A_2069 = arith.select %and3A_2067, %add3A_2068, %rem3A_2059 : i32
    %mul3A_2070 = arith.constant 16 : i32
    %mul3A_2071 = arith.muli %select_n3A_2053, %mul3A_2070 : i32
    %mul3A_2072 = arith.constant 2048 : i32
    %mul3A_2073 = arith.muli %select_n3A_2069, %mul3A_2072 : i32
    %dma_start3A_2074 = tpu.memref_slice %arg3[%select_n3A_2013, %mul3A_2071, %mul3A_2073] : memref<4x768x8192xf32, #tpu.memory_space<hbm>> -> memref<1x16x2048xf32, #tpu.memory_space<hbm>>
    %dma_start3A_2075 = tpu.memref_squeeze %dma_start3A_2074 : memref<1x16x2048xf32, #tpu.memory_space<hbm>> -> memref<16x2048xf32, #tpu.memory_space<hbm>>
    %dma_start3A_2076 = tpu.memref_slice %arg3[%select_n3A_2013, %mul3A_2071, %mul3A_2073] : memref<4x768x8192xf32, #tpu.memory_space<hbm>> -> memref<1x16x2048xf32, #tpu.memory_space<hbm>>
    %dma_start3A_2077 = tpu.memref_squeeze %dma_start3A_2076 : memref<1x16x2048xf32, #tpu.memory_space<hbm>> -> memref<16x2048xf32, #tpu.memory_space<hbm>>
    tpu.enqueue_dma source(%arg10 : memref<16x2048xf32, #tpu.memory_space<vmem>>) target(%dma_start3A_2077 : memref<16x2048xf32, #tpu.memory_space<hbm>>) target_semaphore(%arg14 : memref<!tpu.dma_semaphore, #tpu.memory_space<semaphore_mem>>)
    %dma_wait3A_2078 = tpu.memref_slice %arg3[%select_n3A_2013, %mul3A_2071, %mul3A_2073] : memref<4x768x8192xf32, #tpu.memory_space<hbm>> -> memref<1x16x2048xf32, #tpu.memory_space<hbm>>
    %dma_wait3A_2079 = tpu.memref_squeeze %dma_wait3A_2078 : memref<1x16x2048xf32, #tpu.memory_space<hbm>> -> memref<16x2048xf32, #tpu.memory_space<hbm>>
    %dma_wait3A_2080 = tpu.memref_slice %arg3[%select_n3A_2013, %mul3A_2071, %mul3A_2073] : memref<4x768x8192xf32, #tpu.memory_space<hbm>> -> memref<1x16x2048xf32, #tpu.memory_space<hbm>>
    %dma_wait3A_2081 = tpu.memref_squeeze %dma_wait3A_2080 : memref<1x16x2048xf32, #tpu.memory_space<hbm>> -> memref<16x2048xf32, #tpu.memory_space<hbm>>
    tpu.wait_dma2 semaphore(%arg14 : memref<!tpu.dma_semaphore, #tpu.memory_space<semaphore_mem>>) src(%arg10 : memref<16x2048xf32, #tpu.memory_space<vmem>>) dst(%dma_wait3A_2081 : memref<16x2048xf32, #tpu.memory_space<hbm>>)
    %add3A_2082 = arith.constant 9 : i32
    %add3A_2083 = arith.addi %mul3A_2, %add3A_2082 : i32
    %jit3A_2084 = arith.constant 192 : i32
    %div3A_2085 = arith.divsi %add3A_2083, %jit3A_2084 : i32
    %sign3A_2086 = arith.constant 0 : i32
    %sign3A_2087 = arith.cmpi sgt, %add3A_2083, %sign3A_2086 : i32
    %sign3A_2088 = arith.extui %sign3A_2087 : i1 to i32
    %sign3A_2089 = arith.constant 0 : i32
    %sign3A_2090 = arith.cmpi slt, %add3A_2083, %sign3A_2089 : i32
    %sign3A_2091 = arith.extui %sign3A_2090 : i1 to i32
    %sign3A_2092 = arith.subi %sign3A_2088, %sign3A_2091 : i32
    %sign3A_2093 = arith.constant 0 : i32
    %sign3A_2094 = arith.cmpi sgt, %jit3A_2084, %sign3A_2093 : i32
    %sign3A_2095 = arith.extui %sign3A_2094 : i1 to i32
    %sign3A_2096 = arith.constant 0 : i32
    %sign3A_2097 = arith.cmpi slt, %jit3A_2084, %sign3A_2096 : i32
    %sign3A_2098 = arith.extui %sign3A_2097 : i1 to i32
    %sign3A_2099 = arith.subi %sign3A_2095, %sign3A_2098 : i32
    %ne3A_2100 = arith.cmpi ne, %sign3A_2092, %sign3A_2099 : i32
    %rem3A_2101 = arith.remsi %add3A_2083, %jit3A_2084 : i32
    %ne3A_2102 = arith.constant 0 : i32
    %ne3A_2103 = arith.cmpi ne, %rem3A_2101, %ne3A_2102 : i32
    %and3A_2104 = arith.andi %ne3A_2100, %ne3A_2103 : i1
    %sub3A_2105 = arith.constant 1 : i32
    %sub3A_2106 = arith.subi %div3A_2085, %sub3A_2105 : i32
    %select_n3A_2107 = arith.select %and3A_2104, %sub3A_2106, %div3A_2085 : i32
    %jit3A_2108 = arith.constant 192 : i32
    %eq3A_2109 = arith.constant 0 : i32
    %eq3A_2110 = arith.cmpi eq, %jit3A_2108, %eq3A_2109 : i32
    %jit3A_2111 = arith.constant 1 : i32
    %select_n3A_2112 = arith.select %eq3A_2110, %jit3A_2111, %jit3A_2108 : i32
    %rem3A_2113 = arith.remsi %add3A_2083, %select_n3A_2112 : i32
    %ne3A_2114 = arith.constant 0 : i32
    %ne3A_2115 = arith.cmpi ne, %rem3A_2113, %ne3A_2114 : i32
    %lt3A_2116 = arith.constant 0 : i32
    %lt3A_2117 = arith.cmpi slt, %rem3A_2113, %lt3A_2116 : i32
    %lt3A_2118 = arith.constant 0 : i32
    %lt3A_2119 = arith.cmpi slt, %select_n3A_2112, %lt3A_2118 : i32
    %ne3A_2120 = arith.xori %lt3A_2117, %lt3A_2119 : i1
    %and3A_2121 = arith.andi %ne3A_2120, %ne3A_2115 : i1
    %add3A_2122 = arith.addi %rem3A_2113, %select_n3A_2112 : i32
    %select_n3A_2123 = arith.select %and3A_2121, %add3A_2122, %rem3A_2113 : i32
    %jit3A_2124 = arith.constant 4 : i32
    %div3A_2125 = arith.divsi %select_n3A_2123, %jit3A_2124 : i32
    %sign3A_2126 = arith.constant 0 : i32
    %sign3A_2127 = arith.cmpi sgt, %select_n3A_2123, %sign3A_2126 : i32
    %sign3A_2128 = arith.extui %sign3A_2127 : i1 to i32
    %sign3A_2129 = arith.constant 0 : i32
    %sign3A_2130 = arith.cmpi slt, %select_n3A_2123, %sign3A_2129 : i32
    %sign3A_2131 = arith.extui %sign3A_2130 : i1 to i32
    %sign3A_2132 = arith.subi %sign3A_2128, %sign3A_2131 : i32
    %sign3A_2133 = arith.constant 0 : i32
    %sign3A_2134 = arith.cmpi sgt, %jit3A_2124, %sign3A_2133 : i32
    %sign3A_2135 = arith.extui %sign3A_2134 : i1 to i32
    %sign3A_2136 = arith.constant 0 : i32
    %sign3A_2137 = arith.cmpi slt, %jit3A_2124, %sign3A_2136 : i32
    %sign3A_2138 = arith.extui %sign3A_2137 : i1 to i32
    %sign3A_2139 = arith.subi %sign3A_2135, %sign3A_2138 : i32
    %ne3A_2140 = arith.cmpi ne, %sign3A_2132, %sign3A_2139 : i32
    %rem3A_2141 = arith.remsi %select_n3A_2123, %jit3A_2124 : i32
    %ne3A_2142 = arith.constant 0 : i32
    %ne3A_2143 = arith.cmpi ne, %rem3A_2141, %ne3A_2142 : i32
    %and3A_2144 = arith.andi %ne3A_2140, %ne3A_2143 : i1
    %sub3A_2145 = arith.constant 1 : i32
    %sub3A_2146 = arith.subi %div3A_2125, %sub3A_2145 : i32
    %select_n3A_2147 = arith.select %and3A_2144, %sub3A_2146, %div3A_2125 : i32
    %jit3A_2148 = arith.constant 4 : i32
    %eq3A_2149 = arith.constant 0 : i32
    %eq3A_2150 = arith.cmpi eq, %jit3A_2148, %eq3A_2149 : i32
    %jit3A_2151 = arith.constant 1 : i32
    %select_n3A_2152 = arith.select %eq3A_2150, %jit3A_2151, %jit3A_2148 : i32
    %rem3A_2153 = arith.remsi %select_n3A_2123, %select_n3A_2152 : i32
    %ne3A_2154 = arith.constant 0 : i32
    %ne3A_2155 = arith.cmpi ne, %rem3A_2153, %ne3A_2154 : i32
    %lt3A_2156 = arith.constant 0 : i32
    %lt3A_2157 = arith.cmpi slt, %rem3A_2153, %lt3A_2156 : i32
    %lt3A_2158 = arith.constant 0 : i32
    %lt3A_2159 = arith.cmpi slt, %select_n3A_2152, %lt3A_2158 : i32
    %ne3A_2160 = arith.xori %lt3A_2157, %lt3A_2159 : i1
    %and3A_2161 = arith.andi %ne3A_2160, %ne3A_2155 : i1
    %add3A_2162 = arith.addi %rem3A_2153, %select_n3A_2152 : i32
    %select_n3A_2163 = arith.select %and3A_2161, %add3A_2162, %rem3A_2153 : i32
    %mul3A_2164 = arith.constant 16 : i32
    %mul3A_2165 = arith.muli %select_n3A_2147, %mul3A_2164 : i32
    %mul3A_2166 = arith.constant 2048 : i32
    %mul3A_2167 = arith.muli %select_n3A_2163, %mul3A_2166 : i32
    %dma_start3A_2168 = arith.constant 0 : i32
    %dma_start3A_2169 = tpu.memref_slice %arg2[%select_n3A_2107, %dma_start3A_2168, %mul3A_2167] : memref<4x768x8192xf32, #tpu.memory_space<hbm>> -> memref<1x768x2048xf32, #tpu.memory_space<hbm>>
    %dma_start3A_2170 = tpu.memref_squeeze %dma_start3A_2169 : memref<1x768x2048xf32, #tpu.memory_space<hbm>> -> memref<768x2048xf32, #tpu.memory_space<hbm>>
    %dma_start3A_2171 = arith.constant 0 : i32
    %dma_start3A_2172 = arith.constant 0 : i32
    %dma_start3A_2173 = tpu.memref_slice %dma_start3A_2170[%dma_start3A_2171, %dma_start3A_2172] : memref<768x2048xf32, #tpu.memory_space<hbm>> -> memref<768x2048xf32, #tpu.memory_space<hbm>>
    tpu.enqueue_indirect_dma source(%dma_start3A_2173 : memref<768x2048xf32, #tpu.memory_space<hbm>>) target(%arg10 : memref<16x2048xf32, #tpu.memory_space<vmem>>) offsets(%arg6 : memref<16xi32, #tpu.memory_space<vmem>>) semaphore(%arg13 : memref<!tpu.dma_semaphore, #tpu.memory_space<semaphore_mem>>)
    %dma_wait3A_2174 = arith.constant 0 : i32
    %dma_wait3A_2175 = tpu.memref_slice %arg2[%select_n3A_1723, %dma_wait3A_2174, %mul3A_1783] : memref<4x768x8192xf32, #tpu.memory_space<hbm>> -> memref<1x768x2048xf32, #tpu.memory_space<hbm>>
    %dma_wait3A_2176 = tpu.memref_squeeze %dma_wait3A_2175 : memref<1x768x2048xf32, #tpu.memory_space<hbm>> -> memref<768x2048xf32, #tpu.memory_space<hbm>>
    %dma_wait3A_2177 = arith.constant 0 : i32
    %dma_wait3A_2178 = arith.constant 0 : i32
    %dma_wait3A_2179 = tpu.memref_slice %dma_wait3A_2176[%dma_wait3A_2177, %dma_wait3A_2178] : memref<768x2048xf32, #tpu.memory_space<hbm>> -> memref<768x2048xf32, #tpu.memory_space<hbm>>
    tpu.wait_indirect_dma semaphore(%arg13 : memref<!tpu.dma_semaphore, #tpu.memory_space<semaphore_mem>>) src(%dma_wait3A_2179 : memref<768x2048xf32, #tpu.memory_space<hbm>>) dst(%arg11 : memref<16x2048xf32, #tpu.memory_space<vmem>>)
    %add3A_2180 = arith.constant 7 : i32
    %add3A_2181 = arith.addi %mul3A_2, %add3A_2180 : i32
    %jit3A_2182 = arith.constant 192 : i32
    %div3A_2183 = arith.divsi %add3A_2181, %jit3A_2182 : i32
    %sign3A_2184 = arith.constant 0 : i32
    %sign3A_2185 = arith.cmpi sgt, %add3A_2181, %sign3A_2184 : i32
    %sign3A_2186 = arith.extui %sign3A_2185 : i1 to i32
    %sign3A_2187 = arith.constant 0 : i32
    %sign3A_2188 = arith.cmpi slt, %add3A_2181, %sign3A_2187 : i32
    %sign3A_2189 = arith.extui %sign3A_2188 : i1 to i32
    %sign3A_2190 = arith.subi %sign3A_2186, %sign3A_2189 : i32
    %sign3A_2191 = arith.constant 0 : i32
    %sign3A_2192 = arith.cmpi sgt, %jit3A_2182, %sign3A_2191 : i32
    %sign3A_2193 = arith.extui %sign3A_2192 : i1 to i32
    %sign3A_2194 = arith.constant 0 : i32
    %sign3A_2195 = arith.cmpi slt, %jit3A_2182, %sign3A_2194 : i32
    %sign3A_2196 = arith.extui %sign3A_2195 : i1 to i32
    %sign3A_2197 = arith.subi %sign3A_2193, %sign3A_2196 : i32
    %ne3A_2198 = arith.cmpi ne, %sign3A_2190, %sign3A_2197 : i32
    %rem3A_2199 = arith.remsi %add3A_2181, %jit3A_2182 : i32
    %ne3A_2200 = arith.constant 0 : i32
    %ne3A_2201 = arith.cmpi ne, %rem3A_2199, %ne3A_2200 : i32
    %and3A_2202 = arith.andi %ne3A_2198, %ne3A_2201 : i1
    %sub3A_2203 = arith.constant 1 : i32
    %sub3A_2204 = arith.subi %div3A_2183, %sub3A_2203 : i32
    %select_n3A_2205 = arith.select %and3A_2202, %sub3A_2204, %div3A_2183 : i32
    %jit3A_2206 = arith.constant 192 : i32
    %eq3A_2207 = arith.constant 0 : i32
    %eq3A_2208 = arith.cmpi eq, %jit3A_2206, %eq3A_2207 : i32
    %jit3A_2209 = arith.constant 1 : i32
    %select_n3A_2210 = arith.select %eq3A_2208, %jit3A_2209, %jit3A_2206 : i32
    %rem3A_2211 = arith.remsi %add3A_2181, %select_n3A_2210 : i32
    %ne3A_2212 = arith.constant 0 : i32
    %ne3A_2213 = arith.cmpi ne, %rem3A_2211, %ne3A_2212 : i32
    %lt3A_2214 = arith.constant 0 : i32
    %lt3A_2215 = arith.cmpi slt, %rem3A_2211, %lt3A_2214 : i32
    %lt3A_2216 = arith.constant 0 : i32
    %lt3A_2217 = arith.cmpi slt, %select_n3A_2210, %lt3A_2216 : i32
    %ne3A_2218 = arith.xori %lt3A_2215, %lt3A_2217 : i1
    %and3A_2219 = arith.andi %ne3A_2218, %ne3A_2213 : i1
    %add3A_2220 = arith.addi %rem3A_2211, %select_n3A_2210 : i32
    %select_n3A_2221 = arith.select %and3A_2219, %add3A_2220, %rem3A_2211 : i32
    %jit3A_2222 = arith.constant 4 : i32
    %div3A_2223 = arith.divsi %select_n3A_2221, %jit3A_2222 : i32
    %sign3A_2224 = arith.constant 0 : i32
    %sign3A_2225 = arith.cmpi sgt, %select_n3A_2221, %sign3A_2224 : i32
    %sign3A_2226 = arith.extui %sign3A_2225 : i1 to i32
    %sign3A_2227 = arith.constant 0 : i32
    %sign3A_2228 = arith.cmpi slt, %select_n3A_2221, %sign3A_2227 : i32
    %sign3A_2229 = arith.extui %sign3A_2228 : i1 to i32
    %sign3A_2230 = arith.subi %sign3A_2226, %sign3A_2229 : i32
    %sign3A_2231 = arith.constant 0 : i32
    %sign3A_2232 = arith.cmpi sgt, %jit3A_2222, %sign3A_2231 : i32
    %sign3A_2233 = arith.extui %sign3A_2232 : i1 to i32
    %sign3A_2234 = arith.constant 0 : i32
    %sign3A_2235 = arith.cmpi slt, %jit3A_2222, %sign3A_2234 : i32
    %sign3A_2236 = arith.extui %sign3A_2235 : i1 to i32
    %sign3A_2237 = arith.subi %sign3A_2233, %sign3A_2236 : i32
    %ne3A_2238 = arith.cmpi ne, %sign3A_2230, %sign3A_2237 : i32
    %rem3A_2239 = arith.remsi %select_n3A_2221, %jit3A_2222 : i32
    %ne3A_2240 = arith.constant 0 : i32
    %ne3A_2241 = arith.cmpi ne, %rem3A_2239, %ne3A_2240 : i32
    %and3A_2242 = arith.andi %ne3A_2238, %ne3A_2241 : i1
    %sub3A_2243 = arith.constant 1 : i32
    %sub3A_2244 = arith.subi %div3A_2223, %sub3A_2243 : i32
    %select_n3A_2245 = arith.select %and3A_2242, %sub3A_2244, %div3A_2223 : i32
    %jit3A_2246 = arith.constant 4 : i32
    %eq3A_2247 = arith.constant 0 : i32
    %eq3A_2248 = arith.cmpi eq, %jit3A_2246, %eq3A_2247 : i32
    %jit3A_2249 = arith.constant 1 : i32
    %select_n3A_2250 = arith.select %eq3A_2248, %jit3A_2249, %jit3A_2246 : i32
    %rem3A_2251 = arith.remsi %select_n3A_2221, %select_n3A_2250 : i32
    %ne3A_2252 = arith.constant 0 : i32
    %ne3A_2253 = arith.cmpi ne, %rem3A_2251, %ne3A_2252 : i32
    %lt3A_2254 = arith.constant 0 : i32
    %lt3A_2255 = arith.cmpi slt, %rem3A_2251, %lt3A_2254 : i32
    %lt3A_2256 = arith.constant 0 : i32
    %lt3A_2257 = arith.cmpi slt, %select_n3A_2250, %lt3A_2256 : i32
    %ne3A_2258 = arith.xori %lt3A_2255, %lt3A_2257 : i1
    %and3A_2259 = arith.andi %ne3A_2258, %ne3A_2253 : i1
    %add3A_2260 = arith.addi %rem3A_2251, %select_n3A_2250 : i32
    %select_n3A_2261 = arith.select %and3A_2259, %add3A_2260, %rem3A_2251 : i32
    %mul3A_2262 = arith.constant 16 : i32
    %mul3A_2263 = arith.muli %select_n3A_2245, %mul3A_2262 : i32
    %mul3A_2264 = arith.constant 2048 : i32
    %mul3A_2265 = arith.muli %select_n3A_2261, %mul3A_2264 : i32
    %dma_start3A_2266 = tpu.memref_slice %arg3[%select_n3A_2205, %mul3A_2263, %mul3A_2265] : memref<4x768x8192xf32, #tpu.memory_space<hbm>> -> memref<1x16x2048xf32, #tpu.memory_space<hbm>>
    %dma_start3A_2267 = tpu.memref_squeeze %dma_start3A_2266 : memref<1x16x2048xf32, #tpu.memory_space<hbm>> -> memref<16x2048xf32, #tpu.memory_space<hbm>>
    %dma_start3A_2268 = tpu.memref_slice %arg3[%select_n3A_2205, %mul3A_2263, %mul3A_2265] : memref<4x768x8192xf32, #tpu.memory_space<hbm>> -> memref<1x16x2048xf32, #tpu.memory_space<hbm>>
    %dma_start3A_2269 = tpu.memref_squeeze %dma_start3A_2268 : memref<1x16x2048xf32, #tpu.memory_space<hbm>> -> memref<16x2048xf32, #tpu.memory_space<hbm>>
    tpu.enqueue_dma source(%arg11 : memref<16x2048xf32, #tpu.memory_space<vmem>>) target(%dma_start3A_2269 : memref<16x2048xf32, #tpu.memory_space<hbm>>) target_semaphore(%arg14 : memref<!tpu.dma_semaphore, #tpu.memory_space<semaphore_mem>>)
    %dma_wait3A_2270 = tpu.memref_slice %arg3[%select_n3A_2205, %mul3A_2263, %mul3A_2265] : memref<4x768x8192xf32, #tpu.memory_space<hbm>> -> memref<1x16x2048xf32, #tpu.memory_space<hbm>>
    %dma_wait3A_2271 = tpu.memref_squeeze %dma_wait3A_2270 : memref<1x16x2048xf32, #tpu.memory_space<hbm>> -> memref<16x2048xf32, #tpu.memory_space<hbm>>
    %dma_wait3A_2272 = tpu.memref_slice %arg3[%select_n3A_2205, %mul3A_2263, %mul3A_2265] : memref<4x768x8192xf32, #tpu.memory_space<hbm>> -> memref<1x16x2048xf32, #tpu.memory_space<hbm>>
    %dma_wait3A_2273 = tpu.memref_squeeze %dma_wait3A_2272 : memref<1x16x2048xf32, #tpu.memory_space<hbm>> -> memref<16x2048xf32, #tpu.memory_space<hbm>>
    tpu.wait_dma2 semaphore(%arg14 : memref<!tpu.dma_semaphore, #tpu.memory_space<semaphore_mem>>) src(%arg11 : memref<16x2048xf32, #tpu.memory_space<vmem>>) dst(%dma_wait3A_2273 : memref<16x2048xf32, #tpu.memory_space<hbm>>)
    %add3A_2274 = arith.constant 10 : i32
    %add3A_2275 = arith.addi %mul3A_2, %add3A_2274 : i32
    %jit3A_2276 = arith.constant 192 : i32
    %div3A_2277 = arith.divsi %add3A_2275, %jit3A_2276 : i32
    %sign3A_2278 = arith.constant 0 : i32
    %sign3A_2279 = arith.cmpi sgt, %add3A_2275, %sign3A_2278 : i32
    %sign3A_2280 = arith.extui %sign3A_2279 : i1 to i32
    %sign3A_2281 = arith.constant 0 : i32
    %sign3A_2282 = arith.cmpi slt, %add3A_2275, %sign3A_2281 : i32
    %sign3A_2283 = arith.extui %sign3A_2282 : i1 to i32
    %sign3A_2284 = arith.subi %sign3A_2280, %sign3A_2283 : i32
    %sign3A_2285 = arith.constant 0 : i32
    %sign3A_2286 = arith.cmpi sgt, %jit3A_2276, %sign3A_2285 : i32
    %sign3A_2287 = arith.extui %sign3A_2286 : i1 to i32
    %sign3A_2288 = arith.constant 0 : i32
    %sign3A_2289 = arith.cmpi slt, %jit3A_2276, %sign3A_2288 : i32
    %sign3A_2290 = arith.extui %sign3A_2289 : i1 to i32
    %sign3A_2291 = arith.subi %sign3A_2287, %sign3A_2290 : i32
    %ne3A_2292 = arith.cmpi ne, %sign3A_2284, %sign3A_2291 : i32
    %rem3A_2293 = arith.remsi %add3A_2275, %jit3A_2276 : i32
    %ne3A_2294 = arith.constant 0 : i32
    %ne3A_2295 = arith.cmpi ne, %rem3A_2293, %ne3A_2294 : i32
    %and3A_2296 = arith.andi %ne3A_2292, %ne3A_2295 : i1
    %sub3A_2297 = arith.constant 1 : i32
    %sub3A_2298 = arith.subi %div3A_2277, %sub3A_2297 : i32
    %select_n3A_2299 = arith.select %and3A_2296, %sub3A_2298, %div3A_2277 : i32
    %jit3A_2300 = arith.constant 192 : i32
    %eq3A_2301 = arith.constant 0 : i32
    %eq3A_2302 = arith.cmpi eq, %jit3A_2300, %eq3A_2301 : i32
    %jit3A_2303 = arith.constant 1 : i32
    %select_n3A_2304 = arith.select %eq3A_2302, %jit3A_2303, %jit3A_2300 : i32
    %rem3A_2305 = arith.remsi %add3A_2275, %select_n3A_2304 : i32
    %ne3A_2306 = arith.constant 0 : i32
    %ne3A_2307 = arith.cmpi ne, %rem3A_2305, %ne3A_2306 : i32
    %lt3A_2308 = arith.constant 0 : i32
    %lt3A_2309 = arith.cmpi slt, %rem3A_2305, %lt3A_2308 : i32
    %lt3A_2310 = arith.constant 0 : i32
    %lt3A_2311 = arith.cmpi slt, %select_n3A_2304, %lt3A_2310 : i32
    %ne3A_2312 = arith.xori %lt3A_2309, %lt3A_2311 : i1
    %and3A_2313 = arith.andi %ne3A_2312, %ne3A_2307 : i1
    %add3A_2314 = arith.addi %rem3A_2305, %select_n3A_2304 : i32
    %select_n3A_2315 = arith.select %and3A_2313, %add3A_2314, %rem3A_2305 : i32
    %jit3A_2316 = arith.constant 4 : i32
    %div3A_2317 = arith.divsi %select_n3A_2315, %jit3A_2316 : i32
    %sign3A_2318 = arith.constant 0 : i32
    %sign3A_2319 = arith.cmpi sgt, %select_n3A_2315, %sign3A_2318 : i32
    %sign3A_2320 = arith.extui %sign3A_2319 : i1 to i32
    %sign3A_2321 = arith.constant 0 : i32
    %sign3A_2322 = arith.cmpi slt, %select_n3A_2315, %sign3A_2321 : i32
    %sign3A_2323 = arith.extui %sign3A_2322 : i1 to i32
    %sign3A_2324 = arith.subi %sign3A_2320, %sign3A_2323 : i32
    %sign3A_2325 = arith.constant 0 : i32
    %sign3A_2326 = arith.cmpi sgt, %jit3A_2316, %sign3A_2325 : i32
    %sign3A_2327 = arith.extui %sign3A_2326 : i1 to i32
    %sign3A_2328 = arith.constant 0 : i32
    %sign3A_2329 = arith.cmpi slt, %jit3A_2316, %sign3A_2328 : i32
    %sign3A_2330 = arith.extui %sign3A_2329 : i1 to i32
    %sign3A_2331 = arith.subi %sign3A_2327, %sign3A_2330 : i32
    %ne3A_2332 = arith.cmpi ne, %sign3A_2324, %sign3A_2331 : i32
    %rem3A_2333 = arith.remsi %select_n3A_2315, %jit3A_2316 : i32
    %ne3A_2334 = arith.constant 0 : i32
    %ne3A_2335 = arith.cmpi ne, %rem3A_2333, %ne3A_2334 : i32
    %and3A_2336 = arith.andi %ne3A_2332, %ne3A_2335 : i1
    %sub3A_2337 = arith.constant 1 : i32
    %sub3A_2338 = arith.subi %div3A_2317, %sub3A_2337 : i32
    %select_n3A_2339 = arith.select %and3A_2336, %sub3A_2338, %div3A_2317 : i32
    %jit3A_2340 = arith.constant 4 : i32
    %eq3A_2341 = arith.constant 0 : i32
    %eq3A_2342 = arith.cmpi eq, %jit3A_2340, %eq3A_2341 : i32
    %jit3A_2343 = arith.constant 1 : i32
    %select_n3A_2344 = arith.select %eq3A_2342, %jit3A_2343, %jit3A_2340 : i32
    %rem3A_2345 = arith.remsi %select_n3A_2315, %select_n3A_2344 : i32
    %ne3A_2346 = arith.constant 0 : i32
    %ne3A_2347 = arith.cmpi ne, %rem3A_2345, %ne3A_2346 : i32
    %lt3A_2348 = arith.constant 0 : i32
    %lt3A_2349 = arith.cmpi slt, %rem3A_2345, %lt3A_2348 : i32
    %lt3A_2350 = arith.constant 0 : i32
    %lt3A_2351 = arith.cmpi slt, %select_n3A_2344, %lt3A_2350 : i32
    %ne3A_2352 = arith.xori %lt3A_2349, %lt3A_2351 : i1
    %and3A_2353 = arith.andi %ne3A_2352, %ne3A_2347 : i1
    %add3A_2354 = arith.addi %rem3A_2345, %select_n3A_2344 : i32
    %select_n3A_2355 = arith.select %and3A_2353, %add3A_2354, %rem3A_2345 : i32
    %mul3A_2356 = arith.constant 16 : i32
    %mul3A_2357 = arith.muli %select_n3A_2339, %mul3A_2356 : i32
    %mul3A_2358 = arith.constant 2048 : i32
    %mul3A_2359 = arith.muli %select_n3A_2355, %mul3A_2358 : i32
    %dma_start3A_2360 = arith.constant 0 : i32
    %dma_start3A_2361 = tpu.memref_slice %arg2[%select_n3A_2299, %dma_start3A_2360, %mul3A_2359] : memref<4x768x8192xf32, #tpu.memory_space<hbm>> -> memref<1x768x2048xf32, #tpu.memory_space<hbm>>
    %dma_start3A_2362 = tpu.memref_squeeze %dma_start3A_2361 : memref<1x768x2048xf32, #tpu.memory_space<hbm>> -> memref<768x2048xf32, #tpu.memory_space<hbm>>
    %dma_start3A_2363 = arith.constant 0 : i32
    %dma_start3A_2364 = arith.constant 0 : i32
    %dma_start3A_2365 = tpu.memref_slice %dma_start3A_2362[%dma_start3A_2363, %dma_start3A_2364] : memref<768x2048xf32, #tpu.memory_space<hbm>> -> memref<768x2048xf32, #tpu.memory_space<hbm>>
    tpu.enqueue_indirect_dma source(%dma_start3A_2365 : memref<768x2048xf32, #tpu.memory_space<hbm>>) target(%arg11 : memref<16x2048xf32, #tpu.memory_space<vmem>>) offsets(%arg6 : memref<16xi32, #tpu.memory_space<vmem>>) semaphore(%arg13 : memref<!tpu.dma_semaphore, #tpu.memory_space<semaphore_mem>>)
    %dma_wait3A_2366 = arith.constant 0 : i32
    %dma_wait3A_2367 = tpu.memref_slice %arg2[%select_n3A_1915, %dma_wait3A_2366, %mul3A_1975] : memref<4x768x8192xf32, #tpu.memory_space<hbm>> -> memref<1x768x2048xf32, #tpu.memory_space<hbm>>
    %dma_wait3A_2368 = tpu.memref_squeeze %dma_wait3A_2367 : memref<1x768x2048xf32, #tpu.memory_space<hbm>> -> memref<768x2048xf32, #tpu.memory_space<hbm>>
    %dma_wait3A_2369 = arith.constant 0 : i32
    %dma_wait3A_2370 = arith.constant 0 : i32
    %dma_wait3A_2371 = tpu.memref_slice %dma_wait3A_2368[%dma_wait3A_2369, %dma_wait3A_2370] : memref<768x2048xf32, #tpu.memory_space<hbm>> -> memref<768x2048xf32, #tpu.memory_space<hbm>>
    tpu.wait_indirect_dma semaphore(%arg13 : memref<!tpu.dma_semaphore, #tpu.memory_space<semaphore_mem>>) src(%dma_wait3A_2371 : memref<768x2048xf32, #tpu.memory_space<hbm>>) dst(%arg12 : memref<16x2048xf32, #tpu.memory_space<vmem>>)
    %add3A_2372 = arith.constant 8 : i32
    %add3A_2373 = arith.addi %mul3A_2, %add3A_2372 : i32
    %jit3A_2374 = arith.constant 192 : i32
    %div3A_2375 = arith.divsi %add3A_2373, %jit3A_2374 : i32
    %sign3A_2376 = arith.constant 0 : i32
    %sign3A_2377 = arith.cmpi sgt, %add3A_2373, %sign3A_2376 : i32
    %sign3A_2378 = arith.extui %sign3A_2377 : i1 to i32
    %sign3A_2379 = arith.constant 0 : i32
    %sign3A_2380 = arith.cmpi slt, %add3A_2373, %sign3A_2379 : i32
    %sign3A_2381 = arith.extui %sign3A_2380 : i1 to i32
    %sign3A_2382 = arith.subi %sign3A_2378, %sign3A_2381 : i32
    %sign3A_2383 = arith.constant 0 : i32
    %sign3A_2384 = arith.cmpi sgt, %jit3A_2374, %sign3A_2383 : i32
    %sign3A_2385 = arith.extui %sign3A_2384 : i1 to i32
    %sign3A_2386 = arith.constant 0 : i32
    %sign3A_2387 = arith.cmpi slt, %jit3A_2374, %sign3A_2386 : i32
    %sign3A_2388 = arith.extui %sign3A_2387 : i1 to i32
    %sign3A_2389 = arith.subi %sign3A_2385, %sign3A_2388 : i32
    %ne3A_2390 = arith.cmpi ne, %sign3A_2382, %sign3A_2389 : i32
    %rem3A_2391 = arith.remsi %add3A_2373, %jit3A_2374 : i32
    %ne3A_2392 = arith.constant 0 : i32
    %ne3A_2393 = arith.cmpi ne, %rem3A_2391, %ne3A_2392 : i32
    %and3A_2394 = arith.andi %ne3A_2390, %ne3A_2393 : i1
    %sub3A_2395 = arith.constant 1 : i32
    %sub3A_2396 = arith.subi %div3A_2375, %sub3A_2395 : i32
    %select_n3A_2397 = arith.select %and3A_2394, %sub3A_2396, %div3A_2375 : i32
    %jit3A_2398 = arith.constant 192 : i32
    %eq3A_2399 = arith.constant 0 : i32
    %eq3A_2400 = arith.cmpi eq, %jit3A_2398, %eq3A_2399 : i32
    %jit3A_2401 = arith.constant 1 : i32
    %select_n3A_2402 = arith.select %eq3A_2400, %jit3A_2401, %jit3A_2398 : i32
    %rem3A_2403 = arith.remsi %add3A_2373, %select_n3A_2402 : i32
    %ne3A_2404 = arith.constant 0 : i32
    %ne3A_2405 = arith.cmpi ne, %rem3A_2403, %ne3A_2404 : i32
    %lt3A_2406 = arith.constant 0 : i32
    %lt3A_2407 = arith.cmpi slt, %rem3A_2403, %lt3A_2406 : i32
    %lt3A_2408 = arith.constant 0 : i32
    %lt3A_2409 = arith.cmpi slt, %select_n3A_2402, %lt3A_2408 : i32
    %ne3A_2410 = arith.xori %lt3A_2407, %lt3A_2409 : i1
    %and3A_2411 = arith.andi %ne3A_2410, %ne3A_2405 : i1
    %add3A_2412 = arith.addi %rem3A_2403, %select_n3A_2402 : i32
    %select_n3A_2413 = arith.select %and3A_2411, %add3A_2412, %rem3A_2403 : i32
    %jit3A_2414 = arith.constant 4 : i32
    %div3A_2415 = arith.divsi %select_n3A_2413, %jit3A_2414 : i32
    %sign3A_2416 = arith.constant 0 : i32
    %sign3A_2417 = arith.cmpi sgt, %select_n3A_2413, %sign3A_2416 : i32
    %sign3A_2418 = arith.extui %sign3A_2417 : i1 to i32
    %sign3A_2419 = arith.constant 0 : i32
    %sign3A_2420 = arith.cmpi slt, %select_n3A_2413, %sign3A_2419 : i32
    %sign3A_2421 = arith.extui %sign3A_2420 : i1 to i32
    %sign3A_2422 = arith.subi %sign3A_2418, %sign3A_2421 : i32
    %sign3A_2423 = arith.constant 0 : i32
    %sign3A_2424 = arith.cmpi sgt, %jit3A_2414, %sign3A_2423 : i32
    %sign3A_2425 = arith.extui %sign3A_2424 : i1 to i32
    %sign3A_2426 = arith.constant 0 : i32
    %sign3A_2427 = arith.cmpi slt, %jit3A_2414, %sign3A_2426 : i32
    %sign3A_2428 = arith.extui %sign3A_2427 : i1 to i32
    %sign3A_2429 = arith.subi %sign3A_2425, %sign3A_2428 : i32
    %ne3A_2430 = arith.cmpi ne, %sign3A_2422, %sign3A_2429 : i32
    %rem3A_2431 = arith.remsi %select_n3A_2413, %jit3A_2414 : i32
    %ne3A_2432 = arith.constant 0 : i32
    %ne3A_2433 = arith.cmpi ne, %rem3A_2431, %ne3A_2432 : i32
    %and3A_2434 = arith.andi %ne3A_2430, %ne3A_2433 : i1
    %sub3A_2435 = arith.constant 1 : i32
    %sub3A_2436 = arith.subi %div3A_2415, %sub3A_2435 : i32
    %select_n3A_2437 = arith.select %and3A_2434, %sub3A_2436, %div3A_2415 : i32
    %jit3A_2438 = arith.constant 4 : i32
    %eq3A_2439 = arith.constant 0 : i32
    %eq3A_2440 = arith.cmpi eq, %jit3A_2438, %eq3A_2439 : i32
    %jit3A_2441 = arith.constant 1 : i32
    %select_n3A_2442 = arith.select %eq3A_2440, %jit3A_2441, %jit3A_2438 : i32
    %rem3A_2443 = arith.remsi %select_n3A_2413, %select_n3A_2442 : i32
    %ne3A_2444 = arith.constant 0 : i32
    %ne3A_2445 = arith.cmpi ne, %rem3A_2443, %ne3A_2444 : i32
    %lt3A_2446 = arith.constant 0 : i32
    %lt3A_2447 = arith.cmpi slt, %rem3A_2443, %lt3A_2446 : i32
    %lt3A_2448 = arith.constant 0 : i32
    %lt3A_2449 = arith.cmpi slt, %select_n3A_2442, %lt3A_2448 : i32
    %ne3A_2450 = arith.xori %lt3A_2447, %lt3A_2449 : i1
    %and3A_2451 = arith.andi %ne3A_2450, %ne3A_2445 : i1
    %add3A_2452 = arith.addi %rem3A_2443, %select_n3A_2442 : i32
    %select_n3A_2453 = arith.select %and3A_2451, %add3A_2452, %rem3A_2443 : i32
    %mul3A_2454 = arith.constant 16 : i32
    %mul3A_2455 = arith.muli %select_n3A_2437, %mul3A_2454 : i32
    %mul3A_2456 = arith.constant 2048 : i32
    %mul3A_2457 = arith.muli %select_n3A_2453, %mul3A_2456 : i32
    %dma_start3A_2458 = tpu.memref_slice %arg3[%select_n3A_2397, %mul3A_2455, %mul3A_2457] : memref<4x768x8192xf32, #tpu.memory_space<hbm>> -> memref<1x16x2048xf32, #tpu.memory_space<hbm>>
    %dma_start3A_2459 = tpu.memref_squeeze %dma_start3A_2458 : memref<1x16x2048xf32, #tpu.memory_space<hbm>> -> memref<16x2048xf32, #tpu.memory_space<hbm>>
    %dma_start3A_2460 = tpu.memref_slice %arg3[%select_n3A_2397, %mul3A_2455, %mul3A_2457] : memref<4x768x8192xf32, #tpu.memory_space<hbm>> -> memref<1x16x2048xf32, #tpu.memory_space<hbm>>
    %dma_start3A_2461 = tpu.memref_squeeze %dma_start3A_2460 : memref<1x16x2048xf32, #tpu.memory_space<hbm>> -> memref<16x2048xf32, #tpu.memory_space<hbm>>
    tpu.enqueue_dma source(%arg12 : memref<16x2048xf32, #tpu.memory_space<vmem>>) target(%dma_start3A_2461 : memref<16x2048xf32, #tpu.memory_space<hbm>>) target_semaphore(%arg14 : memref<!tpu.dma_semaphore, #tpu.memory_space<semaphore_mem>>)
    %dma_wait3A_2462 = tpu.memref_slice %arg3[%select_n3A_2397, %mul3A_2455, %mul3A_2457] : memref<4x768x8192xf32, #tpu.memory_space<hbm>> -> memref<1x16x2048xf32, #tpu.memory_space<hbm>>
    %dma_wait3A_2463 = tpu.memref_squeeze %dma_wait3A_2462 : memref<1x16x2048xf32, #tpu.memory_space<hbm>> -> memref<16x2048xf32, #tpu.memory_space<hbm>>
    %dma_wait3A_2464 = tpu.memref_slice %arg3[%select_n3A_2397, %mul3A_2455, %mul3A_2457] : memref<4x768x8192xf32, #tpu.memory_space<hbm>> -> memref<1x16x2048xf32, #tpu.memory_space<hbm>>
    %dma_wait3A_2465 = tpu.memref_squeeze %dma_wait3A_2464 : memref<1x16x2048xf32, #tpu.memory_space<hbm>> -> memref<16x2048xf32, #tpu.memory_space<hbm>>
    tpu.wait_dma2 semaphore(%arg14 : memref<!tpu.dma_semaphore, #tpu.memory_space<semaphore_mem>>) src(%arg12 : memref<16x2048xf32, #tpu.memory_space<vmem>>) dst(%dma_wait3A_2465 : memref<16x2048xf32, #tpu.memory_space<hbm>>)
    %add3A_2466 = arith.constant 11 : i32
    %add3A_2467 = arith.addi %mul3A_2, %add3A_2466 : i32
    %jit3A_2468 = arith.constant 192 : i32
    %div3A_2469 = arith.divsi %add3A_2467, %jit3A_2468 : i32
    %sign3A_2470 = arith.constant 0 : i32
    %sign3A_2471 = arith.cmpi sgt, %add3A_2467, %sign3A_2470 : i32
    %sign3A_2472 = arith.extui %sign3A_2471 : i1 to i32
    %sign3A_2473 = arith.constant 0 : i32
    %sign3A_2474 = arith.cmpi slt, %add3A_2467, %sign3A_2473 : i32
    %sign3A_2475 = arith.extui %sign3A_2474 : i1 to i32
    %sign3A_2476 = arith.subi %sign3A_2472, %sign3A_2475 : i32
    %sign3A_2477 = arith.constant 0 : i32
    %sign3A_2478 = arith.cmpi sgt, %jit3A_2468, %sign3A_2477 : i32
    %sign3A_2479 = arith.extui %sign3A_2478 : i1 to i32
    %sign3A_2480 = arith.constant 0 : i32
    %sign3A_2481 = arith.cmpi slt, %jit3A_2468, %sign3A_2480 : i32
    %sign3A_2482 = arith.extui %sign3A_2481 : i1 to i32
    %sign3A_2483 = arith.subi %sign3A_2479, %sign3A_2482 : i32
    %ne3A_2484 = arith.cmpi ne, %sign3A_2476, %sign3A_2483 : i32
    %rem3A_2485 = arith.remsi %add3A_2467, %jit3A_2468 : i32
    %ne3A_2486 = arith.constant 0 : i32
    %ne3A_2487 = arith.cmpi ne, %rem3A_2485, %ne3A_2486 : i32
    %and3A_2488 = arith.andi %ne3A_2484, %ne3A_2487 : i1
    %sub3A_2489 = arith.constant 1 : i32
    %sub3A_2490 = arith.subi %div3A_2469, %sub3A_2489 : i32
    %select_n3A_2491 = arith.select %and3A_2488, %sub3A_2490, %div3A_2469 : i32
    %jit3A_2492 = arith.constant 192 : i32
    %eq3A_2493 = arith.constant 0 : i32
    %eq3A_2494 = arith.cmpi eq, %jit3A_2492, %eq3A_2493 : i32
    %jit3A_2495 = arith.constant 1 : i32
    %select_n3A_2496 = arith.select %eq3A_2494, %jit3A_2495, %jit3A_2492 : i32
    %rem3A_2497 = arith.remsi %add3A_2467, %select_n3A_2496 : i32
    %ne3A_2498 = arith.constant 0 : i32
    %ne3A_2499 = arith.cmpi ne, %rem3A_2497, %ne3A_2498 : i32
    %lt3A_2500 = arith.constant 0 : i32
    %lt3A_2501 = arith.cmpi slt, %rem3A_2497, %lt3A_2500 : i32
    %lt3A_2502 = arith.constant 0 : i32
    %lt3A_2503 = arith.cmpi slt, %select_n3A_2496, %lt3A_2502 : i32
    %ne3A_2504 = arith.xori %lt3A_2501, %lt3A_2503 : i1
    %and3A_2505 = arith.andi %ne3A_2504, %ne3A_2499 : i1
    %add3A_2506 = arith.addi %rem3A_2497, %select_n3A_2496 : i32
    %select_n3A_2507 = arith.select %and3A_2505, %add3A_2506, %rem3A_2497 : i32
    %jit3A_2508 = arith.constant 4 : i32
    %div3A_2509 = arith.divsi %select_n3A_2507, %jit3A_2508 : i32
    %sign3A_2510 = arith.constant 0 : i32
    %sign3A_2511 = arith.cmpi sgt, %select_n3A_2507, %sign3A_2510 : i32
    %sign3A_2512 = arith.extui %sign3A_2511 : i1 to i32
    %sign3A_2513 = arith.constant 0 : i32
    %sign3A_2514 = arith.cmpi slt, %select_n3A_2507, %sign3A_2513 : i32
    %sign3A_2515 = arith.extui %sign3A_2514 : i1 to i32
    %sign3A_2516 = arith.subi %sign3A_2512, %sign3A_2515 : i32
    %sign3A_2517 = arith.constant 0 : i32
    %sign3A_2518 = arith.cmpi sgt, %jit3A_2508, %sign3A_2517 : i32
    %sign3A_2519 = arith.extui %sign3A_2518 : i1 to i32
    %sign3A_2520 = arith.constant 0 : i32
    %sign3A_2521 = arith.cmpi slt, %jit3A_2508, %sign3A_2520 : i32
    %sign3A_2522 = arith.extui %sign3A_2521 : i1 to i32
    %sign3A_2523 = arith.subi %sign3A_2519, %sign3A_2522 : i32
    %ne3A_2524 = arith.cmpi ne, %sign3A_2516, %sign3A_2523 : i32
    %rem3A_2525 = arith.remsi %select_n3A_2507, %jit3A_2508 : i32
    %ne3A_2526 = arith.constant 0 : i32
    %ne3A_2527 = arith.cmpi ne, %rem3A_2525, %ne3A_2526 : i32
    %and3A_2528 = arith.andi %ne3A_2524, %ne3A_2527 : i1
    %sub3A_2529 = arith.constant 1 : i32
    %sub3A_2530 = arith.subi %div3A_2509, %sub3A_2529 : i32
    %select_n3A_2531 = arith.select %and3A_2528, %sub3A_2530, %div3A_2509 : i32
    %jit3A_2532 = arith.constant 4 : i32
    %eq3A_2533 = arith.constant 0 : i32
    %eq3A_2534 = arith.cmpi eq, %jit3A_2532, %eq3A_2533 : i32
    %jit3A_2535 = arith.constant 1 : i32
    %select_n3A_2536 = arith.select %eq3A_2534, %jit3A_2535, %jit3A_2532 : i32
    %rem3A_2537 = arith.remsi %select_n3A_2507, %select_n3A_2536 : i32
    %ne3A_2538 = arith.constant 0 : i32
    %ne3A_2539 = arith.cmpi ne, %rem3A_2537, %ne3A_2538 : i32
    %lt3A_2540 = arith.constant 0 : i32
    %lt3A_2541 = arith.cmpi slt, %rem3A_2537, %lt3A_2540 : i32
    %lt3A_2542 = arith.constant 0 : i32
    %lt3A_2543 = arith.cmpi slt, %select_n3A_2536, %lt3A_2542 : i32
    %ne3A_2544 = arith.xori %lt3A_2541, %lt3A_2543 : i1
    %and3A_2545 = arith.andi %ne3A_2544, %ne3A_2539 : i1
    %add3A_2546 = arith.addi %rem3A_2537, %select_n3A_2536 : i32
    %select_n3A_2547 = arith.select %and3A_2545, %add3A_2546, %rem3A_2537 : i32
    %mul3A_2548 = arith.constant 16 : i32
    %mul3A_2549 = arith.muli %select_n3A_2531, %mul3A_2548 : i32
    %mul3A_2550 = arith.constant 2048 : i32
    %mul3A_2551 = arith.muli %select_n3A_2547, %mul3A_2550 : i32
    %dma_start3A_2552 = arith.constant 0 : i32
    %dma_start3A_2553 = tpu.memref_slice %arg2[%select_n3A_2491, %dma_start3A_2552, %mul3A_2551] : memref<4x768x8192xf32, #tpu.memory_space<hbm>> -> memref<1x768x2048xf32, #tpu.memory_space<hbm>>
    %dma_start3A_2554 = tpu.memref_squeeze %dma_start3A_2553 : memref<1x768x2048xf32, #tpu.memory_space<hbm>> -> memref<768x2048xf32, #tpu.memory_space<hbm>>
    %dma_start3A_2555 = arith.constant 0 : i32
    %dma_start3A_2556 = arith.constant 0 : i32
    %dma_start3A_2557 = tpu.memref_slice %dma_start3A_2554[%dma_start3A_2555, %dma_start3A_2556] : memref<768x2048xf32, #tpu.memory_space<hbm>> -> memref<768x2048xf32, #tpu.memory_space<hbm>>
    tpu.enqueue_indirect_dma source(%dma_start3A_2557 : memref<768x2048xf32, #tpu.memory_space<hbm>>) target(%arg12 : memref<16x2048xf32, #tpu.memory_space<vmem>>) offsets(%arg6 : memref<16xi32, #tpu.memory_space<vmem>>) semaphore(%arg13 : memref<!tpu.dma_semaphore, #tpu.memory_space<semaphore_mem>>)
    %dma_wait3A_2558 = arith.constant 0 : i32
    %dma_wait3A_2559 = tpu.memref_slice %arg2[%select_n3A_2107, %dma_wait3A_2558, %mul3A_2167] : memref<4x768x8192xf32, #tpu.memory_space<hbm>> -> memref<1x768x2048xf32, #tpu.memory_space<hbm>>
    %dma_wait3A_2560 = tpu.memref_squeeze %dma_wait3A_2559 : memref<1x768x2048xf32, #tpu.memory_space<hbm>> -> memref<768x2048xf32, #tpu.memory_space<hbm>>
    %dma_wait3A_2561 = arith.constant 0 : i32
    %dma_wait3A_2562 = arith.constant 0 : i32
    %dma_wait3A_2563 = tpu.memref_slice %dma_wait3A_2560[%dma_wait3A_2561, %dma_wait3A_2562] : memref<768x2048xf32, #tpu.memory_space<hbm>> -> memref<768x2048xf32, #tpu.memory_space<hbm>>
    tpu.wait_indirect_dma semaphore(%arg13 : memref<!tpu.dma_semaphore, #tpu.memory_space<semaphore_mem>>) src(%dma_wait3A_2563 : memref<768x2048xf32, #tpu.memory_space<hbm>>) dst(%arg10 : memref<16x2048xf32, #tpu.memory_space<vmem>>)
    %add3A_2564 = arith.constant 9 : i32
    %add3A_2565 = arith.addi %mul3A_2, %add3A_2564 : i32
    %jit3A_2566 = arith.constant 192 : i32
    %div3A_2567 = arith.divsi %add3A_2565, %jit3A_2566 : i32
    %sign3A_2568 = arith.constant 0 : i32
    %sign3A_2569 = arith.cmpi sgt, %add3A_2565, %sign3A_2568 : i32
    %sign3A_2570 = arith.extui %sign3A_2569 : i1 to i32
    %sign3A_2571 = arith.constant 0 : i32
    %sign3A_2572 = arith.cmpi slt, %add3A_2565, %sign3A_2571 : i32
    %sign3A_2573 = arith.extui %sign3A_2572 : i1 to i32
    %sign3A_2574 = arith.subi %sign3A_2570, %sign3A_2573 : i32
    %sign3A_2575 = arith.constant 0 : i32
    %sign3A_2576 = arith.cmpi sgt, %jit3A_2566, %sign3A_2575 : i32
    %sign3A_2577 = arith.extui %sign3A_2576 : i1 to i32
    %sign3A_2578 = arith.constant 0 : i32
    %sign3A_2579 = arith.cmpi slt, %jit3A_2566, %sign3A_2578 : i32
    %sign3A_2580 = arith.extui %sign3A_2579 : i1 to i32
    %sign3A_2581 = arith.subi %sign3A_2577, %sign3A_2580 : i32
    %ne3A_2582 = arith.cmpi ne, %sign3A_2574, %sign3A_2581 : i32
    %rem3A_2583 = arith.remsi %add3A_2565, %jit3A_2566 : i32
    %ne3A_2584 = arith.constant 0 : i32
    %ne3A_2585 = arith.cmpi ne, %rem3A_2583, %ne3A_2584 : i32
    %and3A_2586 = arith.andi %ne3A_2582, %ne3A_2585 : i1
    %sub3A_2587 = arith.constant 1 : i32
    %sub3A_2588 = arith.subi %div3A_2567, %sub3A_2587 : i32
    %select_n3A_2589 = arith.select %and3A_2586, %sub3A_2588, %div3A_2567 : i32
    %jit3A_2590 = arith.constant 192 : i32
    %eq3A_2591 = arith.constant 0 : i32
    %eq3A_2592 = arith.cmpi eq, %jit3A_2590, %eq3A_2591 : i32
    %jit3A_2593 = arith.constant 1 : i32
    %select_n3A_2594 = arith.select %eq3A_2592, %jit3A_2593, %jit3A_2590 : i32
    %rem3A_2595 = arith.remsi %add3A_2565, %select_n3A_2594 : i32
    %ne3A_2596 = arith.constant 0 : i32
    %ne3A_2597 = arith.cmpi ne, %rem3A_2595, %ne3A_2596 : i32
    %lt3A_2598 = arith.constant 0 : i32
    %lt3A_2599 = arith.cmpi slt, %rem3A_2595, %lt3A_2598 : i32
    %lt3A_2600 = arith.constant 0 : i32
    %lt3A_2601 = arith.cmpi slt, %select_n3A_2594, %lt3A_2600 : i32
    %ne3A_2602 = arith.xori %lt3A_2599, %lt3A_2601 : i1
    %and3A_2603 = arith.andi %ne3A_2602, %ne3A_2597 : i1
    %add3A_2604 = arith.addi %rem3A_2595, %select_n3A_2594 : i32
    %select_n3A_2605 = arith.select %and3A_2603, %add3A_2604, %rem3A_2595 : i32
    %jit3A_2606 = arith.constant 4 : i32
    %div3A_2607 = arith.divsi %select_n3A_2605, %jit3A_2606 : i32
    %sign3A_2608 = arith.constant 0 : i32
    %sign3A_2609 = arith.cmpi sgt, %select_n3A_2605, %sign3A_2608 : i32
    %sign3A_2610 = arith.extui %sign3A_2609 : i1 to i32
    %sign3A_2611 = arith.constant 0 : i32
    %sign3A_2612 = arith.cmpi slt, %select_n3A_2605, %sign3A_2611 : i32
    %sign3A_2613 = arith.extui %sign3A_2612 : i1 to i32
    %sign3A_2614 = arith.subi %sign3A_2610, %sign3A_2613 : i32
    %sign3A_2615 = arith.constant 0 : i32
    %sign3A_2616 = arith.cmpi sgt, %jit3A_2606, %sign3A_2615 : i32
    %sign3A_2617 = arith.extui %sign3A_2616 : i1 to i32
    %sign3A_2618 = arith.constant 0 : i32
    %sign3A_2619 = arith.cmpi slt, %jit3A_2606, %sign3A_2618 : i32
    %sign3A_2620 = arith.extui %sign3A_2619 : i1 to i32
    %sign3A_2621 = arith.subi %sign3A_2617, %sign3A_2620 : i32
    %ne3A_2622 = arith.cmpi ne, %sign3A_2614, %sign3A_2621 : i32
    %rem3A_2623 = arith.remsi %select_n3A_2605, %jit3A_2606 : i32
    %ne3A_2624 = arith.constant 0 : i32
    %ne3A_2625 = arith.cmpi ne, %rem3A_2623, %ne3A_2624 : i32
    %and3A_2626 = arith.andi %ne3A_2622, %ne3A_2625 : i1
    %sub3A_2627 = arith.constant 1 : i32
    %sub3A_2628 = arith.subi %div3A_2607, %sub3A_2627 : i32
    %select_n3A_2629 = arith.select %and3A_2626, %sub3A_2628, %div3A_2607 : i32
    %jit3A_2630 = arith.constant 4 : i32
    %eq3A_2631 = arith.constant 0 : i32
    %eq3A_2632 = arith.cmpi eq, %jit3A_2630, %eq3A_2631 : i32
    %jit3A_2633 = arith.constant 1 : i32
    %select_n3A_2634 = arith.select %eq3A_2632, %jit3A_2633, %jit3A_2630 : i32
    %rem3A_2635 = arith.remsi %select_n3A_2605, %select_n3A_2634 : i32
    %ne3A_2636 = arith.constant 0 : i32
    %ne3A_2637 = arith.cmpi ne, %rem3A_2635, %ne3A_2636 : i32
    %lt3A_2638 = arith.constant 0 : i32
    %lt3A_2639 = arith.cmpi slt, %rem3A_2635, %lt3A_2638 : i32
    %lt3A_2640 = arith.constant 0 : i32
    %lt3A_2641 = arith.cmpi slt, %select_n3A_2634, %lt3A_2640 : i32
    %ne3A_2642 = arith.xori %lt3A_2639, %lt3A_2641 : i1
    %and3A_2643 = arith.andi %ne3A_2642, %ne3A_2637 : i1
    %add3A_2644 = arith.addi %rem3A_2635, %select_n3A_2634 : i32
    %select_n3A_2645 = arith.select %and3A_2643, %add3A_2644, %rem3A_2635 : i32
    %mul3A_2646 = arith.constant 16 : i32
    %mul3A_2647 = arith.muli %select_n3A_2629, %mul3A_2646 : i32
    %mul3A_2648 = arith.constant 2048 : i32
    %mul3A_2649 = arith.muli %select_n3A_2645, %mul3A_2648 : i32
    %dma_start3A_2650 = tpu.memref_slice %arg3[%select_n3A_2589, %mul3A_2647, %mul3A_2649] : memref<4x768x8192xf32, #tpu.memory_space<hbm>> -> memref<1x16x2048xf32, #tpu.memory_space<hbm>>
    %dma_start3A_2651 = tpu.memref_squeeze %dma_start3A_2650 : memref<1x16x2048xf32, #tpu.memory_space<hbm>> -> memref<16x2048xf32, #tpu.memory_space<hbm>>
    %dma_start3A_2652 = tpu.memref_slice %arg3[%select_n3A_2589, %mul3A_2647, %mul3A_2649] : memref<4x768x8192xf32, #tpu.memory_space<hbm>> -> memref<1x16x2048xf32, #tpu.memory_space<hbm>>
    %dma_start3A_2653 = tpu.memref_squeeze %dma_start3A_2652 : memref<1x16x2048xf32, #tpu.memory_space<hbm>> -> memref<16x2048xf32, #tpu.memory_space<hbm>>
    tpu.enqueue_dma source(%arg10 : memref<16x2048xf32, #tpu.memory_space<vmem>>) target(%dma_start3A_2653 : memref<16x2048xf32, #tpu.memory_space<hbm>>) target_semaphore(%arg14 : memref<!tpu.dma_semaphore, #tpu.memory_space<semaphore_mem>>)
    %dma_wait3A_2654 = tpu.memref_slice %arg3[%select_n3A_2589, %mul3A_2647, %mul3A_2649] : memref<4x768x8192xf32, #tpu.memory_space<hbm>> -> memref<1x16x2048xf32, #tpu.memory_space<hbm>>
    %dma_wait3A_2655 = tpu.memref_squeeze %dma_wait3A_2654 : memref<1x16x2048xf32, #tpu.memory_space<hbm>> -> memref<16x2048xf32, #tpu.memory_space<hbm>>
    %dma_wait3A_2656 = tpu.memref_slice %arg3[%select_n3A_2589, %mul3A_2647, %mul3A_2649] : memref<4x768x8192xf32, #tpu.memory_space<hbm>> -> memref<1x16x2048xf32, #tpu.memory_space<hbm>>
    %dma_wait3A_2657 = tpu.memref_squeeze %dma_wait3A_2656 : memref<1x16x2048xf32, #tpu.memory_space<hbm>> -> memref<16x2048xf32, #tpu.memory_space<hbm>>
    tpu.wait_dma2 semaphore(%arg14 : memref<!tpu.dma_semaphore, #tpu.memory_space<semaphore_mem>>) src(%arg10 : memref<16x2048xf32, #tpu.memory_space<vmem>>) dst(%dma_wait3A_2657 : memref<16x2048xf32, #tpu.memory_space<hbm>>)
    %add3A_2658 = arith.constant 12 : i32
    %add3A_2659 = arith.addi %mul3A_2, %add3A_2658 : i32
    %jit3A_2660 = arith.constant 192 : i32
    %div3A_2661 = arith.divsi %add3A_2659, %jit3A_2660 : i32
    %sign3A_2662 = arith.constant 0 : i32
    %sign3A_2663 = arith.cmpi sgt, %add3A_2659, %sign3A_2662 : i32
    %sign3A_2664 = arith.extui %sign3A_2663 : i1 to i32
    %sign3A_2665 = arith.constant 0 : i32
    %sign3A_2666 = arith.cmpi slt, %add3A_2659, %sign3A_2665 : i32
    %sign3A_2667 = arith.extui %sign3A_2666 : i1 to i32
    %sign3A_2668 = arith.subi %sign3A_2664, %sign3A_2667 : i32
    %sign3A_2669 = arith.constant 0 : i32
    %sign3A_2670 = arith.cmpi sgt, %jit3A_2660, %sign3A_2669 : i32
    %sign3A_2671 = arith.extui %sign3A_2670 : i1 to i32
    %sign3A_2672 = arith.constant 0 : i32
    %sign3A_2673 = arith.cmpi slt, %jit3A_2660, %sign3A_2672 : i32
    %sign3A_2674 = arith.extui %sign3A_2673 : i1 to i32
    %sign3A_2675 = arith.subi %sign3A_2671, %sign3A_2674 : i32
    %ne3A_2676 = arith.cmpi ne, %sign3A_2668, %sign3A_2675 : i32
    %rem3A_2677 = arith.remsi %add3A_2659, %jit3A_2660 : i32
    %ne3A_2678 = arith.constant 0 : i32
    %ne3A_2679 = arith.cmpi ne, %rem3A_2677, %ne3A_2678 : i32
    %and3A_2680 = arith.andi %ne3A_2676, %ne3A_2679 : i1
    %sub3A_2681 = arith.constant 1 : i32
    %sub3A_2682 = arith.subi %div3A_2661, %sub3A_2681 : i32
    %select_n3A_2683 = arith.select %and3A_2680, %sub3A_2682, %div3A_2661 : i32
    %jit3A_2684 = arith.constant 192 : i32
    %eq3A_2685 = arith.constant 0 : i32
    %eq3A_2686 = arith.cmpi eq, %jit3A_2684, %eq3A_2685 : i32
    %jit3A_2687 = arith.constant 1 : i32
    %select_n3A_2688 = arith.select %eq3A_2686, %jit3A_2687, %jit3A_2684 : i32
    %rem3A_2689 = arith.remsi %add3A_2659, %select_n3A_2688 : i32
    %ne3A_2690 = arith.constant 0 : i32
    %ne3A_2691 = arith.cmpi ne, %rem3A_2689, %ne3A_2690 : i32
    %lt3A_2692 = arith.constant 0 : i32
    %lt3A_2693 = arith.cmpi slt, %rem3A_2689, %lt3A_2692 : i32
    %lt3A_2694 = arith.constant 0 : i32
    %lt3A_2695 = arith.cmpi slt, %select_n3A_2688, %lt3A_2694 : i32
    %ne3A_2696 = arith.xori %lt3A_2693, %lt3A_2695 : i1
    %and3A_2697 = arith.andi %ne3A_2696, %ne3A_2691 : i1
    %add3A_2698 = arith.addi %rem3A_2689, %select_n3A_2688 : i32
    %select_n3A_2699 = arith.select %and3A_2697, %add3A_2698, %rem3A_2689 : i32
    %jit3A_2700 = arith.constant 4 : i32
    %div3A_2701 = arith.divsi %select_n3A_2699, %jit3A_2700 : i32
    %sign3A_2702 = arith.constant 0 : i32
    %sign3A_2703 = arith.cmpi sgt, %select_n3A_2699, %sign3A_2702 : i32
    %sign3A_2704 = arith.extui %sign3A_2703 : i1 to i32
    %sign3A_2705 = arith.constant 0 : i32
    %sign3A_2706 = arith.cmpi slt, %select_n3A_2699, %sign3A_2705 : i32
    %sign3A_2707 = arith.extui %sign3A_2706 : i1 to i32
    %sign3A_2708 = arith.subi %sign3A_2704, %sign3A_2707 : i32
    %sign3A_2709 = arith.constant 0 : i32
    %sign3A_2710 = arith.cmpi sgt, %jit3A_2700, %sign3A_2709 : i32
    %sign3A_2711 = arith.extui %sign3A_2710 : i1 to i32
    %sign3A_2712 = arith.constant 0 : i32
    %sign3A_2713 = arith.cmpi slt, %jit3A_2700, %sign3A_2712 : i32
    %sign3A_2714 = arith.extui %sign3A_2713 : i1 to i32
    %sign3A_2715 = arith.subi %sign3A_2711, %sign3A_2714 : i32
    %ne3A_2716 = arith.cmpi ne, %sign3A_2708, %sign3A_2715 : i32
    %rem3A_2717 = arith.remsi %select_n3A_2699, %jit3A_2700 : i32
    %ne3A_2718 = arith.constant 0 : i32
    %ne3A_2719 = arith.cmpi ne, %rem3A_2717, %ne3A_2718 : i32
    %and3A_2720 = arith.andi %ne3A_2716, %ne3A_2719 : i1
    %sub3A_2721 = arith.constant 1 : i32
    %sub3A_2722 = arith.subi %div3A_2701, %sub3A_2721 : i32
    %select_n3A_2723 = arith.select %and3A_2720, %sub3A_2722, %div3A_2701 : i32
    %jit3A_2724 = arith.constant 4 : i32
    %eq3A_2725 = arith.constant 0 : i32
    %eq3A_2726 = arith.cmpi eq, %jit3A_2724, %eq3A_2725 : i32
    %jit3A_2727 = arith.constant 1 : i32
    %select_n3A_2728 = arith.select %eq3A_2726, %jit3A_2727, %jit3A_2724 : i32
    %rem3A_2729 = arith.remsi %select_n3A_2699, %select_n3A_2728 : i32
    %ne3A_2730 = arith.constant 0 : i32
    %ne3A_2731 = arith.cmpi ne, %rem3A_2729, %ne3A_2730 : i32
    %lt3A_2732 = arith.constant 0 : i32
    %lt3A_2733 = arith.cmpi slt, %rem3A_2729, %lt3A_2732 : i32
    %lt3A_2734 = arith.constant 0 : i32
    %lt3A_2735 = arith.cmpi slt, %select_n3A_2728, %lt3A_2734 : i32
    %ne3A_2736 = arith.xori %lt3A_2733, %lt3A_2735 : i1
    %and3A_2737 = arith.andi %ne3A_2736, %ne3A_2731 : i1
    %add3A_2738 = arith.addi %rem3A_2729, %select_n3A_2728 : i32
    %select_n3A_2739 = arith.select %and3A_2737, %add3A_2738, %rem3A_2729 : i32
    %mul3A_2740 = arith.constant 16 : i32
    %mul3A_2741 = arith.muli %select_n3A_2723, %mul3A_2740 : i32
    %mul3A_2742 = arith.constant 2048 : i32
    %mul3A_2743 = arith.muli %select_n3A_2739, %mul3A_2742 : i32
    %dma_start3A_2744 = arith.constant 0 : i32
    %dma_start3A_2745 = tpu.memref_slice %arg2[%select_n3A_2683, %dma_start3A_2744, %mul3A_2743] : memref<4x768x8192xf32, #tpu.memory_space<hbm>> -> memref<1x768x2048xf32, #tpu.memory_space<hbm>>
    %dma_start3A_2746 = tpu.memref_squeeze %dma_start3A_2745 : memref<1x768x2048xf32, #tpu.memory_space<hbm>> -> memref<768x2048xf32, #tpu.memory_space<hbm>>
    %dma_start3A_2747 = arith.constant 0 : i32
    %dma_start3A_2748 = arith.constant 0 : i32
    %dma_start3A_2749 = tpu.memref_slice %dma_start3A_2746[%dma_start3A_2747, %dma_start3A_2748] : memref<768x2048xf32, #tpu.memory_space<hbm>> -> memref<768x2048xf32, #tpu.memory_space<hbm>>
    tpu.enqueue_indirect_dma source(%dma_start3A_2749 : memref<768x2048xf32, #tpu.memory_space<hbm>>) target(%arg10 : memref<16x2048xf32, #tpu.memory_space<vmem>>) offsets(%arg7 : memref<16xi32, #tpu.memory_space<vmem>>) semaphore(%arg13 : memref<!tpu.dma_semaphore, #tpu.memory_space<semaphore_mem>>)
    %dma_wait3A_2750 = arith.constant 0 : i32
    %dma_wait3A_2751 = tpu.memref_slice %arg2[%select_n3A_2299, %dma_wait3A_2750, %mul3A_2359] : memref<4x768x8192xf32, #tpu.memory_space<hbm>> -> memref<1x768x2048xf32, #tpu.memory_space<hbm>>
    %dma_wait3A_2752 = tpu.memref_squeeze %dma_wait3A_2751 : memref<1x768x2048xf32, #tpu.memory_space<hbm>> -> memref<768x2048xf32, #tpu.memory_space<hbm>>
    %dma_wait3A_2753 = arith.constant 0 : i32
    %dma_wait3A_2754 = arith.constant 0 : i32
    %dma_wait3A_2755 = tpu.memref_slice %dma_wait3A_2752[%dma_wait3A_2753, %dma_wait3A_2754] : memref<768x2048xf32, #tpu.memory_space<hbm>> -> memref<768x2048xf32, #tpu.memory_space<hbm>>
    tpu.wait_indirect_dma semaphore(%arg13 : memref<!tpu.dma_semaphore, #tpu.memory_space<semaphore_mem>>) src(%dma_wait3A_2755 : memref<768x2048xf32, #tpu.memory_space<hbm>>) dst(%arg11 : memref<16x2048xf32, #tpu.memory_space<vmem>>)
    %add3A_2756 = arith.constant 10 : i32
    %add3A_2757 = arith.addi %mul3A_2, %add3A_2756 : i32
    %jit3A_2758 = arith.constant 192 : i32
    %div3A_2759 = arith.divsi %add3A_2757, %jit3A_2758 : i32
    %sign3A_2760 = arith.constant 0 : i32
    %sign3A_2761 = arith.cmpi sgt, %add3A_2757, %sign3A_2760 : i32
    %sign3A_2762 = arith.extui %sign3A_2761 : i1 to i32
    %sign3A_2763 = arith.constant 0 : i32
    %sign3A_2764 = arith.cmpi slt, %add3A_2757, %sign3A_2763 : i32
    %sign3A_2765 = arith.extui %sign3A_2764 : i1 to i32
    %sign3A_2766 = arith.subi %sign3A_2762, %sign3A_2765 : i32
    %sign3A_2767 = arith.constant 0 : i32
    %sign3A_2768 = arith.cmpi sgt, %jit3A_2758, %sign3A_2767 : i32
    %sign3A_2769 = arith.extui %sign3A_2768 : i1 to i32
    %sign3A_2770 = arith.constant 0 : i32
    %sign3A_2771 = arith.cmpi slt, %jit3A_2758, %sign3A_2770 : i32
    %sign3A_2772 = arith.extui %sign3A_2771 : i1 to i32
    %sign3A_2773 = arith.subi %sign3A_2769, %sign3A_2772 : i32
    %ne3A_2774 = arith.cmpi ne, %sign3A_2766, %sign3A_2773 : i32
    %rem3A_2775 = arith.remsi %add3A_2757, %jit3A_2758 : i32
    %ne3A_2776 = arith.constant 0 : i32
    %ne3A_2777 = arith.cmpi ne, %rem3A_2775, %ne3A_2776 : i32
    %and3A_2778 = arith.andi %ne3A_2774, %ne3A_2777 : i1
    %sub3A_2779 = arith.constant 1 : i32
    %sub3A_2780 = arith.subi %div3A_2759, %sub3A_2779 : i32
    %select_n3A_2781 = arith.select %and3A_2778, %sub3A_2780, %div3A_2759 : i32
    %jit3A_2782 = arith.constant 192 : i32
    %eq3A_2783 = arith.constant 0 : i32
    %eq3A_2784 = arith.cmpi eq, %jit3A_2782, %eq3A_2783 : i32
    %jit3A_2785 = arith.constant 1 : i32
    %select_n3A_2786 = arith.select %eq3A_2784, %jit3A_2785, %jit3A_2782 : i32
    %rem3A_2787 = arith.remsi %add3A_2757, %select_n3A_2786 : i32
    %ne3A_2788 = arith.constant 0 : i32
    %ne3A_2789 = arith.cmpi ne, %rem3A_2787, %ne3A_2788 : i32
    %lt3A_2790 = arith.constant 0 : i32
    %lt3A_2791 = arith.cmpi slt, %rem3A_2787, %lt3A_2790 : i32
    %lt3A_2792 = arith.constant 0 : i32
    %lt3A_2793 = arith.cmpi slt, %select_n3A_2786, %lt3A_2792 : i32
    %ne3A_2794 = arith.xori %lt3A_2791, %lt3A_2793 : i1
    %and3A_2795 = arith.andi %ne3A_2794, %ne3A_2789 : i1
    %add3A_2796 = arith.addi %rem3A_2787, %select_n3A_2786 : i32
    %select_n3A_2797 = arith.select %and3A_2795, %add3A_2796, %rem3A_2787 : i32
    %jit3A_2798 = arith.constant 4 : i32
    %div3A_2799 = arith.divsi %select_n3A_2797, %jit3A_2798 : i32
    %sign3A_2800 = arith.constant 0 : i32
    %sign3A_2801 = arith.cmpi sgt, %select_n3A_2797, %sign3A_2800 : i32
    %sign3A_2802 = arith.extui %sign3A_2801 : i1 to i32
    %sign3A_2803 = arith.constant 0 : i32
    %sign3A_2804 = arith.cmpi slt, %select_n3A_2797, %sign3A_2803 : i32
    %sign3A_2805 = arith.extui %sign3A_2804 : i1 to i32
    %sign3A_2806 = arith.subi %sign3A_2802, %sign3A_2805 : i32
    %sign3A_2807 = arith.constant 0 : i32
    %sign3A_2808 = arith.cmpi sgt, %jit3A_2798, %sign3A_2807 : i32
    %sign3A_2809 = arith.extui %sign3A_2808 : i1 to i32
    %sign3A_2810 = arith.constant 0 : i32
    %sign3A_2811 = arith.cmpi slt, %jit3A_2798, %sign3A_2810 : i32
    %sign3A_2812 = arith.extui %sign3A_2811 : i1 to i32
    %sign3A_2813 = arith.subi %sign3A_2809, %sign3A_2812 : i32
    %ne3A_2814 = arith.cmpi ne, %sign3A_2806, %sign3A_2813 : i32
    %rem3A_2815 = arith.remsi %select_n3A_2797, %jit3A_2798 : i32
    %ne3A_2816 = arith.constant 0 : i32
    %ne3A_2817 = arith.cmpi ne, %rem3A_2815, %ne3A_2816 : i32
    %and3A_2818 = arith.andi %ne3A_2814, %ne3A_2817 : i1
    %sub3A_2819 = arith.constant 1 : i32
    %sub3A_2820 = arith.subi %div3A_2799, %sub3A_2819 : i32
    %select_n3A_2821 = arith.select %and3A_2818, %sub3A_2820, %div3A_2799 : i32
    %jit3A_2822 = arith.constant 4 : i32
    %eq3A_2823 = arith.constant 0 : i32
    %eq3A_2824 = arith.cmpi eq, %jit3A_2822, %eq3A_2823 : i32
    %jit3A_2825 = arith.constant 1 : i32
    %select_n3A_2826 = arith.select %eq3A_2824, %jit3A_2825, %jit3A_2822 : i32
    %rem3A_2827 = arith.remsi %select_n3A_2797, %select_n3A_2826 : i32
    %ne3A_2828 = arith.constant 0 : i32
    %ne3A_2829 = arith.cmpi ne, %rem3A_2827, %ne3A_2828 : i32
    %lt3A_2830 = arith.constant 0 : i32
    %lt3A_2831 = arith.cmpi slt, %rem3A_2827, %lt3A_2830 : i32
    %lt3A_2832 = arith.constant 0 : i32
    %lt3A_2833 = arith.cmpi slt, %select_n3A_2826, %lt3A_2832 : i32
    %ne3A_2834 = arith.xori %lt3A_2831, %lt3A_2833 : i1
    %and3A_2835 = arith.andi %ne3A_2834, %ne3A_2829 : i1
    %add3A_2836 = arith.addi %rem3A_2827, %select_n3A_2826 : i32
    %select_n3A_2837 = arith.select %and3A_2835, %add3A_2836, %rem3A_2827 : i32
    %mul3A_2838 = arith.constant 16 : i32
    %mul3A_2839 = arith.muli %select_n3A_2821, %mul3A_2838 : i32
    %mul3A_2840 = arith.constant 2048 : i32
    %mul3A_2841 = arith.muli %select_n3A_2837, %mul3A_2840 : i32
    %dma_start3A_2842 = tpu.memref_slice %arg3[%select_n3A_2781, %mul3A_2839, %mul3A_2841] : memref<4x768x8192xf32, #tpu.memory_space<hbm>> -> memref<1x16x2048xf32, #tpu.memory_space<hbm>>
    %dma_start3A_2843 = tpu.memref_squeeze %dma_start3A_2842 : memref<1x16x2048xf32, #tpu.memory_space<hbm>> -> memref<16x2048xf32, #tpu.memory_space<hbm>>
    %dma_start3A_2844 = tpu.memref_slice %arg3[%select_n3A_2781, %mul3A_2839, %mul3A_2841] : memref<4x768x8192xf32, #tpu.memory_space<hbm>> -> memref<1x16x2048xf32, #tpu.memory_space<hbm>>
    %dma_start3A_2845 = tpu.memref_squeeze %dma_start3A_2844 : memref<1x16x2048xf32, #tpu.memory_space<hbm>> -> memref<16x2048xf32, #tpu.memory_space<hbm>>
    tpu.enqueue_dma source(%arg11 : memref<16x2048xf32, #tpu.memory_space<vmem>>) target(%dma_start3A_2845 : memref<16x2048xf32, #tpu.memory_space<hbm>>) target_semaphore(%arg14 : memref<!tpu.dma_semaphore, #tpu.memory_space<semaphore_mem>>)
    %dma_wait3A_2846 = tpu.memref_slice %arg3[%select_n3A_2781, %mul3A_2839, %mul3A_2841] : memref<4x768x8192xf32, #tpu.memory_space<hbm>> -> memref<1x16x2048xf32, #tpu.memory_space<hbm>>
    %dma_wait3A_2847 = tpu.memref_squeeze %dma_wait3A_2846 : memref<1x16x2048xf32, #tpu.memory_space<hbm>> -> memref<16x2048xf32, #tpu.memory_space<hbm>>
    %dma_wait3A_2848 = tpu.memref_slice %arg3[%select_n3A_2781, %mul3A_2839, %mul3A_2841] : memref<4x768x8192xf32, #tpu.memory_space<hbm>> -> memref<1x16x2048xf32, #tpu.memory_space<hbm>>
    %dma_wait3A_2849 = tpu.memref_squeeze %dma_wait3A_2848 : memref<1x16x2048xf32, #tpu.memory_space<hbm>> -> memref<16x2048xf32, #tpu.memory_space<hbm>>
    tpu.wait_dma2 semaphore(%arg14 : memref<!tpu.dma_semaphore, #tpu.memory_space<semaphore_mem>>) src(%arg11 : memref<16x2048xf32, #tpu.memory_space<vmem>>) dst(%dma_wait3A_2849 : memref<16x2048xf32, #tpu.memory_space<hbm>>)
    %add3A_2850 = arith.constant 13 : i32
    %add3A_2851 = arith.addi %mul3A_2, %add3A_2850 : i32
    %jit3A_2852 = arith.constant 192 : i32
    %div3A_2853 = arith.divsi %add3A_2851, %jit3A_2852 : i32
    %sign3A_2854 = arith.constant 0 : i32
    %sign3A_2855 = arith.cmpi sgt, %add3A_2851, %sign3A_2854 : i32
    %sign3A_2856 = arith.extui %sign3A_2855 : i1 to i32
    %sign3A_2857 = arith.constant 0 : i32
    %sign3A_2858 = arith.cmpi slt, %add3A_2851, %sign3A_2857 : i32
    %sign3A_2859 = arith.extui %sign3A_2858 : i1 to i32
    %sign3A_2860 = arith.subi %sign3A_2856, %sign3A_2859 : i32
    %sign3A_2861 = arith.constant 0 : i32
    %sign3A_2862 = arith.cmpi sgt, %jit3A_2852, %sign3A_2861 : i32
    %sign3A_2863 = arith.extui %sign3A_2862 : i1 to i32
    %sign3A_2864 = arith.constant 0 : i32
    %sign3A_2865 = arith.cmpi slt, %jit3A_2852, %sign3A_2864 : i32
    %sign3A_2866 = arith.extui %sign3A_2865 : i1 to i32
    %sign3A_2867 = arith.subi %sign3A_2863, %sign3A_2866 : i32
    %ne3A_2868 = arith.cmpi ne, %sign3A_2860, %sign3A_2867 : i32
    %rem3A_2869 = arith.remsi %add3A_2851, %jit3A_2852 : i32
    %ne3A_2870 = arith.constant 0 : i32
    %ne3A_2871 = arith.cmpi ne, %rem3A_2869, %ne3A_2870 : i32
    %and3A_2872 = arith.andi %ne3A_2868, %ne3A_2871 : i1
    %sub3A_2873 = arith.constant 1 : i32
    %sub3A_2874 = arith.subi %div3A_2853, %sub3A_2873 : i32
    %select_n3A_2875 = arith.select %and3A_2872, %sub3A_2874, %div3A_2853 : i32
    %jit3A_2876 = arith.constant 192 : i32
    %eq3A_2877 = arith.constant 0 : i32
    %eq3A_2878 = arith.cmpi eq, %jit3A_2876, %eq3A_2877 : i32
    %jit3A_2879 = arith.constant 1 : i32
    %select_n3A_2880 = arith.select %eq3A_2878, %jit3A_2879, %jit3A_2876 : i32
    %rem3A_2881 = arith.remsi %add3A_2851, %select_n3A_2880 : i32
    %ne3A_2882 = arith.constant 0 : i32
    %ne3A_2883 = arith.cmpi ne, %rem3A_2881, %ne3A_2882 : i32
    %lt3A_2884 = arith.constant 0 : i32
    %lt3A_2885 = arith.cmpi slt, %rem3A_2881, %lt3A_2884 : i32
    %lt3A_2886 = arith.constant 0 : i32
    %lt3A_2887 = arith.cmpi slt, %select_n3A_2880, %lt3A_2886 : i32
    %ne3A_2888 = arith.xori %lt3A_2885, %lt3A_2887 : i1
    %and3A_2889 = arith.andi %ne3A_2888, %ne3A_2883 : i1
    %add3A_2890 = arith.addi %rem3A_2881, %select_n3A_2880 : i32
    %select_n3A_2891 = arith.select %and3A_2889, %add3A_2890, %rem3A_2881 : i32
    %jit3A_2892 = arith.constant 4 : i32
    %div3A_2893 = arith.divsi %select_n3A_2891, %jit3A_2892 : i32
    %sign3A_2894 = arith.constant 0 : i32
    %sign3A_2895 = arith.cmpi sgt, %select_n3A_2891, %sign3A_2894 : i32
    %sign3A_2896 = arith.extui %sign3A_2895 : i1 to i32
    %sign3A_2897 = arith.constant 0 : i32
    %sign3A_2898 = arith.cmpi slt, %select_n3A_2891, %sign3A_2897 : i32
    %sign3A_2899 = arith.extui %sign3A_2898 : i1 to i32
    %sign3A_2900 = arith.subi %sign3A_2896, %sign3A_2899 : i32
    %sign3A_2901 = arith.constant 0 : i32
    %sign3A_2902 = arith.cmpi sgt, %jit3A_2892, %sign3A_2901 : i32
    %sign3A_2903 = arith.extui %sign3A_2902 : i1 to i32
    %sign3A_2904 = arith.constant 0 : i32
    %sign3A_2905 = arith.cmpi slt, %jit3A_2892, %sign3A_2904 : i32
    %sign3A_2906 = arith.extui %sign3A_2905 : i1 to i32
    %sign3A_2907 = arith.subi %sign3A_2903, %sign3A_2906 : i32
    %ne3A_2908 = arith.cmpi ne, %sign3A_2900, %sign3A_2907 : i32
    %rem3A_2909 = arith.remsi %select_n3A_2891, %jit3A_2892 : i32
    %ne3A_2910 = arith.constant 0 : i32
    %ne3A_2911 = arith.cmpi ne, %rem3A_2909, %ne3A_2910 : i32
    %and3A_2912 = arith.andi %ne3A_2908, %ne3A_2911 : i1
    %sub3A_2913 = arith.constant 1 : i32
    %sub3A_2914 = arith.subi %div3A_2893, %sub3A_2913 : i32
    %select_n3A_2915 = arith.select %and3A_2912, %sub3A_2914, %div3A_2893 : i32
    %jit3A_2916 = arith.constant 4 : i32
    %eq3A_2917 = arith.constant 0 : i32
    %eq3A_2918 = arith.cmpi eq, %jit3A_2916, %eq3A_2917 : i32
    %jit3A_2919 = arith.constant 1 : i32
    %select_n3A_2920 = arith.select %eq3A_2918, %jit3A_2919, %jit3A_2916 : i32
    %rem3A_2921 = arith.remsi %select_n3A_2891, %select_n3A_2920 : i32
    %ne3A_2922 = arith.constant 0 : i32
    %ne3A_2923 = arith.cmpi ne, %rem3A_2921, %ne3A_2922 : i32
    %lt3A_2924 = arith.constant 0 : i32
    %lt3A_2925 = arith.cmpi slt, %rem3A_2921, %lt3A_2924 : i32
    %lt3A_2926 = arith.constant 0 : i32
    %lt3A_2927 = arith.cmpi slt, %select_n3A_2920, %lt3A_2926 : i32
    %ne3A_2928 = arith.xori %lt3A_2925, %lt3A_2927 : i1
    %and3A_2929 = arith.andi %ne3A_2928, %ne3A_2923 : i1
    %add3A_2930 = arith.addi %rem3A_2921, %select_n3A_2920 : i32
    %select_n3A_2931 = arith.select %and3A_2929, %add3A_2930, %rem3A_2921 : i32
    %mul3A_2932 = arith.constant 16 : i32
    %mul3A_2933 = arith.muli %select_n3A_2915, %mul3A_2932 : i32
    %mul3A_2934 = arith.constant 2048 : i32
    %mul3A_2935 = arith.muli %select_n3A_2931, %mul3A_2934 : i32
    %dma_start3A_2936 = arith.constant 0 : i32
    %dma_start3A_2937 = tpu.memref_slice %arg2[%select_n3A_2875, %dma_start3A_2936, %mul3A_2935] : memref<4x768x8192xf32, #tpu.memory_space<hbm>> -> memref<1x768x2048xf32, #tpu.memory_space<hbm>>
    %dma_start3A_2938 = tpu.memref_squeeze %dma_start3A_2937 : memref<1x768x2048xf32, #tpu.memory_space<hbm>> -> memref<768x2048xf32, #tpu.memory_space<hbm>>
    %dma_start3A_2939 = arith.constant 0 : i32
    %dma_start3A_2940 = arith.constant 0 : i32
    %dma_start3A_2941 = tpu.memref_slice %dma_start3A_2938[%dma_start3A_2939, %dma_start3A_2940] : memref<768x2048xf32, #tpu.memory_space<hbm>> -> memref<768x2048xf32, #tpu.memory_space<hbm>>
    tpu.enqueue_indirect_dma source(%dma_start3A_2941 : memref<768x2048xf32, #tpu.memory_space<hbm>>) target(%arg11 : memref<16x2048xf32, #tpu.memory_space<vmem>>) offsets(%arg7 : memref<16xi32, #tpu.memory_space<vmem>>) semaphore(%arg13 : memref<!tpu.dma_semaphore, #tpu.memory_space<semaphore_mem>>)
    %dma_wait3A_2942 = arith.constant 0 : i32
    %dma_wait3A_2943 = tpu.memref_slice %arg2[%select_n3A_2491, %dma_wait3A_2942, %mul3A_2551] : memref<4x768x8192xf32, #tpu.memory_space<hbm>> -> memref<1x768x2048xf32, #tpu.memory_space<hbm>>
    %dma_wait3A_2944 = tpu.memref_squeeze %dma_wait3A_2943 : memref<1x768x2048xf32, #tpu.memory_space<hbm>> -> memref<768x2048xf32, #tpu.memory_space<hbm>>
    %dma_wait3A_2945 = arith.constant 0 : i32
    %dma_wait3A_2946 = arith.constant 0 : i32
    %dma_wait3A_2947 = tpu.memref_slice %dma_wait3A_2944[%dma_wait3A_2945, %dma_wait3A_2946] : memref<768x2048xf32, #tpu.memory_space<hbm>> -> memref<768x2048xf32, #tpu.memory_space<hbm>>
    tpu.wait_indirect_dma semaphore(%arg13 : memref<!tpu.dma_semaphore, #tpu.memory_space<semaphore_mem>>) src(%dma_wait3A_2947 : memref<768x2048xf32, #tpu.memory_space<hbm>>) dst(%arg12 : memref<16x2048xf32, #tpu.memory_space<vmem>>)
    %add3A_2948 = arith.constant 11 : i32
    %add3A_2949 = arith.addi %mul3A_2, %add3A_2948 : i32
    %jit3A_2950 = arith.constant 192 : i32
    %div3A_2951 = arith.divsi %add3A_2949, %jit3A_2950 : i32
    %sign3A_2952 = arith.constant 0 : i32
    %sign3A_2953 = arith.cmpi sgt, %add3A_2949, %sign3A_2952 : i32
    %sign3A_2954 = arith.extui %sign3A_2953 : i1 to i32
    %sign3A_2955 = arith.constant 0 : i32
    %sign3A_2956 = arith.cmpi slt, %add3A_2949, %sign3A_2955 : i32
    %sign3A_2957 = arith.extui %sign3A_2956 : i1 to i32
    %sign3A_2958 = arith.subi %sign3A_2954, %sign3A_2957 : i32
    %sign3A_2959 = arith.constant 0 : i32
    %sign3A_2960 = arith.cmpi sgt, %jit3A_2950, %sign3A_2959 : i32
    %sign3A_2961 = arith.extui %sign3A_2960 : i1 to i32
    %sign3A_2962 = arith.constant 0 : i32
    %sign3A_2963 = arith.cmpi slt, %jit3A_2950, %sign3A_2962 : i32
    %sign3A_2964 = arith.extui %sign3A_2963 : i1 to i32
    %sign3A_2965 = arith.subi %sign3A_2961, %sign3A_2964 : i32
    %ne3A_2966 = arith.cmpi ne, %sign3A_2958, %sign3A_2965 : i32
    %rem3A_2967 = arith.remsi %add3A_2949, %jit3A_2950 : i32
    %ne3A_2968 = arith.constant 0 : i32
    %ne3A_2969 = arith.cmpi ne, %rem3A_2967, %ne3A_2968 : i32
    %and3A_2970 = arith.andi %ne3A_2966, %ne3A_2969 : i1
    %sub3A_2971 = arith.constant 1 : i32
    %sub3A_2972 = arith.subi %div3A_2951, %sub3A_2971 : i32
    %select_n3A_2973 = arith.select %and3A_2970, %sub3A_2972, %div3A_2951 : i32
    %jit3A_2974 = arith.constant 192 : i32
    %eq3A_2975 = arith.constant 0 : i32
    %eq3A_2976 = arith.cmpi eq, %jit3A_2974, %eq3A_2975 : i32
    %jit3A_2977 = arith.constant 1 : i32
    %select_n3A_2978 = arith.select %eq3A_2976, %jit3A_2977, %jit3A_2974 : i32
    %rem3A_2979 = arith.remsi %add3A_2949, %select_n3A_2978 : i32
    %ne3A_2980 = arith.constant 0 : i32
    %ne3A_2981 = arith.cmpi ne, %rem3A_2979, %ne3A_2980 : i32
    %lt3A_2982 = arith.constant 0 : i32
    %lt3A_2983 = arith.cmpi slt, %rem3A_2979, %lt3A_2982 : i32
    %lt3A_2984 = arith.constant 0 : i32
    %lt3A_2985 = arith.cmpi slt, %select_n3A_2978, %lt3A_2984 : i32
    %ne3A_2986 = arith.xori %lt3A_2983, %lt3A_2985 : i1
    %and3A_2987 = arith.andi %ne3A_2986, %ne3A_2981 : i1
    %add3A_2988 = arith.addi %rem3A_2979, %select_n3A_2978 : i32
    %select_n3A_2989 = arith.select %and3A_2987, %add3A_2988, %rem3A_2979 : i32
    %jit3A_2990 = arith.constant 4 : i32
    %div3A_2991 = arith.divsi %select_n3A_2989, %jit3A_2990 : i32
    %sign3A_2992 = arith.constant 0 : i32
    %sign3A_2993 = arith.cmpi sgt, %select_n3A_2989, %sign3A_2992 : i32
    %sign3A_2994 = arith.extui %sign3A_2993 : i1 to i32
    %sign3A_2995 = arith.constant 0 : i32
    %sign3A_2996 = arith.cmpi slt, %select_n3A_2989, %sign3A_2995 : i32
    %sign3A_2997 = arith.extui %sign3A_2996 : i1 to i32
    %sign3A_2998 = arith.subi %sign3A_2994, %sign3A_2997 : i32
    %sign3A_2999 = arith.constant 0 : i32
    %sign3A_3000 = arith.cmpi sgt, %jit3A_2990, %sign3A_2999 : i32
    %sign3A_3001 = arith.extui %sign3A_3000 : i1 to i32
    %sign3A_3002 = arith.constant 0 : i32
    %sign3A_3003 = arith.cmpi slt, %jit3A_2990, %sign3A_3002 : i32
    %sign3A_3004 = arith.extui %sign3A_3003 : i1 to i32
    %sign3A_3005 = arith.subi %sign3A_3001, %sign3A_3004 : i32
    %ne3A_3006 = arith.cmpi ne, %sign3A_2998, %sign3A_3005 : i32
    %rem3A_3007 = arith.remsi %select_n3A_2989, %jit3A_2990 : i32
    %ne3A_3008 = arith.constant 0 : i32
    %ne3A_3009 = arith.cmpi ne, %rem3A_3007, %ne3A_3008 : i32
    %and3A_3010 = arith.andi %ne3A_3006, %ne3A_3009 : i1
    %sub3A_3011 = arith.constant 1 : i32
    %sub3A_3012 = arith.subi %div3A_2991, %sub3A_3011 : i32
    %select_n3A_3013 = arith.select %and3A_3010, %sub3A_3012, %div3A_2991 : i32
    %jit3A_3014 = arith.constant 4 : i32
    %eq3A_3015 = arith.constant 0 : i32
    %eq3A_3016 = arith.cmpi eq, %jit3A_3014, %eq3A_3015 : i32
    %jit3A_3017 = arith.constant 1 : i32
    %select_n3A_3018 = arith.select %eq3A_3016, %jit3A_3017, %jit3A_3014 : i32
    %rem3A_3019 = arith.remsi %select_n3A_2989, %select_n3A_3018 : i32
    %ne3A_3020 = arith.constant 0 : i32
    %ne3A_3021 = arith.cmpi ne, %rem3A_3019, %ne3A_3020 : i32
    %lt3A_3022 = arith.constant 0 : i32
    %lt3A_3023 = arith.cmpi slt, %rem3A_3019, %lt3A_3022 : i32
    %lt3A_3024 = arith.constant 0 : i32
    %lt3A_3025 = arith.cmpi slt, %select_n3A_3018, %lt3A_3024 : i32
    %ne3A_3026 = arith.xori %lt3A_3023, %lt3A_3025 : i1
    %and3A_3027 = arith.andi %ne3A_3026, %ne3A_3021 : i1
    %add3A_3028 = arith.addi %rem3A_3019, %select_n3A_3018 : i32
    %select_n3A_3029 = arith.select %and3A_3027, %add3A_3028, %rem3A_3019 : i32
    %mul3A_3030 = arith.constant 16 : i32
    %mul3A_3031 = arith.muli %select_n3A_3013, %mul3A_3030 : i32
    %mul3A_3032 = arith.constant 2048 : i32
    %mul3A_3033 = arith.muli %select_n3A_3029, %mul3A_3032 : i32
    %dma_start3A_3034 = tpu.memref_slice %arg3[%select_n3A_2973, %mul3A_3031, %mul3A_3033] : memref<4x768x8192xf32, #tpu.memory_space<hbm>> -> memref<1x16x2048xf32, #tpu.memory_space<hbm>>
    %dma_start3A_3035 = tpu.memref_squeeze %dma_start3A_3034 : memref<1x16x2048xf32, #tpu.memory_space<hbm>> -> memref<16x2048xf32, #tpu.memory_space<hbm>>
    %dma_start3A_3036 = tpu.memref_slice %arg3[%select_n3A_2973, %mul3A_3031, %mul3A_3033] : memref<4x768x8192xf32, #tpu.memory_space<hbm>> -> memref<1x16x2048xf32, #tpu.memory_space<hbm>>
    %dma_start3A_3037 = tpu.memref_squeeze %dma_start3A_3036 : memref<1x16x2048xf32, #tpu.memory_space<hbm>> -> memref<16x2048xf32, #tpu.memory_space<hbm>>
    tpu.enqueue_dma source(%arg12 : memref<16x2048xf32, #tpu.memory_space<vmem>>) target(%dma_start3A_3037 : memref<16x2048xf32, #tpu.memory_space<hbm>>) target_semaphore(%arg14 : memref<!tpu.dma_semaphore, #tpu.memory_space<semaphore_mem>>)
    %dma_wait3A_3038 = tpu.memref_slice %arg3[%select_n3A_2973, %mul3A_3031, %mul3A_3033] : memref<4x768x8192xf32, #tpu.memory_space<hbm>> -> memref<1x16x2048xf32, #tpu.memory_space<hbm>>
    %dma_wait3A_3039 = tpu.memref_squeeze %dma_wait3A_3038 : memref<1x16x2048xf32, #tpu.memory_space<hbm>> -> memref<16x2048xf32, #tpu.memory_space<hbm>>
    %dma_wait3A_3040 = tpu.memref_slice %arg3[%select_n3A_2973, %mul3A_3031, %mul3A_3033] : memref<4x768x8192xf32, #tpu.memory_space<hbm>> -> memref<1x16x2048xf32, #tpu.memory_space<hbm>>
    %dma_wait3A_3041 = tpu.memref_squeeze %dma_wait3A_3040 : memref<1x16x2048xf32, #tpu.memory_space<hbm>> -> memref<16x2048xf32, #tpu.memory_space<hbm>>
    tpu.wait_dma2 semaphore(%arg14 : memref<!tpu.dma_semaphore, #tpu.memory_space<semaphore_mem>>) src(%arg12 : memref<16x2048xf32, #tpu.memory_space<vmem>>) dst(%dma_wait3A_3041 : memref<16x2048xf32, #tpu.memory_space<hbm>>)
    %add3A_3042 = arith.constant 14 : i32
    %add3A_3043 = arith.addi %mul3A_2, %add3A_3042 : i32
    %jit3A_3044 = arith.constant 192 : i32
    %div3A_3045 = arith.divsi %add3A_3043, %jit3A_3044 : i32
    %sign3A_3046 = arith.constant 0 : i32
    %sign3A_3047 = arith.cmpi sgt, %add3A_3043, %sign3A_3046 : i32
    %sign3A_3048 = arith.extui %sign3A_3047 : i1 to i32
    %sign3A_3049 = arith.constant 0 : i32
    %sign3A_3050 = arith.cmpi slt, %add3A_3043, %sign3A_3049 : i32
    %sign3A_3051 = arith.extui %sign3A_3050 : i1 to i32
    %sign3A_3052 = arith.subi %sign3A_3048, %sign3A_3051 : i32
    %sign3A_3053 = arith.constant 0 : i32
    %sign3A_3054 = arith.cmpi sgt, %jit3A_3044, %sign3A_3053 : i32
    %sign3A_3055 = arith.extui %sign3A_3054 : i1 to i32
    %sign3A_3056 = arith.constant 0 : i32
    %sign3A_3057 = arith.cmpi slt, %jit3A_3044, %sign3A_3056 : i32
    %sign3A_3058 = arith.extui %sign3A_3057 : i1 to i32
    %sign3A_3059 = arith.subi %sign3A_3055, %sign3A_3058 : i32
    %ne3A_3060 = arith.cmpi ne, %sign3A_3052, %sign3A_3059 : i32
    %rem3A_3061 = arith.remsi %add3A_3043, %jit3A_3044 : i32
    %ne3A_3062 = arith.constant 0 : i32
    %ne3A_3063 = arith.cmpi ne, %rem3A_3061, %ne3A_3062 : i32
    %and3A_3064 = arith.andi %ne3A_3060, %ne3A_3063 : i1
    %sub3A_3065 = arith.constant 1 : i32
    %sub3A_3066 = arith.subi %div3A_3045, %sub3A_3065 : i32
    %select_n3A_3067 = arith.select %and3A_3064, %sub3A_3066, %div3A_3045 : i32
    %jit3A_3068 = arith.constant 192 : i32
    %eq3A_3069 = arith.constant 0 : i32
    %eq3A_3070 = arith.cmpi eq, %jit3A_3068, %eq3A_3069 : i32
    %jit3A_3071 = arith.constant 1 : i32
    %select_n3A_3072 = arith.select %eq3A_3070, %jit3A_3071, %jit3A_3068 : i32
    %rem3A_3073 = arith.remsi %add3A_3043, %select_n3A_3072 : i32
    %ne3A_3074 = arith.constant 0 : i32
    %ne3A_3075 = arith.cmpi ne, %rem3A_3073, %ne3A_3074 : i32
    %lt3A_3076 = arith.constant 0 : i32
    %lt3A_3077 = arith.cmpi slt, %rem3A_3073, %lt3A_3076 : i32
    %lt3A_3078 = arith.constant 0 : i32
    %lt3A_3079 = arith.cmpi slt, %select_n3A_3072, %lt3A_3078 : i32
    %ne3A_3080 = arith.xori %lt3A_3077, %lt3A_3079 : i1
    %and3A_3081 = arith.andi %ne3A_3080, %ne3A_3075 : i1
    %add3A_3082 = arith.addi %rem3A_3073, %select_n3A_3072 : i32
    %select_n3A_3083 = arith.select %and3A_3081, %add3A_3082, %rem3A_3073 : i32
    %jit3A_3084 = arith.constant 4 : i32
    %div3A_3085 = arith.divsi %select_n3A_3083, %jit3A_3084 : i32
    %sign3A_3086 = arith.constant 0 : i32
    %sign3A_3087 = arith.cmpi sgt, %select_n3A_3083, %sign3A_3086 : i32
    %sign3A_3088 = arith.extui %sign3A_3087 : i1 to i32
    %sign3A_3089 = arith.constant 0 : i32
    %sign3A_3090 = arith.cmpi slt, %select_n3A_3083, %sign3A_3089 : i32
    %sign3A_3091 = arith.extui %sign3A_3090 : i1 to i32
    %sign3A_3092 = arith.subi %sign3A_3088, %sign3A_3091 : i32
    %sign3A_3093 = arith.constant 0 : i32
    %sign3A_3094 = arith.cmpi sgt, %jit3A_3084, %sign3A_3093 : i32
    %sign3A_3095 = arith.extui %sign3A_3094 : i1 to i32
    %sign3A_3096 = arith.constant 0 : i32
    %sign3A_3097 = arith.cmpi slt, %jit3A_3084, %sign3A_3096 : i32
    %sign3A_3098 = arith.extui %sign3A_3097 : i1 to i32
    %sign3A_3099 = arith.subi %sign3A_3095, %sign3A_3098 : i32
    %ne3A_3100 = arith.cmpi ne, %sign3A_3092, %sign3A_3099 : i32
    %rem3A_3101 = arith.remsi %select_n3A_3083, %jit3A_3084 : i32
    %ne3A_3102 = arith.constant 0 : i32
    %ne3A_3103 = arith.cmpi ne, %rem3A_3101, %ne3A_3102 : i32
    %and3A_3104 = arith.andi %ne3A_3100, %ne3A_3103 : i1
    %sub3A_3105 = arith.constant 1 : i32
    %sub3A_3106 = arith.subi %div3A_3085, %sub3A_3105 : i32
    %select_n3A_3107 = arith.select %and3A_3104, %sub3A_3106, %div3A_3085 : i32
    %jit3A_3108 = arith.constant 4 : i32
    %eq3A_3109 = arith.constant 0 : i32
    %eq3A_3110 = arith.cmpi eq, %jit3A_3108, %eq3A_3109 : i32
    %jit3A_3111 = arith.constant 1 : i32
    %select_n3A_3112 = arith.select %eq3A_3110, %jit3A_3111, %jit3A_3108 : i32
    %rem3A_3113 = arith.remsi %select_n3A_3083, %select_n3A_3112 : i32
    %ne3A_3114 = arith.constant 0 : i32
    %ne3A_3115 = arith.cmpi ne, %rem3A_3113, %ne3A_3114 : i32
    %lt3A_3116 = arith.constant 0 : i32
    %lt3A_3117 = arith.cmpi slt, %rem3A_3113, %lt3A_3116 : i32
    %lt3A_3118 = arith.constant 0 : i32
    %lt3A_3119 = arith.cmpi slt, %select_n3A_3112, %lt3A_3118 : i32
    %ne3A_3120 = arith.xori %lt3A_3117, %lt3A_3119 : i1
    %and3A_3121 = arith.andi %ne3A_3120, %ne3A_3115 : i1
    %add3A_3122 = arith.addi %rem3A_3113, %select_n3A_3112 : i32
    %select_n3A_3123 = arith.select %and3A_3121, %add3A_3122, %rem3A_3113 : i32
    %mul3A_3124 = arith.constant 16 : i32
    %mul3A_3125 = arith.muli %select_n3A_3107, %mul3A_3124 : i32
    %mul3A_3126 = arith.constant 2048 : i32
    %mul3A_3127 = arith.muli %select_n3A_3123, %mul3A_3126 : i32
    %dma_start3A_3128 = arith.constant 0 : i32
    %dma_start3A_3129 = tpu.memref_slice %arg2[%select_n3A_3067, %dma_start3A_3128, %mul3A_3127] : memref<4x768x8192xf32, #tpu.memory_space<hbm>> -> memref<1x768x2048xf32, #tpu.memory_space<hbm>>
    %dma_start3A_3130 = tpu.memref_squeeze %dma_start3A_3129 : memref<1x768x2048xf32, #tpu.memory_space<hbm>> -> memref<768x2048xf32, #tpu.memory_space<hbm>>
    %dma_start3A_3131 = arith.constant 0 : i32
    %dma_start3A_3132 = arith.constant 0 : i32
    %dma_start3A_3133 = tpu.memref_slice %dma_start3A_3130[%dma_start3A_3131, %dma_start3A_3132] : memref<768x2048xf32, #tpu.memory_space<hbm>> -> memref<768x2048xf32, #tpu.memory_space<hbm>>
    tpu.enqueue_indirect_dma source(%dma_start3A_3133 : memref<768x2048xf32, #tpu.memory_space<hbm>>) target(%arg12 : memref<16x2048xf32, #tpu.memory_space<vmem>>) offsets(%arg7 : memref<16xi32, #tpu.memory_space<vmem>>) semaphore(%arg13 : memref<!tpu.dma_semaphore, #tpu.memory_space<semaphore_mem>>)
    %dma_wait3A_3134 = arith.constant 0 : i32
    %dma_wait3A_3135 = tpu.memref_slice %arg2[%select_n3A_2683, %dma_wait3A_3134, %mul3A_2743] : memref<4x768x8192xf32, #tpu.memory_space<hbm>> -> memref<1x768x2048xf32, #tpu.memory_space<hbm>>
    %dma_wait3A_3136 = tpu.memref_squeeze %dma_wait3A_3135 : memref<1x768x2048xf32, #tpu.memory_space<hbm>> -> memref<768x2048xf32, #tpu.memory_space<hbm>>
    %dma_wait3A_3137 = arith.constant 0 : i32
    %dma_wait3A_3138 = arith.constant 0 : i32
    %dma_wait3A_3139 = tpu.memref_slice %dma_wait3A_3136[%dma_wait3A_3137, %dma_wait3A_3138] : memref<768x2048xf32, #tpu.memory_space<hbm>> -> memref<768x2048xf32, #tpu.memory_space<hbm>>
    tpu.wait_indirect_dma semaphore(%arg13 : memref<!tpu.dma_semaphore, #tpu.memory_space<semaphore_mem>>) src(%dma_wait3A_3139 : memref<768x2048xf32, #tpu.memory_space<hbm>>) dst(%arg10 : memref<16x2048xf32, #tpu.memory_space<vmem>>)
    %add3A_3140 = arith.constant 12 : i32
    %add3A_3141 = arith.addi %mul3A_2, %add3A_3140 : i32
    %jit3A_3142 = arith.constant 192 : i32
    %div3A_3143 = arith.divsi %add3A_3141, %jit3A_3142 : i32
    %sign3A_3144 = arith.constant 0 : i32
    %sign3A_3145 = arith.cmpi sgt, %add3A_3141, %sign3A_3144 : i32
    %sign3A_3146 = arith.extui %sign3A_3145 : i1 to i32
    %sign3A_3147 = arith.constant 0 : i32
    %sign3A_3148 = arith.cmpi slt, %add3A_3141, %sign3A_3147 : i32
    %sign3A_3149 = arith.extui %sign3A_3148 : i1 to i32
    %sign3A_3150 = arith.subi %sign3A_3146, %sign3A_3149 : i32
    %sign3A_3151 = arith.constant 0 : i32
    %sign3A_3152 = arith.cmpi sgt, %jit3A_3142, %sign3A_3151 : i32
    %sign3A_3153 = arith.extui %sign3A_3152 : i1 to i32
    %sign3A_3154 = arith.constant 0 : i32
    %sign3A_3155 = arith.cmpi slt, %jit3A_3142, %sign3A_3154 : i32
    %sign3A_3156 = arith.extui %sign3A_3155 : i1 to i32
    %sign3A_3157 = arith.subi %sign3A_3153, %sign3A_3156 : i32
    %ne3A_3158 = arith.cmpi ne, %sign3A_3150, %sign3A_3157 : i32
    %rem3A_3159 = arith.remsi %add3A_3141, %jit3A_3142 : i32
    %ne3A_3160 = arith.constant 0 : i32
    %ne3A_3161 = arith.cmpi ne, %rem3A_3159, %ne3A_3160 : i32
    %and3A_3162 = arith.andi %ne3A_3158, %ne3A_3161 : i1
    %sub3A_3163 = arith.constant 1 : i32
    %sub3A_3164 = arith.subi %div3A_3143, %sub3A_3163 : i32
    %select_n3A_3165 = arith.select %and3A_3162, %sub3A_3164, %div3A_3143 : i32
    %jit3A_3166 = arith.constant 192 : i32
    %eq3A_3167 = arith.constant 0 : i32
    %eq3A_3168 = arith.cmpi eq, %jit3A_3166, %eq3A_3167 : i32
    %jit3A_3169 = arith.constant 1 : i32
    %select_n3A_3170 = arith.select %eq3A_3168, %jit3A_3169, %jit3A_3166 : i32
    %rem3A_3171 = arith.remsi %add3A_3141, %select_n3A_3170 : i32
    %ne3A_3172 = arith.constant 0 : i32
    %ne3A_3173 = arith.cmpi ne, %rem3A_3171, %ne3A_3172 : i32
    %lt3A_3174 = arith.constant 0 : i32
    %lt3A_3175 = arith.cmpi slt, %rem3A_3171, %lt3A_3174 : i32
    %lt3A_3176 = arith.constant 0 : i32
    %lt3A_3177 = arith.cmpi slt, %select_n3A_3170, %lt3A_3176 : i32
    %ne3A_3178 = arith.xori %lt3A_3175, %lt3A_3177 : i1
    %and3A_3179 = arith.andi %ne3A_3178, %ne3A_3173 : i1
    %add3A_3180 = arith.addi %rem3A_3171, %select_n3A_3170 : i32
    %select_n3A_3181 = arith.select %and3A_3179, %add3A_3180, %rem3A_3171 : i32
    %jit3A_3182 = arith.constant 4 : i32
    %div3A_3183 = arith.divsi %select_n3A_3181, %jit3A_3182 : i32
    %sign3A_3184 = arith.constant 0 : i32
    %sign3A_3185 = arith.cmpi sgt, %select_n3A_3181, %sign3A_3184 : i32
    %sign3A_3186 = arith.extui %sign3A_3185 : i1 to i32
    %sign3A_3187 = arith.constant 0 : i32
    %sign3A_3188 = arith.cmpi slt, %select_n3A_3181, %sign3A_3187 : i32
    %sign3A_3189 = arith.extui %sign3A_3188 : i1 to i32
    %sign3A_3190 = arith.subi %sign3A_3186, %sign3A_3189 : i32
    %sign3A_3191 = arith.constant 0 : i32
    %sign3A_3192 = arith.cmpi sgt, %jit3A_3182, %sign3A_3191 : i32
    %sign3A_3193 = arith.extui %sign3A_3192 : i1 to i32
    %sign3A_3194 = arith.constant 0 : i32
    %sign3A_3195 = arith.cmpi slt, %jit3A_3182, %sign3A_3194 : i32
    %sign3A_3196 = arith.extui %sign3A_3195 : i1 to i32
    %sign3A_3197 = arith.subi %sign3A_3193, %sign3A_3196 : i32
    %ne3A_3198 = arith.cmpi ne, %sign3A_3190, %sign3A_3197 : i32
    %rem3A_3199 = arith.remsi %select_n3A_3181, %jit3A_3182 : i32
    %ne3A_3200 = arith.constant 0 : i32
    %ne3A_3201 = arith.cmpi ne, %rem3A_3199, %ne3A_3200 : i32
    %and3A_3202 = arith.andi %ne3A_3198, %ne3A_3201 : i1
    %sub3A_3203 = arith.constant 1 : i32
    %sub3A_3204 = arith.subi %div3A_3183, %sub3A_3203 : i32
    %select_n3A_3205 = arith.select %and3A_3202, %sub3A_3204, %div3A_3183 : i32
    %jit3A_3206 = arith.constant 4 : i32
    %eq3A_3207 = arith.constant 0 : i32
    %eq3A_3208 = arith.cmpi eq, %jit3A_3206, %eq3A_3207 : i32
    %jit3A_3209 = arith.constant 1 : i32
    %select_n3A_3210 = arith.select %eq3A_3208, %jit3A_3209, %jit3A_3206 : i32
    %rem3A_3211 = arith.remsi %select_n3A_3181, %select_n3A_3210 : i32
    %ne3A_3212 = arith.constant 0 : i32
    %ne3A_3213 = arith.cmpi ne, %rem3A_3211, %ne3A_3212 : i32
    %lt3A_3214 = arith.constant 0 : i32
    %lt3A_3215 = arith.cmpi slt, %rem3A_3211, %lt3A_3214 : i32
    %lt3A_3216 = arith.constant 0 : i32
    %lt3A_3217 = arith.cmpi slt, %select_n3A_3210, %lt3A_3216 : i32
    %ne3A_3218 = arith.xori %lt3A_3215, %lt3A_3217 : i1
    %and3A_3219 = arith.andi %ne3A_3218, %ne3A_3213 : i1
    %add3A_3220 = arith.addi %rem3A_3211, %select_n3A_3210 : i32
    %select_n3A_3221 = arith.select %and3A_3219, %add3A_3220, %rem3A_3211 : i32
    %mul3A_3222 = arith.constant 16 : i32
    %mul3A_3223 = arith.muli %select_n3A_3205, %mul3A_3222 : i32
    %mul3A_3224 = arith.constant 2048 : i32
    %mul3A_3225 = arith.muli %select_n3A_3221, %mul3A_3224 : i32
    %dma_start3A_3226 = tpu.memref_slice %arg3[%select_n3A_3165, %mul3A_3223, %mul3A_3225] : memref<4x768x8192xf32, #tpu.memory_space<hbm>> -> memref<1x16x2048xf32, #tpu.memory_space<hbm>>
    %dma_start3A_3227 = tpu.memref_squeeze %dma_start3A_3226 : memref<1x16x2048xf32, #tpu.memory_space<hbm>> -> memref<16x2048xf32, #tpu.memory_space<hbm>>
    %dma_start3A_3228 = tpu.memref_slice %arg3[%select_n3A_3165, %mul3A_3223, %mul3A_3225] : memref<4x768x8192xf32, #tpu.memory_space<hbm>> -> memref<1x16x2048xf32, #tpu.memory_space<hbm>>
    %dma_start3A_3229 = tpu.memref_squeeze %dma_start3A_3228 : memref<1x16x2048xf32, #tpu.memory_space<hbm>> -> memref<16x2048xf32, #tpu.memory_space<hbm>>
    tpu.enqueue_dma source(%arg10 : memref<16x2048xf32, #tpu.memory_space<vmem>>) target(%dma_start3A_3229 : memref<16x2048xf32, #tpu.memory_space<hbm>>) target_semaphore(%arg14 : memref<!tpu.dma_semaphore, #tpu.memory_space<semaphore_mem>>)
    %dma_wait3A_3230 = tpu.memref_slice %arg3[%select_n3A_3165, %mul3A_3223, %mul3A_3225] : memref<4x768x8192xf32, #tpu.memory_space<hbm>> -> memref<1x16x2048xf32, #tpu.memory_space<hbm>>
    %dma_wait3A_3231 = tpu.memref_squeeze %dma_wait3A_3230 : memref<1x16x2048xf32, #tpu.memory_space<hbm>> -> memref<16x2048xf32, #tpu.memory_space<hbm>>
    %dma_wait3A_3232 = tpu.memref_slice %arg3[%select_n3A_3165, %mul3A_3223, %mul3A_3225] : memref<4x768x8192xf32, #tpu.memory_space<hbm>> -> memref<1x16x2048xf32, #tpu.memory_space<hbm>>
    %dma_wait3A_3233 = tpu.memref_squeeze %dma_wait3A_3232 : memref<1x16x2048xf32, #tpu.memory_space<hbm>> -> memref<16x2048xf32, #tpu.memory_space<hbm>>
    tpu.wait_dma2 semaphore(%arg14 : memref<!tpu.dma_semaphore, #tpu.memory_space<semaphore_mem>>) src(%arg10 : memref<16x2048xf32, #tpu.memory_space<vmem>>) dst(%dma_wait3A_3233 : memref<16x2048xf32, #tpu.memory_space<hbm>>)
    %add3A_3234 = arith.constant 15 : i32
    %add3A_3235 = arith.addi %mul3A_2, %add3A_3234 : i32
    %jit3A_3236 = arith.constant 192 : i32
    %div3A_3237 = arith.divsi %add3A_3235, %jit3A_3236 : i32
    %sign3A_3238 = arith.constant 0 : i32
    %sign3A_3239 = arith.cmpi sgt, %add3A_3235, %sign3A_3238 : i32
    %sign3A_3240 = arith.extui %sign3A_3239 : i1 to i32
    %sign3A_3241 = arith.constant 0 : i32
    %sign3A_3242 = arith.cmpi slt, %add3A_3235, %sign3A_3241 : i32
    %sign3A_3243 = arith.extui %sign3A_3242 : i1 to i32
    %sign3A_3244 = arith.subi %sign3A_3240, %sign3A_3243 : i32
    %sign3A_3245 = arith.constant 0 : i32
    %sign3A_3246 = arith.cmpi sgt, %jit3A_3236, %sign3A_3245 : i32
    %sign3A_3247 = arith.extui %sign3A_3246 : i1 to i32
    %sign3A_3248 = arith.constant 0 : i32
    %sign3A_3249 = arith.cmpi slt, %jit3A_3236, %sign3A_3248 : i32
    %sign3A_3250 = arith.extui %sign3A_3249 : i1 to i32
    %sign3A_3251 = arith.subi %sign3A_3247, %sign3A_3250 : i32
    %ne3A_3252 = arith.cmpi ne, %sign3A_3244, %sign3A_3251 : i32
    %rem3A_3253 = arith.remsi %add3A_3235, %jit3A_3236 : i32
    %ne3A_3254 = arith.constant 0 : i32
    %ne3A_3255 = arith.cmpi ne, %rem3A_3253, %ne3A_3254 : i32
    %and3A_3256 = arith.andi %ne3A_3252, %ne3A_3255 : i1
    %sub3A_3257 = arith.constant 1 : i32
    %sub3A_3258 = arith.subi %div3A_3237, %sub3A_3257 : i32
    %select_n3A_3259 = arith.select %and3A_3256, %sub3A_3258, %div3A_3237 : i32
    %jit3A_3260 = arith.constant 192 : i32
    %eq3A_3261 = arith.constant 0 : i32
    %eq3A_3262 = arith.cmpi eq, %jit3A_3260, %eq3A_3261 : i32
    %jit3A_3263 = arith.constant 1 : i32
    %select_n3A_3264 = arith.select %eq3A_3262, %jit3A_3263, %jit3A_3260 : i32
    %rem3A_3265 = arith.remsi %add3A_3235, %select_n3A_3264 : i32
    %ne3A_3266 = arith.constant 0 : i32
    %ne3A_3267 = arith.cmpi ne, %rem3A_3265, %ne3A_3266 : i32
    %lt3A_3268 = arith.constant 0 : i32
    %lt3A_3269 = arith.cmpi slt, %rem3A_3265, %lt3A_3268 : i32
    %lt3A_3270 = arith.constant 0 : i32
    %lt3A_3271 = arith.cmpi slt, %select_n3A_3264, %lt3A_3270 : i32
    %ne3A_3272 = arith.xori %lt3A_3269, %lt3A_3271 : i1
    %and3A_3273 = arith.andi %ne3A_3272, %ne3A_3267 : i1
    %add3A_3274 = arith.addi %rem3A_3265, %select_n3A_3264 : i32
    %select_n3A_3275 = arith.select %and3A_3273, %add3A_3274, %rem3A_3265 : i32
    %jit3A_3276 = arith.constant 4 : i32
    %div3A_3277 = arith.divsi %select_n3A_3275, %jit3A_3276 : i32
    %sign3A_3278 = arith.constant 0 : i32
    %sign3A_3279 = arith.cmpi sgt, %select_n3A_3275, %sign3A_3278 : i32
    %sign3A_3280 = arith.extui %sign3A_3279 : i1 to i32
    %sign3A_3281 = arith.constant 0 : i32
    %sign3A_3282 = arith.cmpi slt, %select_n3A_3275, %sign3A_3281 : i32
    %sign3A_3283 = arith.extui %sign3A_3282 : i1 to i32
    %sign3A_3284 = arith.subi %sign3A_3280, %sign3A_3283 : i32
    %sign3A_3285 = arith.constant 0 : i32
    %sign3A_3286 = arith.cmpi sgt, %jit3A_3276, %sign3A_3285 : i32
    %sign3A_3287 = arith.extui %sign3A_3286 : i1 to i32
    %sign3A_3288 = arith.constant 0 : i32
    %sign3A_3289 = arith.cmpi slt, %jit3A_3276, %sign3A_3288 : i32
    %sign3A_3290 = arith.extui %sign3A_3289 : i1 to i32
    %sign3A_3291 = arith.subi %sign3A_3287, %sign3A_3290 : i32
    %ne3A_3292 = arith.cmpi ne, %sign3A_3284, %sign3A_3291 : i32
    %rem3A_3293 = arith.remsi %select_n3A_3275, %jit3A_3276 : i32
    %ne3A_3294 = arith.constant 0 : i32
    %ne3A_3295 = arith.cmpi ne, %rem3A_3293, %ne3A_3294 : i32
    %and3A_3296 = arith.andi %ne3A_3292, %ne3A_3295 : i1
    %sub3A_3297 = arith.constant 1 : i32
    %sub3A_3298 = arith.subi %div3A_3277, %sub3A_3297 : i32
    %select_n3A_3299 = arith.select %and3A_3296, %sub3A_3298, %div3A_3277 : i32
    %jit3A_3300 = arith.constant 4 : i32
    %eq3A_3301 = arith.constant 0 : i32
    %eq3A_3302 = arith.cmpi eq, %jit3A_3300, %eq3A_3301 : i32
    %jit3A_3303 = arith.constant 1 : i32
    %select_n3A_3304 = arith.select %eq3A_3302, %jit3A_3303, %jit3A_3300 : i32
    %rem3A_3305 = arith.remsi %select_n3A_3275, %select_n3A_3304 : i32
    %ne3A_3306 = arith.constant 0 : i32
    %ne3A_3307 = arith.cmpi ne, %rem3A_3305, %ne3A_3306 : i32
    %lt3A_3308 = arith.constant 0 : i32
    %lt3A_3309 = arith.cmpi slt, %rem3A_3305, %lt3A_3308 : i32
    %lt3A_3310 = arith.constant 0 : i32
    %lt3A_3311 = arith.cmpi slt, %select_n3A_3304, %lt3A_3310 : i32
    %ne3A_3312 = arith.xori %lt3A_3309, %lt3A_3311 : i1
    %and3A_3313 = arith.andi %ne3A_3312, %ne3A_3307 : i1
    %add3A_3314 = arith.addi %rem3A_3305, %select_n3A_3304 : i32
    %select_n3A_3315 = arith.select %and3A_3313, %add3A_3314, %rem3A_3305 : i32
    %mul3A_3316 = arith.constant 16 : i32
    %mul3A_3317 = arith.muli %select_n3A_3299, %mul3A_3316 : i32
    %mul3A_3318 = arith.constant 2048 : i32
    %mul3A_3319 = arith.muli %select_n3A_3315, %mul3A_3318 : i32
    %dma_start3A_3320 = arith.constant 0 : i32
    %dma_start3A_3321 = tpu.memref_slice %arg2[%select_n3A_3259, %dma_start3A_3320, %mul3A_3319] : memref<4x768x8192xf32, #tpu.memory_space<hbm>> -> memref<1x768x2048xf32, #tpu.memory_space<hbm>>
    %dma_start3A_3322 = tpu.memref_squeeze %dma_start3A_3321 : memref<1x768x2048xf32, #tpu.memory_space<hbm>> -> memref<768x2048xf32, #tpu.memory_space<hbm>>
    %dma_start3A_3323 = arith.constant 0 : i32
    %dma_start3A_3324 = arith.constant 0 : i32
    %dma_start3A_3325 = tpu.memref_slice %dma_start3A_3322[%dma_start3A_3323, %dma_start3A_3324] : memref<768x2048xf32, #tpu.memory_space<hbm>> -> memref<768x2048xf32, #tpu.memory_space<hbm>>
    tpu.enqueue_indirect_dma source(%dma_start3A_3325 : memref<768x2048xf32, #tpu.memory_space<hbm>>) target(%arg10 : memref<16x2048xf32, #tpu.memory_space<vmem>>) offsets(%arg7 : memref<16xi32, #tpu.memory_space<vmem>>) semaphore(%arg13 : memref<!tpu.dma_semaphore, #tpu.memory_space<semaphore_mem>>)
    %dma_wait3A_3326 = arith.constant 0 : i32
    %dma_wait3A_3327 = tpu.memref_slice %arg2[%select_n3A_2875, %dma_wait3A_3326, %mul3A_2935] : memref<4x768x8192xf32, #tpu.memory_space<hbm>> -> memref<1x768x2048xf32, #tpu.memory_space<hbm>>
    %dma_wait3A_3328 = tpu.memref_squeeze %dma_wait3A_3327 : memref<1x768x2048xf32, #tpu.memory_space<hbm>> -> memref<768x2048xf32, #tpu.memory_space<hbm>>
    %dma_wait3A_3329 = arith.constant 0 : i32
    %dma_wait3A_3330 = arith.constant 0 : i32
    %dma_wait3A_3331 = tpu.memref_slice %dma_wait3A_3328[%dma_wait3A_3329, %dma_wait3A_3330] : memref<768x2048xf32, #tpu.memory_space<hbm>> -> memref<768x2048xf32, #tpu.memory_space<hbm>>
    tpu.wait_indirect_dma semaphore(%arg13 : memref<!tpu.dma_semaphore, #tpu.memory_space<semaphore_mem>>) src(%dma_wait3A_3331 : memref<768x2048xf32, #tpu.memory_space<hbm>>) dst(%arg11 : memref<16x2048xf32, #tpu.memory_space<vmem>>)
    %add3A_3332 = arith.constant 13 : i32
    %add3A_3333 = arith.addi %mul3A_2, %add3A_3332 : i32
    %jit3A_3334 = arith.constant 192 : i32
    %div3A_3335 = arith.divsi %add3A_3333, %jit3A_3334 : i32
    %sign3A_3336 = arith.constant 0 : i32
    %sign3A_3337 = arith.cmpi sgt, %add3A_3333, %sign3A_3336 : i32
    %sign3A_3338 = arith.extui %sign3A_3337 : i1 to i32
    %sign3A_3339 = arith.constant 0 : i32
    %sign3A_3340 = arith.cmpi slt, %add3A_3333, %sign3A_3339 : i32
    %sign3A_3341 = arith.extui %sign3A_3340 : i1 to i32
    %sign3A_3342 = arith.subi %sign3A_3338, %sign3A_3341 : i32
    %sign3A_3343 = arith.constant 0 : i32
    %sign3A_3344 = arith.cmpi sgt, %jit3A_3334, %sign3A_3343 : i32
    %sign3A_3345 = arith.extui %sign3A_3344 : i1 to i32
    %sign3A_3346 = arith.constant 0 : i32
    %sign3A_3347 = arith.cmpi slt, %jit3A_3334, %sign3A_3346 : i32
    %sign3A_3348 = arith.extui %sign3A_3347 : i1 to i32
    %sign3A_3349 = arith.subi %sign3A_3345, %sign3A_3348 : i32
    %ne3A_3350 = arith.cmpi ne, %sign3A_3342, %sign3A_3349 : i32
    %rem3A_3351 = arith.remsi %add3A_3333, %jit3A_3334 : i32
    %ne3A_3352 = arith.constant 0 : i32
    %ne3A_3353 = arith.cmpi ne, %rem3A_3351, %ne3A_3352 : i32
    %and3A_3354 = arith.andi %ne3A_3350, %ne3A_3353 : i1
    %sub3A_3355 = arith.constant 1 : i32
    %sub3A_3356 = arith.subi %div3A_3335, %sub3A_3355 : i32
    %select_n3A_3357 = arith.select %and3A_3354, %sub3A_3356, %div3A_3335 : i32
    %jit3A_3358 = arith.constant 192 : i32
    %eq3A_3359 = arith.constant 0 : i32
    %eq3A_3360 = arith.cmpi eq, %jit3A_3358, %eq3A_3359 : i32
    %jit3A_3361 = arith.constant 1 : i32
    %select_n3A_3362 = arith.select %eq3A_3360, %jit3A_3361, %jit3A_3358 : i32
    %rem3A_3363 = arith.remsi %add3A_3333, %select_n3A_3362 : i32
    %ne3A_3364 = arith.constant 0 : i32
    %ne3A_3365 = arith.cmpi ne, %rem3A_3363, %ne3A_3364 : i32
    %lt3A_3366 = arith.constant 0 : i32
    %lt3A_3367 = arith.cmpi slt, %rem3A_3363, %lt3A_3366 : i32
    %lt3A_3368 = arith.constant 0 : i32
    %lt3A_3369 = arith.cmpi slt, %select_n3A_3362, %lt3A_3368 : i32
    %ne3A_3370 = arith.xori %lt3A_3367, %lt3A_3369 : i1
    %and3A_3371 = arith.andi %ne3A_3370, %ne3A_3365 : i1
    %add3A_3372 = arith.addi %rem3A_3363, %select_n3A_3362 : i32
    %select_n3A_3373 = arith.select %and3A_3371, %add3A_3372, %rem3A_3363 : i32
    %jit3A_3374 = arith.constant 4 : i32
    %div3A_3375 = arith.divsi %select_n3A_3373, %jit3A_3374 : i32
    %sign3A_3376 = arith.constant 0 : i32
    %sign3A_3377 = arith.cmpi sgt, %select_n3A_3373, %sign3A_3376 : i32
    %sign3A_3378 = arith.extui %sign3A_3377 : i1 to i32
    %sign3A_3379 = arith.constant 0 : i32
    %sign3A_3380 = arith.cmpi slt, %select_n3A_3373, %sign3A_3379 : i32
    %sign3A_3381 = arith.extui %sign3A_3380 : i1 to i32
    %sign3A_3382 = arith.subi %sign3A_3378, %sign3A_3381 : i32
    %sign3A_3383 = arith.constant 0 : i32
    %sign3A_3384 = arith.cmpi sgt, %jit3A_3374, %sign3A_3383 : i32
    %sign3A_3385 = arith.extui %sign3A_3384 : i1 to i32
    %sign3A_3386 = arith.constant 0 : i32
    %sign3A_3387 = arith.cmpi slt, %jit3A_3374, %sign3A_3386 : i32
    %sign3A_3388 = arith.extui %sign3A_3387 : i1 to i32
    %sign3A_3389 = arith.subi %sign3A_3385, %sign3A_3388 : i32
    %ne3A_3390 = arith.cmpi ne, %sign3A_3382, %sign3A_3389 : i32
    %rem3A_3391 = arith.remsi %select_n3A_3373, %jit3A_3374 : i32
    %ne3A_3392 = arith.constant 0 : i32
    %ne3A_3393 = arith.cmpi ne, %rem3A_3391, %ne3A_3392 : i32
    %and3A_3394 = arith.andi %ne3A_3390, %ne3A_3393 : i1
    %sub3A_3395 = arith.constant 1 : i32
    %sub3A_3396 = arith.subi %div3A_3375, %sub3A_3395 : i32
    %select_n3A_3397 = arith.select %and3A_3394, %sub3A_3396, %div3A_3375 : i32
    %jit3A_3398 = arith.constant 4 : i32
    %eq3A_3399 = arith.constant 0 : i32
    %eq3A_3400 = arith.cmpi eq, %jit3A_3398, %eq3A_3399 : i32
    %jit3A_3401 = arith.constant 1 : i32
    %select_n3A_3402 = arith.select %eq3A_3400, %jit3A_3401, %jit3A_3398 : i32
    %rem3A_3403 = arith.remsi %select_n3A_3373, %select_n3A_3402 : i32
    %ne3A_3404 = arith.constant 0 : i32
    %ne3A_3405 = arith.cmpi ne, %rem3A_3403, %ne3A_3404 : i32
    %lt3A_3406 = arith.constant 0 : i32
    %lt3A_3407 = arith.cmpi slt, %rem3A_3403, %lt3A_3406 : i32
    %lt3A_3408 = arith.constant 0 : i32
    %lt3A_3409 = arith.cmpi slt, %select_n3A_3402, %lt3A_3408 : i32
    %ne3A_3410 = arith.xori %lt3A_3407, %lt3A_3409 : i1
    %and3A_3411 = arith.andi %ne3A_3410, %ne3A_3405 : i1
    %add3A_3412 = arith.addi %rem3A_3403, %select_n3A_3402 : i32
    %select_n3A_3413 = arith.select %and3A_3411, %add3A_3412, %rem3A_3403 : i32
    %mul3A_3414 = arith.constant 16 : i32
    %mul3A_3415 = arith.muli %select_n3A_3397, %mul3A_3414 : i32
    %mul3A_3416 = arith.constant 2048 : i32
    %mul3A_3417 = arith.muli %select_n3A_3413, %mul3A_3416 : i32
    %dma_start3A_3418 = tpu.memref_slice %arg3[%select_n3A_3357, %mul3A_3415, %mul3A_3417] : memref<4x768x8192xf32, #tpu.memory_space<hbm>> -> memref<1x16x2048xf32, #tpu.memory_space<hbm>>
    %dma_start3A_3419 = tpu.memref_squeeze %dma_start3A_3418 : memref<1x16x2048xf32, #tpu.memory_space<hbm>> -> memref<16x2048xf32, #tpu.memory_space<hbm>>
    %dma_start3A_3420 = tpu.memref_slice %arg3[%select_n3A_3357, %mul3A_3415, %mul3A_3417] : memref<4x768x8192xf32, #tpu.memory_space<hbm>> -> memref<1x16x2048xf32, #tpu.memory_space<hbm>>
    %dma_start3A_3421 = tpu.memref_squeeze %dma_start3A_3420 : memref<1x16x2048xf32, #tpu.memory_space<hbm>> -> memref<16x2048xf32, #tpu.memory_space<hbm>>
    tpu.enqueue_dma source(%arg11 : memref<16x2048xf32, #tpu.memory_space<vmem>>) target(%dma_start3A_3421 : memref<16x2048xf32, #tpu.memory_space<hbm>>) target_semaphore(%arg14 : memref<!tpu.dma_semaphore, #tpu.memory_space<semaphore_mem>>)
    %dma_wait3A_3422 = tpu.memref_slice %arg3[%select_n3A_3357, %mul3A_3415, %mul3A_3417] : memref<4x768x8192xf32, #tpu.memory_space<hbm>> -> memref<1x16x2048xf32, #tpu.memory_space<hbm>>
    %dma_wait3A_3423 = tpu.memref_squeeze %dma_wait3A_3422 : memref<1x16x2048xf32, #tpu.memory_space<hbm>> -> memref<16x2048xf32, #tpu.memory_space<hbm>>
    %dma_wait3A_3424 = tpu.memref_slice %arg3[%select_n3A_3357, %mul3A_3415, %mul3A_3417] : memref<4x768x8192xf32, #tpu.memory_space<hbm>> -> memref<1x16x2048xf32, #tpu.memory_space<hbm>>
    %dma_wait3A_3425 = tpu.memref_squeeze %dma_wait3A_3424 : memref<1x16x2048xf32, #tpu.memory_space<hbm>> -> memref<16x2048xf32, #tpu.memory_space<hbm>>
    tpu.wait_dma2 semaphore(%arg14 : memref<!tpu.dma_semaphore, #tpu.memory_space<semaphore_mem>>) src(%arg11 : memref<16x2048xf32, #tpu.memory_space<vmem>>) dst(%dma_wait3A_3425 : memref<16x2048xf32, #tpu.memory_space<hbm>>)
    %add3A_3426 = arith.constant 16 : i32
    %add3A_3427 = arith.addi %mul3A_2, %add3A_3426 : i32
    %jit3A_3428 = arith.constant 192 : i32
    %div3A_3429 = arith.divsi %add3A_3427, %jit3A_3428 : i32
    %sign3A_3430 = arith.constant 0 : i32
    %sign3A_3431 = arith.cmpi sgt, %add3A_3427, %sign3A_3430 : i32
    %sign3A_3432 = arith.extui %sign3A_3431 : i1 to i32
    %sign3A_3433 = arith.constant 0 : i32
    %sign3A_3434 = arith.cmpi slt, %add3A_3427, %sign3A_3433 : i32
    %sign3A_3435 = arith.extui %sign3A_3434 : i1 to i32
    %sign3A_3436 = arith.subi %sign3A_3432, %sign3A_3435 : i32
    %sign3A_3437 = arith.constant 0 : i32
    %sign3A_3438 = arith.cmpi sgt, %jit3A_3428, %sign3A_3437 : i32
    %sign3A_3439 = arith.extui %sign3A_3438 : i1 to i32
    %sign3A_3440 = arith.constant 0 : i32
    %sign3A_3441 = arith.cmpi slt, %jit3A_3428, %sign3A_3440 : i32
    %sign3A_3442 = arith.extui %sign3A_3441 : i1 to i32
    %sign3A_3443 = arith.subi %sign3A_3439, %sign3A_3442 : i32
    %ne3A_3444 = arith.cmpi ne, %sign3A_3436, %sign3A_3443 : i32
    %rem3A_3445 = arith.remsi %add3A_3427, %jit3A_3428 : i32
    %ne3A_3446 = arith.constant 0 : i32
    %ne3A_3447 = arith.cmpi ne, %rem3A_3445, %ne3A_3446 : i32
    %and3A_3448 = arith.andi %ne3A_3444, %ne3A_3447 : i1
    %sub3A_3449 = arith.constant 1 : i32
    %sub3A_3450 = arith.subi %div3A_3429, %sub3A_3449 : i32
    %select_n3A_3451 = arith.select %and3A_3448, %sub3A_3450, %div3A_3429 : i32
    %jit3A_3452 = arith.constant 192 : i32
    %eq3A_3453 = arith.constant 0 : i32
    %eq3A_3454 = arith.cmpi eq, %jit3A_3452, %eq3A_3453 : i32
    %jit3A_3455 = arith.constant 1 : i32
    %select_n3A_3456 = arith.select %eq3A_3454, %jit3A_3455, %jit3A_3452 : i32
    %rem3A_3457 = arith.remsi %add3A_3427, %select_n3A_3456 : i32
    %ne3A_3458 = arith.constant 0 : i32
    %ne3A_3459 = arith.cmpi ne, %rem3A_3457, %ne3A_3458 : i32
    %lt3A_3460 = arith.constant 0 : i32
    %lt3A_3461 = arith.cmpi slt, %rem3A_3457, %lt3A_3460 : i32
    %lt3A_3462 = arith.constant 0 : i32
    %lt3A_3463 = arith.cmpi slt, %select_n3A_3456, %lt3A_3462 : i32
    %ne3A_3464 = arith.xori %lt3A_3461, %lt3A_3463 : i1
    %and3A_3465 = arith.andi %ne3A_3464, %ne3A_3459 : i1
    %add3A_3466 = arith.addi %rem3A_3457, %select_n3A_3456 : i32
    %select_n3A_3467 = arith.select %and3A_3465, %add3A_3466, %rem3A_3457 : i32
    %jit3A_3468 = arith.constant 4 : i32
    %div3A_3469 = arith.divsi %select_n3A_3467, %jit3A_3468 : i32
    %sign3A_3470 = arith.constant 0 : i32
    %sign3A_3471 = arith.cmpi sgt, %select_n3A_3467, %sign3A_3470 : i32
    %sign3A_3472 = arith.extui %sign3A_3471 : i1 to i32
    %sign3A_3473 = arith.constant 0 : i32
    %sign3A_3474 = arith.cmpi slt, %select_n3A_3467, %sign3A_3473 : i32
    %sign3A_3475 = arith.extui %sign3A_3474 : i1 to i32
    %sign3A_3476 = arith.subi %sign3A_3472, %sign3A_3475 : i32
    %sign3A_3477 = arith.constant 0 : i32
    %sign3A_3478 = arith.cmpi sgt, %jit3A_3468, %sign3A_3477 : i32
    %sign3A_3479 = arith.extui %sign3A_3478 : i1 to i32
    %sign3A_3480 = arith.constant 0 : i32
    %sign3A_3481 = arith.cmpi slt, %jit3A_3468, %sign3A_3480 : i32
    %sign3A_3482 = arith.extui %sign3A_3481 : i1 to i32
    %sign3A_3483 = arith.subi %sign3A_3479, %sign3A_3482 : i32
    %ne3A_3484 = arith.cmpi ne, %sign3A_3476, %sign3A_3483 : i32
    %rem3A_3485 = arith.remsi %select_n3A_3467, %jit3A_3468 : i32
    %ne3A_3486 = arith.constant 0 : i32
    %ne3A_3487 = arith.cmpi ne, %rem3A_3485, %ne3A_3486 : i32
    %and3A_3488 = arith.andi %ne3A_3484, %ne3A_3487 : i1
    %sub3A_3489 = arith.constant 1 : i32
    %sub3A_3490 = arith.subi %div3A_3469, %sub3A_3489 : i32
    %select_n3A_3491 = arith.select %and3A_3488, %sub3A_3490, %div3A_3469 : i32
    %jit3A_3492 = arith.constant 4 : i32
    %eq3A_3493 = arith.constant 0 : i32
    %eq3A_3494 = arith.cmpi eq, %jit3A_3492, %eq3A_3493 : i32
    %jit3A_3495 = arith.constant 1 : i32
    %select_n3A_3496 = arith.select %eq3A_3494, %jit3A_3495, %jit3A_3492 : i32
    %rem3A_3497 = arith.remsi %select_n3A_3467, %select_n3A_3496 : i32
    %ne3A_3498 = arith.constant 0 : i32
    %ne3A_3499 = arith.cmpi ne, %rem3A_3497, %ne3A_3498 : i32
    %lt3A_3500 = arith.constant 0 : i32
    %lt3A_3501 = arith.cmpi slt, %rem3A_3497, %lt3A_3500 : i32
    %lt3A_3502 = arith.constant 0 : i32
    %lt3A_3503 = arith.cmpi slt, %select_n3A_3496, %lt3A_3502 : i32
    %ne3A_3504 = arith.xori %lt3A_3501, %lt3A_3503 : i1
    %and3A_3505 = arith.andi %ne3A_3504, %ne3A_3499 : i1
    %add3A_3506 = arith.addi %rem3A_3497, %select_n3A_3496 : i32
    %select_n3A_3507 = arith.select %and3A_3505, %add3A_3506, %rem3A_3497 : i32
    %mul3A_3508 = arith.constant 16 : i32
    %mul3A_3509 = arith.muli %select_n3A_3491, %mul3A_3508 : i32
    %mul3A_3510 = arith.constant 2048 : i32
    %mul3A_3511 = arith.muli %select_n3A_3507, %mul3A_3510 : i32
    %dma_start3A_3512 = arith.constant 0 : i32
    %dma_start3A_3513 = tpu.memref_slice %arg2[%select_n3A_3451, %dma_start3A_3512, %mul3A_3511] : memref<4x768x8192xf32, #tpu.memory_space<hbm>> -> memref<1x768x2048xf32, #tpu.memory_space<hbm>>
    %dma_start3A_3514 = tpu.memref_squeeze %dma_start3A_3513 : memref<1x768x2048xf32, #tpu.memory_space<hbm>> -> memref<768x2048xf32, #tpu.memory_space<hbm>>
    %dma_start3A_3515 = arith.constant 0 : i32
    %dma_start3A_3516 = arith.constant 0 : i32
    %dma_start3A_3517 = tpu.memref_slice %dma_start3A_3514[%dma_start3A_3515, %dma_start3A_3516] : memref<768x2048xf32, #tpu.memory_space<hbm>> -> memref<768x2048xf32, #tpu.memory_space<hbm>>
    tpu.enqueue_indirect_dma source(%dma_start3A_3517 : memref<768x2048xf32, #tpu.memory_space<hbm>>) target(%arg11 : memref<16x2048xf32, #tpu.memory_space<vmem>>) offsets(%arg8 : memref<16xi32, #tpu.memory_space<vmem>>) semaphore(%arg13 : memref<!tpu.dma_semaphore, #tpu.memory_space<semaphore_mem>>)
    %dma_wait3A_3518 = arith.constant 0 : i32
    %dma_wait3A_3519 = tpu.memref_slice %arg2[%select_n3A_3067, %dma_wait3A_3518, %mul3A_3127] : memref<4x768x8192xf32, #tpu.memory_space<hbm>> -> memref<1x768x2048xf32, #tpu.memory_space<hbm>>
    %dma_wait3A_3520 = tpu.memref_squeeze %dma_wait3A_3519 : memref<1x768x2048xf32, #tpu.memory_space<hbm>> -> memref<768x2048xf32, #tpu.memory_space<hbm>>
    %dma_wait3A_3521 = arith.constant 0 : i32
    %dma_wait3A_3522 = arith.constant 0 : i32
    %dma_wait3A_3523 = tpu.memref_slice %dma_wait3A_3520[%dma_wait3A_3521, %dma_wait3A_3522] : memref<768x2048xf32, #tpu.memory_space<hbm>> -> memref<768x2048xf32, #tpu.memory_space<hbm>>
    tpu.wait_indirect_dma semaphore(%arg13 : memref<!tpu.dma_semaphore, #tpu.memory_space<semaphore_mem>>) src(%dma_wait3A_3523 : memref<768x2048xf32, #tpu.memory_space<hbm>>) dst(%arg12 : memref<16x2048xf32, #tpu.memory_space<vmem>>)
    %add3A_3524 = arith.constant 14 : i32
    %add3A_3525 = arith.addi %mul3A_2, %add3A_3524 : i32
    %jit3A_3526 = arith.constant 192 : i32
    %div3A_3527 = arith.divsi %add3A_3525, %jit3A_3526 : i32
    %sign3A_3528 = arith.constant 0 : i32
    %sign3A_3529 = arith.cmpi sgt, %add3A_3525, %sign3A_3528 : i32
    %sign3A_3530 = arith.extui %sign3A_3529 : i1 to i32
    %sign3A_3531 = arith.constant 0 : i32
    %sign3A_3532 = arith.cmpi slt, %add3A_3525, %sign3A_3531 : i32
    %sign3A_3533 = arith.extui %sign3A_3532 : i1 to i32
    %sign3A_3534 = arith.subi %sign3A_3530, %sign3A_3533 : i32
    %sign3A_3535 = arith.constant 0 : i32
    %sign3A_3536 = arith.cmpi sgt, %jit3A_3526, %sign3A_3535 : i32
    %sign3A_3537 = arith.extui %sign3A_3536 : i1 to i32
    %sign3A_3538 = arith.constant 0 : i32
    %sign3A_3539 = arith.cmpi slt, %jit3A_3526, %sign3A_3538 : i32
    %sign3A_3540 = arith.extui %sign3A_3539 : i1 to i32
    %sign3A_3541 = arith.subi %sign3A_3537, %sign3A_3540 : i32
    %ne3A_3542 = arith.cmpi ne, %sign3A_3534, %sign3A_3541 : i32
    %rem3A_3543 = arith.remsi %add3A_3525, %jit3A_3526 : i32
    %ne3A_3544 = arith.constant 0 : i32
    %ne3A_3545 = arith.cmpi ne, %rem3A_3543, %ne3A_3544 : i32
    %and3A_3546 = arith.andi %ne3A_3542, %ne3A_3545 : i1
    %sub3A_3547 = arith.constant 1 : i32
    %sub3A_3548 = arith.subi %div3A_3527, %sub3A_3547 : i32
    %select_n3A_3549 = arith.select %and3A_3546, %sub3A_3548, %div3A_3527 : i32
    %jit3A_3550 = arith.constant 192 : i32
    %eq3A_3551 = arith.constant 0 : i32
    %eq3A_3552 = arith.cmpi eq, %jit3A_3550, %eq3A_3551 : i32
    %jit3A_3553 = arith.constant 1 : i32
    %select_n3A_3554 = arith.select %eq3A_3552, %jit3A_3553, %jit3A_3550 : i32
    %rem3A_3555 = arith.remsi %add3A_3525, %select_n3A_3554 : i32
    %ne3A_3556 = arith.constant 0 : i32
    %ne3A_3557 = arith.cmpi ne, %rem3A_3555, %ne3A_3556 : i32
    %lt3A_3558 = arith.constant 0 : i32
    %lt3A_3559 = arith.cmpi slt, %rem3A_3555, %lt3A_3558 : i32
    %lt3A_3560 = arith.constant 0 : i32
    %lt3A_3561 = arith.cmpi slt, %select_n3A_3554, %lt3A_3560 : i32
    %ne3A_3562 = arith.xori %lt3A_3559, %lt3A_3561 : i1
    %and3A_3563 = arith.andi %ne3A_3562, %ne3A_3557 : i1
    %add3A_3564 = arith.addi %rem3A_3555, %select_n3A_3554 : i32
    %select_n3A_3565 = arith.select %and3A_3563, %add3A_3564, %rem3A_3555 : i32
    %jit3A_3566 = arith.constant 4 : i32
    %div3A_3567 = arith.divsi %select_n3A_3565, %jit3A_3566 : i32
    %sign3A_3568 = arith.constant 0 : i32
    %sign3A_3569 = arith.cmpi sgt, %select_n3A_3565, %sign3A_3568 : i32
    %sign3A_3570 = arith.extui %sign3A_3569 : i1 to i32
    %sign3A_3571 = arith.constant 0 : i32
    %sign3A_3572 = arith.cmpi slt, %select_n3A_3565, %sign3A_3571 : i32
    %sign3A_3573 = arith.extui %sign3A_3572 : i1 to i32
    %sign3A_3574 = arith.subi %sign3A_3570, %sign3A_3573 : i32
    %sign3A_3575 = arith.constant 0 : i32
    %sign3A_3576 = arith.cmpi sgt, %jit3A_3566, %sign3A_3575 : i32
    %sign3A_3577 = arith.extui %sign3A_3576 : i1 to i32
    %sign3A_3578 = arith.constant 0 : i32
    %sign3A_3579 = arith.cmpi slt, %jit3A_3566, %sign3A_3578 : i32
    %sign3A_3580 = arith.extui %sign3A_3579 : i1 to i32
    %sign3A_3581 = arith.subi %sign3A_3577, %sign3A_3580 : i32
    %ne3A_3582 = arith.cmpi ne, %sign3A_3574, %sign3A_3581 : i32
    %rem3A_3583 = arith.remsi %select_n3A_3565, %jit3A_3566 : i32
    %ne3A_3584 = arith.constant 0 : i32
    %ne3A_3585 = arith.cmpi ne, %rem3A_3583, %ne3A_3584 : i32
    %and3A_3586 = arith.andi %ne3A_3582, %ne3A_3585 : i1
    %sub3A_3587 = arith.constant 1 : i32
    %sub3A_3588 = arith.subi %div3A_3567, %sub3A_3587 : i32
    %select_n3A_3589 = arith.select %and3A_3586, %sub3A_3588, %div3A_3567 : i32
    %jit3A_3590 = arith.constant 4 : i32
    %eq3A_3591 = arith.constant 0 : i32
    %eq3A_3592 = arith.cmpi eq, %jit3A_3590, %eq3A_3591 : i32
    %jit3A_3593 = arith.constant 1 : i32
    %select_n3A_3594 = arith.select %eq3A_3592, %jit3A_3593, %jit3A_3590 : i32
    %rem3A_3595 = arith.remsi %select_n3A_3565, %select_n3A_3594 : i32
    %ne3A_3596 = arith.constant 0 : i32
    %ne3A_3597 = arith.cmpi ne, %rem3A_3595, %ne3A_3596 : i32
    %lt3A_3598 = arith.constant 0 : i32
    %lt3A_3599 = arith.cmpi slt, %rem3A_3595, %lt3A_3598 : i32
    %lt3A_3600 = arith.constant 0 : i32
    %lt3A_3601 = arith.cmpi slt, %select_n3A_3594, %lt3A_3600 : i32
    %ne3A_3602 = arith.xori %lt3A_3599, %lt3A_3601 : i1
    %and3A_3603 = arith.andi %ne3A_3602, %ne3A_3597 : i1
    %add3A_3604 = arith.addi %rem3A_3595, %select_n3A_3594 : i32
    %select_n3A_3605 = arith.select %and3A_3603, %add3A_3604, %rem3A_3595 : i32
    %mul3A_3606 = arith.constant 16 : i32
    %mul3A_3607 = arith.muli %select_n3A_3589, %mul3A_3606 : i32
    %mul3A_3608 = arith.constant 2048 : i32
    %mul3A_3609 = arith.muli %select_n3A_3605, %mul3A_3608 : i32
    %dma_start3A_3610 = tpu.memref_slice %arg3[%select_n3A_3549, %mul3A_3607, %mul3A_3609] : memref<4x768x8192xf32, #tpu.memory_space<hbm>> -> memref<1x16x2048xf32, #tpu.memory_space<hbm>>
    %dma_start3A_3611 = tpu.memref_squeeze %dma_start3A_3610 : memref<1x16x2048xf32, #tpu.memory_space<hbm>> -> memref<16x2048xf32, #tpu.memory_space<hbm>>
    %dma_start3A_3612 = tpu.memref_slice %arg3[%select_n3A_3549, %mul3A_3607, %mul3A_3609] : memref<4x768x8192xf32, #tpu.memory_space<hbm>> -> memref<1x16x2048xf32, #tpu.memory_space<hbm>>
    %dma_start3A_3613 = tpu.memref_squeeze %dma_start3A_3612 : memref<1x16x2048xf32, #tpu.memory_space<hbm>> -> memref<16x2048xf32, #tpu.memory_space<hbm>>
    tpu.enqueue_dma source(%arg12 : memref<16x2048xf32, #tpu.memory_space<vmem>>) target(%dma_start3A_3613 : memref<16x2048xf32, #tpu.memory_space<hbm>>) target_semaphore(%arg14 : memref<!tpu.dma_semaphore, #tpu.memory_space<semaphore_mem>>)
    %dma_wait3A_3614 = tpu.memref_slice %arg3[%select_n3A_3549, %mul3A_3607, %mul3A_3609] : memref<4x768x8192xf32, #tpu.memory_space<hbm>> -> memref<1x16x2048xf32, #tpu.memory_space<hbm>>
    %dma_wait3A_3615 = tpu.memref_squeeze %dma_wait3A_3614 : memref<1x16x2048xf32, #tpu.memory_space<hbm>> -> memref<16x2048xf32, #tpu.memory_space<hbm>>
    %dma_wait3A_3616 = tpu.memref_slice %arg3[%select_n3A_3549, %mul3A_3607, %mul3A_3609] : memref<4x768x8192xf32, #tpu.memory_space<hbm>> -> memref<1x16x2048xf32, #tpu.memory_space<hbm>>
    %dma_wait3A_3617 = tpu.memref_squeeze %dma_wait3A_3616 : memref<1x16x2048xf32, #tpu.memory_space<hbm>> -> memref<16x2048xf32, #tpu.memory_space<hbm>>
    tpu.wait_dma2 semaphore(%arg14 : memref<!tpu.dma_semaphore, #tpu.memory_space<semaphore_mem>>) src(%arg12 : memref<16x2048xf32, #tpu.memory_space<vmem>>) dst(%dma_wait3A_3617 : memref<16x2048xf32, #tpu.memory_space<hbm>>)
    %add3A_3618 = arith.constant 17 : i32
    %add3A_3619 = arith.addi %mul3A_2, %add3A_3618 : i32
    %jit3A_3620 = arith.constant 192 : i32
    %div3A_3621 = arith.divsi %add3A_3619, %jit3A_3620 : i32
    %sign3A_3622 = arith.constant 0 : i32
    %sign3A_3623 = arith.cmpi sgt, %add3A_3619, %sign3A_3622 : i32
    %sign3A_3624 = arith.extui %sign3A_3623 : i1 to i32
    %sign3A_3625 = arith.constant 0 : i32
    %sign3A_3626 = arith.cmpi slt, %add3A_3619, %sign3A_3625 : i32
    %sign3A_3627 = arith.extui %sign3A_3626 : i1 to i32
    %sign3A_3628 = arith.subi %sign3A_3624, %sign3A_3627 : i32
    %sign3A_3629 = arith.constant 0 : i32
    %sign3A_3630 = arith.cmpi sgt, %jit3A_3620, %sign3A_3629 : i32
    %sign3A_3631 = arith.extui %sign3A_3630 : i1 to i32
    %sign3A_3632 = arith.constant 0 : i32
    %sign3A_3633 = arith.cmpi slt, %jit3A_3620, %sign3A_3632 : i32
    %sign3A_3634 = arith.extui %sign3A_3633 : i1 to i32
    %sign3A_3635 = arith.subi %sign3A_3631, %sign3A_3634 : i32
    %ne3A_3636 = arith.cmpi ne, %sign3A_3628, %sign3A_3635 : i32
    %rem3A_3637 = arith.remsi %add3A_3619, %jit3A_3620 : i32
    %ne3A_3638 = arith.constant 0 : i32
    %ne3A_3639 = arith.cmpi ne, %rem3A_3637, %ne3A_3638 : i32
    %and3A_3640 = arith.andi %ne3A_3636, %ne3A_3639 : i1
    %sub3A_3641 = arith.constant 1 : i32
    %sub3A_3642 = arith.subi %div3A_3621, %sub3A_3641 : i32
    %select_n3A_3643 = arith.select %and3A_3640, %sub3A_3642, %div3A_3621 : i32
    %jit3A_3644 = arith.constant 192 : i32
    %eq3A_3645 = arith.constant 0 : i32
    %eq3A_3646 = arith.cmpi eq, %jit3A_3644, %eq3A_3645 : i32
    %jit3A_3647 = arith.constant 1 : i32
    %select_n3A_3648 = arith.select %eq3A_3646, %jit3A_3647, %jit3A_3644 : i32
    %rem3A_3649 = arith.remsi %add3A_3619, %select_n3A_3648 : i32
    %ne3A_3650 = arith.constant 0 : i32
    %ne3A_3651 = arith.cmpi ne, %rem3A_3649, %ne3A_3650 : i32
    %lt3A_3652 = arith.constant 0 : i32
    %lt3A_3653 = arith.cmpi slt, %rem3A_3649, %lt3A_3652 : i32
    %lt3A_3654 = arith.constant 0 : i32
    %lt3A_3655 = arith.cmpi slt, %select_n3A_3648, %lt3A_3654 : i32
    %ne3A_3656 = arith.xori %lt3A_3653, %lt3A_3655 : i1
    %and3A_3657 = arith.andi %ne3A_3656, %ne3A_3651 : i1
    %add3A_3658 = arith.addi %rem3A_3649, %select_n3A_3648 : i32
    %select_n3A_3659 = arith.select %and3A_3657, %add3A_3658, %rem3A_3649 : i32
    %jit3A_3660 = arith.constant 4 : i32
    %div3A_3661 = arith.divsi %select_n3A_3659, %jit3A_3660 : i32
    %sign3A_3662 = arith.constant 0 : i32
    %sign3A_3663 = arith.cmpi sgt, %select_n3A_3659, %sign3A_3662 : i32
    %sign3A_3664 = arith.extui %sign3A_3663 : i1 to i32
    %sign3A_3665 = arith.constant 0 : i32
    %sign3A_3666 = arith.cmpi slt, %select_n3A_3659, %sign3A_3665 : i32
    %sign3A_3667 = arith.extui %sign3A_3666 : i1 to i32
    %sign3A_3668 = arith.subi %sign3A_3664, %sign3A_3667 : i32
    %sign3A_3669 = arith.constant 0 : i32
    %sign3A_3670 = arith.cmpi sgt, %jit3A_3660, %sign3A_3669 : i32
    %sign3A_3671 = arith.extui %sign3A_3670 : i1 to i32
    %sign3A_3672 = arith.constant 0 : i32
    %sign3A_3673 = arith.cmpi slt, %jit3A_3660, %sign3A_3672 : i32
    %sign3A_3674 = arith.extui %sign3A_3673 : i1 to i32
    %sign3A_3675 = arith.subi %sign3A_3671, %sign3A_3674 : i32
    %ne3A_3676 = arith.cmpi ne, %sign3A_3668, %sign3A_3675 : i32
    %rem3A_3677 = arith.remsi %select_n3A_3659, %jit3A_3660 : i32
    %ne3A_3678 = arith.constant 0 : i32
    %ne3A_3679 = arith.cmpi ne, %rem3A_3677, %ne3A_3678 : i32
    %and3A_3680 = arith.andi %ne3A_3676, %ne3A_3679 : i1
    %sub3A_3681 = arith.constant 1 : i32
    %sub3A_3682 = arith.subi %div3A_3661, %sub3A_3681 : i32
    %select_n3A_3683 = arith.select %and3A_3680, %sub3A_3682, %div3A_3661 : i32
    %jit3A_3684 = arith.constant 4 : i32
    %eq3A_3685 = arith.constant 0 : i32
    %eq3A_3686 = arith.cmpi eq, %jit3A_3684, %eq3A_3685 : i32
    %jit3A_3687 = arith.constant 1 : i32
    %select_n3A_3688 = arith.select %eq3A_3686, %jit3A_3687, %jit3A_3684 : i32
    %rem3A_3689 = arith.remsi %select_n3A_3659, %select_n3A_3688 : i32
    %ne3A_3690 = arith.constant 0 : i32
    %ne3A_3691 = arith.cmpi ne, %rem3A_3689, %ne3A_3690 : i32
    %lt3A_3692 = arith.constant 0 : i32
    %lt3A_3693 = arith.cmpi slt, %rem3A_3689, %lt3A_3692 : i32
    %lt3A_3694 = arith.constant 0 : i32
    %lt3A_3695 = arith.cmpi slt, %select_n3A_3688, %lt3A_3694 : i32
    %ne3A_3696 = arith.xori %lt3A_3693, %lt3A_3695 : i1
    %and3A_3697 = arith.andi %ne3A_3696, %ne3A_3691 : i1
    %add3A_3698 = arith.addi %rem3A_3689, %select_n3A_3688 : i32
    %select_n3A_3699 = arith.select %and3A_3697, %add3A_3698, %rem3A_3689 : i32
    %mul3A_3700 = arith.constant 16 : i32
    %mul3A_3701 = arith.muli %select_n3A_3683, %mul3A_3700 : i32
    %mul3A_3702 = arith.constant 2048 : i32
    %mul3A_3703 = arith.muli %select_n3A_3699, %mul3A_3702 : i32
    %dma_start3A_3704 = arith.constant 0 : i32
    %dma_start3A_3705 = tpu.memref_slice %arg2[%select_n3A_3643, %dma_start3A_3704, %mul3A_3703] : memref<4x768x8192xf32, #tpu.memory_space<hbm>> -> memref<1x768x2048xf32, #tpu.memory_space<hbm>>
    %dma_start3A_3706 = tpu.memref_squeeze %dma_start3A_3705 : memref<1x768x2048xf32, #tpu.memory_space<hbm>> -> memref<768x2048xf32, #tpu.memory_space<hbm>>
    %dma_start3A_3707 = arith.constant 0 : i32
    %dma_start3A_3708 = arith.constant 0 : i32
    %dma_start3A_3709 = tpu.memref_slice %dma_start3A_3706[%dma_start3A_3707, %dma_start3A_3708] : memref<768x2048xf32, #tpu.memory_space<hbm>> -> memref<768x2048xf32, #tpu.memory_space<hbm>>
    tpu.enqueue_indirect_dma source(%dma_start3A_3709 : memref<768x2048xf32, #tpu.memory_space<hbm>>) target(%arg12 : memref<16x2048xf32, #tpu.memory_space<vmem>>) offsets(%arg8 : memref<16xi32, #tpu.memory_space<vmem>>) semaphore(%arg13 : memref<!tpu.dma_semaphore, #tpu.memory_space<semaphore_mem>>)
    %dma_wait3A_3710 = arith.constant 0 : i32
    %dma_wait3A_3711 = tpu.memref_slice %arg2[%select_n3A_3259, %dma_wait3A_3710, %mul3A_3319] : memref<4x768x8192xf32, #tpu.memory_space<hbm>> -> memref<1x768x2048xf32, #tpu.memory_space<hbm>>
    %dma_wait3A_3712 = tpu.memref_squeeze %dma_wait3A_3711 : memref<1x768x2048xf32, #tpu.memory_space<hbm>> -> memref<768x2048xf32, #tpu.memory_space<hbm>>
    %dma_wait3A_3713 = arith.constant 0 : i32
    %dma_wait3A_3714 = arith.constant 0 : i32
    %dma_wait3A_3715 = tpu.memref_slice %dma_wait3A_3712[%dma_wait3A_3713, %dma_wait3A_3714] : memref<768x2048xf32, #tpu.memory_space<hbm>> -> memref<768x2048xf32, #tpu.memory_space<hbm>>
    tpu.wait_indirect_dma semaphore(%arg13 : memref<!tpu.dma_semaphore, #tpu.memory_space<semaphore_mem>>) src(%dma_wait3A_3715 : memref<768x2048xf32, #tpu.memory_space<hbm>>) dst(%arg10 : memref<16x2048xf32, #tpu.memory_space<vmem>>)
    %add3A_3716 = arith.constant 15 : i32
    %add3A_3717 = arith.addi %mul3A_2, %add3A_3716 : i32
    %jit3A_3718 = arith.constant 192 : i32
    %div3A_3719 = arith.divsi %add3A_3717, %jit3A_3718 : i32
    %sign3A_3720 = arith.constant 0 : i32
    %sign3A_3721 = arith.cmpi sgt, %add3A_3717, %sign3A_3720 : i32
    %sign3A_3722 = arith.extui %sign3A_3721 : i1 to i32
    %sign3A_3723 = arith.constant 0 : i32
    %sign3A_3724 = arith.cmpi slt, %add3A_3717, %sign3A_3723 : i32
    %sign3A_3725 = arith.extui %sign3A_3724 : i1 to i32
    %sign3A_3726 = arith.subi %sign3A_3722, %sign3A_3725 : i32
    %sign3A_3727 = arith.constant 0 : i32
    %sign3A_3728 = arith.cmpi sgt, %jit3A_3718, %sign3A_3727 : i32
    %sign3A_3729 = arith.extui %sign3A_3728 : i1 to i32
    %sign3A_3730 = arith.constant 0 : i32
    %sign3A_3731 = arith.cmpi slt, %jit3A_3718, %sign3A_3730 : i32
    %sign3A_3732 = arith.extui %sign3A_3731 : i1 to i32
    %sign3A_3733 = arith.subi %sign3A_3729, %sign3A_3732 : i32
    %ne3A_3734 = arith.cmpi ne, %sign3A_3726, %sign3A_3733 : i32
    %rem3A_3735 = arith.remsi %add3A_3717, %jit3A_3718 : i32
    %ne3A_3736 = arith.constant 0 : i32
    %ne3A_3737 = arith.cmpi ne, %rem3A_3735, %ne3A_3736 : i32
    %and3A_3738 = arith.andi %ne3A_3734, %ne3A_3737 : i1
    %sub3A_3739 = arith.constant 1 : i32
    %sub3A_3740 = arith.subi %div3A_3719, %sub3A_3739 : i32
    %select_n3A_3741 = arith.select %and3A_3738, %sub3A_3740, %div3A_3719 : i32
    %jit3A_3742 = arith.constant 192 : i32
    %eq3A_3743 = arith.constant 0 : i32
    %eq3A_3744 = arith.cmpi eq, %jit3A_3742, %eq3A_3743 : i32
    %jit3A_3745 = arith.constant 1 : i32
    %select_n3A_3746 = arith.select %eq3A_3744, %jit3A_3745, %jit3A_3742 : i32
    %rem3A_3747 = arith.remsi %add3A_3717, %select_n3A_3746 : i32
    %ne3A_3748 = arith.constant 0 : i32
    %ne3A_3749 = arith.cmpi ne, %rem3A_3747, %ne3A_3748 : i32
    %lt3A_3750 = arith.constant 0 : i32
    %lt3A_3751 = arith.cmpi slt, %rem3A_3747, %lt3A_3750 : i32
    %lt3A_3752 = arith.constant 0 : i32
    %lt3A_3753 = arith.cmpi slt, %select_n3A_3746, %lt3A_3752 : i32
    %ne3A_3754 = arith.xori %lt3A_3751, %lt3A_3753 : i1
    %and3A_3755 = arith.andi %ne3A_3754, %ne3A_3749 : i1
    %add3A_3756 = arith.addi %rem3A_3747, %select_n3A_3746 : i32
    %select_n3A_3757 = arith.select %and3A_3755, %add3A_3756, %rem3A_3747 : i32
    %jit3A_3758 = arith.constant 4 : i32
    %div3A_3759 = arith.divsi %select_n3A_3757, %jit3A_3758 : i32
    %sign3A_3760 = arith.constant 0 : i32
    %sign3A_3761 = arith.cmpi sgt, %select_n3A_3757, %sign3A_3760 : i32
    %sign3A_3762 = arith.extui %sign3A_3761 : i1 to i32
    %sign3A_3763 = arith.constant 0 : i32
    %sign3A_3764 = arith.cmpi slt, %select_n3A_3757, %sign3A_3763 : i32
    %sign3A_3765 = arith.extui %sign3A_3764 : i1 to i32
    %sign3A_3766 = arith.subi %sign3A_3762, %sign3A_3765 : i32
    %sign3A_3767 = arith.constant 0 : i32
    %sign3A_3768 = arith.cmpi sgt, %jit3A_3758, %sign3A_3767 : i32
    %sign3A_3769 = arith.extui %sign3A_3768 : i1 to i32
    %sign3A_3770 = arith.constant 0 : i32
    %sign3A_3771 = arith.cmpi slt, %jit3A_3758, %sign3A_3770 : i32
    %sign3A_3772 = arith.extui %sign3A_3771 : i1 to i32
    %sign3A_3773 = arith.subi %sign3A_3769, %sign3A_3772 : i32
    %ne3A_3774 = arith.cmpi ne, %sign3A_3766, %sign3A_3773 : i32
    %rem3A_3775 = arith.remsi %select_n3A_3757, %jit3A_3758 : i32
    %ne3A_3776 = arith.constant 0 : i32
    %ne3A_3777 = arith.cmpi ne, %rem3A_3775, %ne3A_3776 : i32
    %and3A_3778 = arith.andi %ne3A_3774, %ne3A_3777 : i1
    %sub3A_3779 = arith.constant 1 : i32
    %sub3A_3780 = arith.subi %div3A_3759, %sub3A_3779 : i32
    %select_n3A_3781 = arith.select %and3A_3778, %sub3A_3780, %div3A_3759 : i32
    %jit3A_3782 = arith.constant 4 : i32
    %eq3A_3783 = arith.constant 0 : i32
    %eq3A_3784 = arith.cmpi eq, %jit3A_3782, %eq3A_3783 : i32
    %jit3A_3785 = arith.constant 1 : i32
    %select_n3A_3786 = arith.select %eq3A_3784, %jit3A_3785, %jit3A_3782 : i32
    %rem3A_3787 = arith.remsi %select_n3A_3757, %select_n3A_3786 : i32
    %ne3A_3788 = arith.constant 0 : i32
    %ne3A_3789 = arith.cmpi ne, %rem3A_3787, %ne3A_3788 : i32
    %lt3A_3790 = arith.constant 0 : i32
    %lt3A_3791 = arith.cmpi slt, %rem3A_3787, %lt3A_3790 : i32
    %lt3A_3792 = arith.constant 0 : i32
    %lt3A_3793 = arith.cmpi slt, %select_n3A_3786, %lt3A_3792 : i32
    %ne3A_3794 = arith.xori %lt3A_3791, %lt3A_3793 : i1
    %and3A_3795 = arith.andi %ne3A_3794, %ne3A_3789 : i1
    %add3A_3796 = arith.addi %rem3A_3787, %select_n3A_3786 : i32
    %select_n3A_3797 = arith.select %and3A_3795, %add3A_3796, %rem3A_3787 : i32
    %mul3A_3798 = arith.constant 16 : i32
    %mul3A_3799 = arith.muli %select_n3A_3781, %mul3A_3798 : i32
    %mul3A_3800 = arith.constant 2048 : i32
    %mul3A_3801 = arith.muli %select_n3A_3797, %mul3A_3800 : i32
    %dma_start3A_3802 = tpu.memref_slice %arg3[%select_n3A_3741, %mul3A_3799, %mul3A_3801] : memref<4x768x8192xf32, #tpu.memory_space<hbm>> -> memref<1x16x2048xf32, #tpu.memory_space<hbm>>
    %dma_start3A_3803 = tpu.memref_squeeze %dma_start3A_3802 : memref<1x16x2048xf32, #tpu.memory_space<hbm>> -> memref<16x2048xf32, #tpu.memory_space<hbm>>
    %dma_start3A_3804 = tpu.memref_slice %arg3[%select_n3A_3741, %mul3A_3799, %mul3A_3801] : memref<4x768x8192xf32, #tpu.memory_space<hbm>> -> memref<1x16x2048xf32, #tpu.memory_space<hbm>>
    %dma_start3A_3805 = tpu.memref_squeeze %dma_start3A_3804 : memref<1x16x2048xf32, #tpu.memory_space<hbm>> -> memref<16x2048xf32, #tpu.memory_space<hbm>>
    tpu.enqueue_dma source(%arg10 : memref<16x2048xf32, #tpu.memory_space<vmem>>) target(%dma_start3A_3805 : memref<16x2048xf32, #tpu.memory_space<hbm>>) target_semaphore(%arg14 : memref<!tpu.dma_semaphore, #tpu.memory_space<semaphore_mem>>)
    %dma_wait3A_3806 = tpu.memref_slice %arg3[%select_n3A_3741, %mul3A_3799, %mul3A_3801] : memref<4x768x8192xf32, #tpu.memory_space<hbm>> -> memref<1x16x2048xf32, #tpu.memory_space<hbm>>
    %dma_wait3A_3807 = tpu.memref_squeeze %dma_wait3A_3806 : memref<1x16x2048xf32, #tpu.memory_space<hbm>> -> memref<16x2048xf32, #tpu.memory_space<hbm>>
    %dma_wait3A_3808 = tpu.memref_slice %arg3[%select_n3A_3741, %mul3A_3799, %mul3A_3801] : memref<4x768x8192xf32, #tpu.memory_space<hbm>> -> memref<1x16x2048xf32, #tpu.memory_space<hbm>>
    %dma_wait3A_3809 = tpu.memref_squeeze %dma_wait3A_3808 : memref<1x16x2048xf32, #tpu.memory_space<hbm>> -> memref<16x2048xf32, #tpu.memory_space<hbm>>
    tpu.wait_dma2 semaphore(%arg14 : memref<!tpu.dma_semaphore, #tpu.memory_space<semaphore_mem>>) src(%arg10 : memref<16x2048xf32, #tpu.memory_space<vmem>>) dst(%dma_wait3A_3809 : memref<16x2048xf32, #tpu.memory_space<hbm>>)
    %add3A_3810 = arith.constant 18 : i32
    %add3A_3811 = arith.addi %mul3A_2, %add3A_3810 : i32
    %jit3A_3812 = arith.constant 192 : i32
    %div3A_3813 = arith.divsi %add3A_3811, %jit3A_3812 : i32
    %sign3A_3814 = arith.constant 0 : i32
    %sign3A_3815 = arith.cmpi sgt, %add3A_3811, %sign3A_3814 : i32
    %sign3A_3816 = arith.extui %sign3A_3815 : i1 to i32
    %sign3A_3817 = arith.constant 0 : i32
    %sign3A_3818 = arith.cmpi slt, %add3A_3811, %sign3A_3817 : i32
    %sign3A_3819 = arith.extui %sign3A_3818 : i1 to i32
    %sign3A_3820 = arith.subi %sign3A_3816, %sign3A_3819 : i32
    %sign3A_3821 = arith.constant 0 : i32
    %sign3A_3822 = arith.cmpi sgt, %jit3A_3812, %sign3A_3821 : i32
    %sign3A_3823 = arith.extui %sign3A_3822 : i1 to i32
    %sign3A_3824 = arith.constant 0 : i32
    %sign3A_3825 = arith.cmpi slt, %jit3A_3812, %sign3A_3824 : i32
    %sign3A_3826 = arith.extui %sign3A_3825 : i1 to i32
    %sign3A_3827 = arith.subi %sign3A_3823, %sign3A_3826 : i32
    %ne3A_3828 = arith.cmpi ne, %sign3A_3820, %sign3A_3827 : i32
    %rem3A_3829 = arith.remsi %add3A_3811, %jit3A_3812 : i32
    %ne3A_3830 = arith.constant 0 : i32
    %ne3A_3831 = arith.cmpi ne, %rem3A_3829, %ne3A_3830 : i32
    %and3A_3832 = arith.andi %ne3A_3828, %ne3A_3831 : i1
    %sub3A_3833 = arith.constant 1 : i32
    %sub3A_3834 = arith.subi %div3A_3813, %sub3A_3833 : i32
    %select_n3A_3835 = arith.select %and3A_3832, %sub3A_3834, %div3A_3813 : i32
    %jit3A_3836 = arith.constant 192 : i32
    %eq3A_3837 = arith.constant 0 : i32
    %eq3A_3838 = arith.cmpi eq, %jit3A_3836, %eq3A_3837 : i32
    %jit3A_3839 = arith.constant 1 : i32
    %select_n3A_3840 = arith.select %eq3A_3838, %jit3A_3839, %jit3A_3836 : i32
    %rem3A_3841 = arith.remsi %add3A_3811, %select_n3A_3840 : i32
    %ne3A_3842 = arith.constant 0 : i32
    %ne3A_3843 = arith.cmpi ne, %rem3A_3841, %ne3A_3842 : i32
    %lt3A_3844 = arith.constant 0 : i32
    %lt3A_3845 = arith.cmpi slt, %rem3A_3841, %lt3A_3844 : i32
    %lt3A_3846 = arith.constant 0 : i32
    %lt3A_3847 = arith.cmpi slt, %select_n3A_3840, %lt3A_3846 : i32
    %ne3A_3848 = arith.xori %lt3A_3845, %lt3A_3847 : i1
    %and3A_3849 = arith.andi %ne3A_3848, %ne3A_3843 : i1
    %add3A_3850 = arith.addi %rem3A_3841, %select_n3A_3840 : i32
    %select_n3A_3851 = arith.select %and3A_3849, %add3A_3850, %rem3A_3841 : i32
    %jit3A_3852 = arith.constant 4 : i32
    %div3A_3853 = arith.divsi %select_n3A_3851, %jit3A_3852 : i32
    %sign3A_3854 = arith.constant 0 : i32
    %sign3A_3855 = arith.cmpi sgt, %select_n3A_3851, %sign3A_3854 : i32
    %sign3A_3856 = arith.extui %sign3A_3855 : i1 to i32
    %sign3A_3857 = arith.constant 0 : i32
    %sign3A_3858 = arith.cmpi slt, %select_n3A_3851, %sign3A_3857 : i32
    %sign3A_3859 = arith.extui %sign3A_3858 : i1 to i32
    %sign3A_3860 = arith.subi %sign3A_3856, %sign3A_3859 : i32
    %sign3A_3861 = arith.constant 0 : i32
    %sign3A_3862 = arith.cmpi sgt, %jit3A_3852, %sign3A_3861 : i32
    %sign3A_3863 = arith.extui %sign3A_3862 : i1 to i32
    %sign3A_3864 = arith.constant 0 : i32
    %sign3A_3865 = arith.cmpi slt, %jit3A_3852, %sign3A_3864 : i32
    %sign3A_3866 = arith.extui %sign3A_3865 : i1 to i32
    %sign3A_3867 = arith.subi %sign3A_3863, %sign3A_3866 : i32
    %ne3A_3868 = arith.cmpi ne, %sign3A_3860, %sign3A_3867 : i32
    %rem3A_3869 = arith.remsi %select_n3A_3851, %jit3A_3852 : i32
    %ne3A_3870 = arith.constant 0 : i32
    %ne3A_3871 = arith.cmpi ne, %rem3A_3869, %ne3A_3870 : i32
    %and3A_3872 = arith.andi %ne3A_3868, %ne3A_3871 : i1
    %sub3A_3873 = arith.constant 1 : i32
    %sub3A_3874 = arith.subi %div3A_3853, %sub3A_3873 : i32
    %select_n3A_3875 = arith.select %and3A_3872, %sub3A_3874, %div3A_3853 : i32
    %jit3A_3876 = arith.constant 4 : i32
    %eq3A_3877 = arith.constant 0 : i32
    %eq3A_3878 = arith.cmpi eq, %jit3A_3876, %eq3A_3877 : i32
    %jit3A_3879 = arith.constant 1 : i32
    %select_n3A_3880 = arith.select %eq3A_3878, %jit3A_3879, %jit3A_3876 : i32
    %rem3A_3881 = arith.remsi %select_n3A_3851, %select_n3A_3880 : i32
    %ne3A_3882 = arith.constant 0 : i32
    %ne3A_3883 = arith.cmpi ne, %rem3A_3881, %ne3A_3882 : i32
    %lt3A_3884 = arith.constant 0 : i32
    %lt3A_3885 = arith.cmpi slt, %rem3A_3881, %lt3A_3884 : i32
    %lt3A_3886 = arith.constant 0 : i32
    %lt3A_3887 = arith.cmpi slt, %select_n3A_3880, %lt3A_3886 : i32
    %ne3A_3888 = arith.xori %lt3A_3885, %lt3A_3887 : i1
    %and3A_3889 = arith.andi %ne3A_3888, %ne3A_3883 : i1
    %add3A_3890 = arith.addi %rem3A_3881, %select_n3A_3880 : i32
    %select_n3A_3891 = arith.select %and3A_3889, %add3A_3890, %rem3A_3881 : i32
    %mul3A_3892 = arith.constant 16 : i32
    %mul3A_3893 = arith.muli %select_n3A_3875, %mul3A_3892 : i32
    %mul3A_3894 = arith.constant 2048 : i32
    %mul3A_3895 = arith.muli %select_n3A_3891, %mul3A_3894 : i32
    %dma_start3A_3896 = arith.constant 0 : i32
    %dma_start3A_3897 = tpu.memref_slice %arg2[%select_n3A_3835, %dma_start3A_3896, %mul3A_3895] : memref<4x768x8192xf32, #tpu.memory_space<hbm>> -> memref<1x768x2048xf32, #tpu.memory_space<hbm>>
    %dma_start3A_3898 = tpu.memref_squeeze %dma_start3A_3897 : memref<1x768x2048xf32, #tpu.memory_space<hbm>> -> memref<768x2048xf32, #tpu.memory_space<hbm>>
    %dma_start3A_3899 = arith.constant 0 : i32
    %dma_start3A_3900 = arith.constant 0 : i32
    %dma_start3A_3901 = tpu.memref_slice %dma_start3A_3898[%dma_start3A_3899, %dma_start3A_3900] : memref<768x2048xf32, #tpu.memory_space<hbm>> -> memref<768x2048xf32, #tpu.memory_space<hbm>>
    tpu.enqueue_indirect_dma source(%dma_start3A_3901 : memref<768x2048xf32, #tpu.memory_space<hbm>>) target(%arg10 : memref<16x2048xf32, #tpu.memory_space<vmem>>) offsets(%arg8 : memref<16xi32, #tpu.memory_space<vmem>>) semaphore(%arg13 : memref<!tpu.dma_semaphore, #tpu.memory_space<semaphore_mem>>)
    %dma_wait3A_3902 = arith.constant 0 : i32
    %dma_wait3A_3903 = tpu.memref_slice %arg2[%select_n3A_3451, %dma_wait3A_3902, %mul3A_3511] : memref<4x768x8192xf32, #tpu.memory_space<hbm>> -> memref<1x768x2048xf32, #tpu.memory_space<hbm>>
    %dma_wait3A_3904 = tpu.memref_squeeze %dma_wait3A_3903 : memref<1x768x2048xf32, #tpu.memory_space<hbm>> -> memref<768x2048xf32, #tpu.memory_space<hbm>>
    %dma_wait3A_3905 = arith.constant 0 : i32
    %dma_wait3A_3906 = arith.constant 0 : i32
    %dma_wait3A_3907 = tpu.memref_slice %dma_wait3A_3904[%dma_wait3A_3905, %dma_wait3A_3906] : memref<768x2048xf32, #tpu.memory_space<hbm>> -> memref<768x2048xf32, #tpu.memory_space<hbm>>
    tpu.wait_indirect_dma semaphore(%arg13 : memref<!tpu.dma_semaphore, #tpu.memory_space<semaphore_mem>>) src(%dma_wait3A_3907 : memref<768x2048xf32, #tpu.memory_space<hbm>>) dst(%arg11 : memref<16x2048xf32, #tpu.memory_space<vmem>>)
    %add3A_3908 = arith.constant 16 : i32
    %add3A_3909 = arith.addi %mul3A_2, %add3A_3908 : i32
    %jit3A_3910 = arith.constant 192 : i32
    %div3A_3911 = arith.divsi %add3A_3909, %jit3A_3910 : i32
    %sign3A_3912 = arith.constant 0 : i32
    %sign3A_3913 = arith.cmpi sgt, %add3A_3909, %sign3A_3912 : i32
    %sign3A_3914 = arith.extui %sign3A_3913 : i1 to i32
    %sign3A_3915 = arith.constant 0 : i32
    %sign3A_3916 = arith.cmpi slt, %add3A_3909, %sign3A_3915 : i32
    %sign3A_3917 = arith.extui %sign3A_3916 : i1 to i32
    %sign3A_3918 = arith.subi %sign3A_3914, %sign3A_3917 : i32
    %sign3A_3919 = arith.constant 0 : i32
    %sign3A_3920 = arith.cmpi sgt, %jit3A_3910, %sign3A_3919 : i32
    %sign3A_3921 = arith.extui %sign3A_3920 : i1 to i32
    %sign3A_3922 = arith.constant 0 : i32
    %sign3A_3923 = arith.cmpi slt, %jit3A_3910, %sign3A_3922 : i32
    %sign3A_3924 = arith.extui %sign3A_3923 : i1 to i32
    %sign3A_3925 = arith.subi %sign3A_3921, %sign3A_3924 : i32
    %ne3A_3926 = arith.cmpi ne, %sign3A_3918, %sign3A_3925 : i32
    %rem3A_3927 = arith.remsi %add3A_3909, %jit3A_3910 : i32
    %ne3A_3928 = arith.constant 0 : i32
    %ne3A_3929 = arith.cmpi ne, %rem3A_3927, %ne3A_3928 : i32
    %and3A_3930 = arith.andi %ne3A_3926, %ne3A_3929 : i1
    %sub3A_3931 = arith.constant 1 : i32
    %sub3A_3932 = arith.subi %div3A_3911, %sub3A_3931 : i32
    %select_n3A_3933 = arith.select %and3A_3930, %sub3A_3932, %div3A_3911 : i32
    %jit3A_3934 = arith.constant 192 : i32
    %eq3A_3935 = arith.constant 0 : i32
    %eq3A_3936 = arith.cmpi eq, %jit3A_3934, %eq3A_3935 : i32
    %jit3A_3937 = arith.constant 1 : i32
    %select_n3A_3938 = arith.select %eq3A_3936, %jit3A_3937, %jit3A_3934 : i32
    %rem3A_3939 = arith.remsi %add3A_3909, %select_n3A_3938 : i32
    %ne3A_3940 = arith.constant 0 : i32
    %ne3A_3941 = arith.cmpi ne, %rem3A_3939, %ne3A_3940 : i32
    %lt3A_3942 = arith.constant 0 : i32
    %lt3A_3943 = arith.cmpi slt, %rem3A_3939, %lt3A_3942 : i32
    %lt3A_3944 = arith.constant 0 : i32
    %lt3A_3945 = arith.cmpi slt, %select_n3A_3938, %lt3A_3944 : i32
    %ne3A_3946 = arith.xori %lt3A_3943, %lt3A_3945 : i1
    %and3A_3947 = arith.andi %ne3A_3946, %ne3A_3941 : i1
    %add3A_3948 = arith.addi %rem3A_3939, %select_n3A_3938 : i32
    %select_n3A_3949 = arith.select %and3A_3947, %add3A_3948, %rem3A_3939 : i32
    %jit3A_3950 = arith.constant 4 : i32
    %div3A_3951 = arith.divsi %select_n3A_3949, %jit3A_3950 : i32
    %sign3A_3952 = arith.constant 0 : i32
    %sign3A_3953 = arith.cmpi sgt, %select_n3A_3949, %sign3A_3952 : i32
    %sign3A_3954 = arith.extui %sign3A_3953 : i1 to i32
    %sign3A_3955 = arith.constant 0 : i32
    %sign3A_3956 = arith.cmpi slt, %select_n3A_3949, %sign3A_3955 : i32
    %sign3A_3957 = arith.extui %sign3A_3956 : i1 to i32
    %sign3A_3958 = arith.subi %sign3A_3954, %sign3A_3957 : i32
    %sign3A_3959 = arith.constant 0 : i32
    %sign3A_3960 = arith.cmpi sgt, %jit3A_3950, %sign3A_3959 : i32
    %sign3A_3961 = arith.extui %sign3A_3960 : i1 to i32
    %sign3A_3962 = arith.constant 0 : i32
    %sign3A_3963 = arith.cmpi slt, %jit3A_3950, %sign3A_3962 : i32
    %sign3A_3964 = arith.extui %sign3A_3963 : i1 to i32
    %sign3A_3965 = arith.subi %sign3A_3961, %sign3A_3964 : i32
    %ne3A_3966 = arith.cmpi ne, %sign3A_3958, %sign3A_3965 : i32
    %rem3A_3967 = arith.remsi %select_n3A_3949, %jit3A_3950 : i32
    %ne3A_3968 = arith.constant 0 : i32
    %ne3A_3969 = arith.cmpi ne, %rem3A_3967, %ne3A_3968 : i32
    %and3A_3970 = arith.andi %ne3A_3966, %ne3A_3969 : i1
    %sub3A_3971 = arith.constant 1 : i32
    %sub3A_3972 = arith.subi %div3A_3951, %sub3A_3971 : i32
    %select_n3A_3973 = arith.select %and3A_3970, %sub3A_3972, %div3A_3951 : i32
    %jit3A_3974 = arith.constant 4 : i32
    %eq3A_3975 = arith.constant 0 : i32
    %eq3A_3976 = arith.cmpi eq, %jit3A_3974, %eq3A_3975 : i32
    %jit3A_3977 = arith.constant 1 : i32
    %select_n3A_3978 = arith.select %eq3A_3976, %jit3A_3977, %jit3A_3974 : i32
    %rem3A_3979 = arith.remsi %select_n3A_3949, %select_n3A_3978 : i32
    %ne3A_3980 = arith.constant 0 : i32
    %ne3A_3981 = arith.cmpi ne, %rem3A_3979, %ne3A_3980 : i32
    %lt3A_3982 = arith.constant 0 : i32
    %lt3A_3983 = arith.cmpi slt, %rem3A_3979, %lt3A_3982 : i32
    %lt3A_3984 = arith.constant 0 : i32
    %lt3A_3985 = arith.cmpi slt, %select_n3A_3978, %lt3A_3984 : i32
    %ne3A_3986 = arith.xori %lt3A_3983, %lt3A_3985 : i1
    %and3A_3987 = arith.andi %ne3A_3986, %ne3A_3981 : i1
    %add3A_3988 = arith.addi %rem3A_3979, %select_n3A_3978 : i32
    %select_n3A_3989 = arith.select %and3A_3987, %add3A_3988, %rem3A_3979 : i32
    %mul3A_3990 = arith.constant 16 : i32
    %mul3A_3991 = arith.muli %select_n3A_3973, %mul3A_3990 : i32
    %mul3A_3992 = arith.constant 2048 : i32
    %mul3A_3993 = arith.muli %select_n3A_3989, %mul3A_3992 : i32
    %dma_start3A_3994 = tpu.memref_slice %arg3[%select_n3A_3933, %mul3A_3991, %mul3A_3993] : memref<4x768x8192xf32, #tpu.memory_space<hbm>> -> memref<1x16x2048xf32, #tpu.memory_space<hbm>>
    %dma_start3A_3995 = tpu.memref_squeeze %dma_start3A_3994 : memref<1x16x2048xf32, #tpu.memory_space<hbm>> -> memref<16x2048xf32, #tpu.memory_space<hbm>>
    %dma_start3A_3996 = tpu.memref_slice %arg3[%select_n3A_3933, %mul3A_3991, %mul3A_3993] : memref<4x768x8192xf32, #tpu.memory_space<hbm>> -> memref<1x16x2048xf32, #tpu.memory_space<hbm>>
    %dma_start3A_3997 = tpu.memref_squeeze %dma_start3A_3996 : memref<1x16x2048xf32, #tpu.memory_space<hbm>> -> memref<16x2048xf32, #tpu.memory_space<hbm>>
    tpu.enqueue_dma source(%arg11 : memref<16x2048xf32, #tpu.memory_space<vmem>>) target(%dma_start3A_3997 : memref<16x2048xf32, #tpu.memory_space<hbm>>) target_semaphore(%arg14 : memref<!tpu.dma_semaphore, #tpu.memory_space<semaphore_mem>>)
    %dma_wait3A_3998 = tpu.memref_slice %arg3[%select_n3A_3933, %mul3A_3991, %mul3A_3993] : memref<4x768x8192xf32, #tpu.memory_space<hbm>> -> memref<1x16x2048xf32, #tpu.memory_space<hbm>>
    %dma_wait3A_3999 = tpu.memref_squeeze %dma_wait3A_3998 : memref<1x16x2048xf32, #tpu.memory_space<hbm>> -> memref<16x2048xf32, #tpu.memory_space<hbm>>
    %dma_wait3A_4000 = tpu.memref_slice %arg3[%select_n3A_3933, %mul3A_3991, %mul3A_3993] : memref<4x768x8192xf32, #tpu.memory_space<hbm>> -> memref<1x16x2048xf32, #tpu.memory_space<hbm>>
    %dma_wait3A_4001 = tpu.memref_squeeze %dma_wait3A_4000 : memref<1x16x2048xf32, #tpu.memory_space<hbm>> -> memref<16x2048xf32, #tpu.memory_space<hbm>>
    tpu.wait_dma2 semaphore(%arg14 : memref<!tpu.dma_semaphore, #tpu.memory_space<semaphore_mem>>) src(%arg11 : memref<16x2048xf32, #tpu.memory_space<vmem>>) dst(%dma_wait3A_4001 : memref<16x2048xf32, #tpu.memory_space<hbm>>)
    %add3A_4002 = arith.constant 19 : i32
    %add3A_4003 = arith.addi %mul3A_2, %add3A_4002 : i32
    %jit3A_4004 = arith.constant 192 : i32
    %div3A_4005 = arith.divsi %add3A_4003, %jit3A_4004 : i32
    %sign3A_4006 = arith.constant 0 : i32
    %sign3A_4007 = arith.cmpi sgt, %add3A_4003, %sign3A_4006 : i32
    %sign3A_4008 = arith.extui %sign3A_4007 : i1 to i32
    %sign3A_4009 = arith.constant 0 : i32
    %sign3A_4010 = arith.cmpi slt, %add3A_4003, %sign3A_4009 : i32
    %sign3A_4011 = arith.extui %sign3A_4010 : i1 to i32
    %sign3A_4012 = arith.subi %sign3A_4008, %sign3A_4011 : i32
    %sign3A_4013 = arith.constant 0 : i32
    %sign3A_4014 = arith.cmpi sgt, %jit3A_4004, %sign3A_4013 : i32
    %sign3A_4015 = arith.extui %sign3A_4014 : i1 to i32
    %sign3A_4016 = arith.constant 0 : i32
    %sign3A_4017 = arith.cmpi slt, %jit3A_4004, %sign3A_4016 : i32
    %sign3A_4018 = arith.extui %sign3A_4017 : i1 to i32
    %sign3A_4019 = arith.subi %sign3A_4015, %sign3A_4018 : i32
    %ne3A_4020 = arith.cmpi ne, %sign3A_4012, %sign3A_4019 : i32
    %rem3A_4021 = arith.remsi %add3A_4003, %jit3A_4004 : i32
    %ne3A_4022 = arith.constant 0 : i32
    %ne3A_4023 = arith.cmpi ne, %rem3A_4021, %ne3A_4022 : i32
    %and3A_4024 = arith.andi %ne3A_4020, %ne3A_4023 : i1
    %sub3A_4025 = arith.constant 1 : i32
    %sub3A_4026 = arith.subi %div3A_4005, %sub3A_4025 : i32
    %select_n3A_4027 = arith.select %and3A_4024, %sub3A_4026, %div3A_4005 : i32
    %jit3A_4028 = arith.constant 192 : i32
    %eq3A_4029 = arith.constant 0 : i32
    %eq3A_4030 = arith.cmpi eq, %jit3A_4028, %eq3A_4029 : i32
    %jit3A_4031 = arith.constant 1 : i32
    %select_n3A_4032 = arith.select %eq3A_4030, %jit3A_4031, %jit3A_4028 : i32
    %rem3A_4033 = arith.remsi %add3A_4003, %select_n3A_4032 : i32
    %ne3A_4034 = arith.constant 0 : i32
    %ne3A_4035 = arith.cmpi ne, %rem3A_4033, %ne3A_4034 : i32
    %lt3A_4036 = arith.constant 0 : i32
    %lt3A_4037 = arith.cmpi slt, %rem3A_4033, %lt3A_4036 : i32
    %lt3A_4038 = arith.constant 0 : i32
    %lt3A_4039 = arith.cmpi slt, %select_n3A_4032, %lt3A_4038 : i32
    %ne3A_4040 = arith.xori %lt3A_4037, %lt3A_4039 : i1
    %and3A_4041 = arith.andi %ne3A_4040, %ne3A_4035 : i1
    %add3A_4042 = arith.addi %rem3A_4033, %select_n3A_4032 : i32
    %select_n3A_4043 = arith.select %and3A_4041, %add3A_4042, %rem3A_4033 : i32
    %jit3A_4044 = arith.constant 4 : i32
    %div3A_4045 = arith.divsi %select_n3A_4043, %jit3A_4044 : i32
    %sign3A_4046 = arith.constant 0 : i32
    %sign3A_4047 = arith.cmpi sgt, %select_n3A_4043, %sign3A_4046 : i32
    %sign3A_4048 = arith.extui %sign3A_4047 : i1 to i32
    %sign3A_4049 = arith.constant 0 : i32
    %sign3A_4050 = arith.cmpi slt, %select_n3A_4043, %sign3A_4049 : i32
    %sign3A_4051 = arith.extui %sign3A_4050 : i1 to i32
    %sign3A_4052 = arith.subi %sign3A_4048, %sign3A_4051 : i32
    %sign3A_4053 = arith.constant 0 : i32
    %sign3A_4054 = arith.cmpi sgt, %jit3A_4044, %sign3A_4053 : i32
    %sign3A_4055 = arith.extui %sign3A_4054 : i1 to i32
    %sign3A_4056 = arith.constant 0 : i32
    %sign3A_4057 = arith.cmpi slt, %jit3A_4044, %sign3A_4056 : i32
    %sign3A_4058 = arith.extui %sign3A_4057 : i1 to i32
    %sign3A_4059 = arith.subi %sign3A_4055, %sign3A_4058 : i32
    %ne3A_4060 = arith.cmpi ne, %sign3A_4052, %sign3A_4059 : i32
    %rem3A_4061 = arith.remsi %select_n3A_4043, %jit3A_4044 : i32
    %ne3A_4062 = arith.constant 0 : i32
    %ne3A_4063 = arith.cmpi ne, %rem3A_4061, %ne3A_4062 : i32
    %and3A_4064 = arith.andi %ne3A_4060, %ne3A_4063 : i1
    %sub3A_4065 = arith.constant 1 : i32
    %sub3A_4066 = arith.subi %div3A_4045, %sub3A_4065 : i32
    %select_n3A_4067 = arith.select %and3A_4064, %sub3A_4066, %div3A_4045 : i32
    %jit3A_4068 = arith.constant 4 : i32
    %eq3A_4069 = arith.constant 0 : i32
    %eq3A_4070 = arith.cmpi eq, %jit3A_4068, %eq3A_4069 : i32
    %jit3A_4071 = arith.constant 1 : i32
    %select_n3A_4072 = arith.select %eq3A_4070, %jit3A_4071, %jit3A_4068 : i32
    %rem3A_4073 = arith.remsi %select_n3A_4043, %select_n3A_4072 : i32
    %ne3A_4074 = arith.constant 0 : i32
    %ne3A_4075 = arith.cmpi ne, %rem3A_4073, %ne3A_4074 : i32
    %lt3A_4076 = arith.constant 0 : i32
    %lt3A_4077 = arith.cmpi slt, %rem3A_4073, %lt3A_4076 : i32
    %lt3A_4078 = arith.constant 0 : i32
    %lt3A_4079 = arith.cmpi slt, %select_n3A_4072, %lt3A_4078 : i32
    %ne3A_4080 = arith.xori %lt3A_4077, %lt3A_4079 : i1
    %and3A_4081 = arith.andi %ne3A_4080, %ne3A_4075 : i1
    %add3A_4082 = arith.addi %rem3A_4073, %select_n3A_4072 : i32
    %select_n3A_4083 = arith.select %and3A_4081, %add3A_4082, %rem3A_4073 : i32
    %mul3A_4084 = arith.constant 16 : i32
    %mul3A_4085 = arith.muli %select_n3A_4067, %mul3A_4084 : i32
    %mul3A_4086 = arith.constant 2048 : i32
    %mul3A_4087 = arith.muli %select_n3A_4083, %mul3A_4086 : i32
    %dma_start3A_4088 = arith.constant 0 : i32
    %dma_start3A_4089 = tpu.memref_slice %arg2[%select_n3A_4027, %dma_start3A_4088, %mul3A_4087] : memref<4x768x8192xf32, #tpu.memory_space<hbm>> -> memref<1x768x2048xf32, #tpu.memory_space<hbm>>
    %dma_start3A_4090 = tpu.memref_squeeze %dma_start3A_4089 : memref<1x768x2048xf32, #tpu.memory_space<hbm>> -> memref<768x2048xf32, #tpu.memory_space<hbm>>
    %dma_start3A_4091 = arith.constant 0 : i32
    %dma_start3A_4092 = arith.constant 0 : i32
    %dma_start3A_4093 = tpu.memref_slice %dma_start3A_4090[%dma_start3A_4091, %dma_start3A_4092] : memref<768x2048xf32, #tpu.memory_space<hbm>> -> memref<768x2048xf32, #tpu.memory_space<hbm>>
    tpu.enqueue_indirect_dma source(%dma_start3A_4093 : memref<768x2048xf32, #tpu.memory_space<hbm>>) target(%arg11 : memref<16x2048xf32, #tpu.memory_space<vmem>>) offsets(%arg8 : memref<16xi32, #tpu.memory_space<vmem>>) semaphore(%arg13 : memref<!tpu.dma_semaphore, #tpu.memory_space<semaphore_mem>>)
    %dma_wait3A_4094 = arith.constant 0 : i32
    %dma_wait3A_4095 = tpu.memref_slice %arg2[%select_n3A_3643, %dma_wait3A_4094, %mul3A_3703] : memref<4x768x8192xf32, #tpu.memory_space<hbm>> -> memref<1x768x2048xf32, #tpu.memory_space<hbm>>
    %dma_wait3A_4096 = tpu.memref_squeeze %dma_wait3A_4095 : memref<1x768x2048xf32, #tpu.memory_space<hbm>> -> memref<768x2048xf32, #tpu.memory_space<hbm>>
    %dma_wait3A_4097 = arith.constant 0 : i32
    %dma_wait3A_4098 = arith.constant 0 : i32
    %dma_wait3A_4099 = tpu.memref_slice %dma_wait3A_4096[%dma_wait3A_4097, %dma_wait3A_4098] : memref<768x2048xf32, #tpu.memory_space<hbm>> -> memref<768x2048xf32, #tpu.memory_space<hbm>>
    tpu.wait_indirect_dma semaphore(%arg13 : memref<!tpu.dma_semaphore, #tpu.memory_space<semaphore_mem>>) src(%dma_wait3A_4099 : memref<768x2048xf32, #tpu.memory_space<hbm>>) dst(%arg12 : memref<16x2048xf32, #tpu.memory_space<vmem>>)
    %add3A_4100 = arith.constant 17 : i32
    %add3A_4101 = arith.addi %mul3A_2, %add3A_4100 : i32
    %jit3A_4102 = arith.constant 192 : i32
    %div3A_4103 = arith.divsi %add3A_4101, %jit3A_4102 : i32
    %sign3A_4104 = arith.constant 0 : i32
    %sign3A_4105 = arith.cmpi sgt, %add3A_4101, %sign3A_4104 : i32
    %sign3A_4106 = arith.extui %sign3A_4105 : i1 to i32
    %sign3A_4107 = arith.constant 0 : i32
    %sign3A_4108 = arith.cmpi slt, %add3A_4101, %sign3A_4107 : i32
    %sign3A_4109 = arith.extui %sign3A_4108 : i1 to i32
    %sign3A_4110 = arith.subi %sign3A_4106, %sign3A_4109 : i32
    %sign3A_4111 = arith.constant 0 : i32
    %sign3A_4112 = arith.cmpi sgt, %jit3A_4102, %sign3A_4111 : i32
    %sign3A_4113 = arith.extui %sign3A_4112 : i1 to i32
    %sign3A_4114 = arith.constant 0 : i32
    %sign3A_4115 = arith.cmpi slt, %jit3A_4102, %sign3A_4114 : i32
    %sign3A_4116 = arith.extui %sign3A_4115 : i1 to i32
    %sign3A_4117 = arith.subi %sign3A_4113, %sign3A_4116 : i32
    %ne3A_4118 = arith.cmpi ne, %sign3A_4110, %sign3A_4117 : i32
    %rem3A_4119 = arith.remsi %add3A_4101, %jit3A_4102 : i32
    %ne3A_4120 = arith.constant 0 : i32
    %ne3A_4121 = arith.cmpi ne, %rem3A_4119, %ne3A_4120 : i32
    %and3A_4122 = arith.andi %ne3A_4118, %ne3A_4121 : i1
    %sub3A_4123 = arith.constant 1 : i32
    %sub3A_4124 = arith.subi %div3A_4103, %sub3A_4123 : i32
    %select_n3A_4125 = arith.select %and3A_4122, %sub3A_4124, %div3A_4103 : i32
    %jit3A_4126 = arith.constant 192 : i32
    %eq3A_4127 = arith.constant 0 : i32
    %eq3A_4128 = arith.cmpi eq, %jit3A_4126, %eq3A_4127 : i32
    %jit3A_4129 = arith.constant 1 : i32
    %select_n3A_4130 = arith.select %eq3A_4128, %jit3A_4129, %jit3A_4126 : i32
    %rem3A_4131 = arith.remsi %add3A_4101, %select_n3A_4130 : i32
    %ne3A_4132 = arith.constant 0 : i32
    %ne3A_4133 = arith.cmpi ne, %rem3A_4131, %ne3A_4132 : i32
    %lt3A_4134 = arith.constant 0 : i32
    %lt3A_4135 = arith.cmpi slt, %rem3A_4131, %lt3A_4134 : i32
    %lt3A_4136 = arith.constant 0 : i32
    %lt3A_4137 = arith.cmpi slt, %select_n3A_4130, %lt3A_4136 : i32
    %ne3A_4138 = arith.xori %lt3A_4135, %lt3A_4137 : i1
    %and3A_4139 = arith.andi %ne3A_4138, %ne3A_4133 : i1
    %add3A_4140 = arith.addi %rem3A_4131, %select_n3A_4130 : i32
    %select_n3A_4141 = arith.select %and3A_4139, %add3A_4140, %rem3A_4131 : i32
    %jit3A_4142 = arith.constant 4 : i32
    %div3A_4143 = arith.divsi %select_n3A_4141, %jit3A_4142 : i32
    %sign3A_4144 = arith.constant 0 : i32
    %sign3A_4145 = arith.cmpi sgt, %select_n3A_4141, %sign3A_4144 : i32
    %sign3A_4146 = arith.extui %sign3A_4145 : i1 to i32
    %sign3A_4147 = arith.constant 0 : i32
    %sign3A_4148 = arith.cmpi slt, %select_n3A_4141, %sign3A_4147 : i32
    %sign3A_4149 = arith.extui %sign3A_4148 : i1 to i32
    %sign3A_4150 = arith.subi %sign3A_4146, %sign3A_4149 : i32
    %sign3A_4151 = arith.constant 0 : i32
    %sign3A_4152 = arith.cmpi sgt, %jit3A_4142, %sign3A_4151 : i32
    %sign3A_4153 = arith.extui %sign3A_4152 : i1 to i32
    %sign3A_4154 = arith.constant 0 : i32
    %sign3A_4155 = arith.cmpi slt, %jit3A_4142, %sign3A_4154 : i32
    %sign3A_4156 = arith.extui %sign3A_4155 : i1 to i32
    %sign3A_4157 = arith.subi %sign3A_4153, %sign3A_4156 : i32
    %ne3A_4158 = arith.cmpi ne, %sign3A_4150, %sign3A_4157 : i32
    %rem3A_4159 = arith.remsi %select_n3A_4141, %jit3A_4142 : i32
    %ne3A_4160 = arith.constant 0 : i32
    %ne3A_4161 = arith.cmpi ne, %rem3A_4159, %ne3A_4160 : i32
    %and3A_4162 = arith.andi %ne3A_4158, %ne3A_4161 : i1
    %sub3A_4163 = arith.constant 1 : i32
    %sub3A_4164 = arith.subi %div3A_4143, %sub3A_4163 : i32
    %select_n3A_4165 = arith.select %and3A_4162, %sub3A_4164, %div3A_4143 : i32
    %jit3A_4166 = arith.constant 4 : i32
    %eq3A_4167 = arith.constant 0 : i32
    %eq3A_4168 = arith.cmpi eq, %jit3A_4166, %eq3A_4167 : i32
    %jit3A_4169 = arith.constant 1 : i32
    %select_n3A_4170 = arith.select %eq3A_4168, %jit3A_4169, %jit3A_4166 : i32
    %rem3A_4171 = arith.remsi %select_n3A_4141, %select_n3A_4170 : i32
    %ne3A_4172 = arith.constant 0 : i32
    %ne3A_4173 = arith.cmpi ne, %rem3A_4171, %ne3A_4172 : i32
    %lt3A_4174 = arith.constant 0 : i32
    %lt3A_4175 = arith.cmpi slt, %rem3A_4171, %lt3A_4174 : i32
    %lt3A_4176 = arith.constant 0 : i32
    %lt3A_4177 = arith.cmpi slt, %select_n3A_4170, %lt3A_4176 : i32
    %ne3A_4178 = arith.xori %lt3A_4175, %lt3A_4177 : i1
    %and3A_4179 = arith.andi %ne3A_4178, %ne3A_4173 : i1
    %add3A_4180 = arith.addi %rem3A_4171, %select_n3A_4170 : i32
    %select_n3A_4181 = arith.select %and3A_4179, %add3A_4180, %rem3A_4171 : i32
    %mul3A_4182 = arith.constant 16 : i32
    %mul3A_4183 = arith.muli %select_n3A_4165, %mul3A_4182 : i32
    %mul3A_4184 = arith.constant 2048 : i32
    %mul3A_4185 = arith.muli %select_n3A_4181, %mul3A_4184 : i32
    %dma_start3A_4186 = tpu.memref_slice %arg3[%select_n3A_4125, %mul3A_4183, %mul3A_4185] : memref<4x768x8192xf32, #tpu.memory_space<hbm>> -> memref<1x16x2048xf32, #tpu.memory_space<hbm>>
    %dma_start3A_4187 = tpu.memref_squeeze %dma_start3A_4186 : memref<1x16x2048xf32, #tpu.memory_space<hbm>> -> memref<16x2048xf32, #tpu.memory_space<hbm>>
    %dma_start3A_4188 = tpu.memref_slice %arg3[%select_n3A_4125, %mul3A_4183, %mul3A_4185] : memref<4x768x8192xf32, #tpu.memory_space<hbm>> -> memref<1x16x2048xf32, #tpu.memory_space<hbm>>
    %dma_start3A_4189 = tpu.memref_squeeze %dma_start3A_4188 : memref<1x16x2048xf32, #tpu.memory_space<hbm>> -> memref<16x2048xf32, #tpu.memory_space<hbm>>
    tpu.enqueue_dma source(%arg12 : memref<16x2048xf32, #tpu.memory_space<vmem>>) target(%dma_start3A_4189 : memref<16x2048xf32, #tpu.memory_space<hbm>>) target_semaphore(%arg14 : memref<!tpu.dma_semaphore, #tpu.memory_space<semaphore_mem>>)
    %dma_wait3A_4190 = tpu.memref_slice %arg3[%select_n3A_4125, %mul3A_4183, %mul3A_4185] : memref<4x768x8192xf32, #tpu.memory_space<hbm>> -> memref<1x16x2048xf32, #tpu.memory_space<hbm>>
    %dma_wait3A_4191 = tpu.memref_squeeze %dma_wait3A_4190 : memref<1x16x2048xf32, #tpu.memory_space<hbm>> -> memref<16x2048xf32, #tpu.memory_space<hbm>>
    %dma_wait3A_4192 = tpu.memref_slice %arg3[%select_n3A_4125, %mul3A_4183, %mul3A_4185] : memref<4x768x8192xf32, #tpu.memory_space<hbm>> -> memref<1x16x2048xf32, #tpu.memory_space<hbm>>
    %dma_wait3A_4193 = tpu.memref_squeeze %dma_wait3A_4192 : memref<1x16x2048xf32, #tpu.memory_space<hbm>> -> memref<16x2048xf32, #tpu.memory_space<hbm>>
    tpu.wait_dma2 semaphore(%arg14 : memref<!tpu.dma_semaphore, #tpu.memory_space<semaphore_mem>>) src(%arg12 : memref<16x2048xf32, #tpu.memory_space<vmem>>) dst(%dma_wait3A_4193 : memref<16x2048xf32, #tpu.memory_space<hbm>>)
    %add3A_4194 = arith.constant 20 : i32
    %add3A_4195 = arith.addi %mul3A_2, %add3A_4194 : i32
    %jit3A_4196 = arith.constant 192 : i32
    %div3A_4197 = arith.divsi %add3A_4195, %jit3A_4196 : i32
    %sign3A_4198 = arith.constant 0 : i32
    %sign3A_4199 = arith.cmpi sgt, %add3A_4195, %sign3A_4198 : i32
    %sign3A_4200 = arith.extui %sign3A_4199 : i1 to i32
    %sign3A_4201 = arith.constant 0 : i32
    %sign3A_4202 = arith.cmpi slt, %add3A_4195, %sign3A_4201 : i32
    %sign3A_4203 = arith.extui %sign3A_4202 : i1 to i32
    %sign3A_4204 = arith.subi %sign3A_4200, %sign3A_4203 : i32
    %sign3A_4205 = arith.constant 0 : i32
    %sign3A_4206 = arith.cmpi sgt, %jit3A_4196, %sign3A_4205 : i32
    %sign3A_4207 = arith.extui %sign3A_4206 : i1 to i32
    %sign3A_4208 = arith.constant 0 : i32
    %sign3A_4209 = arith.cmpi slt, %jit3A_4196, %sign3A_4208 : i32
    %sign3A_4210 = arith.extui %sign3A_4209 : i1 to i32
    %sign3A_4211 = arith.subi %sign3A_4207, %sign3A_4210 : i32
    %ne3A_4212 = arith.cmpi ne, %sign3A_4204, %sign3A_4211 : i32
    %rem3A_4213 = arith.remsi %add3A_4195, %jit3A_4196 : i32
    %ne3A_4214 = arith.constant 0 : i32
    %ne3A_4215 = arith.cmpi ne, %rem3A_4213, %ne3A_4214 : i32
    %and3A_4216 = arith.andi %ne3A_4212, %ne3A_4215 : i1
    %sub3A_4217 = arith.constant 1 : i32
    %sub3A_4218 = arith.subi %div3A_4197, %sub3A_4217 : i32
    %select_n3A_4219 = arith.select %and3A_4216, %sub3A_4218, %div3A_4197 : i32
    %jit3A_4220 = arith.constant 192 : i32
    %eq3A_4221 = arith.constant 0 : i32
    %eq3A_4222 = arith.cmpi eq, %jit3A_4220, %eq3A_4221 : i32
    %jit3A_4223 = arith.constant 1 : i32
    %select_n3A_4224 = arith.select %eq3A_4222, %jit3A_4223, %jit3A_4220 : i32
    %rem3A_4225 = arith.remsi %add3A_4195, %select_n3A_4224 : i32
    %ne3A_4226 = arith.constant 0 : i32
    %ne3A_4227 = arith.cmpi ne, %rem3A_4225, %ne3A_4226 : i32
    %lt3A_4228 = arith.constant 0 : i32
    %lt3A_4229 = arith.cmpi slt, %rem3A_4225, %lt3A_4228 : i32
    %lt3A_4230 = arith.constant 0 : i32
    %lt3A_4231 = arith.cmpi slt, %select_n3A_4224, %lt3A_4230 : i32
    %ne3A_4232 = arith.xori %lt3A_4229, %lt3A_4231 : i1
    %and3A_4233 = arith.andi %ne3A_4232, %ne3A_4227 : i1
    %add3A_4234 = arith.addi %rem3A_4225, %select_n3A_4224 : i32
    %select_n3A_4235 = arith.select %and3A_4233, %add3A_4234, %rem3A_4225 : i32
    %jit3A_4236 = arith.constant 4 : i32
    %div3A_4237 = arith.divsi %select_n3A_4235, %jit3A_4236 : i32
    %sign3A_4238 = arith.constant 0 : i32
    %sign3A_4239 = arith.cmpi sgt, %select_n3A_4235, %sign3A_4238 : i32
    %sign3A_4240 = arith.extui %sign3A_4239 : i1 to i32
    %sign3A_4241 = arith.constant 0 : i32
    %sign3A_4242 = arith.cmpi slt, %select_n3A_4235, %sign3A_4241 : i32
    %sign3A_4243 = arith.extui %sign3A_4242 : i1 to i32
    %sign3A_4244 = arith.subi %sign3A_4240, %sign3A_4243 : i32
    %sign3A_4245 = arith.constant 0 : i32
    %sign3A_4246 = arith.cmpi sgt, %jit3A_4236, %sign3A_4245 : i32
    %sign3A_4247 = arith.extui %sign3A_4246 : i1 to i32
    %sign3A_4248 = arith.constant 0 : i32
    %sign3A_4249 = arith.cmpi slt, %jit3A_4236, %sign3A_4248 : i32
    %sign3A_4250 = arith.extui %sign3A_4249 : i1 to i32
    %sign3A_4251 = arith.subi %sign3A_4247, %sign3A_4250 : i32
    %ne3A_4252 = arith.cmpi ne, %sign3A_4244, %sign3A_4251 : i32
    %rem3A_4253 = arith.remsi %select_n3A_4235, %jit3A_4236 : i32
    %ne3A_4254 = arith.constant 0 : i32
    %ne3A_4255 = arith.cmpi ne, %rem3A_4253, %ne3A_4254 : i32
    %and3A_4256 = arith.andi %ne3A_4252, %ne3A_4255 : i1
    %sub3A_4257 = arith.constant 1 : i32
    %sub3A_4258 = arith.subi %div3A_4237, %sub3A_4257 : i32
    %select_n3A_4259 = arith.select %and3A_4256, %sub3A_4258, %div3A_4237 : i32
    %jit3A_4260 = arith.constant 4 : i32
    %eq3A_4261 = arith.constant 0 : i32
    %eq3A_4262 = arith.cmpi eq, %jit3A_4260, %eq3A_4261 : i32
    %jit3A_4263 = arith.constant 1 : i32
    %select_n3A_4264 = arith.select %eq3A_4262, %jit3A_4263, %jit3A_4260 : i32
    %rem3A_4265 = arith.remsi %select_n3A_4235, %select_n3A_4264 : i32
    %ne3A_4266 = arith.constant 0 : i32
    %ne3A_4267 = arith.cmpi ne, %rem3A_4265, %ne3A_4266 : i32
    %lt3A_4268 = arith.constant 0 : i32
    %lt3A_4269 = arith.cmpi slt, %rem3A_4265, %lt3A_4268 : i32
    %lt3A_4270 = arith.constant 0 : i32
    %lt3A_4271 = arith.cmpi slt, %select_n3A_4264, %lt3A_4270 : i32
    %ne3A_4272 = arith.xori %lt3A_4269, %lt3A_4271 : i1
    %and3A_4273 = arith.andi %ne3A_4272, %ne3A_4267 : i1
    %add3A_4274 = arith.addi %rem3A_4265, %select_n3A_4264 : i32
    %select_n3A_4275 = arith.select %and3A_4273, %add3A_4274, %rem3A_4265 : i32
    %mul3A_4276 = arith.constant 16 : i32
    %mul3A_4277 = arith.muli %select_n3A_4259, %mul3A_4276 : i32
    %mul3A_4278 = arith.constant 2048 : i32
    %mul3A_4279 = arith.muli %select_n3A_4275, %mul3A_4278 : i32
    %dma_start3A_4280 = arith.constant 0 : i32
    %dma_start3A_4281 = tpu.memref_slice %arg2[%select_n3A_4219, %dma_start3A_4280, %mul3A_4279] : memref<4x768x8192xf32, #tpu.memory_space<hbm>> -> memref<1x768x2048xf32, #tpu.memory_space<hbm>>
    %dma_start3A_4282 = tpu.memref_squeeze %dma_start3A_4281 : memref<1x768x2048xf32, #tpu.memory_space<hbm>> -> memref<768x2048xf32, #tpu.memory_space<hbm>>
    %dma_start3A_4283 = arith.constant 0 : i32
    %dma_start3A_4284 = arith.constant 0 : i32
    %dma_start3A_4285 = tpu.memref_slice %dma_start3A_4282[%dma_start3A_4283, %dma_start3A_4284] : memref<768x2048xf32, #tpu.memory_space<hbm>> -> memref<768x2048xf32, #tpu.memory_space<hbm>>
    tpu.enqueue_indirect_dma source(%dma_start3A_4285 : memref<768x2048xf32, #tpu.memory_space<hbm>>) target(%arg12 : memref<16x2048xf32, #tpu.memory_space<vmem>>) offsets(%arg9 : memref<16xi32, #tpu.memory_space<vmem>>) semaphore(%arg13 : memref<!tpu.dma_semaphore, #tpu.memory_space<semaphore_mem>>)
    %dma_wait3A_4286 = arith.constant 0 : i32
    %dma_wait3A_4287 = tpu.memref_slice %arg2[%select_n3A_3835, %dma_wait3A_4286, %mul3A_3895] : memref<4x768x8192xf32, #tpu.memory_space<hbm>> -> memref<1x768x2048xf32, #tpu.memory_space<hbm>>
    %dma_wait3A_4288 = tpu.memref_squeeze %dma_wait3A_4287 : memref<1x768x2048xf32, #tpu.memory_space<hbm>> -> memref<768x2048xf32, #tpu.memory_space<hbm>>
    %dma_wait3A_4289 = arith.constant 0 : i32
    %dma_wait3A_4290 = arith.constant 0 : i32
    %dma_wait3A_4291 = tpu.memref_slice %dma_wait3A_4288[%dma_wait3A_4289, %dma_wait3A_4290] : memref<768x2048xf32, #tpu.memory_space<hbm>> -> memref<768x2048xf32, #tpu.memory_space<hbm>>
    tpu.wait_indirect_dma semaphore(%arg13 : memref<!tpu.dma_semaphore, #tpu.memory_space<semaphore_mem>>) src(%dma_wait3A_4291 : memref<768x2048xf32, #tpu.memory_space<hbm>>) dst(%arg10 : memref<16x2048xf32, #tpu.memory_space<vmem>>)
    %add3A_4292 = arith.constant 18 : i32
    %add3A_4293 = arith.addi %mul3A_2, %add3A_4292 : i32
    %jit3A_4294 = arith.constant 192 : i32
    %div3A_4295 = arith.divsi %add3A_4293, %jit3A_4294 : i32
    %sign3A_4296 = arith.constant 0 : i32
    %sign3A_4297 = arith.cmpi sgt, %add3A_4293, %sign3A_4296 : i32
    %sign3A_4298 = arith.extui %sign3A_4297 : i1 to i32
    %sign3A_4299 = arith.constant 0 : i32
    %sign3A_4300 = arith.cmpi slt, %add3A_4293, %sign3A_4299 : i32
    %sign3A_4301 = arith.extui %sign3A_4300 : i1 to i32
    %sign3A_4302 = arith.subi %sign3A_4298, %sign3A_4301 : i32
    %sign3A_4303 = arith.constant 0 : i32
    %sign3A_4304 = arith.cmpi sgt, %jit3A_4294, %sign3A_4303 : i32
    %sign3A_4305 = arith.extui %sign3A_4304 : i1 to i32
    %sign3A_4306 = arith.constant 0 : i32
    %sign3A_4307 = arith.cmpi slt, %jit3A_4294, %sign3A_4306 : i32
    %sign3A_4308 = arith.extui %sign3A_4307 : i1 to i32
    %sign3A_4309 = arith.subi %sign3A_4305, %sign3A_4308 : i32
    %ne3A_4310 = arith.cmpi ne, %sign3A_4302, %sign3A_4309 : i32
    %rem3A_4311 = arith.remsi %add3A_4293, %jit3A_4294 : i32
    %ne3A_4312 = arith.constant 0 : i32
    %ne3A_4313 = arith.cmpi ne, %rem3A_4311, %ne3A_4312 : i32
    %and3A_4314 = arith.andi %ne3A_4310, %ne3A_4313 : i1
    %sub3A_4315 = arith.constant 1 : i32
    %sub3A_4316 = arith.subi %div3A_4295, %sub3A_4315 : i32
    %select_n3A_4317 = arith.select %and3A_4314, %sub3A_4316, %div3A_4295 : i32
    %jit3A_4318 = arith.constant 192 : i32
    %eq3A_4319 = arith.constant 0 : i32
    %eq3A_4320 = arith.cmpi eq, %jit3A_4318, %eq3A_4319 : i32
    %jit3A_4321 = arith.constant 1 : i32
    %select_n3A_4322 = arith.select %eq3A_4320, %jit3A_4321, %jit3A_4318 : i32
    %rem3A_4323 = arith.remsi %add3A_4293, %select_n3A_4322 : i32
    %ne3A_4324 = arith.constant 0 : i32
    %ne3A_4325 = arith.cmpi ne, %rem3A_4323, %ne3A_4324 : i32
    %lt3A_4326 = arith.constant 0 : i32
    %lt3A_4327 = arith.cmpi slt, %rem3A_4323, %lt3A_4326 : i32
    %lt3A_4328 = arith.constant 0 : i32
    %lt3A_4329 = arith.cmpi slt, %select_n3A_4322, %lt3A_4328 : i32
    %ne3A_4330 = arith.xori %lt3A_4327, %lt3A_4329 : i1
    %and3A_4331 = arith.andi %ne3A_4330, %ne3A_4325 : i1
    %add3A_4332 = arith.addi %rem3A_4323, %select_n3A_4322 : i32
    %select_n3A_4333 = arith.select %and3A_4331, %add3A_4332, %rem3A_4323 : i32
    %jit3A_4334 = arith.constant 4 : i32
    %div3A_4335 = arith.divsi %select_n3A_4333, %jit3A_4334 : i32
    %sign3A_4336 = arith.constant 0 : i32
    %sign3A_4337 = arith.cmpi sgt, %select_n3A_4333, %sign3A_4336 : i32
    %sign3A_4338 = arith.extui %sign3A_4337 : i1 to i32
    %sign3A_4339 = arith.constant 0 : i32
    %sign3A_4340 = arith.cmpi slt, %select_n3A_4333, %sign3A_4339 : i32
    %sign3A_4341 = arith.extui %sign3A_4340 : i1 to i32
    %sign3A_4342 = arith.subi %sign3A_4338, %sign3A_4341 : i32
    %sign3A_4343 = arith.constant 0 : i32
    %sign3A_4344 = arith.cmpi sgt, %jit3A_4334, %sign3A_4343 : i32
    %sign3A_4345 = arith.extui %sign3A_4344 : i1 to i32
    %sign3A_4346 = arith.constant 0 : i32
    %sign3A_4347 = arith.cmpi slt, %jit3A_4334, %sign3A_4346 : i32
    %sign3A_4348 = arith.extui %sign3A_4347 : i1 to i32
    %sign3A_4349 = arith.subi %sign3A_4345, %sign3A_4348 : i32
    %ne3A_4350 = arith.cmpi ne, %sign3A_4342, %sign3A_4349 : i32
    %rem3A_4351 = arith.remsi %select_n3A_4333, %jit3A_4334 : i32
    %ne3A_4352 = arith.constant 0 : i32
    %ne3A_4353 = arith.cmpi ne, %rem3A_4351, %ne3A_4352 : i32
    %and3A_4354 = arith.andi %ne3A_4350, %ne3A_4353 : i1
    %sub3A_4355 = arith.constant 1 : i32
    %sub3A_4356 = arith.subi %div3A_4335, %sub3A_4355 : i32
    %select_n3A_4357 = arith.select %and3A_4354, %sub3A_4356, %div3A_4335 : i32
    %jit3A_4358 = arith.constant 4 : i32
    %eq3A_4359 = arith.constant 0 : i32
    %eq3A_4360 = arith.cmpi eq, %jit3A_4358, %eq3A_4359 : i32
    %jit3A_4361 = arith.constant 1 : i32
    %select_n3A_4362 = arith.select %eq3A_4360, %jit3A_4361, %jit3A_4358 : i32
    %rem3A_4363 = arith.remsi %select_n3A_4333, %select_n3A_4362 : i32
    %ne3A_4364 = arith.constant 0 : i32
    %ne3A_4365 = arith.cmpi ne, %rem3A_4363, %ne3A_4364 : i32
    %lt3A_4366 = arith.constant 0 : i32
    %lt3A_4367 = arith.cmpi slt, %rem3A_4363, %lt3A_4366 : i32
    %lt3A_4368 = arith.constant 0 : i32
    %lt3A_4369 = arith.cmpi slt, %select_n3A_4362, %lt3A_4368 : i32
    %ne3A_4370 = arith.xori %lt3A_4367, %lt3A_4369 : i1
    %and3A_4371 = arith.andi %ne3A_4370, %ne3A_4365 : i1
    %add3A_4372 = arith.addi %rem3A_4363, %select_n3A_4362 : i32
    %select_n3A_4373 = arith.select %and3A_4371, %add3A_4372, %rem3A_4363 : i32
    %mul3A_4374 = arith.constant 16 : i32
    %mul3A_4375 = arith.muli %select_n3A_4357, %mul3A_4374 : i32
    %mul3A_4376 = arith.constant 2048 : i32
    %mul3A_4377 = arith.muli %select_n3A_4373, %mul3A_4376 : i32
    %dma_start3A_4378 = tpu.memref_slice %arg3[%select_n3A_4317, %mul3A_4375, %mul3A_4377] : memref<4x768x8192xf32, #tpu.memory_space<hbm>> -> memref<1x16x2048xf32, #tpu.memory_space<hbm>>
    %dma_start3A_4379 = tpu.memref_squeeze %dma_start3A_4378 : memref<1x16x2048xf32, #tpu.memory_space<hbm>> -> memref<16x2048xf32, #tpu.memory_space<hbm>>
    %dma_start3A_4380 = tpu.memref_slice %arg3[%select_n3A_4317, %mul3A_4375, %mul3A_4377] : memref<4x768x8192xf32, #tpu.memory_space<hbm>> -> memref<1x16x2048xf32, #tpu.memory_space<hbm>>
    %dma_start3A_4381 = tpu.memref_squeeze %dma_start3A_4380 : memref<1x16x2048xf32, #tpu.memory_space<hbm>> -> memref<16x2048xf32, #tpu.memory_space<hbm>>
    tpu.enqueue_dma source(%arg10 : memref<16x2048xf32, #tpu.memory_space<vmem>>) target(%dma_start3A_4381 : memref<16x2048xf32, #tpu.memory_space<hbm>>) target_semaphore(%arg14 : memref<!tpu.dma_semaphore, #tpu.memory_space<semaphore_mem>>)
    %dma_wait3A_4382 = tpu.memref_slice %arg3[%select_n3A_4317, %mul3A_4375, %mul3A_4377] : memref<4x768x8192xf32, #tpu.memory_space<hbm>> -> memref<1x16x2048xf32, #tpu.memory_space<hbm>>
    %dma_wait3A_4383 = tpu.memref_squeeze %dma_wait3A_4382 : memref<1x16x2048xf32, #tpu.memory_space<hbm>> -> memref<16x2048xf32, #tpu.memory_space<hbm>>
    %dma_wait3A_4384 = tpu.memref_slice %arg3[%select_n3A_4317, %mul3A_4375, %mul3A_4377] : memref<4x768x8192xf32, #tpu.memory_space<hbm>> -> memref<1x16x2048xf32, #tpu.memory_space<hbm>>
    %dma_wait3A_4385 = tpu.memref_squeeze %dma_wait3A_4384 : memref<1x16x2048xf32, #tpu.memory_space<hbm>> -> memref<16x2048xf32, #tpu.memory_space<hbm>>
    tpu.wait_dma2 semaphore(%arg14 : memref<!tpu.dma_semaphore, #tpu.memory_space<semaphore_mem>>) src(%arg10 : memref<16x2048xf32, #tpu.memory_space<vmem>>) dst(%dma_wait3A_4385 : memref<16x2048xf32, #tpu.memory_space<hbm>>)
    %add3A_4386 = arith.constant 21 : i32
    %add3A_4387 = arith.addi %mul3A_2, %add3A_4386 : i32
    %jit3A_4388 = arith.constant 192 : i32
    %div3A_4389 = arith.divsi %add3A_4387, %jit3A_4388 : i32
    %sign3A_4390 = arith.constant 0 : i32
    %sign3A_4391 = arith.cmpi sgt, %add3A_4387, %sign3A_4390 : i32
    %sign3A_4392 = arith.extui %sign3A_4391 : i1 to i32
    %sign3A_4393 = arith.constant 0 : i32
    %sign3A_4394 = arith.cmpi slt, %add3A_4387, %sign3A_4393 : i32
    %sign3A_4395 = arith.extui %sign3A_4394 : i1 to i32
    %sign3A_4396 = arith.subi %sign3A_4392, %sign3A_4395 : i32
    %sign3A_4397 = arith.constant 0 : i32
    %sign3A_4398 = arith.cmpi sgt, %jit3A_4388, %sign3A_4397 : i32
    %sign3A_4399 = arith.extui %sign3A_4398 : i1 to i32
    %sign3A_4400 = arith.constant 0 : i32
    %sign3A_4401 = arith.cmpi slt, %jit3A_4388, %sign3A_4400 : i32
    %sign3A_4402 = arith.extui %sign3A_4401 : i1 to i32
    %sign3A_4403 = arith.subi %sign3A_4399, %sign3A_4402 : i32
    %ne3A_4404 = arith.cmpi ne, %sign3A_4396, %sign3A_4403 : i32
    %rem3A_4405 = arith.remsi %add3A_4387, %jit3A_4388 : i32
    %ne3A_4406 = arith.constant 0 : i32
    %ne3A_4407 = arith.cmpi ne, %rem3A_4405, %ne3A_4406 : i32
    %and3A_4408 = arith.andi %ne3A_4404, %ne3A_4407 : i1
    %sub3A_4409 = arith.constant 1 : i32
    %sub3A_4410 = arith.subi %div3A_4389, %sub3A_4409 : i32
    %select_n3A_4411 = arith.select %and3A_4408, %sub3A_4410, %div3A_4389 : i32
    %jit3A_4412 = arith.constant 192 : i32
    %eq3A_4413 = arith.constant 0 : i32
    %eq3A_4414 = arith.cmpi eq, %jit3A_4412, %eq3A_4413 : i32
    %jit3A_4415 = arith.constant 1 : i32
    %select_n3A_4416 = arith.select %eq3A_4414, %jit3A_4415, %jit3A_4412 : i32
    %rem3A_4417 = arith.remsi %add3A_4387, %select_n3A_4416 : i32
    %ne3A_4418 = arith.constant 0 : i32
    %ne3A_4419 = arith.cmpi ne, %rem3A_4417, %ne3A_4418 : i32
    %lt3A_4420 = arith.constant 0 : i32
    %lt3A_4421 = arith.cmpi slt, %rem3A_4417, %lt3A_4420 : i32
    %lt3A_4422 = arith.constant 0 : i32
    %lt3A_4423 = arith.cmpi slt, %select_n3A_4416, %lt3A_4422 : i32
    %ne3A_4424 = arith.xori %lt3A_4421, %lt3A_4423 : i1
    %and3A_4425 = arith.andi %ne3A_4424, %ne3A_4419 : i1
    %add3A_4426 = arith.addi %rem3A_4417, %select_n3A_4416 : i32
    %select_n3A_4427 = arith.select %and3A_4425, %add3A_4426, %rem3A_4417 : i32
    %jit3A_4428 = arith.constant 4 : i32
    %div3A_4429 = arith.divsi %select_n3A_4427, %jit3A_4428 : i32
    %sign3A_4430 = arith.constant 0 : i32
    %sign3A_4431 = arith.cmpi sgt, %select_n3A_4427, %sign3A_4430 : i32
    %sign3A_4432 = arith.extui %sign3A_4431 : i1 to i32
    %sign3A_4433 = arith.constant 0 : i32
    %sign3A_4434 = arith.cmpi slt, %select_n3A_4427, %sign3A_4433 : i32
    %sign3A_4435 = arith.extui %sign3A_4434 : i1 to i32
    %sign3A_4436 = arith.subi %sign3A_4432, %sign3A_4435 : i32
    %sign3A_4437 = arith.constant 0 : i32
    %sign3A_4438 = arith.cmpi sgt, %jit3A_4428, %sign3A_4437 : i32
    %sign3A_4439 = arith.extui %sign3A_4438 : i1 to i32
    %sign3A_4440 = arith.constant 0 : i32
    %sign3A_4441 = arith.cmpi slt, %jit3A_4428, %sign3A_4440 : i32
    %sign3A_4442 = arith.extui %sign3A_4441 : i1 to i32
    %sign3A_4443 = arith.subi %sign3A_4439, %sign3A_4442 : i32
    %ne3A_4444 = arith.cmpi ne, %sign3A_4436, %sign3A_4443 : i32
    %rem3A_4445 = arith.remsi %select_n3A_4427, %jit3A_4428 : i32
    %ne3A_4446 = arith.constant 0 : i32
    %ne3A_4447 = arith.cmpi ne, %rem3A_4445, %ne3A_4446 : i32
    %and3A_4448 = arith.andi %ne3A_4444, %ne3A_4447 : i1
    %sub3A_4449 = arith.constant 1 : i32
    %sub3A_4450 = arith.subi %div3A_4429, %sub3A_4449 : i32
    %select_n3A_4451 = arith.select %and3A_4448, %sub3A_4450, %div3A_4429 : i32
    %jit3A_4452 = arith.constant 4 : i32
    %eq3A_4453 = arith.constant 0 : i32
    %eq3A_4454 = arith.cmpi eq, %jit3A_4452, %eq3A_4453 : i32
    %jit3A_4455 = arith.constant 1 : i32
    %select_n3A_4456 = arith.select %eq3A_4454, %jit3A_4455, %jit3A_4452 : i32
    %rem3A_4457 = arith.remsi %select_n3A_4427, %select_n3A_4456 : i32
    %ne3A_4458 = arith.constant 0 : i32
    %ne3A_4459 = arith.cmpi ne, %rem3A_4457, %ne3A_4458 : i32
    %lt3A_4460 = arith.constant 0 : i32
    %lt3A_4461 = arith.cmpi slt, %rem3A_4457, %lt3A_4460 : i32
    %lt3A_4462 = arith.constant 0 : i32
    %lt3A_4463 = arith.cmpi slt, %select_n3A_4456, %lt3A_4462 : i32
    %ne3A_4464 = arith.xori %lt3A_4461, %lt3A_4463 : i1
    %and3A_4465 = arith.andi %ne3A_4464, %ne3A_4459 : i1
    %add3A_4466 = arith.addi %rem3A_4457, %select_n3A_4456 : i32
    %select_n3A_4467 = arith.select %and3A_4465, %add3A_4466, %rem3A_4457 : i32
    %mul3A_4468 = arith.constant 16 : i32
    %mul3A_4469 = arith.muli %select_n3A_4451, %mul3A_4468 : i32
    %mul3A_4470 = arith.constant 2048 : i32
    %mul3A_4471 = arith.muli %select_n3A_4467, %mul3A_4470 : i32
    %dma_start3A_4472 = arith.constant 0 : i32
    %dma_start3A_4473 = tpu.memref_slice %arg2[%select_n3A_4411, %dma_start3A_4472, %mul3A_4471] : memref<4x768x8192xf32, #tpu.memory_space<hbm>> -> memref<1x768x2048xf32, #tpu.memory_space<hbm>>
    %dma_start3A_4474 = tpu.memref_squeeze %dma_start3A_4473 : memref<1x768x2048xf32, #tpu.memory_space<hbm>> -> memref<768x2048xf32, #tpu.memory_space<hbm>>
    %dma_start3A_4475 = arith.constant 0 : i32
    %dma_start3A_4476 = arith.constant 0 : i32
    %dma_start3A_4477 = tpu.memref_slice %dma_start3A_4474[%dma_start3A_4475, %dma_start3A_4476] : memref<768x2048xf32, #tpu.memory_space<hbm>> -> memref<768x2048xf32, #tpu.memory_space<hbm>>
    tpu.enqueue_indirect_dma source(%dma_start3A_4477 : memref<768x2048xf32, #tpu.memory_space<hbm>>) target(%arg10 : memref<16x2048xf32, #tpu.memory_space<vmem>>) offsets(%arg9 : memref<16xi32, #tpu.memory_space<vmem>>) semaphore(%arg13 : memref<!tpu.dma_semaphore, #tpu.memory_space<semaphore_mem>>)
    %dma_wait3A_4478 = arith.constant 0 : i32
    %dma_wait3A_4479 = tpu.memref_slice %arg2[%select_n3A_4027, %dma_wait3A_4478, %mul3A_4087] : memref<4x768x8192xf32, #tpu.memory_space<hbm>> -> memref<1x768x2048xf32, #tpu.memory_space<hbm>>
    %dma_wait3A_4480 = tpu.memref_squeeze %dma_wait3A_4479 : memref<1x768x2048xf32, #tpu.memory_space<hbm>> -> memref<768x2048xf32, #tpu.memory_space<hbm>>
    %dma_wait3A_4481 = arith.constant 0 : i32
    %dma_wait3A_4482 = arith.constant 0 : i32
    %dma_wait3A_4483 = tpu.memref_slice %dma_wait3A_4480[%dma_wait3A_4481, %dma_wait3A_4482] : memref<768x2048xf32, #tpu.memory_space<hbm>> -> memref<768x2048xf32, #tpu.memory_space<hbm>>
    tpu.wait_indirect_dma semaphore(%arg13 : memref<!tpu.dma_semaphore, #tpu.memory_space<semaphore_mem>>) src(%dma_wait3A_4483 : memref<768x2048xf32, #tpu.memory_space<hbm>>) dst(%arg11 : memref<16x2048xf32, #tpu.memory_space<vmem>>)
    %add3A_4484 = arith.constant 19 : i32
    %add3A_4485 = arith.addi %mul3A_2, %add3A_4484 : i32
    %jit3A_4486 = arith.constant 192 : i32
    %div3A_4487 = arith.divsi %add3A_4485, %jit3A_4486 : i32
    %sign3A_4488 = arith.constant 0 : i32
    %sign3A_4489 = arith.cmpi sgt, %add3A_4485, %sign3A_4488 : i32
    %sign3A_4490 = arith.extui %sign3A_4489 : i1 to i32
    %sign3A_4491 = arith.constant 0 : i32
    %sign3A_4492 = arith.cmpi slt, %add3A_4485, %sign3A_4491 : i32
    %sign3A_4493 = arith.extui %sign3A_4492 : i1 to i32
    %sign3A_4494 = arith.subi %sign3A_4490, %sign3A_4493 : i32
    %sign3A_4495 = arith.constant 0 : i32
    %sign3A_4496 = arith.cmpi sgt, %jit3A_4486, %sign3A_4495 : i32
    %sign3A_4497 = arith.extui %sign3A_4496 : i1 to i32
    %sign3A_4498 = arith.constant 0 : i32
    %sign3A_4499 = arith.cmpi slt, %jit3A_4486, %sign3A_4498 : i32
    %sign3A_4500 = arith.extui %sign3A_4499 : i1 to i32
    %sign3A_4501 = arith.subi %sign3A_4497, %sign3A_4500 : i32
    %ne3A_4502 = arith.cmpi ne, %sign3A_4494, %sign3A_4501 : i32
    %rem3A_4503 = arith.remsi %add3A_4485, %jit3A_4486 : i32
    %ne3A_4504 = arith.constant 0 : i32
    %ne3A_4505 = arith.cmpi ne, %rem3A_4503, %ne3A_4504 : i32
    %and3A_4506 = arith.andi %ne3A_4502, %ne3A_4505 : i1
    %sub3A_4507 = arith.constant 1 : i32
    %sub3A_4508 = arith.subi %div3A_4487, %sub3A_4507 : i32
    %select_n3A_4509 = arith.select %and3A_4506, %sub3A_4508, %div3A_4487 : i32
    %jit3A_4510 = arith.constant 192 : i32
    %eq3A_4511 = arith.constant 0 : i32
    %eq3A_4512 = arith.cmpi eq, %jit3A_4510, %eq3A_4511 : i32
    %jit3A_4513 = arith.constant 1 : i32
    %select_n3A_4514 = arith.select %eq3A_4512, %jit3A_4513, %jit3A_4510 : i32
    %rem3A_4515 = arith.remsi %add3A_4485, %select_n3A_4514 : i32
    %ne3A_4516 = arith.constant 0 : i32
    %ne3A_4517 = arith.cmpi ne, %rem3A_4515, %ne3A_4516 : i32
    %lt3A_4518 = arith.constant 0 : i32
    %lt3A_4519 = arith.cmpi slt, %rem3A_4515, %lt3A_4518 : i32
    %lt3A_4520 = arith.constant 0 : i32
    %lt3A_4521 = arith.cmpi slt, %select_n3A_4514, %lt3A_4520 : i32
    %ne3A_4522 = arith.xori %lt3A_4519, %lt3A_4521 : i1
    %and3A_4523 = arith.andi %ne3A_4522, %ne3A_4517 : i1
    %add3A_4524 = arith.addi %rem3A_4515, %select_n3A_4514 : i32
    %select_n3A_4525 = arith.select %and3A_4523, %add3A_4524, %rem3A_4515 : i32
    %jit3A_4526 = arith.constant 4 : i32
    %div3A_4527 = arith.divsi %select_n3A_4525, %jit3A_4526 : i32
    %sign3A_4528 = arith.constant 0 : i32
    %sign3A_4529 = arith.cmpi sgt, %select_n3A_4525, %sign3A_4528 : i32
    %sign3A_4530 = arith.extui %sign3A_4529 : i1 to i32
    %sign3A_4531 = arith.constant 0 : i32
    %sign3A_4532 = arith.cmpi slt, %select_n3A_4525, %sign3A_4531 : i32
    %sign3A_4533 = arith.extui %sign3A_4532 : i1 to i32
    %sign3A_4534 = arith.subi %sign3A_4530, %sign3A_4533 : i32
    %sign3A_4535 = arith.constant 0 : i32
    %sign3A_4536 = arith.cmpi sgt, %jit3A_4526, %sign3A_4535 : i32
    %sign3A_4537 = arith.extui %sign3A_4536 : i1 to i32
    %sign3A_4538 = arith.constant 0 : i32
    %sign3A_4539 = arith.cmpi slt, %jit3A_4526, %sign3A_4538 : i32
    %sign3A_4540 = arith.extui %sign3A_4539 : i1 to i32
    %sign3A_4541 = arith.subi %sign3A_4537, %sign3A_4540 : i32
    %ne3A_4542 = arith.cmpi ne, %sign3A_4534, %sign3A_4541 : i32
    %rem3A_4543 = arith.remsi %select_n3A_4525, %jit3A_4526 : i32
    %ne3A_4544 = arith.constant 0 : i32
    %ne3A_4545 = arith.cmpi ne, %rem3A_4543, %ne3A_4544 : i32
    %and3A_4546 = arith.andi %ne3A_4542, %ne3A_4545 : i1
    %sub3A_4547 = arith.constant 1 : i32
    %sub3A_4548 = arith.subi %div3A_4527, %sub3A_4547 : i32
    %select_n3A_4549 = arith.select %and3A_4546, %sub3A_4548, %div3A_4527 : i32
    %jit3A_4550 = arith.constant 4 : i32
    %eq3A_4551 = arith.constant 0 : i32
    %eq3A_4552 = arith.cmpi eq, %jit3A_4550, %eq3A_4551 : i32
    %jit3A_4553 = arith.constant 1 : i32
    %select_n3A_4554 = arith.select %eq3A_4552, %jit3A_4553, %jit3A_4550 : i32
    %rem3A_4555 = arith.remsi %select_n3A_4525, %select_n3A_4554 : i32
    %ne3A_4556 = arith.constant 0 : i32
    %ne3A_4557 = arith.cmpi ne, %rem3A_4555, %ne3A_4556 : i32
    %lt3A_4558 = arith.constant 0 : i32
    %lt3A_4559 = arith.cmpi slt, %rem3A_4555, %lt3A_4558 : i32
    %lt3A_4560 = arith.constant 0 : i32
    %lt3A_4561 = arith.cmpi slt, %select_n3A_4554, %lt3A_4560 : i32
    %ne3A_4562 = arith.xori %lt3A_4559, %lt3A_4561 : i1
    %and3A_4563 = arith.andi %ne3A_4562, %ne3A_4557 : i1
    %add3A_4564 = arith.addi %rem3A_4555, %select_n3A_4554 : i32
    %select_n3A_4565 = arith.select %and3A_4563, %add3A_4564, %rem3A_4555 : i32
    %mul3A_4566 = arith.constant 16 : i32
    %mul3A_4567 = arith.muli %select_n3A_4549, %mul3A_4566 : i32
    %mul3A_4568 = arith.constant 2048 : i32
    %mul3A_4569 = arith.muli %select_n3A_4565, %mul3A_4568 : i32
    %dma_start3A_4570 = tpu.memref_slice %arg3[%select_n3A_4509, %mul3A_4567, %mul3A_4569] : memref<4x768x8192xf32, #tpu.memory_space<hbm>> -> memref<1x16x2048xf32, #tpu.memory_space<hbm>>
    %dma_start3A_4571 = tpu.memref_squeeze %dma_start3A_4570 : memref<1x16x2048xf32, #tpu.memory_space<hbm>> -> memref<16x2048xf32, #tpu.memory_space<hbm>>
    %dma_start3A_4572 = tpu.memref_slice %arg3[%select_n3A_4509, %mul3A_4567, %mul3A_4569] : memref<4x768x8192xf32, #tpu.memory_space<hbm>> -> memref<1x16x2048xf32, #tpu.memory_space<hbm>>
    %dma_start3A_4573 = tpu.memref_squeeze %dma_start3A_4572 : memref<1x16x2048xf32, #tpu.memory_space<hbm>> -> memref<16x2048xf32, #tpu.memory_space<hbm>>
    tpu.enqueue_dma source(%arg11 : memref<16x2048xf32, #tpu.memory_space<vmem>>) target(%dma_start3A_4573 : memref<16x2048xf32, #tpu.memory_space<hbm>>) target_semaphore(%arg14 : memref<!tpu.dma_semaphore, #tpu.memory_space<semaphore_mem>>)
    %dma_wait3A_4574 = tpu.memref_slice %arg3[%select_n3A_4509, %mul3A_4567, %mul3A_4569] : memref<4x768x8192xf32, #tpu.memory_space<hbm>> -> memref<1x16x2048xf32, #tpu.memory_space<hbm>>
    %dma_wait3A_4575 = tpu.memref_squeeze %dma_wait3A_4574 : memref<1x16x2048xf32, #tpu.memory_space<hbm>> -> memref<16x2048xf32, #tpu.memory_space<hbm>>
    %dma_wait3A_4576 = tpu.memref_slice %arg3[%select_n3A_4509, %mul3A_4567, %mul3A_4569] : memref<4x768x8192xf32, #tpu.memory_space<hbm>> -> memref<1x16x2048xf32, #tpu.memory_space<hbm>>
    %dma_wait3A_4577 = tpu.memref_squeeze %dma_wait3A_4576 : memref<1x16x2048xf32, #tpu.memory_space<hbm>> -> memref<16x2048xf32, #tpu.memory_space<hbm>>
    tpu.wait_dma2 semaphore(%arg14 : memref<!tpu.dma_semaphore, #tpu.memory_space<semaphore_mem>>) src(%arg11 : memref<16x2048xf32, #tpu.memory_space<vmem>>) dst(%dma_wait3A_4577 : memref<16x2048xf32, #tpu.memory_space<hbm>>)
    %add3A_4578 = arith.constant 22 : i32
    %add3A_4579 = arith.addi %mul3A_2, %add3A_4578 : i32
    %jit3A_4580 = arith.constant 192 : i32
    %div3A_4581 = arith.divsi %add3A_4579, %jit3A_4580 : i32
    %sign3A_4582 = arith.constant 0 : i32
    %sign3A_4583 = arith.cmpi sgt, %add3A_4579, %sign3A_4582 : i32
    %sign3A_4584 = arith.extui %sign3A_4583 : i1 to i32
    %sign3A_4585 = arith.constant 0 : i32
    %sign3A_4586 = arith.cmpi slt, %add3A_4579, %sign3A_4585 : i32
    %sign3A_4587 = arith.extui %sign3A_4586 : i1 to i32
    %sign3A_4588 = arith.subi %sign3A_4584, %sign3A_4587 : i32
    %sign3A_4589 = arith.constant 0 : i32
    %sign3A_4590 = arith.cmpi sgt, %jit3A_4580, %sign3A_4589 : i32
    %sign3A_4591 = arith.extui %sign3A_4590 : i1 to i32
    %sign3A_4592 = arith.constant 0 : i32
    %sign3A_4593 = arith.cmpi slt, %jit3A_4580, %sign3A_4592 : i32
    %sign3A_4594 = arith.extui %sign3A_4593 : i1 to i32
    %sign3A_4595 = arith.subi %sign3A_4591, %sign3A_4594 : i32
    %ne3A_4596 = arith.cmpi ne, %sign3A_4588, %sign3A_4595 : i32
    %rem3A_4597 = arith.remsi %add3A_4579, %jit3A_4580 : i32
    %ne3A_4598 = arith.constant 0 : i32
    %ne3A_4599 = arith.cmpi ne, %rem3A_4597, %ne3A_4598 : i32
    %and3A_4600 = arith.andi %ne3A_4596, %ne3A_4599 : i1
    %sub3A_4601 = arith.constant 1 : i32
    %sub3A_4602 = arith.subi %div3A_4581, %sub3A_4601 : i32
    %select_n3A_4603 = arith.select %and3A_4600, %sub3A_4602, %div3A_4581 : i32
    %jit3A_4604 = arith.constant 192 : i32
    %eq3A_4605 = arith.constant 0 : i32
    %eq3A_4606 = arith.cmpi eq, %jit3A_4604, %eq3A_4605 : i32
    %jit3A_4607 = arith.constant 1 : i32
    %select_n3A_4608 = arith.select %eq3A_4606, %jit3A_4607, %jit3A_4604 : i32
    %rem3A_4609 = arith.remsi %add3A_4579, %select_n3A_4608 : i32
    %ne3A_4610 = arith.constant 0 : i32
    %ne3A_4611 = arith.cmpi ne, %rem3A_4609, %ne3A_4610 : i32
    %lt3A_4612 = arith.constant 0 : i32
    %lt3A_4613 = arith.cmpi slt, %rem3A_4609, %lt3A_4612 : i32
    %lt3A_4614 = arith.constant 0 : i32
    %lt3A_4615 = arith.cmpi slt, %select_n3A_4608, %lt3A_4614 : i32
    %ne3A_4616 = arith.xori %lt3A_4613, %lt3A_4615 : i1
    %and3A_4617 = arith.andi %ne3A_4616, %ne3A_4611 : i1
    %add3A_4618 = arith.addi %rem3A_4609, %select_n3A_4608 : i32
    %select_n3A_4619 = arith.select %and3A_4617, %add3A_4618, %rem3A_4609 : i32
    %jit3A_4620 = arith.constant 4 : i32
    %div3A_4621 = arith.divsi %select_n3A_4619, %jit3A_4620 : i32
    %sign3A_4622 = arith.constant 0 : i32
    %sign3A_4623 = arith.cmpi sgt, %select_n3A_4619, %sign3A_4622 : i32
    %sign3A_4624 = arith.extui %sign3A_4623 : i1 to i32
    %sign3A_4625 = arith.constant 0 : i32
    %sign3A_4626 = arith.cmpi slt, %select_n3A_4619, %sign3A_4625 : i32
    %sign3A_4627 = arith.extui %sign3A_4626 : i1 to i32
    %sign3A_4628 = arith.subi %sign3A_4624, %sign3A_4627 : i32
    %sign3A_4629 = arith.constant 0 : i32
    %sign3A_4630 = arith.cmpi sgt, %jit3A_4620, %sign3A_4629 : i32
    %sign3A_4631 = arith.extui %sign3A_4630 : i1 to i32
    %sign3A_4632 = arith.constant 0 : i32
    %sign3A_4633 = arith.cmpi slt, %jit3A_4620, %sign3A_4632 : i32
    %sign3A_4634 = arith.extui %sign3A_4633 : i1 to i32
    %sign3A_4635 = arith.subi %sign3A_4631, %sign3A_4634 : i32
    %ne3A_4636 = arith.cmpi ne, %sign3A_4628, %sign3A_4635 : i32
    %rem3A_4637 = arith.remsi %select_n3A_4619, %jit3A_4620 : i32
    %ne3A_4638 = arith.constant 0 : i32
    %ne3A_4639 = arith.cmpi ne, %rem3A_4637, %ne3A_4638 : i32
    %and3A_4640 = arith.andi %ne3A_4636, %ne3A_4639 : i1
    %sub3A_4641 = arith.constant 1 : i32
    %sub3A_4642 = arith.subi %div3A_4621, %sub3A_4641 : i32
    %select_n3A_4643 = arith.select %and3A_4640, %sub3A_4642, %div3A_4621 : i32
    %jit3A_4644 = arith.constant 4 : i32
    %eq3A_4645 = arith.constant 0 : i32
    %eq3A_4646 = arith.cmpi eq, %jit3A_4644, %eq3A_4645 : i32
    %jit3A_4647 = arith.constant 1 : i32
    %select_n3A_4648 = arith.select %eq3A_4646, %jit3A_4647, %jit3A_4644 : i32
    %rem3A_4649 = arith.remsi %select_n3A_4619, %select_n3A_4648 : i32
    %ne3A_4650 = arith.constant 0 : i32
    %ne3A_4651 = arith.cmpi ne, %rem3A_4649, %ne3A_4650 : i32
    %lt3A_4652 = arith.constant 0 : i32
    %lt3A_4653 = arith.cmpi slt, %rem3A_4649, %lt3A_4652 : i32
    %lt3A_4654 = arith.constant 0 : i32
    %lt3A_4655 = arith.cmpi slt, %select_n3A_4648, %lt3A_4654 : i32
    %ne3A_4656 = arith.xori %lt3A_4653, %lt3A_4655 : i1
    %and3A_4657 = arith.andi %ne3A_4656, %ne3A_4651 : i1
    %add3A_4658 = arith.addi %rem3A_4649, %select_n3A_4648 : i32
    %select_n3A_4659 = arith.select %and3A_4657, %add3A_4658, %rem3A_4649 : i32
    %mul3A_4660 = arith.constant 16 : i32
    %mul3A_4661 = arith.muli %select_n3A_4643, %mul3A_4660 : i32
    %mul3A_4662 = arith.constant 2048 : i32
    %mul3A_4663 = arith.muli %select_n3A_4659, %mul3A_4662 : i32
    %dma_start3A_4664 = arith.constant 0 : i32
    %dma_start3A_4665 = tpu.memref_slice %arg2[%select_n3A_4603, %dma_start3A_4664, %mul3A_4663] : memref<4x768x8192xf32, #tpu.memory_space<hbm>> -> memref<1x768x2048xf32, #tpu.memory_space<hbm>>
    %dma_start3A_4666 = tpu.memref_squeeze %dma_start3A_4665 : memref<1x768x2048xf32, #tpu.memory_space<hbm>> -> memref<768x2048xf32, #tpu.memory_space<hbm>>
    %dma_start3A_4667 = arith.constant 0 : i32
    %dma_start3A_4668 = arith.constant 0 : i32
    %dma_start3A_4669 = tpu.memref_slice %dma_start3A_4666[%dma_start3A_4667, %dma_start3A_4668] : memref<768x2048xf32, #tpu.memory_space<hbm>> -> memref<768x2048xf32, #tpu.memory_space<hbm>>
    tpu.enqueue_indirect_dma source(%dma_start3A_4669 : memref<768x2048xf32, #tpu.memory_space<hbm>>) target(%arg11 : memref<16x2048xf32, #tpu.memory_space<vmem>>) offsets(%arg9 : memref<16xi32, #tpu.memory_space<vmem>>) semaphore(%arg13 : memref<!tpu.dma_semaphore, #tpu.memory_space<semaphore_mem>>)
    %dma_wait3A_4670 = arith.constant 0 : i32
    %dma_wait3A_4671 = tpu.memref_slice %arg2[%select_n3A_4219, %dma_wait3A_4670, %mul3A_4279] : memref<4x768x8192xf32, #tpu.memory_space<hbm>> -> memref<1x768x2048xf32, #tpu.memory_space<hbm>>
    %dma_wait3A_4672 = tpu.memref_squeeze %dma_wait3A_4671 : memref<1x768x2048xf32, #tpu.memory_space<hbm>> -> memref<768x2048xf32, #tpu.memory_space<hbm>>
    %dma_wait3A_4673 = arith.constant 0 : i32
    %dma_wait3A_4674 = arith.constant 0 : i32
    %dma_wait3A_4675 = tpu.memref_slice %dma_wait3A_4672[%dma_wait3A_4673, %dma_wait3A_4674] : memref<768x2048xf32, #tpu.memory_space<hbm>> -> memref<768x2048xf32, #tpu.memory_space<hbm>>
    tpu.wait_indirect_dma semaphore(%arg13 : memref<!tpu.dma_semaphore, #tpu.memory_space<semaphore_mem>>) src(%dma_wait3A_4675 : memref<768x2048xf32, #tpu.memory_space<hbm>>) dst(%arg12 : memref<16x2048xf32, #tpu.memory_space<vmem>>)
    %add3A_4676 = arith.constant 20 : i32
    %add3A_4677 = arith.addi %mul3A_2, %add3A_4676 : i32
    %jit3A_4678 = arith.constant 192 : i32
    %div3A_4679 = arith.divsi %add3A_4677, %jit3A_4678 : i32
    %sign3A_4680 = arith.constant 0 : i32
    %sign3A_4681 = arith.cmpi sgt, %add3A_4677, %sign3A_4680 : i32
    %sign3A_4682 = arith.extui %sign3A_4681 : i1 to i32
    %sign3A_4683 = arith.constant 0 : i32
    %sign3A_4684 = arith.cmpi slt, %add3A_4677, %sign3A_4683 : i32
    %sign3A_4685 = arith.extui %sign3A_4684 : i1 to i32
    %sign3A_4686 = arith.subi %sign3A_4682, %sign3A_4685 : i32
    %sign3A_4687 = arith.constant 0 : i32
    %sign3A_4688 = arith.cmpi sgt, %jit3A_4678, %sign3A_4687 : i32
    %sign3A_4689 = arith.extui %sign3A_4688 : i1 to i32
    %sign3A_4690 = arith.constant 0 : i32
    %sign3A_4691 = arith.cmpi slt, %jit3A_4678, %sign3A_4690 : i32
    %sign3A_4692 = arith.extui %sign3A_4691 : i1 to i32
    %sign3A_4693 = arith.subi %sign3A_4689, %sign3A_4692 : i32
    %ne3A_4694 = arith.cmpi ne, %sign3A_4686, %sign3A_4693 : i32
    %rem3A_4695 = arith.remsi %add3A_4677, %jit3A_4678 : i32
    %ne3A_4696 = arith.constant 0 : i32
    %ne3A_4697 = arith.cmpi ne, %rem3A_4695, %ne3A_4696 : i32
    %and3A_4698 = arith.andi %ne3A_4694, %ne3A_4697 : i1
    %sub3A_4699 = arith.constant 1 : i32
    %sub3A_4700 = arith.subi %div3A_4679, %sub3A_4699 : i32
    %select_n3A_4701 = arith.select %and3A_4698, %sub3A_4700, %div3A_4679 : i32
    %jit3A_4702 = arith.constant 192 : i32
    %eq3A_4703 = arith.constant 0 : i32
    %eq3A_4704 = arith.cmpi eq, %jit3A_4702, %eq3A_4703 : i32
    %jit3A_4705 = arith.constant 1 : i32
    %select_n3A_4706 = arith.select %eq3A_4704, %jit3A_4705, %jit3A_4702 : i32
    %rem3A_4707 = arith.remsi %add3A_4677, %select_n3A_4706 : i32
    %ne3A_4708 = arith.constant 0 : i32
    %ne3A_4709 = arith.cmpi ne, %rem3A_4707, %ne3A_4708 : i32
    %lt3A_4710 = arith.constant 0 : i32
    %lt3A_4711 = arith.cmpi slt, %rem3A_4707, %lt3A_4710 : i32
    %lt3A_4712 = arith.constant 0 : i32
    %lt3A_4713 = arith.cmpi slt, %select_n3A_4706, %lt3A_4712 : i32
    %ne3A_4714 = arith.xori %lt3A_4711, %lt3A_4713 : i1
    %and3A_4715 = arith.andi %ne3A_4714, %ne3A_4709 : i1
    %add3A_4716 = arith.addi %rem3A_4707, %select_n3A_4706 : i32
    %select_n3A_4717 = arith.select %and3A_4715, %add3A_4716, %rem3A_4707 : i32
    %jit3A_4718 = arith.constant 4 : i32
    %div3A_4719 = arith.divsi %select_n3A_4717, %jit3A_4718 : i32
    %sign3A_4720 = arith.constant 0 : i32
    %sign3A_4721 = arith.cmpi sgt, %select_n3A_4717, %sign3A_4720 : i32
    %sign3A_4722 = arith.extui %sign3A_4721 : i1 to i32
    %sign3A_4723 = arith.constant 0 : i32
    %sign3A_4724 = arith.cmpi slt, %select_n3A_4717, %sign3A_4723 : i32
    %sign3A_4725 = arith.extui %sign3A_4724 : i1 to i32
    %sign3A_4726 = arith.subi %sign3A_4722, %sign3A_4725 : i32
    %sign3A_4727 = arith.constant 0 : i32
    %sign3A_4728 = arith.cmpi sgt, %jit3A_4718, %sign3A_4727 : i32
    %sign3A_4729 = arith.extui %sign3A_4728 : i1 to i32
    %sign3A_4730 = arith.constant 0 : i32
    %sign3A_4731 = arith.cmpi slt, %jit3A_4718, %sign3A_4730 : i32
    %sign3A_4732 = arith.extui %sign3A_4731 : i1 to i32
    %sign3A_4733 = arith.subi %sign3A_4729, %sign3A_4732 : i32
    %ne3A_4734 = arith.cmpi ne, %sign3A_4726, %sign3A_4733 : i32
    %rem3A_4735 = arith.remsi %select_n3A_4717, %jit3A_4718 : i32
    %ne3A_4736 = arith.constant 0 : i32
    %ne3A_4737 = arith.cmpi ne, %rem3A_4735, %ne3A_4736 : i32
    %and3A_4738 = arith.andi %ne3A_4734, %ne3A_4737 : i1
    %sub3A_4739 = arith.constant 1 : i32
    %sub3A_4740 = arith.subi %div3A_4719, %sub3A_4739 : i32
    %select_n3A_4741 = arith.select %and3A_4738, %sub3A_4740, %div3A_4719 : i32
    %jit3A_4742 = arith.constant 4 : i32
    %eq3A_4743 = arith.constant 0 : i32
    %eq3A_4744 = arith.cmpi eq, %jit3A_4742, %eq3A_4743 : i32
    %jit3A_4745 = arith.constant 1 : i32
    %select_n3A_4746 = arith.select %eq3A_4744, %jit3A_4745, %jit3A_4742 : i32
    %rem3A_4747 = arith.remsi %select_n3A_4717, %select_n3A_4746 : i32
    %ne3A_4748 = arith.constant 0 : i32
    %ne3A_4749 = arith.cmpi ne, %rem3A_4747, %ne3A_4748 : i32
    %lt3A_4750 = arith.constant 0 : i32
    %lt3A_4751 = arith.cmpi slt, %rem3A_4747, %lt3A_4750 : i32
    %lt3A_4752 = arith.constant 0 : i32
    %lt3A_4753 = arith.cmpi slt, %select_n3A_4746, %lt3A_4752 : i32
    %ne3A_4754 = arith.xori %lt3A_4751, %lt3A_4753 : i1
    %and3A_4755 = arith.andi %ne3A_4754, %ne3A_4749 : i1
    %add3A_4756 = arith.addi %rem3A_4747, %select_n3A_4746 : i32
    %select_n3A_4757 = arith.select %and3A_4755, %add3A_4756, %rem3A_4747 : i32
    %mul3A_4758 = arith.constant 16 : i32
    %mul3A_4759 = arith.muli %select_n3A_4741, %mul3A_4758 : i32
    %mul3A_4760 = arith.constant 2048 : i32
    %mul3A_4761 = arith.muli %select_n3A_4757, %mul3A_4760 : i32
    %dma_start3A_4762 = tpu.memref_slice %arg3[%select_n3A_4701, %mul3A_4759, %mul3A_4761] : memref<4x768x8192xf32, #tpu.memory_space<hbm>> -> memref<1x16x2048xf32, #tpu.memory_space<hbm>>
    %dma_start3A_4763 = tpu.memref_squeeze %dma_start3A_4762 : memref<1x16x2048xf32, #tpu.memory_space<hbm>> -> memref<16x2048xf32, #tpu.memory_space<hbm>>
    %dma_start3A_4764 = tpu.memref_slice %arg3[%select_n3A_4701, %mul3A_4759, %mul3A_4761] : memref<4x768x8192xf32, #tpu.memory_space<hbm>> -> memref<1x16x2048xf32, #tpu.memory_space<hbm>>
    %dma_start3A_4765 = tpu.memref_squeeze %dma_start3A_4764 : memref<1x16x2048xf32, #tpu.memory_space<hbm>> -> memref<16x2048xf32, #tpu.memory_space<hbm>>
    tpu.enqueue_dma source(%arg12 : memref<16x2048xf32, #tpu.memory_space<vmem>>) target(%dma_start3A_4765 : memref<16x2048xf32, #tpu.memory_space<hbm>>) target_semaphore(%arg14 : memref<!tpu.dma_semaphore, #tpu.memory_space<semaphore_mem>>)
    %dma_wait3A_4766 = tpu.memref_slice %arg3[%select_n3A_4701, %mul3A_4759, %mul3A_4761] : memref<4x768x8192xf32, #tpu.memory_space<hbm>> -> memref<1x16x2048xf32, #tpu.memory_space<hbm>>
    %dma_wait3A_4767 = tpu.memref_squeeze %dma_wait3A_4766 : memref<1x16x2048xf32, #tpu.memory_space<hbm>> -> memref<16x2048xf32, #tpu.memory_space<hbm>>
    %dma_wait3A_4768 = tpu.memref_slice %arg3[%select_n3A_4701, %mul3A_4759, %mul3A_4761] : memref<4x768x8192xf32, #tpu.memory_space<hbm>> -> memref<1x16x2048xf32, #tpu.memory_space<hbm>>
    %dma_wait3A_4769 = tpu.memref_squeeze %dma_wait3A_4768 : memref<1x16x2048xf32, #tpu.memory_space<hbm>> -> memref<16x2048xf32, #tpu.memory_space<hbm>>
    tpu.wait_dma2 semaphore(%arg14 : memref<!tpu.dma_semaphore, #tpu.memory_space<semaphore_mem>>) src(%arg12 : memref<16x2048xf32, #tpu.memory_space<vmem>>) dst(%dma_wait3A_4769 : memref<16x2048xf32, #tpu.memory_space<hbm>>)
    %add3A_4770 = arith.constant 23 : i32
    %add3A_4771 = arith.addi %mul3A_2, %add3A_4770 : i32
    %jit3A_4772 = arith.constant 192 : i32
    %div3A_4773 = arith.divsi %add3A_4771, %jit3A_4772 : i32
    %sign3A_4774 = arith.constant 0 : i32
    %sign3A_4775 = arith.cmpi sgt, %add3A_4771, %sign3A_4774 : i32
    %sign3A_4776 = arith.extui %sign3A_4775 : i1 to i32
    %sign3A_4777 = arith.constant 0 : i32
    %sign3A_4778 = arith.cmpi slt, %add3A_4771, %sign3A_4777 : i32
    %sign3A_4779 = arith.extui %sign3A_4778 : i1 to i32
    %sign3A_4780 = arith.subi %sign3A_4776, %sign3A_4779 : i32
    %sign3A_4781 = arith.constant 0 : i32
    %sign3A_4782 = arith.cmpi sgt, %jit3A_4772, %sign3A_4781 : i32
    %sign3A_4783 = arith.extui %sign3A_4782 : i1 to i32
    %sign3A_4784 = arith.constant 0 : i32
    %sign3A_4785 = arith.cmpi slt, %jit3A_4772, %sign3A_4784 : i32
    %sign3A_4786 = arith.extui %sign3A_4785 : i1 to i32
    %sign3A_4787 = arith.subi %sign3A_4783, %sign3A_4786 : i32
    %ne3A_4788 = arith.cmpi ne, %sign3A_4780, %sign3A_4787 : i32
    %rem3A_4789 = arith.remsi %add3A_4771, %jit3A_4772 : i32
    %ne3A_4790 = arith.constant 0 : i32
    %ne3A_4791 = arith.cmpi ne, %rem3A_4789, %ne3A_4790 : i32
    %and3A_4792 = arith.andi %ne3A_4788, %ne3A_4791 : i1
    %sub3A_4793 = arith.constant 1 : i32
    %sub3A_4794 = arith.subi %div3A_4773, %sub3A_4793 : i32
    %select_n3A_4795 = arith.select %and3A_4792, %sub3A_4794, %div3A_4773 : i32
    %jit3A_4796 = arith.constant 192 : i32
    %eq3A_4797 = arith.constant 0 : i32
    %eq3A_4798 = arith.cmpi eq, %jit3A_4796, %eq3A_4797 : i32
    %jit3A_4799 = arith.constant 1 : i32
    %select_n3A_4800 = arith.select %eq3A_4798, %jit3A_4799, %jit3A_4796 : i32
    %rem3A_4801 = arith.remsi %add3A_4771, %select_n3A_4800 : i32
    %ne3A_4802 = arith.constant 0 : i32
    %ne3A_4803 = arith.cmpi ne, %rem3A_4801, %ne3A_4802 : i32
    %lt3A_4804 = arith.constant 0 : i32
    %lt3A_4805 = arith.cmpi slt, %rem3A_4801, %lt3A_4804 : i32
    %lt3A_4806 = arith.constant 0 : i32
    %lt3A_4807 = arith.cmpi slt, %select_n3A_4800, %lt3A_4806 : i32
    %ne3A_4808 = arith.xori %lt3A_4805, %lt3A_4807 : i1
    %and3A_4809 = arith.andi %ne3A_4808, %ne3A_4803 : i1
    %add3A_4810 = arith.addi %rem3A_4801, %select_n3A_4800 : i32
    %select_n3A_4811 = arith.select %and3A_4809, %add3A_4810, %rem3A_4801 : i32
    %jit3A_4812 = arith.constant 4 : i32
    %div3A_4813 = arith.divsi %select_n3A_4811, %jit3A_4812 : i32
    %sign3A_4814 = arith.constant 0 : i32
    %sign3A_4815 = arith.cmpi sgt, %select_n3A_4811, %sign3A_4814 : i32
    %sign3A_4816 = arith.extui %sign3A_4815 : i1 to i32
    %sign3A_4817 = arith.constant 0 : i32
    %sign3A_4818 = arith.cmpi slt, %select_n3A_4811, %sign3A_4817 : i32
    %sign3A_4819 = arith.extui %sign3A_4818 : i1 to i32
    %sign3A_4820 = arith.subi %sign3A_4816, %sign3A_4819 : i32
    %sign3A_4821 = arith.constant 0 : i32
    %sign3A_4822 = arith.cmpi sgt, %jit3A_4812, %sign3A_4821 : i32
    %sign3A_4823 = arith.extui %sign3A_4822 : i1 to i32
    %sign3A_4824 = arith.constant 0 : i32
    %sign3A_4825 = arith.cmpi slt, %jit3A_4812, %sign3A_4824 : i32
    %sign3A_4826 = arith.extui %sign3A_4825 : i1 to i32
    %sign3A_4827 = arith.subi %sign3A_4823, %sign3A_4826 : i32
    %ne3A_4828 = arith.cmpi ne, %sign3A_4820, %sign3A_4827 : i32
    %rem3A_4829 = arith.remsi %select_n3A_4811, %jit3A_4812 : i32
    %ne3A_4830 = arith.constant 0 : i32
    %ne3A_4831 = arith.cmpi ne, %rem3A_4829, %ne3A_4830 : i32
    %and3A_4832 = arith.andi %ne3A_4828, %ne3A_4831 : i1
    %sub3A_4833 = arith.constant 1 : i32
    %sub3A_4834 = arith.subi %div3A_4813, %sub3A_4833 : i32
    %select_n3A_4835 = arith.select %and3A_4832, %sub3A_4834, %div3A_4813 : i32
    %jit3A_4836 = arith.constant 4 : i32
    %eq3A_4837 = arith.constant 0 : i32
    %eq3A_4838 = arith.cmpi eq, %jit3A_4836, %eq3A_4837 : i32
    %jit3A_4839 = arith.constant 1 : i32
    %select_n3A_4840 = arith.select %eq3A_4838, %jit3A_4839, %jit3A_4836 : i32
    %rem3A_4841 = arith.remsi %select_n3A_4811, %select_n3A_4840 : i32
    %ne3A_4842 = arith.constant 0 : i32
    %ne3A_4843 = arith.cmpi ne, %rem3A_4841, %ne3A_4842 : i32
    %lt3A_4844 = arith.constant 0 : i32
    %lt3A_4845 = arith.cmpi slt, %rem3A_4841, %lt3A_4844 : i32
    %lt3A_4846 = arith.constant 0 : i32
    %lt3A_4847 = arith.cmpi slt, %select_n3A_4840, %lt3A_4846 : i32
    %ne3A_4848 = arith.xori %lt3A_4845, %lt3A_4847 : i1
    %and3A_4849 = arith.andi %ne3A_4848, %ne3A_4843 : i1
    %add3A_4850 = arith.addi %rem3A_4841, %select_n3A_4840 : i32
    %select_n3A_4851 = arith.select %and3A_4849, %add3A_4850, %rem3A_4841 : i32
    %mul3A_4852 = arith.constant 16 : i32
    %mul3A_4853 = arith.muli %select_n3A_4835, %mul3A_4852 : i32
    %mul3A_4854 = arith.constant 2048 : i32
    %mul3A_4855 = arith.muli %select_n3A_4851, %mul3A_4854 : i32
    %dma_start3A_4856 = arith.constant 0 : i32
    %dma_start3A_4857 = tpu.memref_slice %arg2[%select_n3A_4795, %dma_start3A_4856, %mul3A_4855] : memref<4x768x8192xf32, #tpu.memory_space<hbm>> -> memref<1x768x2048xf32, #tpu.memory_space<hbm>>
    %dma_start3A_4858 = tpu.memref_squeeze %dma_start3A_4857 : memref<1x768x2048xf32, #tpu.memory_space<hbm>> -> memref<768x2048xf32, #tpu.memory_space<hbm>>
    %dma_start3A_4859 = arith.constant 0 : i32
    %dma_start3A_4860 = arith.constant 0 : i32
    %dma_start3A_4861 = tpu.memref_slice %dma_start3A_4858[%dma_start3A_4859, %dma_start3A_4860] : memref<768x2048xf32, #tpu.memory_space<hbm>> -> memref<768x2048xf32, #tpu.memory_space<hbm>>
    tpu.enqueue_indirect_dma source(%dma_start3A_4861 : memref<768x2048xf32, #tpu.memory_space<hbm>>) target(%arg12 : memref<16x2048xf32, #tpu.memory_space<vmem>>) offsets(%arg9 : memref<16xi32, #tpu.memory_space<vmem>>) semaphore(%arg13 : memref<!tpu.dma_semaphore, #tpu.memory_space<semaphore_mem>>)
    %dma_wait3A_4862 = arith.constant 0 : i32
    %dma_wait3A_4863 = tpu.memref_slice %arg2[%select_n3A_4411, %dma_wait3A_4862, %mul3A_4471] : memref<4x768x8192xf32, #tpu.memory_space<hbm>> -> memref<1x768x2048xf32, #tpu.memory_space<hbm>>
    %dma_wait3A_4864 = tpu.memref_squeeze %dma_wait3A_4863 : memref<1x768x2048xf32, #tpu.memory_space<hbm>> -> memref<768x2048xf32, #tpu.memory_space<hbm>>
    %dma_wait3A_4865 = arith.constant 0 : i32
    %dma_wait3A_4866 = arith.constant 0 : i32
    %dma_wait3A_4867 = tpu.memref_slice %dma_wait3A_4864[%dma_wait3A_4865, %dma_wait3A_4866] : memref<768x2048xf32, #tpu.memory_space<hbm>> -> memref<768x2048xf32, #tpu.memory_space<hbm>>
    tpu.wait_indirect_dma semaphore(%arg13 : memref<!tpu.dma_semaphore, #tpu.memory_space<semaphore_mem>>) src(%dma_wait3A_4867 : memref<768x2048xf32, #tpu.memory_space<hbm>>) dst(%arg10 : memref<16x2048xf32, #tpu.memory_space<vmem>>)
    %add3A_4868 = arith.constant 21 : i32
    %add3A_4869 = arith.addi %mul3A_2, %add3A_4868 : i32
    %jit3A_4870 = arith.constant 192 : i32
    %div3A_4871 = arith.divsi %add3A_4869, %jit3A_4870 : i32
    %sign3A_4872 = arith.constant 0 : i32
    %sign3A_4873 = arith.cmpi sgt, %add3A_4869, %sign3A_4872 : i32
    %sign3A_4874 = arith.extui %sign3A_4873 : i1 to i32
    %sign3A_4875 = arith.constant 0 : i32
    %sign3A_4876 = arith.cmpi slt, %add3A_4869, %sign3A_4875 : i32
    %sign3A_4877 = arith.extui %sign3A_4876 : i1 to i32
    %sign3A_4878 = arith.subi %sign3A_4874, %sign3A_4877 : i32
    %sign3A_4879 = arith.constant 0 : i32
    %sign3A_4880 = arith.cmpi sgt, %jit3A_4870, %sign3A_4879 : i32
    %sign3A_4881 = arith.extui %sign3A_4880 : i1 to i32
    %sign3A_4882 = arith.constant 0 : i32
    %sign3A_4883 = arith.cmpi slt, %jit3A_4870, %sign3A_4882 : i32
    %sign3A_4884 = arith.extui %sign3A_4883 : i1 to i32
    %sign3A_4885 = arith.subi %sign3A_4881, %sign3A_4884 : i32
    %ne3A_4886 = arith.cmpi ne, %sign3A_4878, %sign3A_4885 : i32
    %rem3A_4887 = arith.remsi %add3A_4869, %jit3A_4870 : i32
    %ne3A_4888 = arith.constant 0 : i32
    %ne3A_4889 = arith.cmpi ne, %rem3A_4887, %ne3A_4888 : i32
    %and3A_4890 = arith.andi %ne3A_4886, %ne3A_4889 : i1
    %sub3A_4891 = arith.constant 1 : i32
    %sub3A_4892 = arith.subi %div3A_4871, %sub3A_4891 : i32
    %select_n3A_4893 = arith.select %and3A_4890, %sub3A_4892, %div3A_4871 : i32
    %jit3A_4894 = arith.constant 192 : i32
    %eq3A_4895 = arith.constant 0 : i32
    %eq3A_4896 = arith.cmpi eq, %jit3A_4894, %eq3A_4895 : i32
    %jit3A_4897 = arith.constant 1 : i32
    %select_n3A_4898 = arith.select %eq3A_4896, %jit3A_4897, %jit3A_4894 : i32
    %rem3A_4899 = arith.remsi %add3A_4869, %select_n3A_4898 : i32
    %ne3A_4900 = arith.constant 0 : i32
    %ne3A_4901 = arith.cmpi ne, %rem3A_4899, %ne3A_4900 : i32
    %lt3A_4902 = arith.constant 0 : i32
    %lt3A_4903 = arith.cmpi slt, %rem3A_4899, %lt3A_4902 : i32
    %lt3A_4904 = arith.constant 0 : i32
    %lt3A_4905 = arith.cmpi slt, %select_n3A_4898, %lt3A_4904 : i32
    %ne3A_4906 = arith.xori %lt3A_4903, %lt3A_4905 : i1
    %and3A_4907 = arith.andi %ne3A_4906, %ne3A_4901 : i1
    %add3A_4908 = arith.addi %rem3A_4899, %select_n3A_4898 : i32
    %select_n3A_4909 = arith.select %and3A_4907, %add3A_4908, %rem3A_4899 : i32
    %jit3A_4910 = arith.constant 4 : i32
    %div3A_4911 = arith.divsi %select_n3A_4909, %jit3A_4910 : i32
    %sign3A_4912 = arith.constant 0 : i32
    %sign3A_4913 = arith.cmpi sgt, %select_n3A_4909, %sign3A_4912 : i32
    %sign3A_4914 = arith.extui %sign3A_4913 : i1 to i32
    %sign3A_4915 = arith.constant 0 : i32
    %sign3A_4916 = arith.cmpi slt, %select_n3A_4909, %sign3A_4915 : i32
    %sign3A_4917 = arith.extui %sign3A_4916 : i1 to i32
    %sign3A_4918 = arith.subi %sign3A_4914, %sign3A_4917 : i32
    %sign3A_4919 = arith.constant 0 : i32
    %sign3A_4920 = arith.cmpi sgt, %jit3A_4910, %sign3A_4919 : i32
    %sign3A_4921 = arith.extui %sign3A_4920 : i1 to i32
    %sign3A_4922 = arith.constant 0 : i32
    %sign3A_4923 = arith.cmpi slt, %jit3A_4910, %sign3A_4922 : i32
    %sign3A_4924 = arith.extui %sign3A_4923 : i1 to i32
    %sign3A_4925 = arith.subi %sign3A_4921, %sign3A_4924 : i32
    %ne3A_4926 = arith.cmpi ne, %sign3A_4918, %sign3A_4925 : i32
    %rem3A_4927 = arith.remsi %select_n3A_4909, %jit3A_4910 : i32
    %ne3A_4928 = arith.constant 0 : i32
    %ne3A_4929 = arith.cmpi ne, %rem3A_4927, %ne3A_4928 : i32
    %and3A_4930 = arith.andi %ne3A_4926, %ne3A_4929 : i1
    %sub3A_4931 = arith.constant 1 : i32
    %sub3A_4932 = arith.subi %div3A_4911, %sub3A_4931 : i32
    %select_n3A_4933 = arith.select %and3A_4930, %sub3A_4932, %div3A_4911 : i32
    %jit3A_4934 = arith.constant 4 : i32
    %eq3A_4935 = arith.constant 0 : i32
    %eq3A_4936 = arith.cmpi eq, %jit3A_4934, %eq3A_4935 : i32
    %jit3A_4937 = arith.constant 1 : i32
    %select_n3A_4938 = arith.select %eq3A_4936, %jit3A_4937, %jit3A_4934 : i32
    %rem3A_4939 = arith.remsi %select_n3A_4909, %select_n3A_4938 : i32
    %ne3A_4940 = arith.constant 0 : i32
    %ne3A_4941 = arith.cmpi ne, %rem3A_4939, %ne3A_4940 : i32
    %lt3A_4942 = arith.constant 0 : i32
    %lt3A_4943 = arith.cmpi slt, %rem3A_4939, %lt3A_4942 : i32
    %lt3A_4944 = arith.constant 0 : i32
    %lt3A_4945 = arith.cmpi slt, %select_n3A_4938, %lt3A_4944 : i32
    %ne3A_4946 = arith.xori %lt3A_4943, %lt3A_4945 : i1
    %and3A_4947 = arith.andi %ne3A_4946, %ne3A_4941 : i1
    %add3A_4948 = arith.addi %rem3A_4939, %select_n3A_4938 : i32
    %select_n3A_4949 = arith.select %and3A_4947, %add3A_4948, %rem3A_4939 : i32
    %mul3A_4950 = arith.constant 16 : i32
    %mul3A_4951 = arith.muli %select_n3A_4933, %mul3A_4950 : i32
    %mul3A_4952 = arith.constant 2048 : i32
    %mul3A_4953 = arith.muli %select_n3A_4949, %mul3A_4952 : i32
    %dma_start3A_4954 = tpu.memref_slice %arg3[%select_n3A_4893, %mul3A_4951, %mul3A_4953] : memref<4x768x8192xf32, #tpu.memory_space<hbm>> -> memref<1x16x2048xf32, #tpu.memory_space<hbm>>
    %dma_start3A_4955 = tpu.memref_squeeze %dma_start3A_4954 : memref<1x16x2048xf32, #tpu.memory_space<hbm>> -> memref<16x2048xf32, #tpu.memory_space<hbm>>
    %dma_start3A_4956 = tpu.memref_slice %arg3[%select_n3A_4893, %mul3A_4951, %mul3A_4953] : memref<4x768x8192xf32, #tpu.memory_space<hbm>> -> memref<1x16x2048xf32, #tpu.memory_space<hbm>>
    %dma_start3A_4957 = tpu.memref_squeeze %dma_start3A_4956 : memref<1x16x2048xf32, #tpu.memory_space<hbm>> -> memref<16x2048xf32, #tpu.memory_space<hbm>>
    tpu.enqueue_dma source(%arg10 : memref<16x2048xf32, #tpu.memory_space<vmem>>) target(%dma_start3A_4957 : memref<16x2048xf32, #tpu.memory_space<hbm>>) target_semaphore(%arg14 : memref<!tpu.dma_semaphore, #tpu.memory_space<semaphore_mem>>)
    %dma_wait3A_4958 = tpu.memref_slice %arg3[%select_n3A_4893, %mul3A_4951, %mul3A_4953] : memref<4x768x8192xf32, #tpu.memory_space<hbm>> -> memref<1x16x2048xf32, #tpu.memory_space<hbm>>
    %dma_wait3A_4959 = tpu.memref_squeeze %dma_wait3A_4958 : memref<1x16x2048xf32, #tpu.memory_space<hbm>> -> memref<16x2048xf32, #tpu.memory_space<hbm>>
    %dma_wait3A_4960 = tpu.memref_slice %arg3[%select_n3A_4893, %mul3A_4951, %mul3A_4953] : memref<4x768x8192xf32, #tpu.memory_space<hbm>> -> memref<1x16x2048xf32, #tpu.memory_space<hbm>>
    %dma_wait3A_4961 = tpu.memref_squeeze %dma_wait3A_4960 : memref<1x16x2048xf32, #tpu.memory_space<hbm>> -> memref<16x2048xf32, #tpu.memory_space<hbm>>
    tpu.wait_dma2 semaphore(%arg14 : memref<!tpu.dma_semaphore, #tpu.memory_space<semaphore_mem>>) src(%arg10 : memref<16x2048xf32, #tpu.memory_space<vmem>>) dst(%dma_wait3A_4961 : memref<16x2048xf32, #tpu.memory_space<hbm>>)
    %dma_wait3A_4962 = arith.constant 0 : i32
    %dma_wait3A_4963 = tpu.memref_slice %arg2[%select_n3A_4603, %dma_wait3A_4962, %mul3A_4663] : memref<4x768x8192xf32, #tpu.memory_space<hbm>> -> memref<1x768x2048xf32, #tpu.memory_space<hbm>>
    %dma_wait3A_4964 = tpu.memref_squeeze %dma_wait3A_4963 : memref<1x768x2048xf32, #tpu.memory_space<hbm>> -> memref<768x2048xf32, #tpu.memory_space<hbm>>
    %dma_wait3A_4965 = arith.constant 0 : i32
    %dma_wait3A_4966 = arith.constant 0 : i32
    %dma_wait3A_4967 = tpu.memref_slice %dma_wait3A_4964[%dma_wait3A_4965, %dma_wait3A_4966] : memref<768x2048xf32, #tpu.memory_space<hbm>> -> memref<768x2048xf32, #tpu.memory_space<hbm>>
    tpu.wait_indirect_dma semaphore(%arg13 : memref<!tpu.dma_semaphore, #tpu.memory_space<semaphore_mem>>) src(%dma_wait3A_4967 : memref<768x2048xf32, #tpu.memory_space<hbm>>) dst(%arg11 : memref<16x2048xf32, #tpu.memory_space<vmem>>)
    %add3A_4968 = arith.constant 22 : i32
    %add3A_4969 = arith.addi %mul3A_2, %add3A_4968 : i32
    %jit3A_4970 = arith.constant 192 : i32
    %div3A_4971 = arith.divsi %add3A_4969, %jit3A_4970 : i32
    %sign3A_4972 = arith.constant 0 : i32
    %sign3A_4973 = arith.cmpi sgt, %add3A_4969, %sign3A_4972 : i32
    %sign3A_4974 = arith.extui %sign3A_4973 : i1 to i32
    %sign3A_4975 = arith.constant 0 : i32
    %sign3A_4976 = arith.cmpi slt, %add3A_4969, %sign3A_4975 : i32
    %sign3A_4977 = arith.extui %sign3A_4976 : i1 to i32
    %sign3A_4978 = arith.subi %sign3A_4974, %sign3A_4977 : i32
    %sign3A_4979 = arith.constant 0 : i32
    %sign3A_4980 = arith.cmpi sgt, %jit3A_4970, %sign3A_4979 : i32
    %sign3A_4981 = arith.extui %sign3A_4980 : i1 to i32
    %sign3A_4982 = arith.constant 0 : i32
    %sign3A_4983 = arith.cmpi slt, %jit3A_4970, %sign3A_4982 : i32
    %sign3A_4984 = arith.extui %sign3A_4983 : i1 to i32
    %sign3A_4985 = arith.subi %sign3A_4981, %sign3A_4984 : i32
    %ne3A_4986 = arith.cmpi ne, %sign3A_4978, %sign3A_4985 : i32
    %rem3A_4987 = arith.remsi %add3A_4969, %jit3A_4970 : i32
    %ne3A_4988 = arith.constant 0 : i32
    %ne3A_4989 = arith.cmpi ne, %rem3A_4987, %ne3A_4988 : i32
    %and3A_4990 = arith.andi %ne3A_4986, %ne3A_4989 : i1
    %sub3A_4991 = arith.constant 1 : i32
    %sub3A_4992 = arith.subi %div3A_4971, %sub3A_4991 : i32
    %select_n3A_4993 = arith.select %and3A_4990, %sub3A_4992, %div3A_4971 : i32
    %jit3A_4994 = arith.constant 192 : i32
    %eq3A_4995 = arith.constant 0 : i32
    %eq3A_4996 = arith.cmpi eq, %jit3A_4994, %eq3A_4995 : i32
    %jit3A_4997 = arith.constant 1 : i32
    %select_n3A_4998 = arith.select %eq3A_4996, %jit3A_4997, %jit3A_4994 : i32
    %rem3A_4999 = arith.remsi %add3A_4969, %select_n3A_4998 : i32
    %ne3A_5000 = arith.constant 0 : i32
    %ne3A_5001 = arith.cmpi ne, %rem3A_4999, %ne3A_5000 : i32
    %lt3A_5002 = arith.constant 0 : i32
    %lt3A_5003 = arith.cmpi slt, %rem3A_4999, %lt3A_5002 : i32
    %lt3A_5004 = arith.constant 0 : i32
    %lt3A_5005 = arith.cmpi slt, %select_n3A_4998, %lt3A_5004 : i32
    %ne3A_5006 = arith.xori %lt3A_5003, %lt3A_5005 : i1
    %and3A_5007 = arith.andi %ne3A_5006, %ne3A_5001 : i1
    %add3A_5008 = arith.addi %rem3A_4999, %select_n3A_4998 : i32
    %select_n3A_5009 = arith.select %and3A_5007, %add3A_5008, %rem3A_4999 : i32
    %jit3A_5010 = arith.constant 4 : i32
    %div3A_5011 = arith.divsi %select_n3A_5009, %jit3A_5010 : i32
    %sign3A_5012 = arith.constant 0 : i32
    %sign3A_5013 = arith.cmpi sgt, %select_n3A_5009, %sign3A_5012 : i32
    %sign3A_5014 = arith.extui %sign3A_5013 : i1 to i32
    %sign3A_5015 = arith.constant 0 : i32
    %sign3A_5016 = arith.cmpi slt, %select_n3A_5009, %sign3A_5015 : i32
    %sign3A_5017 = arith.extui %sign3A_5016 : i1 to i32
    %sign3A_5018 = arith.subi %sign3A_5014, %sign3A_5017 : i32
    %sign3A_5019 = arith.constant 0 : i32
    %sign3A_5020 = arith.cmpi sgt, %jit3A_5010, %sign3A_5019 : i32
    %sign3A_5021 = arith.extui %sign3A_5020 : i1 to i32
    %sign3A_5022 = arith.constant 0 : i32
    %sign3A_5023 = arith.cmpi slt, %jit3A_5010, %sign3A_5022 : i32
    %sign3A_5024 = arith.extui %sign3A_5023 : i1 to i32
    %sign3A_5025 = arith.subi %sign3A_5021, %sign3A_5024 : i32
    %ne3A_5026 = arith.cmpi ne, %sign3A_5018, %sign3A_5025 : i32
    %rem3A_5027 = arith.remsi %select_n3A_5009, %jit3A_5010 : i32
    %ne3A_5028 = arith.constant 0 : i32
    %ne3A_5029 = arith.cmpi ne, %rem3A_5027, %ne3A_5028 : i32
    %and3A_5030 = arith.andi %ne3A_5026, %ne3A_5029 : i1
    %sub3A_5031 = arith.constant 1 : i32
    %sub3A_5032 = arith.subi %div3A_5011, %sub3A_5031 : i32
    %select_n3A_5033 = arith.select %and3A_5030, %sub3A_5032, %div3A_5011 : i32
    %jit3A_5034 = arith.constant 4 : i32
    %eq3A_5035 = arith.constant 0 : i32
    %eq3A_5036 = arith.cmpi eq, %jit3A_5034, %eq3A_5035 : i32
    %jit3A_5037 = arith.constant 1 : i32
    %select_n3A_5038 = arith.select %eq3A_5036, %jit3A_5037, %jit3A_5034 : i32
    %rem3A_5039 = arith.remsi %select_n3A_5009, %select_n3A_5038 : i32
    %ne3A_5040 = arith.constant 0 : i32
    %ne3A_5041 = arith.cmpi ne, %rem3A_5039, %ne3A_5040 : i32
    %lt3A_5042 = arith.constant 0 : i32
    %lt3A_5043 = arith.cmpi slt, %rem3A_5039, %lt3A_5042 : i32
    %lt3A_5044 = arith.constant 0 : i32
    %lt3A_5045 = arith.cmpi slt, %select_n3A_5038, %lt3A_5044 : i32
    %ne3A_5046 = arith.xori %lt3A_5043, %lt3A_5045 : i1
    %and3A_5047 = arith.andi %ne3A_5046, %ne3A_5041 : i1
    %add3A_5048 = arith.addi %rem3A_5039, %select_n3A_5038 : i32
    %select_n3A_5049 = arith.select %and3A_5047, %add3A_5048, %rem3A_5039 : i32
    %mul3A_5050 = arith.constant 16 : i32
    %mul3A_5051 = arith.muli %select_n3A_5033, %mul3A_5050 : i32
    %mul3A_5052 = arith.constant 2048 : i32
    %mul3A_5053 = arith.muli %select_n3A_5049, %mul3A_5052 : i32
    %dma_start3A_5054 = tpu.memref_slice %arg3[%select_n3A_4993, %mul3A_5051, %mul3A_5053] : memref<4x768x8192xf32, #tpu.memory_space<hbm>> -> memref<1x16x2048xf32, #tpu.memory_space<hbm>>
    %dma_start3A_5055 = tpu.memref_squeeze %dma_start3A_5054 : memref<1x16x2048xf32, #tpu.memory_space<hbm>> -> memref<16x2048xf32, #tpu.memory_space<hbm>>
    %dma_start3A_5056 = tpu.memref_slice %arg3[%select_n3A_4993, %mul3A_5051, %mul3A_5053] : memref<4x768x8192xf32, #tpu.memory_space<hbm>> -> memref<1x16x2048xf32, #tpu.memory_space<hbm>>
    %dma_start3A_5057 = tpu.memref_squeeze %dma_start3A_5056 : memref<1x16x2048xf32, #tpu.memory_space<hbm>> -> memref<16x2048xf32, #tpu.memory_space<hbm>>
    tpu.enqueue_dma source(%arg11 : memref<16x2048xf32, #tpu.memory_space<vmem>>) target(%dma_start3A_5057 : memref<16x2048xf32, #tpu.memory_space<hbm>>) target_semaphore(%arg14 : memref<!tpu.dma_semaphore, #tpu.memory_space<semaphore_mem>>)
    %dma_wait3A_5058 = tpu.memref_slice %arg3[%select_n3A_4993, %mul3A_5051, %mul3A_5053] : memref<4x768x8192xf32, #tpu.memory_space<hbm>> -> memref<1x16x2048xf32, #tpu.memory_space<hbm>>
    %dma_wait3A_5059 = tpu.memref_squeeze %dma_wait3A_5058 : memref<1x16x2048xf32, #tpu.memory_space<hbm>> -> memref<16x2048xf32, #tpu.memory_space<hbm>>
    %dma_wait3A_5060 = tpu.memref_slice %arg3[%select_n3A_4993, %mul3A_5051, %mul3A_5053] : memref<4x768x8192xf32, #tpu.memory_space<hbm>> -> memref<1x16x2048xf32, #tpu.memory_space<hbm>>
    %dma_wait3A_5061 = tpu.memref_squeeze %dma_wait3A_5060 : memref<1x16x2048xf32, #tpu.memory_space<hbm>> -> memref<16x2048xf32, #tpu.memory_space<hbm>>
    tpu.wait_dma2 semaphore(%arg14 : memref<!tpu.dma_semaphore, #tpu.memory_space<semaphore_mem>>) src(%arg11 : memref<16x2048xf32, #tpu.memory_space<vmem>>) dst(%dma_wait3A_5061 : memref<16x2048xf32, #tpu.memory_space<hbm>>)
    %dma_wait3A_5062 = arith.constant 0 : i32
    %dma_wait3A_5063 = tpu.memref_slice %arg2[%select_n3A_4795, %dma_wait3A_5062, %mul3A_4855] : memref<4x768x8192xf32, #tpu.memory_space<hbm>> -> memref<1x768x2048xf32, #tpu.memory_space<hbm>>
    %dma_wait3A_5064 = tpu.memref_squeeze %dma_wait3A_5063 : memref<1x768x2048xf32, #tpu.memory_space<hbm>> -> memref<768x2048xf32, #tpu.memory_space<hbm>>
    %dma_wait3A_5065 = arith.constant 0 : i32
    %dma_wait3A_5066 = arith.constant 0 : i32
    %dma_wait3A_5067 = tpu.memref_slice %dma_wait3A_5064[%dma_wait3A_5065, %dma_wait3A_5066] : memref<768x2048xf32, #tpu.memory_space<hbm>> -> memref<768x2048xf32, #tpu.memory_space<hbm>>
    tpu.wait_indirect_dma semaphore(%arg13 : memref<!tpu.dma_semaphore, #tpu.memory_space<semaphore_mem>>) src(%dma_wait3A_5067 : memref<768x2048xf32, #tpu.memory_space<hbm>>) dst(%arg12 : memref<16x2048xf32, #tpu.memory_space<vmem>>)
    %add3A_5068 = arith.constant 23 : i32
    %add3A_5069 = arith.addi %mul3A_2, %add3A_5068 : i32
    %jit3A_5070 = arith.constant 192 : i32
    %div3A_5071 = arith.divsi %add3A_5069, %jit3A_5070 : i32
    %sign3A_5072 = arith.constant 0 : i32
    %sign3A_5073 = arith.cmpi sgt, %add3A_5069, %sign3A_5072 : i32
    %sign3A_5074 = arith.extui %sign3A_5073 : i1 to i32
    %sign3A_5075 = arith.constant 0 : i32
    %sign3A_5076 = arith.cmpi slt, %add3A_5069, %sign3A_5075 : i32
    %sign3A_5077 = arith.extui %sign3A_5076 : i1 to i32
    %sign3A_5078 = arith.subi %sign3A_5074, %sign3A_5077 : i32
    %sign3A_5079 = arith.constant 0 : i32
    %sign3A_5080 = arith.cmpi sgt, %jit3A_5070, %sign3A_5079 : i32
    %sign3A_5081 = arith.extui %sign3A_5080 : i1 to i32
    %sign3A_5082 = arith.constant 0 : i32
    %sign3A_5083 = arith.cmpi slt, %jit3A_5070, %sign3A_5082 : i32
    %sign3A_5084 = arith.extui %sign3A_5083 : i1 to i32
    %sign3A_5085 = arith.subi %sign3A_5081, %sign3A_5084 : i32
    %ne3A_5086 = arith.cmpi ne, %sign3A_5078, %sign3A_5085 : i32
    %rem3A_5087 = arith.remsi %add3A_5069, %jit3A_5070 : i32
    %ne3A_5088 = arith.constant 0 : i32
    %ne3A_5089 = arith.cmpi ne, %rem3A_5087, %ne3A_5088 : i32
    %and3A_5090 = arith.andi %ne3A_5086, %ne3A_5089 : i1
    %sub3A_5091 = arith.constant 1 : i32
    %sub3A_5092 = arith.subi %div3A_5071, %sub3A_5091 : i32
    %select_n3A_5093 = arith.select %and3A_5090, %sub3A_5092, %div3A_5071 : i32
    %jit3A_5094 = arith.constant 192 : i32
    %eq3A_5095 = arith.constant 0 : i32
    %eq3A_5096 = arith.cmpi eq, %jit3A_5094, %eq3A_5095 : i32
    %jit3A_5097 = arith.constant 1 : i32
    %select_n3A_5098 = arith.select %eq3A_5096, %jit3A_5097, %jit3A_5094 : i32
    %rem3A_5099 = arith.remsi %add3A_5069, %select_n3A_5098 : i32
    %ne3A_5100 = arith.constant 0 : i32
    %ne3A_5101 = arith.cmpi ne, %rem3A_5099, %ne3A_5100 : i32
    %lt3A_5102 = arith.constant 0 : i32
    %lt3A_5103 = arith.cmpi slt, %rem3A_5099, %lt3A_5102 : i32
    %lt3A_5104 = arith.constant 0 : i32
    %lt3A_5105 = arith.cmpi slt, %select_n3A_5098, %lt3A_5104 : i32
    %ne3A_5106 = arith.xori %lt3A_5103, %lt3A_5105 : i1
    %and3A_5107 = arith.andi %ne3A_5106, %ne3A_5101 : i1
    %add3A_5108 = arith.addi %rem3A_5099, %select_n3A_5098 : i32
    %select_n3A_5109 = arith.select %and3A_5107, %add3A_5108, %rem3A_5099 : i32
    %jit3A_5110 = arith.constant 4 : i32
    %div3A_5111 = arith.divsi %select_n3A_5109, %jit3A_5110 : i32
    %sign3A_5112 = arith.constant 0 : i32
    %sign3A_5113 = arith.cmpi sgt, %select_n3A_5109, %sign3A_5112 : i32
    %sign3A_5114 = arith.extui %sign3A_5113 : i1 to i32
    %sign3A_5115 = arith.constant 0 : i32
    %sign3A_5116 = arith.cmpi slt, %select_n3A_5109, %sign3A_5115 : i32
    %sign3A_5117 = arith.extui %sign3A_5116 : i1 to i32
    %sign3A_5118 = arith.subi %sign3A_5114, %sign3A_5117 : i32
    %sign3A_5119 = arith.constant 0 : i32
    %sign3A_5120 = arith.cmpi sgt, %jit3A_5110, %sign3A_5119 : i32
    %sign3A_5121 = arith.extui %sign3A_5120 : i1 to i32
    %sign3A_5122 = arith.constant 0 : i32
    %sign3A_5123 = arith.cmpi slt, %jit3A_5110, %sign3A_5122 : i32
    %sign3A_5124 = arith.extui %sign3A_5123 : i1 to i32
    %sign3A_5125 = arith.subi %sign3A_5121, %sign3A_5124 : i32
    %ne3A_5126 = arith.cmpi ne, %sign3A_5118, %sign3A_5125 : i32
    %rem3A_5127 = arith.remsi %select_n3A_5109, %jit3A_5110 : i32
    %ne3A_5128 = arith.constant 0 : i32
    %ne3A_5129 = arith.cmpi ne, %rem3A_5127, %ne3A_5128 : i32
    %and3A_5130 = arith.andi %ne3A_5126, %ne3A_5129 : i1
    %sub3A_5131 = arith.constant 1 : i32
    %sub3A_5132 = arith.subi %div3A_5111, %sub3A_5131 : i32
    %select_n3A_5133 = arith.select %and3A_5130, %sub3A_5132, %div3A_5111 : i32
    %jit3A_5134 = arith.constant 4 : i32
    %eq3A_5135 = arith.constant 0 : i32
    %eq3A_5136 = arith.cmpi eq, %jit3A_5134, %eq3A_5135 : i32
    %jit3A_5137 = arith.constant 1 : i32
    %select_n3A_5138 = arith.select %eq3A_5136, %jit3A_5137, %jit3A_5134 : i32
    %rem3A_5139 = arith.remsi %select_n3A_5109, %select_n3A_5138 : i32
    %ne3A_5140 = arith.constant 0 : i32
    %ne3A_5141 = arith.cmpi ne, %rem3A_5139, %ne3A_5140 : i32
    %lt3A_5142 = arith.constant 0 : i32
    %lt3A_5143 = arith.cmpi slt, %rem3A_5139, %lt3A_5142 : i32
    %lt3A_5144 = arith.constant 0 : i32
    %lt3A_5145 = arith.cmpi slt, %select_n3A_5138, %lt3A_5144 : i32
    %ne3A_5146 = arith.xori %lt3A_5143, %lt3A_5145 : i1
    %and3A_5147 = arith.andi %ne3A_5146, %ne3A_5141 : i1
    %add3A_5148 = arith.addi %rem3A_5139, %select_n3A_5138 : i32
    %select_n3A_5149 = arith.select %and3A_5147, %add3A_5148, %rem3A_5139 : i32
    %mul3A_5150 = arith.constant 16 : i32
    %mul3A_5151 = arith.muli %select_n3A_5133, %mul3A_5150 : i32
    %mul3A_5152 = arith.constant 2048 : i32
    %mul3A_5153 = arith.muli %select_n3A_5149, %mul3A_5152 : i32
    %dma_start3A_5154 = tpu.memref_slice %arg3[%select_n3A_5093, %mul3A_5151, %mul3A_5153] : memref<4x768x8192xf32, #tpu.memory_space<hbm>> -> memref<1x16x2048xf32, #tpu.memory_space<hbm>>
    %dma_start3A_5155 = tpu.memref_squeeze %dma_start3A_5154 : memref<1x16x2048xf32, #tpu.memory_space<hbm>> -> memref<16x2048xf32, #tpu.memory_space<hbm>>
    %dma_start3A_5156 = tpu.memref_slice %arg3[%select_n3A_5093, %mul3A_5151, %mul3A_5153] : memref<4x768x8192xf32, #tpu.memory_space<hbm>> -> memref<1x16x2048xf32, #tpu.memory_space<hbm>>
    %dma_start3A_5157 = tpu.memref_squeeze %dma_start3A_5156 : memref<1x16x2048xf32, #tpu.memory_space<hbm>> -> memref<16x2048xf32, #tpu.memory_space<hbm>>
    tpu.enqueue_dma source(%arg12 : memref<16x2048xf32, #tpu.memory_space<vmem>>) target(%dma_start3A_5157 : memref<16x2048xf32, #tpu.memory_space<hbm>>) target_semaphore(%arg14 : memref<!tpu.dma_semaphore, #tpu.memory_space<semaphore_mem>>)
    %dma_wait3A_5158 = tpu.memref_slice %arg3[%select_n3A_5093, %mul3A_5151, %mul3A_5153] : memref<4x768x8192xf32, #tpu.memory_space<hbm>> -> memref<1x16x2048xf32, #tpu.memory_space<hbm>>
    %dma_wait3A_5159 = tpu.memref_squeeze %dma_wait3A_5158 : memref<1x16x2048xf32, #tpu.memory_space<hbm>> -> memref<16x2048xf32, #tpu.memory_space<hbm>>
    %dma_wait3A_5160 = tpu.memref_slice %arg3[%select_n3A_5093, %mul3A_5151, %mul3A_5153] : memref<4x768x8192xf32, #tpu.memory_space<hbm>> -> memref<1x16x2048xf32, #tpu.memory_space<hbm>>
    %dma_wait3A_5161 = tpu.memref_squeeze %dma_wait3A_5160 : memref<1x16x2048xf32, #tpu.memory_space<hbm>> -> memref<16x2048xf32, #tpu.memory_space<hbm>>
    tpu.wait_dma2 semaphore(%arg14 : memref<!tpu.dma_semaphore, #tpu.memory_space<semaphore_mem>>) src(%arg12 : memref<16x2048xf32, #tpu.memory_space<vmem>>) dst(%dma_wait3A_5161 : memref<16x2048xf32, #tpu.memory_space<hbm>>)
    return
  }
}

</mosaic_0001>

<sc_bundles>
// kernel: _permute.3.cloned.1.call-start
scs
__scs_entry_jumppad:
0x0: {  	(pc) =	sbr.rel $0x88, $3  }
0x1: {  	(tag) =	ssettag $0x0;
	lr =	simm.s32 $0x1  }
0x2: {  	[smem:$0x3FA0] =	sst lr;
	_ =	strace $0xD0000000  }
0x3: {  	_ = 	snop  }
0x4: {  	_ = 	snop  }
0x5: {  	_ = 	snop  }
0x6: {  	_ = 	snop  }
0x7: {  	_ = 	snop  }
__scs_overlays_trampoline_lowered:
0x8: {  	[smem:$0x3FAF] =	sst s0  }
0x9: {  	[smem:$0x3FB0] =	sst s1  }
0xa: {  	[smem:$0x3FB1] =	sst s2  }
0xb: {  	[smem:$0x3FB2] =	sst s3  }
0xc: {  	[smem:$0x3FB3] =	sst s4  }
0xd: {  	[smem:$0x3FB4] =	sst s5  }
0xe: {  	[smem:$0x3FB5] =	sst s6  }
0xf: {  	[smem:$0x3FB6] =	sst s7  }
0x10: {  	[smem:$0x3FB7] =	sst s8  }
0x11: {  	[smem:$0x3FB8] =	sst s9;
	s0 =	simm.s32 @!p0 $0x0  }
0x12: {  	s1 =	sld [smem:$0x3F9E];
	s0 =	simm.s32 @p0 $0x1  }
0x13: {  	[smem:$0x3FB9] =	sst s0;
	s0 =	simm.s32 @!p1 $0x0  }
0x14: {  	s2 =	sld [smem:$0x3F9D];
	s0 =	simm.s32 @p1 $0x1  }
0x15: {  	[smem:$0x3FBA] =	sst s0;
	s0 =	simm.s32 @!p2 $0x0  }
0x16: {  	s3 =	sld [smem:$0x3FDB];
	s0 =	simm.s32 @p2 $0x1  }
0x17: {  	s4 =	simm.s32 $0x1BF5;
	[smem:$0x3FBC] =	sst s0  }
0x18: {  	s0 =	sld [smem:$0x3F9F];
	_ =	swait.ge [sflag:s4], $0x0  }
0x19: {  	s7 =	sld [smem:$0x3FA0]  }
0x1a: {  	s8 =	sadd.s32 $0xFFFFE003, lr  }
0x1b: {  	s9 =	sadd.s32 $0xFFFFFEF7, lr;
	s5 =	simm.s32 $0xFFFFFFFF;
	p2 =	slt.u32 s8, $0xFFFFF086  }
0x1c: {  	p1 =	slt.u32 s9, $0xF7A;
	s5 =	simm.s32 @!p2 $0x0  }
0x1d: {  	s5 =	simm.s32 @p1 $0x1;
	p0 =	seq.s32 s7, s2  }
0x1e: {  	s7 =	smul.u32 @!p0 $0xF7A, s2;
	p2 =	seq.s32 @!p0 s5, $0x0  }
0x1f: {  	s9 =	smul.u32 $0xF7A, s1;
	s8 =	simm.s32 @!p0 $0x1BF5;
	p2 =	por !p2, p0  }
0x20: {  	[sflag:s8] =	ssyncset.s32 @!p0 $0xFFFFF086;
	s6 =	sadd.s32 @!p0 s3, s7;
	s7 =	simm.s32 @!p0 $0x108  }
0x21: {  	s3 =	sadd.s32 s3, s9;
	s6 =	sadd.s32 @!p0 $0x88, s6;
	s7 =	simm.s32 @p2 $0x1082  }
0x22: {  	[simem:s7], [sflag:s8] =	dma.local @!p0 [hbm:s6], $0xF7A  }
0x23: {  	s9 =	sor.u32 $0xD0000000, s2;
	s6 =	simm.s32 $0x108;
	_ =	swait.ge @!p0 [sflag:s8], $0x0  }
0x24: {  	s3 =	sadd.s32 $0x88, s3;
	s6 =	simm.s32 @!p1 $0x1082;
	[sflag:s4] =	ssyncset.s32 $0xFFFFF086  }
0x25: {  	[simem:s6], [sflag:s4] =	dma.local [hbm:s3], $0xF7A  }
0x26: {  	[smem:$0x3FA0] =	sst s1;
	(tag) =	ssettag s2;
	_ =	strace s9  }
0x27: {  	s1 =	sld [smem:$0x3FB0]  }
0x28: {  	s2 =	sld [smem:$0x3FB1]  }
0x29: {  	s4 =	sld [smem:$0x3FB3]  }
0x2a: {  	p0 =	seq.s32 s5, $0x0;
	s5 =	sld [smem:$0x3FB4]  }
0x2b: {  	s6 =	sld [smem:$0x3FB5]  }
0x2c: {  	s7 =	sld [smem:$0x3FB6]  }
0x2d: {  	s3 =	simm.s32 $0x108;
	s8 =	sld [smem:$0x3FB7]  }
0x2e: {  	s3 =	simm.s32 @!p0 $0x1082;
	s9 =	sld [smem:$0x3FB8]  }
0x2f: {  	lr =	sadd.s32 s0, s3;
	s0 =	sld [smem:$0x3FAF]  }
0x30: {  	s3 =	sld [smem:$0x3FB2]  }
0x31: {  	[smem:$0x3FBB] =	sst s10  }
0x32: {  	s10 =	sld [smem:$0x3FB9];
	_ =	sdelay $0x3  }
0x33: {  	p0 =	seq.s32 s10, $0x1;
	s10 =	sld [smem:$0x3FBB];
	_ =	sdelay $0x3  }
0x34: {  	[smem:$0x3FBB] =	sst s10  }
0x35: {  	s10 =	sld [smem:$0x3FBA];
	_ =	sdelay $0x3  }
0x36: {  	p1 =	seq.s32 s10, $0x1;
	s10 =	sld [smem:$0x3FBB];
	_ =	sdelay $0x3  }
0x37: {  	[smem:$0x3FBB] =	sst s10  }
0x38: {  	s10 =	sld [smem:$0x3FBC]  }
0x39: {  	_ = 	snop;
	(pc) =	sbr.ind lr, $3  }
0x3a: {  	_ = 	snop  }
0x3b: {  	_ = 	snop  }
0x3c: {  	p2 =	seq.s32 s10, $0x1;
	s10 =	sld [smem:$0x3FBB]  }
0x3d: {  	_ =	shalt  }
0x3e: {  	_ =	shalt  }
0x3f: {  	_ =	shalt  }
0x40: {  	_ =	shalt  }
0x41: {  	_ =	shalt  }
0x42: {  	_ =	shalt  }
0x43: {  	_ =	shalt  }
0x44: {  	_ =	shalt  }
0x45: {  	_ =	shalt  }
0x46: {  	_ =	shalt  }
0x47: {  	_ =	shalt  }
0x48: {  	_ =	shalt  }
0x49: {  	_ =	shalt  }
0x4a: {  	_ =	shalt  }
0x4b: {  	_ =	shalt  }
0x4c: {  	_ =	shalt  }
0x4d: {  	_ =	shalt  }
0x4e: {  	_ =	shalt  }
0x4f: {  	_ =	shalt  }
0x50: {  	_ =	shalt  }
0x51: {  	_ =	shalt  }
0x52: {  	_ =	shalt  }
0x53: {  	_ =	shalt  }
0x54: {  	_ =	shalt  }
0x55: {  	_ =	shalt  }
0x56: {  	_ =	shalt  }
0x57: {  	_ =	shalt  }
0x58: {  	_ =	shalt  }
0x59: {  	_ =	shalt  }
0x5a: {  	_ =	shalt  }
0x5b: {  	_ =	shalt  }
0x5c: {  	_ =	shalt  }
0x5d: {  	_ =	shalt  }
0x5e: {  	_ =	shalt  }
0x5f: {  	_ =	shalt  }
0x60: {  	_ =	shalt  }
0x61: {  	_ =	shalt  }
0x62: {  	_ =	shalt  }
0x63: {  	_ =	shalt  }
0x64: {  	_ =	shalt  }
0x65: {  	_ =	shalt  }
0x66: {  	_ =	shalt  }
0x67: {  	_ =	shalt  }
0x68: {  	_ =	shalt  }
0x69: {  	_ =	shalt  }
0x6a: {  	_ =	shalt  }
0x6b: {  	_ =	shalt  }
0x6c: {  	_ =	shalt  }
0x6d: {  	_ =	shalt  }
0x6e: {  	_ =	shalt  }
0x6f: {  	_ =	shalt  }
0x70: {  	_ =	shalt  }
0x71: {  	_ =	shalt  }
0x72: {  	_ =	shalt  }
0x73: {  	_ =	shalt  }
0x74: {  	_ =	shalt  }
0x75: {  	_ =	shalt  }
0x76: {  	_ =	shalt  }
0x77: {  	_ =	shalt  }
0x78: {  	_ =	shalt  }
0x79: {  	_ =	shalt  }
0x7a: {  	_ =	shalt  }
0x7b: {  	_ =	shalt  }
0x7c: {  	_ =	shalt  }
0x7d: {  	_ =	shalt  }
0x7e: {  	_ =	shalt  }
0x7f: {  	_ =	shalt  }
0x80: {  	_ =	shalt  }
0x81: {  	_ =	shalt  }
0x82: {  	_ =	shalt  }
0x83: {  	_ =	shalt  }
0x84: {  	_ =	shalt  }
0x85: {  	_ =	shalt  }
0x86: {  	_ =	shalt  }
0x87: {  	_ =	shalt  }
.Lfunc_end0:
.L_simem_size_0:
called_computation_lowered:
.L_overlay_start_0:
0x88: {  	s2 =	sld [smem:$0x3FD9]  }
0x89: {  	s3 =	sld [smem:$0x3FFE];
	_ =	sdelay $0x1  }
0x8a: {  	s1 =	srdreg.scid  }
0x8b: {  	s0 =	sand.u32 $0x1, s1  }
0x8c: {  	s18 =	sshll.u32 s0, $0xA;
	s2 =	sadd.s32 s3, s2  }
0x8d: {  	s2 =	sadd.s32 s2, s18  }
0x8e: {  	[smem:$0x3FC7] =	sst s2  }
0x8f: {  	_ = 	snop  }
0x90: {  	s2 =	sld [smem:$0x3FC9]  }
0x91: {  	s19 =	sld [smem:$0x3FD0];
	(tm) =	ssettm $0x1  }
0x92: {  	s4 =	sld [smem:$0x3FFB];
	_ =	sdelay $0x3  }
0x93: {  	_ =	strace s4  }
0x94: {  	s4 =	sld [smem:$0x3FFC];
	_ =	sdelay $0x3  }
0x95: {  	_ =	strace s4  }
0x96: {  	s4 =	sld [smem:$0x3FFD];
	_ =	sdelay $0x3  }
0x97: {  	_ =	strace s4  }
0x98: {  	_ =	strace $0x8FFFFFFF  }
0x99: {  	s20 =	sld [smem:$0x3FDB];
	_ =	sdelay $0x1  }
0x9a: {  	s5 =	simm.s32 $_scs_section_size  }
0x9b: {  	s6 =	simm.s32 $_size__tile_overlayer_lowered;
	s7 =	simm.s32 $_tile_overlayer_lowered  }
0x9c: {  	s23 =	simm.s32 $0x1BFF;
	s22 =	sshll.u32 s7, $0x1;
	s4 =	sadd.s32 s5, s20  }
0x9d: {  	s8 =	simm.s32 $0x0;
	s21 =	sshll.u32 s6, $0x1;
	s6 =	sadd.s32 s22, s4  }
0x9e: {  	[timem:s8], [sflag:s23] =	dma.local [hbm:s6], s21  }
0x9f: {  	_ =	swait.ge [sflag:s23], s21  }
0xa0: {  	s5 =	ssub.s32 $0x0, s21;
	[sflag:s23] =	ssyncset.done $0x0  }
0xa1: {  	[sflag:s23] =	ssyncadd.s32 s5;
	_ =	sdelay $0x1  }
0xa2: {  	s24 =	simm.s32 $0x1B8B  }
0xa3: {  	_ =	swait.ge [sflag:s24], $0x1  }
0xa4: {  	[sflag:s24] =	ssyncset.done $0x0  }
0xa5: {  	s25 =	simm.s32 $0x1B8E;
	[sflag:s24] =	ssyncadd.s32 $0xFFFFFFFF  }
0xa6: {  	s26 =	simm.s32 $execute0_lowered;
	[smem:$0x3FD2] =	sst s25  }
0xa7: {  	s5 =	sshll.u32 s26, $0x1;
	_ =	strace $0x80000046;
	[dreg:$0x1] =	wrdreg $0xFFFFFFFF  }
0xa8: {  	s28 =	simm.s32 $_size_execute0_lowered;
	s4 =	sadd.s32 s4, s5;
	[dreg:$0x0] =	wrdreg $0x0  }
0xa9: {  	s5 =	sshll.u32 s28, $0x1;
	[dreg:$0x2] =	wrdreg s4  }
0xaa: {  	[dreg:$0x3] =	wrdreg s5  }
0xab: {  	[dreg:$0x4] =	wrdreg $0xC0  }
0xac: {  	_ =	task [dreg:s8], $0x5FFFF  }
0xad: {  	[dreg:$0x1] =	wrdreg $0xFFFFFFFF  }
0xae: {  	[dreg:$0x0] =	wrdreg $0x60  }
0xaf: {  	[dreg:$0x2] =	wrdreg s2  }
0xb0: {  	[dreg:$0x3] =	wrdreg s19  }
0xb1: {  	[dreg:$0x4] =	wrdreg $0x9  }
0xb2: {  	_ =	task.clear_ibuf [dreg:s8], $0x5FFFF;
	_ =	strace $0x90000046  }
0xb3: {  	s29 =	simm.s32 $0x9;
	_ =	strace $0x80000048  }
0xb4: {  	_ =	swait.ge [sflag:s29], $0x1  }
0xb5: {  	[sflag:s29] =	ssyncadd.s32 $0xFFFFFFFF  }
0xb6: {  	_ =	strace $0x90000048  }
0xb7: {  	_ =	sfence  }
0xb8: {  	s30 =	sld [smem:$0x0];
	_ =	sdelay $0x2  }
0xb9: {  	s31 =	sshll.u32 s1, $0xD;
	s1 =	sshrl.u32 s1, $0x2  }
0xba: {  	s3 =	sand.u32 $0x4000, s31;
	s1 =	sadd.s32 s1, s30  }
0xbb: {  	s0 =	sor.u32 s3, s0;
	s1 =	sshll.u32 s1, $0x11  }
0xbc: {  	s0 =	sor.u32 s1, s0  }
0xbd: {  	s0 =	sadd.s32 $0x8F2B, s0  }
0xbe: {  	[sflag:s0] =	ssyncadd.remote.s32 $0x1  }
0xbf: {  	_ =	sfence.sel $0xFFFF  }
0xc0: {  	[dreg:$0x0] =	wrdreg $0xFFFFFFFF;
	(pc) =	sbr.abs _section_cstart, $3  }
0xc1: {  	[dreg:$0x1] =	wrdreg $0xFFFFFFFF  }
0xc2: {  	_ =	task.clear_ibuf [dreg:s8], $0x2FFFF;
	_ =	strace $0x9FFFFFFF  }
0xc3: {  	(tm) =	ssettm $0x7FFFFFFF  }
tec
execute0_lowered:
.L_overlay_start_1:
0x0: {  	(tag) =	ssettag $0x1  }
0x1: {  	s0 =	srdreg.scid  }
0x2: {  	s9 =	sand.u32 $0x1, s0  }
0x3: {  	s1 =	stileid.u32;
	s0 =	sshll.u32 s9, $0x4  }
0x4: {  	s5 =	sor.u32 s1, s0  }
0x5: {  	s3 =	smul.u32 $0x18, s5  }
0x6: {  	s4 =	smul.u32 $0x4008, s5;
	s5 =	sshrl.u32 s5, $0x3  }
0x7: {  	s5 =	smul.u32 $0x600000, s5;
	s26 =	sor.u32 $0x4, s3  }
0x8: {  	s2 =	sshrl.u32 s4, $0x11;
	s29 =	smul.u32 $0x2AB, s26  }
0x9: {  	s11 =	sor.u32 $0x1, s3;
	s7 =	smul.u32 $0xC0, s2  }
0xa: {  	s8 =	sadd.s32 $0x1558, s4;
	s14 =	sor.u32 $0x2, s3;
	s18 =	smul.u32 $0x2AB, s11  }
0xb: {  	s17 =	sadd.s32 $0x2004, s4;
	s24 =	sor.u32 $0x3, s3;
	s15 =	smul.u32 $0x2AB, s14  }
0xc: {  	s10 =	sshrl.u32 s8, $0x11;
	s12 =	sshrl.u32 s17, $0x11;
	s17 =	smul.u32 $0x2AB, s24  }
0xd: {  	s13 =	rddreg [dreg:$0x0];
	s8 =	smul.u32 $0xC0, s10  }
0xe: {  	s6 =	rddreg [dreg:$0x1];
	s19 =	smul.u32 $0xC0, s12  }
0xf: {  	s9 =	ssub.s32 $0x2, s9;
	s2 =	simm.s32 $0x0;
	s10 =	smul.u32 $0x600000, s10  }
0x10: {  	[smem:$0x7FF] =	sst s2;
	s12 =	smul.u32 $0x600000, s12;
	s1 =	sshrl.u32 s29, $0x11  }
0x11: {  	s7 =	ssub.s32 s3, s7;
	_ =	strace $0x80000047;
	s22 =	sshrl.u32 s15, $0xB  }
0x12: {  	s25 =	sshrl.u32 s17, $0xB;
	s17 =	sadd.s32 $0x1AAE, s4;
	s1 =	smul.u32 $0xC0, s1  }
0x13: {  	s31 =	sand.u32 $0xFFF8, s7;
	s16 =	ssub.s32 s3, s8;
	s8 =	sshrl.u32 s18, $0xB  }
0x14: {  	s18 =	sor.u32 $0x6, s3;
	[smem:$0x7FD] =	sst s31;
	s7 =	sadd.s32 $0x8, s16  }
0x15: {  	s8 =	sand.u32 $0xC0, s8;
	s21 =	sshll.u32 s31, $0xF;
	s31 =	sor.u32 $0x5, s3  }
0x16: {  	s1 =	ssub.s32 s26, s1;
	s23 =	sand.u32 $0xFFF8, s7;
	s7 =	ssub.s32 s3, s19  }
0x17: {  	s20 =	sadd.s32 s8, s11;
	s8 =	sadd.s32 s5, s21;
	s0 =	smul.u32 $0x2AB, s31  }
0x18: {  	s11 =	sand.u32 $0xC0, s22;
	s19 =	smul.u32 $0x2AB, s18;
	s1 =	sand.u32 $0xFFFC, s1  }
0x19: {  	s16 =	sadd.s32 $0xC, s7;
	s8 =	sshrl.u32 s8, $0x3;
	s7 =	sshll.u32 s20, $0xF  }
0x1a: {  	s11 =	sadd.s32 s11, s14;
	s8 =	sadd.s32 s6, s8;
	s7 =	sand.u32 $0x7C0000, s7  }
0x1b: {  	s11 =	sshll.u32 s11, $0xF;
	s20 =	sshll.u32 s1, $0xF;
	s1 =	sshll.u32 s1, $0x2  }
0x1c: {  	[dreg:$0x3] =	wrdreg s8;
	s8 =	sand.u32 $0xC0, s25;
	s7 =	sadd.s32 s5, s7  }
0x1d: {  	s11 =	sand.u32 $0x7C0000, s11;
	s25 =	sadd.s32 $0x1800, s6;
	s22 =	sadd.s32 s5, s20  }
0x1e: {  	s20 =	sshll.u32 s23, $0xF;
	s1 =	ssub.s32 $0x2FF, s1;
	s26 =	sshrl.u32 s7, $0x3  }
0x1f: {  	s7 =	sadd.s32 $0x800, s6;
	s15 =	sadd.s32 s8, s24;
	s29 =	sadd.s32 s5, s11  }
0x20: {  	s8 =	sadd.s32 $0x1000, s6;
	s24 =	sand.u32 $0xFFFC, s16;
	s14 =	sadd.s32 s26, s7  }
0x21: {  	s11 =	sshrl.u32 s29, $0x3;
	s16 =	sshll.u32 s15, $0xF;
	s26 =	sshrl.u32 s22, $0x3  }
0x22: {  	s29 =	sor.u32 $0x7, s3;
	[dreg:$0x4] =	wrdreg s14;
	s11 =	sadd.s32 s11, s8  }
0x23: {  	s14 =	sshrl.u32 s0, $0xB;
	s15 =	sadd.s32 s6, s26;
	s26 =	sadd.s32 $0x22AF, s4  }
0x24: {  	[dreg:$0x5] =	wrdreg s11;
	s11 =	sand.u32 $0x7C0000, s16;
	s14 =	sand.u32 $0xC0, s14  }
0x25: {  	s16 =	sshrl.u32 s19, $0xB;
	[dreg:$0x7] =	wrdreg s15;
	s11 =	sadd.s32 s5, s11  }
0x26: {  	s14 =	sadd.s32 s14, s31;
	s31 =	smul.u32 $0x2AB, s29;
	s11 =	sshrl.u32 s11, $0x3  }
0x27: {  	s21 =	sand.u32 $0xC0, s16;
	s14 =	sshll.u32 s14, $0xF;
	s11 =	sadd.s32 s11, s25  }
0x28: {  	s14 =	sand.u32 $0x7E0000, s14;
	s0 =	sshrl.u32 s31, $0xB;
	[dreg:$0x6] =	wrdreg s11  }
0x29: {  	s11 =	sadd.s32 s21, s18;
	s14 =	sadd.s32 s5, s14;
	s15 =	sand.u32 $0xC0, s0  }
0x2a: {  	s11 =	sshll.u32 s11, $0xF;
	s14 =	sshrl.u32 s14, $0x3;
	s15 =	sadd.s32 s15, s29  }
0x2b: {  	s11 =	sand.u32 $0x7E0000, s11;
	s16 =	sshll.u32 s15, $0xF;
	s15 =	sshrl.u32 s17, $0x11  }
0x2c: {  	s14 =	sadd.s32 s14, s7;
	s11 =	sadd.s32 s5, s11;
	s19 =	sshll.u32 s15, $0x6  }
0x2d: {  	[dreg:$0x8] =	wrdreg s14;
	s11 =	sshrl.u32 s11, $0x3;
	s17 =	sadd.s32 s19, s3  }
0x2e: {  	s14 =	sadd.s32 $0x1803, s4;
	s11 =	sadd.s32 s11, s8;
	s17 =	sshll.u32 s17, $0xF  }
0x2f: {  	[dreg:$0x9] =	wrdreg s11;
	s11 =	sshrl.u32 s14, $0x11;
	s14 =	sand.u32 $0x7E0000, s16  }
0x30: {  	s17 =	sadd.s32 $0x50000, s17;
	s18 =	sshll.u32 s11, $0x6;
	s14 =	sadd.s32 s5, s14  }
0x31: {  	s11 =	smul.u32 $0x600000, s11;
	s22 =	sand.u32 $0x7C0000, s17;
	s17 =	sshrl.u32 s26, $0x11  }
0x32: {  	s5 =	sshrl.u32 s5, $0x3;
	s16 =	sadd.s32 s18, s3;
	s14 =	sshrl.u32 s14, $0x3  }
0x33: {  	s18 =	sadd.s32 $0x1D59, s4;
	s29 =	sshll.u32 s17, $0x6;
	s16 =	sshll.u32 s16, $0xF  }
0x34: {  	s14 =	sadd.s32 s14, s25;
	s18 =	sshrl.u32 s18, $0x11;
	s31 =	sadd.s32 s29, s3  }
0x35: {  	s29 =	sadd.s32 $0x2805, s4;
	[dreg:$0xa] =	wrdreg s14;
	s14 =	smul.u32 $0x600000, s15  }
0x36: {  	s15 =	sadd.s32 s20, s10;
	s16 =	sadd.s32 $0x48000, s16;
	s19 =	sshll.u32 s18, $0x6  }
0x37: {  	s20 =	sadd.s32 $0x255A, s4;
	s10 =	sshrl.u32 s10, $0x3;
	s15 =	sshrl.u32 s15, $0x3  }
0x38: {  	s16 =	sand.u32 $0x7C0000, s16;
	s19 =	sadd.s32 s19, s3;
	s0 =	sshrl.u32 s20, $0x11  }
0x39: {  	s15 =	sadd.s32 s6, s15;
	s21 =	sshll.u32 s19, $0xF;
	s19 =	smul.u32 $0x600000, s18  }
0x3a: {  	s16 =	sadd.s32 s11, s16;
	s18 =	smul.u32 $0x600000, s17;
	s20 =	sshll.u32 s0, $0x6  }
0x3b: {  	s11 =	sshrl.u32 s11, $0x3;
	[dreg:$0xb] =	wrdreg s15;
	s16 =	sshrl.u32 s16, $0x3  }
0x3c: {  	s15 =	sadd.s32 $0x58000, s21;
	s21 =	sshll.u32 s24, $0xF;
	s17 =	sadd.s32 s20, s3  }
0x3d: {  	s16 =	sadd.s32 s16, s7;
	s15 =	sand.u32 $0x7C0000, s15;
	s20 =	sadd.s32 s21, s12  }
0x3e: {  	s17 =	sshll.u32 s17, $0xF;
	[dreg:$0xc] =	wrdreg s16;
	s16 =	sadd.s32 s14, s22  }
0x3f: {  	s15 =	sadd.s32 s19, s15;
	s20 =	sshrl.u32 s20, $0x3;
	s16 =	sshrl.u32 s16, $0x3  }
0x40: {  	s17 =	sadd.s32 $0x70000, s17;
	s15 =	sshrl.u32 s15, $0x3;
	s16 =	sadd.s32 s16, s8  }
0x41: {  	s22 =	sadd.s32 s6, s20;
	[dreg:$0xd] =	wrdreg s16;
	s16 =	sshll.u32 s31, $0xF  }
0x42: {  	s15 =	sadd.s32 s15, s25;
	[dreg:$0xf] =	wrdreg s22;
	s16 =	sadd.s32 $0x68000, s16  }
0x43: {  	s17 =	sand.u32 $0x7E0000, s17;
	[dreg:$0xe] =	wrdreg s15;
	s16 =	sand.u32 $0x7E0000, s16  }
0x44: {  	s15 =	sshrl.u32 s29, $0x11;
	s31 =	sadd.s32 $0x2AB0, s4;
	s21 =	sadd.s32 s18, s16  }
0x45: {  	s16 =	smul.u32 $0x600000, s0;
	s0 =	sshll.u32 s15, $0x6;
	s26 =	sshrl.u32 s21, $0x3  }
0x46: {  	s18 =	sshrl.u32 s18, $0x3;
	s21 =	sadd.s32 s0, s3;
	s20 =	sadd.s32 s26, s7  }
0x47: {  	s17 =	sadd.s32 s16, s17;
	s21 =	sshll.u32 s21, $0xF;
	[dreg:$0x10] =	wrdreg s20  }
0x48: {  	s20 =	sshrl.u32 s31, $0x11;
	s22 =	sshrl.u32 s17, $0x3;
	s17 =	smul.u32 $0x600000, s15  }
0x49: {  	s21 =	sadd.s32 $0x78000, s21;
	s31 =	sadd.s32 $0x2D5B, s4;
	s22 =	sadd.s32 s22, s8  }
0x4a: {  	s26 =	smul.u32 $0xC0, s20;
	s21 =	sand.u32 $0x7E0000, s21;
	[dreg:$0x11] =	wrdreg s22  }
0x4b: {  	s21 =	sadd.s32 s17, s21;
	s22 =	sshrl.u32 s31, $0x11;
	s17 =	sshrl.u32 s17, $0x3  }
0x4c: {  	s29 =	ssub.s32 s3, s26;
	s0 =	sshrl.u32 s21, $0x3;
	s21 =	smul.u32 $0x600000, s20  }
0x4d: {  	s15 =	sadd.s32 $0x10, s29;
	s26 =	sadd.s32 s0, s25;
	s29 =	sshll.u32 s22, $0x6  }
0x4e: {  	s15 =	sand.u32 $0xFFF8, s15;
	[dreg:$0x12] =	wrdreg s26;
	s31 =	sadd.s32 s29, s3  }
0x4f: {  	s26 =	smul.u32 $0x600000, s22;
	s0 =	sshll.u32 s15, $0xF;
	s20 =	sshll.u32 s31, $0xF  }
0x50: {  	s31 =	sadd.s32 $0x355C, s4;
	s28 =	sadd.s32 s0, s21;
	s20 =	sadd.s32 $0x88000, s20  }
0x51: {  	s29 =	sshrl.u32 s28, $0x3;
	s20 =	sand.u32 $0x7C0000, s20;
	s28 =	sshrl.u32 s9, $0x1  }
0x52: {  	s22 =	sadd.s32 s6, s29;
	s9 =	ssub.s32 s9, s28;
	s20 =	sadd.s32 s26, s20  }
0x53: {  	s28 =	sadd.s32 $0x3006, s4;
	s29 =	sshrl.u32 s31, $0x11;
	s31 =	sadd.s32 $0x32B1, s4  }
0x54: {  	[dreg:$0x13] =	wrdreg s22;
	s20 =	sshrl.u32 s20, $0x3;
	s22 =	sshrl.u32 s28, $0x11  }
0x55: {  	s28 =	smul.u32 $0xC0, s29;
	s20 =	sadd.s32 s20, s7;
	s30 =	sshll.u32 s22, $0x6  }
0x56: {  	[dreg:$0x14] =	wrdreg s20;
	s0 =	sadd.s32 s30, s3;
	s30 =	sshrl.u32 s31, $0x11  }
0x57: {  	s31 =	ssub.s32 s3, s28;
	s20 =	sshll.u32 s0, $0xF;
	s0 =	sshll.u32 s30, $0x6  }
0x58: {  	s28 =	smul.u32 $0x600000, s22;
	s0 =	sadd.s32 s0, s3;
	s20 =	sadd.s32 $0x90000, s20  }
0x59: {  	s29 =	smul.u32 $0x600000, s29;
	s0 =	sshll.u32 s0, $0xF;
	s20 =	sand.u32 $0x7C0000, s20  }
0x5a: {  	s22 =	smul.u32 $0x600000, s30;
	s30 =	sadd.s32 s28, s20;
	s0 =	sadd.s32 $0x98000, s0  }
0x5b: {  	s31 =	sadd.s32 $0x14, s31;
	s30 =	sshrl.u32 s30, $0x3;
	s0 =	sand.u32 $0x7C0000, s0  }
0x5c: {  	s20 =	sand.u32 $0xFFFC, s31;
	s30 =	sadd.s32 s30, s8;
	s0 =	sadd.s32 s22, s0  }
0x5d: {  	[dreg:$0x15] =	wrdreg s30;
	s0 =	sshrl.u32 s0, $0x3;
	s30 =	sshll.u32 s20, $0xF  }
0x5e: {  	s31 =	sadd.s32 $0x3807, s4;
	s0 =	sadd.s32 s0, s25;
	s30 =	sadd.s32 s30, s29  }
0x5f: {  	[dreg:$0x16] =	wrdreg s0;
	s0 =	sshrl.u32 s31, $0x11;
	s30 =	sshrl.u32 s30, $0x3  }
0x60: {  	s4 =	sadd.s32 $0x3AB2, s4;
	s6 =	sadd.s32 s6, s30;
	s30 =	sshll.u32 s0, $0x6  }
0x61: {  	s4 =	sshrl.u32 s4, $0x11;
	s0 =	smul.u32 $0x600000, s0;
	s31 =	sadd.s32 s30, s3  }
0x62: {  	[dreg:$0x17] =	wrdreg s6;
	s30 =	sshll.u32 s4, $0x6;
	s6 =	sshll.u32 s31, $0xF  }
0x63: {  	s30 =	sadd.s32 s30, s3;
	s3 =	sadd.s32 $0x17, s3;
	s6 =	sadd.s32 $0xA8000, s6  }
0x64: {  	s26 =	sshrl.u32 s26, $0x3;
	s31 =	smul.u32 $0x2AB, s3;
	s6 =	sand.u32 $0x7E0000, s6  }
0x65: {  	s4 =	smul.u32 $0x600000, s4;
	s30 =	sshll.u32 s30, $0xF;
	s6 =	sadd.s32 s0, s6  }
0x66: {  	s30 =	sadd.s32 $0xB0000, s30;
	s31 =	sshrl.u32 s31, $0x11;
	s6 =	sshrl.u32 s6, $0x3  }
0x67: {  	s30 =	sand.u32 $0x7E0000, s30;
	s0 =	sshrl.u32 s0, $0x3;
	s6 =	sadd.s32 s6, s7  }
0x68: {  	s7 =	sadd.s32 s4, s30;
	s30 =	sshll.u32 s31, $0x6;
	s4 =	sshrl.u32 s4, $0x3  }
0x69: {  	s3 =	sadd.s32 s30, s3;
	[dreg:$0x18] =	wrdreg s6;
	s7 =	sshrl.u32 s7, $0x3  }
0x6a: {  	s30 =	simm.s32 $0x1;
	s6 =	sadd.s32 s7, s8;
	s8 =	sadd.s32 $0x800, s13  }
0x6b: {  	s3 =	sshll.u32 s3, $0xF;
	s7 =	sadd.s32 s11, s8;
	[dreg:$0x19] =	wrdreg s6  }
0x6c: {  	s0 =	sadd.s32 s0, s8;
	s11 =	sshrl.u32 s29, $0x3;
	[dreg:$0x1b] =	wrdreg s7  }
0x6d: {  	s29 =	sshrl.u32 s14, $0x3;
	s7 =	sadd.s32 s18, s8;
	[dreg:$0x1e] =	wrdreg s0  }
0x6e: {  	s14 =	sshrl.u32 s19, $0x3;
	s18 =	sadd.s32 s26, s8;
	[dreg:$0x1c] =	wrdreg s7  }
0x6f: {  	s3 =	sand.u32 $0x7E0000, s3;
	s26 =	sadd.s32 s5, s8;
	[dreg:$0x1d] =	wrdreg s18  }
0x70: {  	s8 =	sshrl.u32 s12, $0x3;
	s12 =	sadd.s32 s13, s11;
	[dreg:$0x1f] =	wrdreg s26  }
0x71: {  	s11 =	sshrl.u32 s28, $0x3;
	s7 =	sadd.s32 s13, s10;
	[smem:$0x7F1] =	sst s12  }
0x72: {  	s0 =	sadd.s32 s13, s8;
	s10 =	sshrl.u32 s21, $0x3;
	[smem:$0x7EE] =	sst s7  }
0x73: {  	s18 =	sadd.s32 s13, s5;
	s21 =	sadd.s32 $0x1000, s13;
	[smem:$0x7EF] =	sst s0  }
0x74: {  	s26 =	sadd.s32 $0x1800, s13;
	s0 =	sadd.s32 s13, s10;
	[smem:$0x7F2] =	sst s18  }
0x75: {  	s8 =	sadd.s32 s29, s21;
	s18 =	sshrl.u32 s22, $0x3;
	s22 =	sld [smem:$0x7FD]  }
0x76: {  	s10 =	sshrl.u32 s16, $0x3;
	s12 =	sadd.s32 s11, s21;
	[smem:$0x7F0] =	sst s0  }
0x77: {  	s4 =	sadd.s32 s4, s21;
	s13 =	sadd.s32 s5, s26;
	[smem:$0x7F3] =	sst s8  }
0x78: {  	s16 =	smul.u32 $0x600000, s31;
	s29 =	sshll.u32 s15, $0x2;
	[smem:$0x7F5] =	sst s12  }
0x79: {  	s31 =	sshll.u32 s20, $0x2;
	s8 =	sadd.s32 s10, s21;
	[smem:$0x7F6] =	sst s4  }
0x7a: {  	s0 =	sadd.s32 s5, s21;
	[smem:$0x7F8] =	sst s13;
	s5 =	ssub.s32 $0x2FF, s29  }
0x7b: {  	s6 =	ssub.s32 $0x2FF, s31;
	[smem:$0x7F7] =	sst s0;
	s0 =	sadd.s32 s14, s26  }
0x7c: {  	s3 =	sadd.s32 s16, s3;
	[smem:$0x7F9] =	sst s0;
	s0 =	sadd.s32 s17, s26  }
0x7d: {  	s19 =	sshrl.u32 s16, $0x3;
	s3 =	sshrl.u32 s3, $0x3;
	[smem:$0x7FA] =	sst s0  }
0x7e: {  	v8 =	vlaneseq.u32;
	s0 =	sadd.s32 s18, s26;
	s21 =	sadd.s32 s3, s25;
	s25 =	sshll.u32 s23, $0x2  }
0x7f: {  	vm0 =	vmmov $0xffff;
	v5 =	vmul.u32 $0xFFFFFFFF, v8;
	v7 =	vshrl.u32 v8, $0x3;
	[smem:$0x7FB] =	sst s0;
	s0 =	sadd.s32 s19, s26;
	s3 =	ssub.s32 $0x2FF, s25  }
0x80: {  	v6 =	vand.u32 $0x7, v8;
	v8 =	vor.u32 $0x8, v8;
	v7 =	vmul.u32 $0x8, v7;
	s26 =	sshll.u32 s24, $0x2;
	[smem:$0x7FC] =	sst s0;
	s0 =	sshll.u32 s22, $0x2  }
0x81: {  	v1 =	vadd.s32 s1, v5;
	[smem:$0x7F4] =	sst s8;
	v4 =	vadd.s32 s5, v5;
	s4 =	ssub.s32 $0x2FF, s26;
	v2 =	vadd.s32 s3, v5;
	s0 =	ssub.s32 $0x2FF, s0  }
0x82: {  	s28 =	simm.s32 $0x2;
	s7 =	smax.u32 s9, $0x1;
	[dreg:$0x1a] =	wrdreg s21;
	v3 =	vadd.s32 s4, v5;
	v0 =	vadd.s32 s0, v5;
	v5 =	vadd.s32 s6, v5  }
.LBB2_1:
0x83: {  	[tilespmem:$0x0] =	vst v0  }
0x84: {  	v9 =	vld [tilespmem:$0x0];
	_ =	sdelay $0x4  }
0x85: {  	v10 =	vshll.u32 v9, $0x6  }
0x86: {  	v9 =	vand.u32 $0x7, v9;
	v10 =	vand.u32 $0xFFFFFE00, v10  }
0x87: {  	v9 =	vor.u32 v9, v10  }
0x88: {  	v10 =	vperm.xlane v9, v6;
	_ =	sdelay $0x1  }
0x89: {  	[tilespmem:$0x80] =	vst v1;
	v10 =	vadd.s32 v7, v10  }
0x8a: {  	[tilespmem:$0x100] =	vst v2  }
0x8b: {  	[tilespmem:$0x180] =	vst v3;
	s31 =	sld [smem:$0x7F2]  }
0x8c: {  	[tilespmem:$0x200] =	vst v4  }
0x8d: {  	[tilespmem:$0x280] =	vst v5;
	s0 =	simm.s32 $0x300  }
0x8e: {  	[tilespmem:s0], [sflag:$0x1] =	stream.indirect_vreg.gather [hbm4b:s31+s2], $0x80, v10, vm0, $0xb8;
	[tilespmem:$0x18300] =	vst v63  }
0x8f: {  	s1 =	simm.s32 $0xB00;
	s3 =	sadd.s32 $0x100, s31  }
0x90: {  	[tilespmem:s1], [sflag:$0x1] =	stream.indirect_vreg.gather [hbm4b:s3+s2], $0x80, v10, vm0, $0xb8;
	[tilespmem:$0x18300] =	vst v63  }
0x91: {  	s14 =	simm.s32 $0x1300;
	s29 =	sadd.s32 $0x200, s31  }
0x92: {  	[tilespmem:s14], [sflag:$0x1] =	stream.indirect_vreg.gather [hbm4b:s29+s2], $0x80, v10, vm0, $0xb8;
	[tilespmem:$0x18300] =	vst v63  }
0x93: {  	s15 =	simm.s32 $0x1B00;
	s6 =	sadd.s32 $0x300, s31  }
0x94: {  	[tilespmem:s15], [sflag:$0x1] =	stream.indirect_vreg.gather [hbm4b:s6+s2], $0x80, v10, vm0, $0xb8;
	[tilespmem:$0x18300] =	vst v63  }
0x95: {  	s16 =	simm.s32 $0x2300;
	s10 =	sadd.s32 $0x400, s31  }
0x96: {  	[tilespmem:s16], [sflag:$0x1] =	stream.indirect_vreg.gather [hbm4b:s10+s2], $0x80, v10, vm0, $0xb8;
	[tilespmem:$0x18300] =	vst v63  }
0x97: {  	s19 =	simm.s32 $0x2B00;
	s13 =	sadd.s32 $0x500, s31;
	v9 =	vperm.xlane v9, v8  }
0x98: {  	[tilespmem:s19], [sflag:$0x1] =	stream.indirect_vreg.gather [hbm4b:s13+s2], $0x80, v10, vm0, $0xb8;
	[tilespmem:$0x18300] =	vst v63  }
0x99: {  	s20 =	simm.s32 $0x3300;
	v9 =	vadd.s32 v7, v9;
	s19 =	sadd.s32 $0x600, s31  }
0x9a: {  	[tilespmem:s20], [sflag:$0x1] =	stream.indirect_vreg.gather [hbm4b:s19+s2], $0x80, v10, vm0, $0xb8;
	[tilespmem:$0x18300] =	vst v63  }
0x9b: {  	s21 =	simm.s32 $0x3B00;
	s12 =	sadd.s32 $0x700, s31  }
0x9c: {  	[tilespmem:s21], [sflag:$0x1] =	stream.indirect_vreg.gather [hbm4b:s12+s2], $0x80, v10, vm0, $0xb8;
	[tilespmem:$0x18300] =	vst v63  }
0x9d: {  	s22 =	simm.s32 $0x4300  }
0x9e: {  	[tilespmem:s22], [sflag:$0x1] =	stream.indirect_vreg.gather [hbm4b:s31+s2], $0x80, v9, vm0, $0xb8;
	[tilespmem:$0x18300] =	vst v63  }
0x9f: {  	s23 =	simm.s32 $0x4B00  }
0xa0: {  	[tilespmem:s23], [sflag:$0x1] =	stream.indirect_vreg.gather [hbm4b:s3+s2], $0x80, v9, vm0, $0xb8;
	[tilespmem:$0x18300] =	vst v63  }
0xa1: {  	s24 =	simm.s32 $0x5300  }
0xa2: {  	[tilespmem:s24], [sflag:$0x1] =	stream.indirect_vreg.gather [hbm4b:s29+s2], $0x80, v9, vm0, $0xb8;
	[tilespmem:$0x18300] =	vst v63  }
0xa3: {  	s26 =	simm.s32 $0x5B00  }
0xa4: {  	[tilespmem:s26], [sflag:$0x1] =	stream.indirect_vreg.gather [hbm4b:s6+s2], $0x80, v9, vm0, $0xb8;
	[tilespmem:$0x18300] =	vst v63  }
0xa5: {  	[smem:$0x7E5] =	sst s3;
	s3 =	simm.s32 $0x6300  }
0xa6: {  	[tilespmem:s3], [sflag:$0x1] =	stream.indirect_vreg.gather [hbm4b:s10+s2], $0x80, v9, vm0, $0xb8;
	[tilespmem:$0x18300] =	vst v63  }
0xa7: {  	s4 =	simm.s32 $0x6B00  }
0xa8: {  	[tilespmem:s4], [sflag:$0x1] =	stream.indirect_vreg.gather [hbm4b:s13+s2], $0x80, v9, vm0, $0xb8;
	[tilespmem:$0x18300] =	vst v63  }
0xa9: {  	s5 =	simm.s32 $0x7300  }
0xaa: {  	[tilespmem:s5], [sflag:$0x1] =	stream.indirect_vreg.gather [hbm4b:s19+s2], $0x80, v9, vm0, $0xb8;
	[tilespmem:$0x18300] =	vst v63  }
0xab: {  	[smem:$0x7ED] =	sst s7;
	s7 =	simm.s32 $0x7B00  }
0xac: {  	[tilespmem:s7], [sflag:$0x1] =	stream.indirect_vreg.gather [hbm4b:s12+s2], $0x80, v9, vm0, $0xb8;
	[tilespmem:$0x18300] =	vst v63  }
0xad: {  	v9 =	vld [tilespmem:$0x0];
	_ =	sdelay $0x4  }
0xae: {  	v10 =	vshll.u32 v9, $0x6  }
0xaf: {  	v9 =	vand.u32 $0x7, v9;
	v10 =	vand.u32 $0xFFFFFE00, v10  }
0xb0: {  	v9 =	vor.u32 v9, v10  }
0xb1: {  	v10 =	vperm.xlane v9, v6;
	_ =	sdelay $0x1  }
0xb2: {  	v10 =	vadd.s32 v7, v10;
	_ =	sdelay $0x3  }
0xb3: {  	s8 =	simm.s32 $0x8300;
	s3 =	rddreg [dreg:$0x1f]  }
0xb4: {  	[tilespmem:s8], [sflag:$0x1] =	stream.indirect_vreg.gather [hbm4b:s3+s2], $0x80, v10, vm0, $0xb8;
	[tilespmem:$0x18300] =	vst v63  }
0xb5: {  	s9 =	simm.s32 $0x8B00;
	s4 =	sadd.s32 $0x100, s3  }
0xb6: {  	[tilespmem:s9], [sflag:$0x1] =	stream.indirect_vreg.gather [hbm4b:s4+s2], $0x80, v10, vm0, $0xb8;
	[tilespmem:$0x18300] =	vst v63  }
0xb7: {  	s11 =	simm.s32 $0x9300;
	s5 =	sadd.s32 $0x200, s3  }
0xb8: {  	[tilespmem:s11], [sflag:$0x1] =	stream.indirect_vreg.gather [hbm4b:s5+s2], $0x80, v10, vm0, $0xb8;
	[tilespmem:$0x18300] =	vst v63  }
0xb9: {  	s16 =	simm.s32 $0x9B00;
	s14 =	sadd.s32 $0x300, s3  }
0xba: {  	[tilespmem:s16], [sflag:$0x1] =	stream.indirect_vreg.gather [hbm4b:s14+s2], $0x80, v10, vm0, $0xb8;
	[tilespmem:$0x18300] =	vst v63  }
0xbb: {  	s20 =	simm.s32 $0xA300;
	s8 =	sadd.s32 $0x400, s3  }
0xbc: {  	[tilespmem:s20], [sflag:$0x1] =	stream.indirect_vreg.gather [hbm4b:s8+s2], $0x80, v10, vm0, $0xb8;
	[tilespmem:$0x18300] =	vst v63  }
0xbd: {  	s21 =	simm.s32 $0xAB00;
	v9 =	vperm.xlane v9, v8;
	s11 =	sadd.s32 $0x500, s3  }
0xbe: {  	[tilespmem:s21], [sflag:$0x1] =	stream.indirect_vreg.gather [hbm4b:s11+s2], $0x80, v10, vm0, $0xb8;
	[tilespmem:$0x18300] =	vst v63  }
0xbf: {  	s22 =	simm.s32 $0xB300;
	s15 =	sadd.s32 $0x600, s3;
	v9 =	vadd.s32 v7, v9  }
0xc0: {  	[tilespmem:s22], [sflag:$0x1] =	stream.indirect_vreg.gather [hbm4b:s15+s2], $0x80, v10, vm0, $0xb8;
	[tilespmem:$0x18300] =	vst v63  }
0xc1: {  	s23 =	simm.s32 $0xBB00;
	s22 =	sadd.s32 $0x700, s3  }
0xc2: {  	[tilespmem:s23], [sflag:$0x1] =	stream.indirect_vreg.gather [hbm4b:s22+s2], $0x80, v10, vm0, $0xb8;
	[tilespmem:$0x18300] =	vst v63  }
0xc3: {  	s24 =	simm.s32 $0xC300  }
0xc4: {  	[tilespmem:s24], [sflag:$0x1] =	stream.indirect_vreg.gather [hbm4b:s3+s2], $0x80, v9, vm0, $0xb8;
	[tilespmem:$0x18300] =	vst v63  }
0xc5: {  	s26 =	simm.s32 $0xCB00  }
0xc6: {  	[tilespmem:s26], [sflag:$0x1] =	stream.indirect_vreg.gather [hbm4b:s4+s2], $0x80, v9, vm0, $0xb8;
	[tilespmem:$0x18300] =	vst v63  }
0xc7: {  	[smem:$0x7E6] =	sst s4;
	s4 =	simm.s32 $0xD300  }
0xc8: {  	[tilespmem:s4], [sflag:$0x1] =	stream.indirect_vreg.gather [hbm4b:s5+s2], $0x80, v9, vm0, $0xb8;
	[tilespmem:$0x18300] =	vst v63  }
0xc9: {  	[smem:$0x7E7] =	sst s5;
	s5 =	simm.s32 $0xDB00  }
0xca: {  	[tilespmem:s5], [sflag:$0x1] =	stream.indirect_vreg.gather [hbm4b:s14+s2], $0x80, v9, vm0, $0xb8;
	[tilespmem:$0x18300] =	vst v63  }
0xcb: {  	s7 =	simm.s32 $0xE300  }
0xcc: {  	[tilespmem:s7], [sflag:$0x1] =	stream.indirect_vreg.gather [hbm4b:s8+s2], $0x80, v9, vm0, $0xb8;
	[tilespmem:$0x18300] =	vst v63  }
0xcd: {  	s9 =	simm.s32 $0xEB00  }
0xce: {  	[tilespmem:s9], [sflag:$0x1] =	stream.indirect_vreg.gather [hbm4b:s11+s2], $0x80, v9, vm0, $0xb8;
	[tilespmem:$0x18300] =	vst v63  }
0xcf: {  	[smem:$0x7E8] =	sst s14;
	s14 =	simm.s32 $0xF300  }
0xd0: {  	[tilespmem:s14], [sflag:$0x1] =	stream.indirect_vreg.gather [hbm4b:s15+s2], $0x80, v9, vm0, $0xb8;
	[tilespmem:$0x18300] =	vst v63  }
0xd1: {  	s16 =	simm.s32 $0xFB00  }
0xd2: {  	[tilespmem:s16], [sflag:$0x1] =	stream.indirect_vreg.gather [hbm4b:s22+s2], $0x80, v9, vm0, $0xb8;
	[tilespmem:$0x18300] =	vst v63  }
0xd3: {  	v9 =	vld [tilespmem:$0x0];
	_ =	sdelay $0x4  }
0xd4: {  	v10 =	vshll.u32 v9, $0x6  }
0xd5: {  	v9 =	vand.u32 $0x7, v9;
	v10 =	vand.u32 $0xFFFFFE00, v10  }
0xd6: {  	v9 =	vor.u32 v9, v10  }
0xd7: {  	v10 =	vperm.xlane v9, v6;
	_ =	sdelay $0x1  }
0xd8: {  	v10 =	vadd.s32 v7, v10;
	_ =	sdelay $0x1  }
0xd9: {  	s4 =	sld [smem:$0x7F7];
	_ =	sdelay $0x1  }
0xda: {  	s20 =	simm.s32 $0x10300  }
0xdb: {  	[tilespmem:s20], [sflag:$0x1] =	stream.indirect_vreg.gather [hbm4b:s4+s2], $0x80, v10, vm0, $0xb8;
	[tilespmem:$0x18300] =	vst v63  }
0xdc: {  	s21 =	simm.s32 $0x10B00;
	s7 =	sadd.s32 $0x100, s4  }
0xdd: {  	[tilespmem:s21], [sflag:$0x1] =	stream.indirect_vreg.gather [hbm4b:s7+s2], $0x80, v10, vm0, $0xb8;
	[tilespmem:$0x18300] =	vst v63  }
0xde: {  	s23 =	simm.s32 $0x11300;
	s16 =	sadd.s32 $0x200, s4  }
0xdf: {  	[tilespmem:s23], [sflag:$0x1] =	stream.indirect_vreg.gather [hbm4b:s16+s2], $0x80, v10, vm0, $0xb8;
	[tilespmem:$0x18300] =	vst v63  }
0xe0: {  	s24 =	simm.s32 $0x11B00;
	s5 =	sadd.s32 $0x300, s4  }
0xe1: {  	[tilespmem:s24], [sflag:$0x1] =	stream.indirect_vreg.gather [hbm4b:s5+s2], $0x80, v10, vm0, $0xb8;
	[tilespmem:$0x18300] =	vst v63  }
0xe2: {  	s26 =	simm.s32 $0x12300;
	s9 =	sadd.s32 $0x400, s4  }
0xe3: {  	[tilespmem:s26], [sflag:$0x1] =	stream.indirect_vreg.gather [hbm4b:s9+s2], $0x80, v10, vm0, $0xb8;
	[tilespmem:$0x18300] =	vst v63  }
0xe4: {  	s14 =	simm.s32 $0x12B00;
	v9 =	vperm.xlane v9, v8;
	s23 =	sadd.s32 $0x500, s4  }
0xe5: {  	[tilespmem:s14], [sflag:$0x1] =	stream.indirect_vreg.gather [hbm4b:s23+s2], $0x80, v10, vm0, $0xb8;
	[tilespmem:$0x18300] =	vst v63  }
0xe6: {  	v9 =	vadd.s32 v7, v9;
	s20 =	simm.s32 $0x13300;
	s14 =	sadd.s32 $0x600, s4  }
0xe7: {  	[tilespmem:s20], [sflag:$0x1] =	stream.indirect_vreg.gather [hbm4b:s14+s2], $0x80, v10, vm0, $0xb8;
	[tilespmem:$0x18300] =	vst v63  }
0xe8: {  	s21 =	simm.s32 $0x13B00;
	s20 =	sadd.s32 $0x700, s4  }
0xe9: {  	[tilespmem:s21], [sflag:$0x1] =	stream.indirect_vreg.gather [hbm4b:s20+s2], $0x80, v10, vm0, $0xb8;
	[tilespmem:$0x18300] =	vst v63  }
0xea: {  	s24 =	simm.s32 $0x14300  }
0xeb: {  	[tilespmem:s24], [sflag:$0x1] =	stream.indirect_vreg.gather [hbm4b:s4+s2], $0x80, v9, vm0, $0xb8;
	[tilespmem:$0x18300] =	vst v63  }
0xec: {  	s26 =	simm.s32 $0x14B00  }
0xed: {  	[tilespmem:s26], [sflag:$0x1] =	stream.indirect_vreg.gather [hbm4b:s7+s2], $0x80, v9, vm0, $0xb8;
	[tilespmem:$0x18300] =	vst v63  }
0xee: {  	[smem:$0x7E9] =	sst s7;
	s7 =	simm.s32 $0x15300  }
0xef: {  	[tilespmem:s7], [sflag:$0x1] =	stream.indirect_vreg.gather [hbm4b:s16+s2], $0x80, v9, vm0, $0xb8;
	[tilespmem:$0x18300] =	vst v63  }
0xf0: {  	[smem:$0x7EA] =	sst s16;
	s16 =	simm.s32 $0x15B00  }
0xf1: {  	[tilespmem:s16], [sflag:$0x1] =	stream.indirect_vreg.gather [hbm4b:s5+s2], $0x80, v9, vm0, $0xb8;
	[tilespmem:$0x18300] =	vst v63  }
0xf2: {  	s21 =	simm.s32 $0x16300  }
0xf3: {  	[tilespmem:s21], [sflag:$0x1] =	stream.indirect_vreg.gather [hbm4b:s9+s2], $0x80, v9, vm0, $0xb8;
	[tilespmem:$0x18300] =	vst v63  }
0xf4: {  	s24 =	simm.s32 $0x16B00  }
0xf5: {  	[tilespmem:s24], [sflag:$0x1] =	stream.indirect_vreg.gather [hbm4b:s23+s2], $0x80, v9, vm0, $0xb8;
	[tilespmem:$0x18300] =	vst v63  }
0xf6: {  	[smem:$0x7EB] =	sst s5;
	s26 =	simm.s32 $0x17300  }
0xf7: {  	[tilespmem:s26], [sflag:$0x1] =	stream.indirect_vreg.gather [hbm4b:s14+s2], $0x80, v9, vm0, $0xb8;
	[tilespmem:$0x18300] =	vst v63  }
0xf8: {  	[smem:$0x7EC] =	sst s9;
	s5 =	simm.s32 $0x17B00  }
0xf9: {  	[tilespmem:s5], [sflag:$0x1] =	stream.indirect_vreg.gather [hbm4b:s20+s2], $0x80, v9, vm0, $0xb8;
	[tilespmem:$0x18300] =	vst v63  }
0xfa: {  	_ =	swait.ge [sflag:s30], $0x8000  }
0xfb: {  	s0 =	simm.s32 $0x300;
	s16 =	simm.s32 $0x10000;
	[sflag:s30] =	ssyncset.done $0x0  }
0xfc: {  	s9 =	simm.s32 $0x4000;
	s7 =	rddreg [dreg:$0x3];
	[sflag:s30] =	ssyncadd.s32 $0xFFFF8000  }
0xfd: {  	[hbm4b:s7+s9] =	stream.strided.scatter [tilespmem:s0], [sflag:$0x2], $0x8000, s16, s9, $0x38;
	[tilespmem:$0x18300] =	vst v63  }
0xfe: {  	_ =	swait.ge [sflag:s28], $0x8000  }
0xff: {  	[sflag:s28] =	ssyncset.done $0x0  }
0x100: {  	[sflag:s28] =	ssyncadd.s32 $0xFFFF8000  }
0x101: {  	v9 =	vld [tilespmem:$0x0];
	_ =	sdelay $0x4  }
0x102: {  	v10 =	vshll.u32 v9, $0x6  }
0x103: {  	v9 =	vand.u32 $0x7, v9;
	v10 =	vand.u32 $0xFFFFFE00, v10  }
0x104: {  	v9 =	vor.u32 v9, v10  }
0x105: {  	v10 =	vperm.xlane v9, v6;
	_ =	sdelay $0x1  }
0x106: {  	v10 =	vadd.s32 v7, v10;
	_ =	sdelay $0x1  }
0x107: {  	s1 =	sld [smem:$0x7F8];
	_ =	sdelay $0x2  }
0x108: {  	[tilespmem:s0], [sflag:$0x1] =	stream.indirect_vreg.gather [hbm4b:s1+s2], $0x80, v10, vm0, $0xb8;
	[tilespmem:$0x18300] =	vst v63  }
0x109: {  	s17 =	simm.s32 $0xB00;
	s16 =	sadd.s32 $0x100, s1  }
0x10a: {  	[tilespmem:s17], [sflag:$0x1] =	stream.indirect_vreg.gather [hbm4b:s16+s2], $0x80, v10, vm0, $0xb8;
	[tilespmem:$0x18300] =	vst v63  }
0x10b: {  	s18 =	simm.s32 $0x1300;
	s21 =	sadd.s32 $0x200, s1  }
0x10c: {  	[tilespmem:s18], [sflag:$0x1] =	stream.indirect_vreg.gather [hbm4b:s21+s2], $0x80, v10, vm0, $0xb8;
	[tilespmem:$0x18300] =	vst v63  }
0x10d: {  	s25 =	simm.s32 $0x1B00;
	s9 =	sadd.s32 $0x300, s1  }
0x10e: {  	[tilespmem:s25], [sflag:$0x1] =	stream.indirect_vreg.gather [hbm4b:s9+s2], $0x80, v10, vm0, $0xb8;
	[tilespmem:$0x18300] =	vst v63  }
0x10f: {  	s17 =	sadd.s32 $0x400, s1;
	s18 =	simm.s32 $0x2300  }
0x110: {  	[tilespmem:s18], [sflag:$0x1] =	stream.indirect_vreg.gather [hbm4b:s17+s2], $0x80, v10, vm0, $0xb8;
	[tilespmem:$0x18300] =	vst v63  }
0x111: {  	s24 =	simm.s32 $0x2B00;
	v9 =	vperm.xlane v9, v8;
	s18 =	sadd.s32 $0x500, s1  }
0x112: {  	[tilespmem:s24], [sflag:$0x1] =	stream.indirect_vreg.gather [hbm4b:s18+s2], $0x80, v10, vm0, $0xb8;
	[tilespmem:$0x18300] =	vst v63  }
0x113: {  	s7 =	sadd.s32 $0x600, s1;
	v9 =	vadd.s32 v7, v9;
	s25 =	simm.s32 $0x3300  }
0x114: {  	[tilespmem:s25], [sflag:$0x1] =	stream.indirect_vreg.gather [hbm4b:s7+s2], $0x80, v10, vm0, $0xb8;
	[tilespmem:$0x18300] =	vst v63  }
0x115: {  	s26 =	simm.s32 $0x3B00;
	s25 =	sadd.s32 $0x700, s1  }
0x116: {  	[tilespmem:s26], [sflag:$0x1] =	stream.indirect_vreg.gather [hbm4b:s25+s2], $0x80, v10, vm0, $0xb8;
	[tilespmem:$0x18300] =	vst v63  }
0x117: {  	s5 =	simm.s32 $0x4300  }
0x118: {  	[tilespmem:s5], [sflag:$0x1] =	stream.indirect_vreg.gather [hbm4b:s1+s2], $0x80, v9, vm0, $0xb8;
	[tilespmem:$0x18300] =	vst v63  }
0x119: {  	s24 =	simm.s32 $0x4B00  }
0x11a: {  	[tilespmem:s24], [sflag:$0x1] =	stream.indirect_vreg.gather [hbm4b:s16+s2], $0x80, v9, vm0, $0xb8;
	[tilespmem:$0x18300] =	vst v63  }
0x11b: {  	s26 =	simm.s32 $0x5300  }
0x11c: {  	[tilespmem:s26], [sflag:$0x1] =	stream.indirect_vreg.gather [hbm4b:s21+s2], $0x80, v9, vm0, $0xb8;
	[tilespmem:$0x18300] =	vst v63  }
0x11d: {  	s5 =	simm.s32 $0x5B00  }
0x11e: {  	[tilespmem:s5], [sflag:$0x1] =	stream.indirect_vreg.gather [hbm4b:s9+s2], $0x80, v9, vm0, $0xb8;
	[tilespmem:$0x18300] =	vst v63  }
0x11f: {  	s24 =	simm.s32 $0x6300  }
0x120: {  	[tilespmem:s24], [sflag:$0x1] =	stream.indirect_vreg.gather [hbm4b:s17+s2], $0x80, v9, vm0, $0xb8;
	[tilespmem:$0x18300] =	vst v63  }
0x121: {  	s26 =	simm.s32 $0x6B00  }
0x122: {  	[tilespmem:s26], [sflag:$0x1] =	stream.indirect_vreg.gather [hbm4b:s18+s2], $0x80, v9, vm0, $0xb8;
	[tilespmem:$0x18300] =	vst v63  }
0x123: {  	s5 =	simm.s32 $0x7300  }
0x124: {  	[tilespmem:s5], [sflag:$0x1] =	stream.indirect_vreg.gather [hbm4b:s7+s2], $0x80, v9, vm0, $0xb8;
	[tilespmem:$0x18300] =	vst v63  }
0x125: {  	s24 =	simm.s32 $0x7B00  }
0x126: {  	[tilespmem:s24], [sflag:$0x1] =	stream.indirect_vreg.gather [hbm4b:s25+s2], $0x80, v9, vm0, $0xb8;
	[tilespmem:$0x18300] =	vst v63  }
0x127: {  	_ =	swait.ge [sflag:s30], $0x8000  }
0x128: {  	s26 =	simm.s32 $0x4000;
	s5 =	simm.s32 $0x8300;
	[sflag:s30] =	ssyncset.done $0x0  }
0x129: {  	s24 =	simm.s32 $0x10000;
	s0 =	rddreg [dreg:$0x4];
	[sflag:s30] =	ssyncadd.s32 $0xFFFF8000  }
0x12a: {  	[hbm4b:s0+s26] =	stream.strided.scatter [tilespmem:s5], [sflag:$0x2], $0x8000, s24, s26, $0x38;
	[tilespmem:$0x18300] =	vst v63  }
0x12b: {  	_ =	swait.ge [sflag:s28], $0x8000  }
0x12c: {  	[sflag:s28] =	ssyncset.done $0x0  }
0x12d: {  	[sflag:s28] =	ssyncadd.s32 $0xFFFF8000  }
0x12e: {  	v9 =	vld [tilespmem:$0x80];
	_ =	sdelay $0x4  }
0x12f: {  	v10 =	vshll.u32 v9, $0x6  }
0x130: {  	v9 =	vand.u32 $0x7, v9;
	v10 =	vand.u32 $0xFFFFFE00, v10  }
0x131: {  	v9 =	vor.u32 v9, v10  }
0x132: {  	v10 =	vperm.xlane v9, v6;
	_ =	sdelay $0x1  }
0x133: {  	v10 =	vadd.s32 v7, v10;
	_ =	sdelay $0x3  }
0x134: {  	s0 =	sld [smem:$0x7E5]  }
0x135: {  	[tilespmem:s5], [sflag:$0x1] =	stream.indirect_vreg.gather [hbm4b:s31+s2], $0x80, v10, vm0, $0xb8;
	[tilespmem:$0x18300] =	vst v63  }
0x136: {  	s26 =	simm.s32 $0x8B00  }
0x137: {  	[tilespmem:s26], [sflag:$0x1] =	stream.indirect_vreg.gather [hbm4b:s0+s2], $0x80, v10, vm0, $0xb8;
	[tilespmem:$0x18300] =	vst v63  }
0x138: {  	s24 =	simm.s32 $0x9300  }
0x139: {  	[tilespmem:s24], [sflag:$0x1] =	stream.indirect_vreg.gather [hbm4b:s29+s2], $0x80, v10, vm0, $0xb8;
	[tilespmem:$0x18300] =	vst v63  }
0x13a: {  	s26 =	simm.s32 $0x9B00  }
0x13b: {  	[tilespmem:s26], [sflag:$0x1] =	stream.indirect_vreg.gather [hbm4b:s6+s2], $0x80, v10, vm0, $0xb8;
	[tilespmem:$0x18300] =	vst v63  }
0x13c: {  	s24 =	simm.s32 $0xA300  }
0x13d: {  	[tilespmem:s24], [sflag:$0x1] =	stream.indirect_vreg.gather [hbm4b:s10+s2], $0x80, v10, vm0, $0xb8;
	[tilespmem:$0x18300] =	vst v63  }
0x13e: {  	v9 =	vperm.xlane v9, v8;
	s26 =	simm.s32 $0xAB00  }
0x13f: {  	[tilespmem:s26], [sflag:$0x1] =	stream.indirect_vreg.gather [hbm4b:s13+s2], $0x80, v10, vm0, $0xb8;
	[tilespmem:$0x18300] =	vst v63  }
0x140: {  	v9 =	vadd.s32 v7, v9;
	s24 =	simm.s32 $0xB300  }
0x141: {  	[tilespmem:s24], [sflag:$0x1] =	stream.indirect_vreg.gather [hbm4b:s19+s2], $0x80, v10, vm0, $0xb8;
	[tilespmem:$0x18300] =	vst v63  }
0x142: {  	s26 =	simm.s32 $0xBB00  }
0x143: {  	[tilespmem:s26], [sflag:$0x1] =	stream.indirect_vreg.gather [hbm4b:s12+s2], $0x80, v10, vm0, $0xb8;
	[tilespmem:$0x18300] =	vst v63  }
0x144: {  	s24 =	simm.s32 $0xC300  }
0x145: {  	[tilespmem:s24], [sflag:$0x1] =	stream.indirect_vreg.gather [hbm4b:s31+s2], $0x80, v9, vm0, $0xb8;
	[tilespmem:$0x18300] =	vst v63  }
0x146: {  	s26 =	simm.s32 $0xCB00  }
0x147: {  	[tilespmem:s26], [sflag:$0x1] =	stream.indirect_vreg.gather [hbm4b:s0+s2], $0x80, v9, vm0, $0xb8;
	[tilespmem:$0x18300] =	vst v63  }
0x148: {  	s31 =	simm.s32 $0xD300  }
0x149: {  	[tilespmem:s31], [sflag:$0x1] =	stream.indirect_vreg.gather [hbm4b:s29+s2], $0x80, v9, vm0, $0xb8;
	[tilespmem:$0x18300] =	vst v63  }
0x14a: {  	s5 =	simm.s32 $0xDB00  }
0x14b: {  	[tilespmem:s5], [sflag:$0x1] =	stream.indirect_vreg.gather [hbm4b:s6+s2], $0x80, v9, vm0, $0xb8;
	[tilespmem:$0x18300] =	vst v63  }
0x14c: {  	s31 =	simm.s32 $0xE300  }
0x14d: {  	[tilespmem:s31], [sflag:$0x1] =	stream.indirect_vreg.gather [hbm4b:s10+s2], $0x80, v9, vm0, $0xb8;
	[tilespmem:$0x18300] =	vst v63  }
0x14e: {  	s6 =	simm.s32 $0xEB00  }
0x14f: {  	[tilespmem:s6], [sflag:$0x1] =	stream.indirect_vreg.gather [hbm4b:s13+s2], $0x80, v9, vm0, $0xb8;
	[tilespmem:$0x18300] =	vst v63  }
0x150: {  	s10 =	simm.s32 $0xF300  }
0x151: {  	[tilespmem:s10], [sflag:$0x1] =	stream.indirect_vreg.gather [hbm4b:s19+s2], $0x80, v9, vm0, $0xb8;
	[tilespmem:$0x18300] =	vst v63  }
0x152: {  	s13 =	simm.s32 $0xFB00  }
0x153: {  	[tilespmem:s13], [sflag:$0x1] =	stream.indirect_vreg.gather [hbm4b:s12+s2], $0x80, v9, vm0, $0xb8;
	[tilespmem:$0x18300] =	vst v63  }
0x154: {  	_ =	swait.ge [sflag:s30], $0x8000  }
0x155: {  	s5 =	simm.s32 $0x4000;
	s19 =	simm.s32 $0x10300;
	[sflag:s30] =	ssyncset.done $0x0  }
0x156: {  	s10 =	simm.s32 $0x10000;
	s12 =	rddreg [dreg:$0x5];
	[sflag:s30] =	ssyncadd.s32 $0xFFFF8000  }
0x157: {  	[hbm4b:s12+s5] =	stream.strided.scatter [tilespmem:s19], [sflag:$0x2], $0x8000, s10, s5, $0x38;
	[tilespmem:$0x18300] =	vst v63  }
0x158: {  	_ =	swait.ge [sflag:s28], $0x8000  }
0x159: {  	[sflag:s28] =	ssyncset.done $0x0  }
0x15a: {  	[sflag:s28] =	ssyncadd.s32 $0xFFFF8000  }
0x15b: {  	v9 =	vld [tilespmem:$0x80];
	_ =	sdelay $0x4  }
0x15c: {  	v10 =	vshll.u32 v9, $0x6  }
0x15d: {  	v9 =	vand.u32 $0x7, v9;
	v10 =	vand.u32 $0xFFFFFE00, v10  }
0x15e: {  	v9 =	vor.u32 v9, v10  }
0x15f: {  	v10 =	vperm.xlane v9, v6;
	_ =	sdelay $0x1  }
0x160: {  	v10 =	vadd.s32 v7, v10;
	_ =	sdelay $0x3  }
0x161: {  	s0 =	sld [smem:$0x7E6]  }
0x162: {  	[tilespmem:s19], [sflag:$0x1] =	stream.indirect_vreg.gather [hbm4b:s3+s2], $0x80, v10, vm0, $0xb8;
	[tilespmem:$0x18300] =	vst v63  }
0x163: {  	s6 =	simm.s32 $0x10B00;
	s29 =	sld [smem:$0x7E7]  }
0x164: {  	[tilespmem:s6], [sflag:$0x1] =	stream.indirect_vreg.gather [hbm4b:s0+s2], $0x80, v10, vm0, $0xb8;
	[tilespmem:$0x18300] =	vst v63  }
0x165: {  	s24 =	simm.s32 $0x11300  }
0x166: {  	[tilespmem:s24], [sflag:$0x1] =	stream.indirect_vreg.gather [hbm4b:s29+s2], $0x80, v10, vm0, $0xb8;
	[tilespmem:$0x18300] =	vst v63  }
0x167: {  	s24 =	sld [smem:$0x7E8];
	_ =	sdelay $0x1  }
0x168: {  	s26 =	simm.s32 $0x11B00  }
0x169: {  	[tilespmem:s26], [sflag:$0x1] =	stream.indirect_vreg.gather [hbm4b:s24+s2], $0x80, v10, vm0, $0xb8;
	[tilespmem:$0x18300] =	vst v63  }
0x16a: {  	s19 =	simm.s32 $0x12300  }
0x16b: {  	[tilespmem:s19], [sflag:$0x1] =	stream.indirect_vreg.gather [hbm4b:s8+s2], $0x80, v10, vm0, $0xb8;
	[tilespmem:$0x18300] =	vst v63  }
0x16c: {  	v9 =	vperm.xlane v9, v8;
	s26 =	simm.s32 $0x12B00  }
0x16d: {  	[tilespmem:s26], [sflag:$0x1] =	stream.indirect_vreg.gather [hbm4b:s11+s2], $0x80, v10, vm0, $0xb8;
	[tilespmem:$0x18300] =	vst v63  }
0x16e: {  	v9 =	vadd.s32 v7, v9;
	s19 =	simm.s32 $0x13300  }
0x16f: {  	[tilespmem:s19], [sflag:$0x1] =	stream.indirect_vreg.gather [hbm4b:s15+s2], $0x80, v10, vm0, $0xb8;
	[tilespmem:$0x18300] =	vst v63  }
0x170: {  	s12 =	simm.s32 $0x13B00  }
0x171: {  	[tilespmem:s12], [sflag:$0x1] =	stream.indirect_vreg.gather [hbm4b:s22+s2], $0x80, v10, vm0, $0xb8;
	[tilespmem:$0x18300] =	vst v63  }
0x172: {  	s19 =	simm.s32 $0x14300  }
0x173: {  	[tilespmem:s19], [sflag:$0x1] =	stream.indirect_vreg.gather [hbm4b:s3+s2], $0x80, v9, vm0, $0xb8;
	[tilespmem:$0x18300] =	vst v63  }
0x174: {  	s26 =	simm.s32 $0x14B00  }
0x175: {  	[tilespmem:s26], [sflag:$0x1] =	stream.indirect_vreg.gather [hbm4b:s0+s2], $0x80, v9, vm0, $0xb8;
	[tilespmem:$0x18300] =	vst v63  }
0x176: {  	s3 =	simm.s32 $0x15300  }
0x177: {  	[tilespmem:s3], [sflag:$0x1] =	stream.indirect_vreg.gather [hbm4b:s29+s2], $0x80, v9, vm0, $0xb8;
	[tilespmem:$0x18300] =	vst v63  }
0x178: {  	s29 =	simm.s32 $0x15B00  }
0x179: {  	[tilespmem:s29], [sflag:$0x1] =	stream.indirect_vreg.gather [hbm4b:s24+s2], $0x80, v9, vm0, $0xb8;
	[tilespmem:$0x18300] =	vst v63  }
0x17a: {  	s24 =	simm.s32 $0x16300  }
0x17b: {  	[tilespmem:s24], [sflag:$0x1] =	stream.indirect_vreg.gather [hbm4b:s8+s2], $0x80, v9, vm0, $0xb8;
	[tilespmem:$0x18300] =	vst v63  }
0x17c: {  	s8 =	simm.s32 $0x16B00  }
0x17d: {  	[tilespmem:s8], [sflag:$0x1] =	stream.indirect_vreg.gather [hbm4b:s11+s2], $0x80, v9, vm0, $0xb8;
	[tilespmem:$0x18300] =	vst v63  }
0x17e: {  	s11 =	simm.s32 $0x17300  }
0x17f: {  	[tilespmem:s11], [sflag:$0x1] =	stream.indirect_vreg.gather [hbm4b:s15+s2], $0x80, v9, vm0, $0xb8;
	[tilespmem:$0x18300] =	vst v63  }
0x180: {  	s11 =	simm.s32 $0x17B00  }
0x181: {  	[tilespmem:s11], [sflag:$0x1] =	stream.indirect_vreg.gather [hbm4b:s22+s2], $0x80, v9, vm0, $0xb8;
	[tilespmem:$0x18300] =	vst v63  }
0x182: {  	_ =	swait.ge [sflag:s30], $0x8000  }
0x183: {  	[sflag:s30] =	ssyncset.done $0x0  }
0x184: {  	s22 =	simm.s32 $0x300;
	s15 =	rddreg [dreg:$0x6];
	[sflag:s30] =	ssyncadd.s32 $0xFFFF8000  }
0x185: {  	[hbm4b:s15+s5] =	stream.strided.scatter [tilespmem:s22], [sflag:$0x2], $0x8000, s10, s5, $0x38;
	[tilespmem:$0x18300] =	vst v63  }
0x186: {  	_ =	swait.ge [sflag:s28], $0x8000  }
0x187: {  	[sflag:s28] =	ssyncset.done $0x0  }
0x188: {  	[sflag:s28] =	ssyncadd.s32 $0xFFFF8000  }
0x189: {  	v9 =	vld [tilespmem:$0x80];
	_ =	sdelay $0x4  }
0x18a: {  	v10 =	vshll.u32 v9, $0x6  }
0x18b: {  	v9 =	vand.u32 $0x7, v9;
	v10 =	vand.u32 $0xFFFFFE00, v10  }
0x18c: {  	v9 =	vor.u32 v9, v10  }
0x18d: {  	v10 =	vperm.xlane v9, v6;
	_ =	sdelay $0x1  }
0x18e: {  	v10 =	vadd.s32 v7, v10;
	_ =	sdelay $0x3  }
0x18f: {  	s0 =	sld [smem:$0x7E9]  }
0x190: {  	[tilespmem:s22], [sflag:$0x1] =	stream.indirect_vreg.gather [hbm4b:s4+s2], $0x80, v10, vm0, $0xb8;
	[tilespmem:$0x18300] =	vst v63  }
0x191: {  	s15 =	simm.s32 $0xB00;
	s3 =	sld [smem:$0x7EA]  }
0x192: {  	[tilespmem:s15], [sflag:$0x1] =	stream.indirect_vreg.gather [hbm4b:s0+s2], $0x80, v10, vm0, $0xb8;
	[tilespmem:$0x18300] =	vst v63  }
0x193: {  	s26 =	simm.s32 $0x1300;
	s8 =	sld [smem:$0x7EB]  }
0x194: {  	[tilespmem:s26], [sflag:$0x1] =	stream.indirect_vreg.gather [hbm4b:s3+s2], $0x80, v10, vm0, $0xb8;
	[tilespmem:$0x18300] =	vst v63  }
0x195: {  	s5 =	simm.s32 $0x1B00  }
0x196: {  	[tilespmem:s5], [sflag:$0x1] =	stream.indirect_vreg.gather [hbm4b:s8+s2], $0x80, v10, vm0, $0xb8;
	[tilespmem:$0x18300] =	vst v63  }
0x197: {  	s5 =	sld [smem:$0x7EC];
	_ =	sdelay $0x1  }
0x198: {  	s26 =	simm.s32 $0x2300  }
0x199: {  	[tilespmem:s26], [sflag:$0x1] =	stream.indirect_vreg.gather [hbm4b:s5+s2], $0x80, v10, vm0, $0xb8;
	[tilespmem:$0x18300] =	vst v63  }
0x19a: {  	v9 =	vperm.xlane v9, v8;
	s26 =	simm.s32 $0x2B00  }
0x19b: {  	[tilespmem:s26], [sflag:$0x1] =	stream.indirect_vreg.gather [hbm4b:s23+s2], $0x80, v10, vm0, $0xb8;
	[tilespmem:$0x18300] =	vst v63  }
0x19c: {  	v9 =	vadd.s32 v7, v9;
	s26 =	simm.s32 $0x3300  }
0x19d: {  	[tilespmem:s26], [sflag:$0x1] =	stream.indirect_vreg.gather [hbm4b:s14+s2], $0x80, v10, vm0, $0xb8;
	[tilespmem:$0x18300] =	vst v63  }
0x19e: {  	s26 =	simm.s32 $0x3B00  }
0x19f: {  	[tilespmem:s26], [sflag:$0x1] =	stream.indirect_vreg.gather [hbm4b:s20+s2], $0x80, v10, vm0, $0xb8;
	[tilespmem:$0x18300] =	vst v63  }
0x1a0: {  	s26 =	simm.s32 $0x4300  }
0x1a1: {  	[tilespmem:s26], [sflag:$0x1] =	stream.indirect_vreg.gather [hbm4b:s4+s2], $0x80, v9, vm0, $0xb8;
	[tilespmem:$0x18300] =	vst v63  }
0x1a2: {  	s22 =	simm.s32 $0x4B00  }
0x1a3: {  	[tilespmem:s22], [sflag:$0x1] =	stream.indirect_vreg.gather [hbm4b:s0+s2], $0x80, v9, vm0, $0xb8;
	[tilespmem:$0x18300] =	vst v63  }
0x1a4: {  	s26 =	simm.s32 $0x5300  }
0x1a5: {  	[tilespmem:s26], [sflag:$0x1] =	stream.indirect_vreg.gather [hbm4b:s3+s2], $0x80, v9, vm0, $0xb8;
	[tilespmem:$0x18300] =	vst v63  }
0x1a6: {  	s4 =	simm.s32 $0x5B00  }
0x1a7: {  	[tilespmem:s4], [sflag:$0x1] =	stream.indirect_vreg.gather [hbm4b:s8+s2], $0x80, v9, vm0, $0xb8;
	[tilespmem:$0x18300] =	vst v63  }
0x1a8: {  	s8 =	simm.s32 $0x6300  }
0x1a9: {  	[tilespmem:s8], [sflag:$0x1] =	stream.indirect_vreg.gather [hbm4b:s5+s2], $0x80, v9, vm0, $0xb8;
	[tilespmem:$0x18300] =	vst v63  }
0x1aa: {  	s26 =	simm.s32 $0x6B00  }
0x1ab: {  	[tilespmem:s26], [sflag:$0x1] =	stream.indirect_vreg.gather [hbm4b:s23+s2], $0x80, v9, vm0, $0xb8;
	[tilespmem:$0x18300] =	vst v63  }
0x1ac: {  	s23 =	simm.s32 $0x7300  }
0x1ad: {  	[tilespmem:s23], [sflag:$0x1] =	stream.indirect_vreg.gather [hbm4b:s14+s2], $0x80, v9, vm0, $0xb8;
	[tilespmem:$0x18300] =	vst v63  }
0x1ae: {  	s14 =	simm.s32 $0x7B00  }
0x1af: {  	[tilespmem:s14], [sflag:$0x1] =	stream.indirect_vreg.gather [hbm4b:s20+s2], $0x80, v9, vm0, $0xb8;
	[tilespmem:$0x18300] =	vst v63  }
0x1b0: {  	_ =	swait.ge [sflag:s30], $0x8000  }
0x1b1: {  	s10 =	simm.s32 $0x10000;
	s4 =	simm.s32 $0x4000;
	[sflag:s30] =	ssyncset.done $0x0  }
0x1b2: {  	s5 =	simm.s32 $0x8300;
	s3 =	rddreg [dreg:$0x7];
	[sflag:s30] =	ssyncadd.s32 $0xFFFF8000  }
0x1b3: {  	[hbm4b:s3+s4] =	stream.strided.scatter [tilespmem:s5], [sflag:$0x2], $0x8000, s10, s4, $0x38;
	[tilespmem:$0x18300] =	vst v63  }
0x1b4: {  	_ =	swait.ge [sflag:s28], $0x8000  }
0x1b5: {  	[sflag:s28] =	ssyncset.done $0x0  }
0x1b6: {  	[sflag:s28] =	ssyncadd.s32 $0xFFFF8000  }
0x1b7: {  	v9 =	vld [tilespmem:$0x80];
	_ =	sdelay $0x4  }
0x1b8: {  	v10 =	vshll.u32 v9, $0x6  }
0x1b9: {  	v9 =	vand.u32 $0x7, v9;
	v10 =	vand.u32 $0xFFFFFE00, v10  }
0x1ba: {  	v9 =	vor.u32 v9, v10  }
0x1bb: {  	v10 =	vperm.xlane v9, v6;
	_ =	sdelay $0x1  }
0x1bc: {  	v10 =	vadd.s32 v7, v10;
	_ =	sdelay $0x4  }
0x1bd: {  	[tilespmem:s5], [sflag:$0x1] =	stream.indirect_vreg.gather [hbm4b:s1+s2], $0x80, v10, vm0, $0xb8;
	[tilespmem:$0x18300] =	vst v63  }
0x1be: {  	s20 =	simm.s32 $0x8B00  }
0x1bf: {  	[tilespmem:s20], [sflag:$0x1] =	stream.indirect_vreg.gather [hbm4b:s16+s2], $0x80, v10, vm0, $0xb8;
	[tilespmem:$0x18300] =	vst v63  }
0x1c0: {  	s8 =	simm.s32 $0x9300  }
0x1c1: {  	[tilespmem:s8], [sflag:$0x1] =	stream.indirect_vreg.gather [hbm4b:s21+s2], $0x80, v10, vm0, $0xb8;
	[tilespmem:$0x18300] =	vst v63  }
0x1c2: {  	s23 =	simm.s32 $0x9B00  }
0x1c3: {  	[tilespmem:s23], [sflag:$0x1] =	stream.indirect_vreg.gather [hbm4b:s9+s2], $0x80, v10, vm0, $0xb8;
	[tilespmem:$0x18300] =	vst v63  }
0x1c4: {  	s3 =	simm.s32 $0xA300  }
0x1c5: {  	[tilespmem:s3], [sflag:$0x1] =	stream.indirect_vreg.gather [hbm4b:s17+s2], $0x80, v10, vm0, $0xb8;
	[tilespmem:$0x18300] =	vst v63  }
0x1c6: {  	v9 =	vperm.xlane v9, v8;
	s5 =	simm.s32 $0xAB00  }
0x1c7: {  	[tilespmem:s5], [sflag:$0x1] =	stream.indirect_vreg.gather [hbm4b:s18+s2], $0x80, v10, vm0, $0xb8;
	[tilespmem:$0x18300] =	vst v63  }
0x1c8: {  	v9 =	vadd.s32 v7, v9;
	s8 =	simm.s32 $0xB300  }
0x1c9: {  	[tilespmem:s8], [sflag:$0x1] =	stream.indirect_vreg.gather [hbm4b:s7+s2], $0x80, v10, vm0, $0xb8;
	[tilespmem:$0x18300] =	vst v63  }
0x1ca: {  	s23 =	simm.s32 $0xBB00  }
0x1cb: {  	[tilespmem:s23], [sflag:$0x1] =	stream.indirect_vreg.gather [hbm4b:s25+s2], $0x80, v10, vm0, $0xb8;
	[tilespmem:$0x18300] =	vst v63  }
0x1cc: {  	s3 =	simm.s32 $0xC300  }
0x1cd: {  	[tilespmem:s3], [sflag:$0x1] =	stream.indirect_vreg.gather [hbm4b:s1+s2], $0x80, v9, vm0, $0xb8;
	[tilespmem:$0x18300] =	vst v63  }
0x1ce: {  	s5 =	simm.s32 $0xCB00  }
0x1cf: {  	[tilespmem:s5], [sflag:$0x1] =	stream.indirect_vreg.gather [hbm4b:s16+s2], $0x80, v9, vm0, $0xb8;
	[tilespmem:$0x18300] =	vst v63  }
0x1d0: {  	s8 =	simm.s32 $0xD300  }
0x1d1: {  	[tilespmem:s8], [sflag:$0x1] =	stream.indirect_vreg.gather [hbm4b:s21+s2], $0x80, v9, vm0, $0xb8;
	[tilespmem:$0x18300] =	vst v63  }
0x1d2: {  	s16 =	simm.s32 $0xDB00  }
0x1d3: {  	[tilespmem:s16], [sflag:$0x1] =	stream.indirect_vreg.gather [hbm4b:s9+s2], $0x80, v9, vm0, $0xb8;
	[tilespmem:$0x18300] =	vst v63  }
0x1d4: {  	_ = 	snop  }
0x1d5: {  	[tilespmem:s31], [sflag:$0x1] =	stream.indirect_vreg.gather [hbm4b:s17+s2], $0x80, v9, vm0, $0xb8;
	[tilespmem:$0x18300] =	vst v63  }
0x1d6: {  	s16 =	simm.s32 $0xEB00  }
0x1d7: {  	[tilespmem:s16], [sflag:$0x1] =	stream.indirect_vreg.gather [hbm4b:s18+s2], $0x80, v9, vm0, $0xb8;
	[tilespmem:$0x18300] =	vst v63  }
0x1d8: {  	s17 =	simm.s32 $0xF300  }
0x1d9: {  	[tilespmem:s17], [sflag:$0x1] =	stream.indirect_vreg.gather [hbm4b:s7+s2], $0x80, v9, vm0, $0xb8;
	[tilespmem:$0x18300] =	vst v63  }
0x1da: {  	_ = 	snop  }
0x1db: {  	[tilespmem:s13], [sflag:$0x1] =	stream.indirect_vreg.gather [hbm4b:s25+s2], $0x80, v9, vm0, $0xb8;
	[tilespmem:$0x18300] =	vst v63  }
0x1dc: {  	_ =	swait.ge [sflag:s30], $0x8000  }
0x1dd: {  	[sflag:s30] =	ssyncset.done $0x0  }
0x1de: {  	s21 =	simm.s32 $0x10300;
	s18 =	rddreg [dreg:$0x8];
	[sflag:s30] =	ssyncadd.s32 $0xFFFF8000  }
0x1df: {  	[hbm4b:s18+s4] =	stream.strided.scatter [tilespmem:s21], [sflag:$0x2], $0x8000, s10, s4, $0x38;
	[tilespmem:$0x18300] =	vst v63  }
0x1e0: {  	_ =	swait.ge [sflag:s28], $0x8000  }
0x1e1: {  	[sflag:s28] =	ssyncset.done $0x0  }
0x1e2: {  	[sflag:s28] =	ssyncadd.s32 $0xFFFF8000  }
0x1e3: {  	v9 =	vld [tilespmem:$0x100];
	_ =	sdelay $0x4  }
0x1e4: {  	v10 =	vshll.u32 v9, $0x6  }
0x1e5: {  	v9 =	vand.u32 $0x7, v9;
	v10 =	vand.u32 $0xFFFFFE00, v10  }
0x1e6: {  	v9 =	vor.u32 v9, v10  }
0x1e7: {  	v10 =	vperm.xlane v9, v6;
	_ =	sdelay $0x1  }
0x1e8: {  	v10 =	vadd.s32 v7, v10;
	_ =	sdelay $0x1  }
0x1e9: {  	s23 =	sld [smem:$0x7EE];
	_ =	sdelay $0x2  }
0x1ea: {  	[tilespmem:s21], [sflag:$0x1] =	stream.indirect_vreg.gather [hbm4b:s23+s2], $0x80, v10, vm0, $0xb8;
	[tilespmem:$0x18300] =	vst v63  }
0x1eb: {  	s31 =	sadd.s32 $0x100, s23  }
0x1ec: {  	[tilespmem:s6], [sflag:$0x1] =	stream.indirect_vreg.gather [hbm4b:s31+s2], $0x80, v10, vm0, $0xb8;
	[tilespmem:$0x18300] =	vst v63  }
0x1ed: {  	s1 =	sadd.s32 $0x200, s23;
	s21 =	simm.s32 $0x11300  }
0x1ee: {  	[tilespmem:s21], [sflag:$0x1] =	stream.indirect_vreg.gather [hbm4b:s1+s2], $0x80, v10, vm0, $0xb8;
	[tilespmem:$0x18300] =	vst v63  }
0x1ef: {  	s3 =	sadd.s32 $0x300, s23;
	s6 =	simm.s32 $0x11B00  }
0x1f0: {  	[tilespmem:s6], [sflag:$0x1] =	stream.indirect_vreg.gather [hbm4b:s3+s2], $0x80, v10, vm0, $0xb8;
	[tilespmem:$0x18300] =	vst v63  }
0x1f1: {  	s25 =	simm.s32 $0x12300;
	s4 =	sadd.s32 $0x400, s23  }
0x1f2: {  	[tilespmem:s25], [sflag:$0x1] =	stream.indirect_vreg.gather [hbm4b:s4+s2], $0x80, v10, vm0, $0xb8;
	[tilespmem:$0x18300] =	vst v63  }
0x1f3: {  	s7 =	simm.s32 $0x12B00;
	s5 =	sadd.s32 $0x500, s23;
	v9 =	vperm.xlane v9, v8  }
0x1f4: {  	[tilespmem:s7], [sflag:$0x1] =	stream.indirect_vreg.gather [hbm4b:s5+s2], $0x80, v10, vm0, $0xb8;
	[tilespmem:$0x18300] =	vst v63  }
0x1f5: {  	s18 =	simm.s32 $0x13300;
	v9 =	vadd.s32 v7, v9;
	s6 =	sadd.s32 $0x600, s23  }
0x1f6: {  	[tilespmem:s18], [sflag:$0x1] =	stream.indirect_vreg.gather [hbm4b:s6+s2], $0x80, v10, vm0, $0xb8;
	[tilespmem:$0x18300] =	vst v63  }
0x1f7: {  	s7 =	sadd.s32 $0x700, s23  }
0x1f8: {  	[tilespmem:s12], [sflag:$0x1] =	stream.indirect_vreg.gather [hbm4b:s7+s2], $0x80, v10, vm0, $0xb8;
	[tilespmem:$0x18300] =	vst v63  }
0x1f9: {  	_ = 	snop  }
0x1fa: {  	[tilespmem:s19], [sflag:$0x1] =	stream.indirect_vreg.gather [hbm4b:s23+s2], $0x80, v9, vm0, $0xb8;
	[tilespmem:$0x18300] =	vst v63  }
0x1fb: {  	s23 =	simm.s32 $0x14B00  }
0x1fc: {  	[tilespmem:s23], [sflag:$0x1] =	stream.indirect_vreg.gather [hbm4b:s31+s2], $0x80, v9, vm0, $0xb8;
	[tilespmem:$0x18300] =	vst v63  }
0x1fd: {  	s31 =	simm.s32 $0x15300  }
0x1fe: {  	[tilespmem:s31], [sflag:$0x1] =	stream.indirect_vreg.gather [hbm4b:s1+s2], $0x80, v9, vm0, $0xb8;
	[tilespmem:$0x18300] =	vst v63  }
0x1ff: {  	_ = 	snop  }
0x200: {  	[tilespmem:s29], [sflag:$0x1] =	stream.indirect_vreg.gather [hbm4b:s3+s2], $0x80, v9, vm0, $0xb8;
	[tilespmem:$0x18300] =	vst v63  }
0x201: {  	_ = 	snop  }
0x202: {  	[tilespmem:s24], [sflag:$0x1] =	stream.indirect_vreg.gather [hbm4b:s4+s2], $0x80, v9, vm0, $0xb8;
	[tilespmem:$0x18300] =	vst v63  }
0x203: {  	s18 =	simm.s32 $0x16B00  }
0x204: {  	[tilespmem:s18], [sflag:$0x1] =	stream.indirect_vreg.gather [hbm4b:s5+s2], $0x80, v9, vm0, $0xb8;
	[tilespmem:$0x18300] =	vst v63  }
0x205: {  	s19 =	simm.s32 $0x17300  }
0x206: {  	[tilespmem:s19], [sflag:$0x1] =	stream.indirect_vreg.gather [hbm4b:s6+s2], $0x80, v9, vm0, $0xb8;
	[tilespmem:$0x18300] =	vst v63  }
0x207: {  	_ = 	snop  }
0x208: {  	[tilespmem:s11], [sflag:$0x1] =	stream.indirect_vreg.gather [hbm4b:s7+s2], $0x80, v9, vm0, $0xb8;
	[tilespmem:$0x18300] =	vst v63  }
0x209: {  	_ =	swait.ge [sflag:s30], $0x8000  }
0x20a: {  	s9 =	simm.s32 $0x4000;
	[sflag:s30] =	ssyncset.done $0x0  }
0x20b: {  	s3 =	simm.s32 $0x300;
	s1 =	rddreg [dreg:$0x9];
	[sflag:s30] =	ssyncadd.s32 $0xFFFF8000  }
0x20c: {  	[hbm4b:s1+s9] =	stream.strided.scatter [tilespmem:s3], [sflag:$0x2], $0x8000, s10, s9, $0x38;
	[tilespmem:$0x18300] =	vst v63  }
0x20d: {  	_ =	swait.ge [sflag:s28], $0x8000  }
0x20e: {  	[sflag:s28] =	ssyncset.done $0x0  }
0x20f: {  	[sflag:s28] =	ssyncadd.s32 $0xFFFF8000  }
0x210: {  	v9 =	vld [tilespmem:$0x100];
	_ =	sdelay $0x4  }
0x211: {  	v10 =	vshll.u32 v9, $0x6  }
0x212: {  	v9 =	vand.u32 $0x7, v9;
	v10 =	vand.u32 $0xFFFFFE00, v10  }
0x213: {  	v9 =	vor.u32 v9, v10  }
0x214: {  	v10 =	vperm.xlane v9, v6;
	_ =	sdelay $0x1  }
0x215: {  	v10 =	vadd.s32 v7, v10;
	_ =	sdelay $0x3  }
0x216: {  	s8 =	rddreg [dreg:$0x1b]  }
0x217: {  	[tilespmem:s3], [sflag:$0x1] =	stream.indirect_vreg.gather [hbm4b:s8+s2], $0x80, v10, vm0, $0xb8;
	[tilespmem:$0x18300] =	vst v63  }
0x218: {  	s0 =	sadd.s32 $0x100, s8  }
0x219: {  	[tilespmem:s15], [sflag:$0x1] =	stream.indirect_vreg.gather [hbm4b:s0+s2], $0x80, v10, vm0, $0xb8;
	[tilespmem:$0x18300] =	vst v63  }
0x21a: {  	s4 =	simm.s32 $0x1300;
	s1 =	sadd.s32 $0x200, s8  }
0x21b: {  	[tilespmem:s4], [sflag:$0x1] =	stream.indirect_vreg.gather [hbm4b:s1+s2], $0x80, v10, vm0, $0xb8;
	[tilespmem:$0x18300] =	vst v63  }
0x21c: {  	s5 =	simm.s32 $0x1B00;
	s3 =	sadd.s32 $0x300, s8  }
0x21d: {  	[tilespmem:s5], [sflag:$0x1] =	stream.indirect_vreg.gather [hbm4b:s3+s2], $0x80, v10, vm0, $0xb8;
	[tilespmem:$0x18300] =	vst v63  }
0x21e: {  	s6 =	simm.s32 $0x2300;
	s4 =	sadd.s32 $0x400, s8  }
0x21f: {  	[tilespmem:s6], [sflag:$0x1] =	stream.indirect_vreg.gather [hbm4b:s4+s2], $0x80, v10, vm0, $0xb8;
	[tilespmem:$0x18300] =	vst v63  }
0x220: {  	s7 =	simm.s32 $0x2B00;
	v9 =	vperm.xlane v9, v8;
	s5 =	sadd.s32 $0x500, s8  }
0x221: {  	[tilespmem:s7], [sflag:$0x1] =	stream.indirect_vreg.gather [hbm4b:s5+s2], $0x80, v10, vm0, $0xb8;
	[tilespmem:$0x18300] =	vst v63  }
0x222: {  	s11 =	simm.s32 $0x3300;
	v9 =	vadd.s32 v7, v9;
	s6 =	sadd.s32 $0x600, s8  }
0x223: {  	[tilespmem:s11], [sflag:$0x1] =	stream.indirect_vreg.gather [hbm4b:s6+s2], $0x80, v10, vm0, $0xb8;
	[tilespmem:$0x18300] =	vst v63  }
0x224: {  	s15 =	simm.s32 $0x3B00;
	s7 =	sadd.s32 $0x700, s8  }
0x225: {  	[tilespmem:s15], [sflag:$0x1] =	stream.indirect_vreg.gather [hbm4b:s7+s2], $0x80, v10, vm0, $0xb8;
	[tilespmem:$0x18300] =	vst v63  }
0x226: {  	s15 =	simm.s32 $0x4300  }
0x227: {  	[tilespmem:s15], [sflag:$0x1] =	stream.indirect_vreg.gather [hbm4b:s8+s2], $0x80, v9, vm0, $0xb8;
	[tilespmem:$0x18300] =	vst v63  }
0x228: {  	_ = 	snop  }
0x229: {  	[tilespmem:s22], [sflag:$0x1] =	stream.indirect_vreg.gather [hbm4b:s0+s2], $0x80, v9, vm0, $0xb8;
	[tilespmem:$0x18300] =	vst v63  }
0x22a: {  	s11 =	simm.s32 $0x5300  }
0x22b: {  	[tilespmem:s11], [sflag:$0x1] =	stream.indirect_vreg.gather [hbm4b:s1+s2], $0x80, v9, vm0, $0xb8;
	[tilespmem:$0x18300] =	vst v63  }
0x22c: {  	s15 =	simm.s32 $0x5B00  }
0x22d: {  	[tilespmem:s15], [sflag:$0x1] =	stream.indirect_vreg.gather [hbm4b:s3+s2], $0x80, v9, vm0, $0xb8;
	[tilespmem:$0x18300] =	vst v63  }
0x22e: {  	s22 =	simm.s32 $0x6300  }
0x22f: {  	[tilespmem:s22], [sflag:$0x1] =	stream.indirect_vreg.gather [hbm4b:s4+s2], $0x80, v9, vm0, $0xb8;
	[tilespmem:$0x18300] =	vst v63  }
0x230: {  	_ = 	snop  }
0x231: {  	[tilespmem:s26], [sflag:$0x1] =	stream.indirect_vreg.gather [hbm4b:s5+s2], $0x80, v9, vm0, $0xb8;
	[tilespmem:$0x18300] =	vst v63  }
0x232: {  	s1 =	simm.s32 $0x7300  }
0x233: {  	[tilespmem:s1], [sflag:$0x1] =	stream.indirect_vreg.gather [hbm4b:s6+s2], $0x80, v9, vm0, $0xb8;
	[tilespmem:$0x18300] =	vst v63  }
0x234: {  	_ = 	snop  }
0x235: {  	[tilespmem:s14], [sflag:$0x1] =	stream.indirect_vreg.gather [hbm4b:s7+s2], $0x80, v9, vm0, $0xb8;
	[tilespmem:$0x18300] =	vst v63  }
0x236: {  	_ =	swait.ge [sflag:s30], $0x8000  }
0x237: {  	[sflag:s30] =	ssyncset.done $0x0  }
0x238: {  	s4 =	simm.s32 $0x8300;
	s3 =	rddreg [dreg:$0xa];
	[sflag:s30] =	ssyncadd.s32 $0xFFFF8000  }
0x239: {  	[hbm4b:s3+s9] =	stream.strided.scatter [tilespmem:s4], [sflag:$0x2], $0x8000, s10, s9, $0x38;
	[tilespmem:$0x18300] =	vst v63  }
0x23a: {  	_ =	swait.ge [sflag:s28], $0x8000  }
0x23b: {  	[sflag:s28] =	ssyncset.done $0x0  }
0x23c: {  	[sflag:s28] =	ssyncadd.s32 $0xFFFF8000  }
0x23d: {  	v9 =	vld [tilespmem:$0x100];
	_ =	sdelay $0x4  }
0x23e: {  	v10 =	vshll.u32 v9, $0x6  }
0x23f: {  	v9 =	vand.u32 $0x7, v9;
	v10 =	vand.u32 $0xFFFFFE00, v10  }
0x240: {  	v9 =	vor.u32 v9, v10  }
0x241: {  	v10 =	vperm.xlane v9, v6;
	_ =	sdelay $0x1  }
0x242: {  	v10 =	vadd.s32 v7, v10;
	_ =	sdelay $0x1  }
0x243: {  	s8 =	sld [smem:$0x7F3];
	_ =	sdelay $0x2  }
0x244: {  	[tilespmem:s4], [sflag:$0x1] =	stream.indirect_vreg.gather [hbm4b:s8+s2], $0x80, v10, vm0, $0xb8;
	[tilespmem:$0x18300] =	vst v63  }
0x245: {  	s0 =	sadd.s32 $0x100, s8  }
0x246: {  	[tilespmem:s20], [sflag:$0x1] =	stream.indirect_vreg.gather [hbm4b:s0+s2], $0x80, v10, vm0, $0xb8;
	[tilespmem:$0x18300] =	vst v63  }
0x247: {  	s5 =	simm.s32 $0x9300;
	s1 =	sadd.s32 $0x200, s8  }
0x248: {  	[tilespmem:s5], [sflag:$0x1] =	stream.indirect_vreg.gather [hbm4b:s1+s2], $0x80, v10, vm0, $0xb8;
	[tilespmem:$0x18300] =	vst v63  }
0x249: {  	s6 =	simm.s32 $0x9B00;
	s3 =	sadd.s32 $0x300, s8  }
0x24a: {  	[tilespmem:s6], [sflag:$0x1] =	stream.indirect_vreg.gather [hbm4b:s3+s2], $0x80, v10, vm0, $0xb8;
	[tilespmem:$0x18300] =	vst v63  }
0x24b: {  	s7 =	simm.s32 $0xA300;
	s4 =	sadd.s32 $0x400, s8  }
0x24c: {  	[tilespmem:s7], [sflag:$0x1] =	stream.indirect_vreg.gather [hbm4b:s4+s2], $0x80, v10, vm0, $0xb8;
	[tilespmem:$0x18300] =	vst v63  }
0x24d: {  	s14 =	simm.s32 $0xAB00;
	v9 =	vperm.xlane v9, v8;
	s5 =	sadd.s32 $0x500, s8  }
0x24e: {  	[tilespmem:s14], [sflag:$0x1] =	stream.indirect_vreg.gather [hbm4b:s5+s2], $0x80, v10, vm0, $0xb8;
	[tilespmem:$0x18300] =	vst v63  }
0x24f: {  	s15 =	simm.s32 $0xB300;
	v9 =	vadd.s32 v7, v9;
	s6 =	sadd.s32 $0x600, s8  }
0x250: {  	[tilespmem:s15], [sflag:$0x1] =	stream.indirect_vreg.gather [hbm4b:s6+s2], $0x80, v10, vm0, $0xb8;
	[tilespmem:$0x18300] =	vst v63  }
0x251: {  	s22 =	simm.s32 $0xBB00;
	s20 =	sadd.s32 $0x700, s8  }
0x252: {  	[tilespmem:s22], [sflag:$0x1] =	stream.indirect_vreg.gather [hbm4b:s20+s2], $0x80, v10, vm0, $0xb8;
	[tilespmem:$0x18300] =	vst v63  }
0x253: {  	s26 =	simm.s32 $0xC300  }
0x254: {  	[tilespmem:s26], [sflag:$0x1] =	stream.indirect_vreg.gather [hbm4b:s8+s2], $0x80, v9, vm0, $0xb8;
	[tilespmem:$0x18300] =	vst v63  }
0x255: {  	s14 =	simm.s32 $0xCB00  }
0x256: {  	[tilespmem:s14], [sflag:$0x1] =	stream.indirect_vreg.gather [hbm4b:s0+s2], $0x80, v9, vm0, $0xb8;
	[tilespmem:$0x18300] =	vst v63  }
0x257: {  	s15 =	simm.s32 $0xD300  }
0x258: {  	[tilespmem:s15], [sflag:$0x1] =	stream.indirect_vreg.gather [hbm4b:s1+s2], $0x80, v9, vm0, $0xb8;
	[tilespmem:$0x18300] =	vst v63  }
0x259: {  	s14 =	simm.s32 $0xDB00  }
0x25a: {  	[tilespmem:s14], [sflag:$0x1] =	stream.indirect_vreg.gather [hbm4b:s3+s2], $0x80, v9, vm0, $0xb8;
	[tilespmem:$0x18300] =	vst v63  }
0x25b: {  	s15 =	simm.s32 $0xE300  }
0x25c: {  	[tilespmem:s15], [sflag:$0x1] =	stream.indirect_vreg.gather [hbm4b:s4+s2], $0x80, v9, vm0, $0xb8;
	[tilespmem:$0x18300] =	vst v63  }
0x25d: {  	_ = 	snop  }
0x25e: {  	[tilespmem:s16], [sflag:$0x1] =	stream.indirect_vreg.gather [hbm4b:s5+s2], $0x80, v9, vm0, $0xb8;
	[tilespmem:$0x18300] =	vst v63  }
0x25f: {  	_ = 	snop  }
0x260: {  	[tilespmem:s17], [sflag:$0x1] =	stream.indirect_vreg.gather [hbm4b:s6+s2], $0x80, v9, vm0, $0xb8;
	[tilespmem:$0x18300] =	vst v63  }
0x261: {  	s16 =	simm.s32 $0xFB00  }
0x262: {  	[tilespmem:s16], [sflag:$0x1] =	stream.indirect_vreg.gather [hbm4b:s20+s2], $0x80, v9, vm0, $0xb8;
	[tilespmem:$0x18300] =	vst v63  }
0x263: {  	_ =	swait.ge [sflag:s30], $0x8000  }
0x264: {  	[sflag:s30] =	ssyncset.done $0x0  }
0x265: {  	s13 =	simm.s32 $0x10300;
	s17 =	rddreg [dreg:$0xb];
	[sflag:s30] =	ssyncadd.s32 $0xFFFF8000  }
0x266: {  	[hbm4b:s17+s9] =	stream.strided.scatter [tilespmem:s13], [sflag:$0x2], $0x8000, s10, s9, $0x38;
	[tilespmem:$0x18300] =	vst v63  }
0x267: {  	_ =	swait.ge [sflag:s28], $0x8000  }
0x268: {  	[sflag:s28] =	ssyncset.done $0x0  }
0x269: {  	[sflag:s28] =	ssyncadd.s32 $0xFFFF8000  }
0x26a: {  	v9 =	vld [tilespmem:$0x100];
	_ =	sdelay $0x4  }
0x26b: {  	v10 =	vshll.u32 v9, $0x6  }
0x26c: {  	v9 =	vand.u32 $0x7, v9;
	v10 =	vand.u32 $0xFFFFFE00, v10  }
0x26d: {  	v9 =	vor.u32 v9, v10  }
0x26e: {  	v10 =	vperm.xlane v9, v6;
	_ =	sdelay $0x1  }
0x26f: {  	v10 =	vadd.s32 v7, v10;
	_ =	sdelay $0x1  }
0x270: {  	s8 =	sld [smem:$0x7F9];
	_ =	sdelay $0x2  }
0x271: {  	[tilespmem:s13], [sflag:$0x1] =	stream.indirect_vreg.gather [hbm4b:s8+s2], $0x80, v10, vm0, $0xb8;
	[tilespmem:$0x18300] =	vst v63  }
0x272: {  	s20 =	simm.s32 $0x10B00;
	s0 =	sadd.s32 $0x100, s8  }
0x273: {  	[tilespmem:s20], [sflag:$0x1] =	stream.indirect_vreg.gather [hbm4b:s0+s2], $0x80, v10, vm0, $0xb8;
	[tilespmem:$0x18300] =	vst v63  }
0x274: {  	s1 =	sadd.s32 $0x200, s8  }
0x275: {  	[tilespmem:s21], [sflag:$0x1] =	stream.indirect_vreg.gather [hbm4b:s1+s2], $0x80, v10, vm0, $0xb8;
	[tilespmem:$0x18300] =	vst v63  }
0x276: {  	s3 =	sadd.s32 $0x300, s8;
	s21 =	simm.s32 $0x11B00  }
0x277: {  	[tilespmem:s21], [sflag:$0x1] =	stream.indirect_vreg.gather [hbm4b:s3+s2], $0x80, v10, vm0, $0xb8;
	[tilespmem:$0x18300] =	vst v63  }
0x278: {  	s4 =	sadd.s32 $0x400, s8  }
0x279: {  	[tilespmem:s25], [sflag:$0x1] =	stream.indirect_vreg.gather [hbm4b:s4+s2], $0x80, v10, vm0, $0xb8;
	[tilespmem:$0x18300] =	vst v63  }
0x27a: {  	s22 =	simm.s32 $0x12B00;
	s5 =	sadd.s32 $0x500, s8;
	v9 =	vperm.xlane v9, v8  }
0x27b: {  	[tilespmem:s22], [sflag:$0x1] =	stream.indirect_vreg.gather [hbm4b:s5+s2], $0x80, v10, vm0, $0xb8;
	[tilespmem:$0x18300] =	vst v63  }
0x27c: {  	s6 =	sadd.s32 $0x600, s8;
	v9 =	vadd.s32 v7, v9;
	s25 =	simm.s32 $0x13300  }
0x27d: {  	[tilespmem:s25], [sflag:$0x1] =	stream.indirect_vreg.gather [hbm4b:s6+s2], $0x80, v10, vm0, $0xb8;
	[tilespmem:$0x18300] =	vst v63  }
0x27e: {  	s7 =	sadd.s32 $0x700, s8;
	s25 =	simm.s32 $0x13B00  }
0x27f: {  	[tilespmem:s25], [sflag:$0x1] =	stream.indirect_vreg.gather [hbm4b:s7+s2], $0x80, v10, vm0, $0xb8;
	[tilespmem:$0x18300] =	vst v63  }
0x280: {  	s25 =	simm.s32 $0x14300  }
0x281: {  	[tilespmem:s25], [sflag:$0x1] =	stream.indirect_vreg.gather [hbm4b:s8+s2], $0x80, v9, vm0, $0xb8;
	[tilespmem:$0x18300] =	vst v63  }
0x282: {  	s23 =	simm.s32 $0x14B00  }
0x283: {  	[tilespmem:s23], [sflag:$0x1] =	stream.indirect_vreg.gather [hbm4b:s0+s2], $0x80, v9, vm0, $0xb8;
	[tilespmem:$0x18300] =	vst v63  }
0x284: {  	s31 =	simm.s32 $0x15300  }
0x285: {  	[tilespmem:s31], [sflag:$0x1] =	stream.indirect_vreg.gather [hbm4b:s1+s2], $0x80, v9, vm0, $0xb8;
	[tilespmem:$0x18300] =	vst v63  }
0x286: {  	s29 =	simm.s32 $0x15B00  }
0x287: {  	[tilespmem:s29], [sflag:$0x1] =	stream.indirect_vreg.gather [hbm4b:s3+s2], $0x80, v9, vm0, $0xb8;
	[tilespmem:$0x18300] =	vst v63  }
0x288: {  	s24 =	simm.s32 $0x16300  }
0x289: {  	[tilespmem:s24], [sflag:$0x1] =	stream.indirect_vreg.gather [hbm4b:s4+s2], $0x80, v9, vm0, $0xb8;
	[tilespmem:$0x18300] =	vst v63  }
0x28a: {  	_ = 	snop  }
0x28b: {  	[tilespmem:s18], [sflag:$0x1] =	stream.indirect_vreg.gather [hbm4b:s5+s2], $0x80, v9, vm0, $0xb8;
	[tilespmem:$0x18300] =	vst v63  }
0x28c: {  	_ = 	snop  }
0x28d: {  	[tilespmem:s19], [sflag:$0x1] =	stream.indirect_vreg.gather [hbm4b:s6+s2], $0x80, v9, vm0, $0xb8;
	[tilespmem:$0x18300] =	vst v63  }
0x28e: {  	s19 =	simm.s32 $0x17B00  }
0x28f: {  	[tilespmem:s19], [sflag:$0x1] =	stream.indirect_vreg.gather [hbm4b:s7+s2], $0x80, v9, vm0, $0xb8;
	[tilespmem:$0x18300] =	vst v63  }
0x290: {  	_ =	swait.ge [sflag:s30], $0x8000  }
0x291: {  	[sflag:s30] =	ssyncset.done $0x0  }
0x292: {  	s12 =	simm.s32 $0x300;
	s1 =	rddreg [dreg:$0xc];
	[sflag:s30] =	ssyncadd.s32 $0xFFFF8000  }
0x293: {  	[hbm4b:s1+s9] =	stream.strided.scatter [tilespmem:s12], [sflag:$0x2], $0x8000, s10, s9, $0x38;
	[tilespmem:$0x18300] =	vst v63  }
0x294: {  	_ =	swait.ge [sflag:s28], $0x8000  }
0x295: {  	[sflag:s28] =	ssyncset.done $0x0  }
0x296: {  	[sflag:s28] =	ssyncadd.s32 $0xFFFF8000  }
0x297: {  	v9 =	vld [tilespmem:$0x180];
	_ =	sdelay $0x4  }
0x298: {  	v10 =	vshll.u32 v9, $0x6  }
0x299: {  	v9 =	vand.u32 $0x7, v9;
	v10 =	vand.u32 $0xFFFFFE00, v10  }
0x29a: {  	v9 =	vor.u32 v9, v10  }
0x29b: {  	v10 =	vperm.xlane v9, v6;
	_ =	sdelay $0x1  }
0x29c: {  	v10 =	vadd.s32 v7, v10;
	_ =	sdelay $0x1  }
0x29d: {  	s8 =	sld [smem:$0x7EF];
	_ =	sdelay $0x2  }
0x29e: {  	[tilespmem:s12], [sflag:$0x1] =	stream.indirect_vreg.gather [hbm4b:s8+s2], $0x80, v10, vm0, $0xb8;
	[tilespmem:$0x18300] =	vst v63  }
0x29f: {  	s3 =	simm.s32 $0xB00;
	s0 =	sadd.s32 $0x100, s8  }
0x2a0: {  	[tilespmem:s3], [sflag:$0x1] =	stream.indirect_vreg.gather [hbm4b:s0+s2], $0x80, v10, vm0, $0xb8;
	[tilespmem:$0x18300] =	vst v63  }
0x2a1: {  	s4 =	simm.s32 $0x1300;
	s1 =	sadd.s32 $0x200, s8  }
0x2a2: {  	[tilespmem:s4], [sflag:$0x1] =	stream.indirect_vreg.gather [hbm4b:s1+s2], $0x80, v10, vm0, $0xb8;
	[tilespmem:$0x18300] =	vst v63  }
0x2a3: {  	s5 =	simm.s32 $0x1B00;
	s3 =	sadd.s32 $0x300, s8  }
0x2a4: {  	[tilespmem:s5], [sflag:$0x1] =	stream.indirect_vreg.gather [hbm4b:s3+s2], $0x80, v10, vm0, $0xb8;
	[tilespmem:$0x18300] =	vst v63  }
0x2a5: {  	s6 =	simm.s32 $0x2300;
	s4 =	sadd.s32 $0x400, s8  }
0x2a6: {  	[tilespmem:s6], [sflag:$0x1] =	stream.indirect_vreg.gather [hbm4b:s4+s2], $0x80, v10, vm0, $0xb8;
	[tilespmem:$0x18300] =	vst v63  }
0x2a7: {  	s7 =	simm.s32 $0x2B00;
	v9 =	vperm.xlane v9, v8;
	s5 =	sadd.s32 $0x500, s8  }
0x2a8: {  	[tilespmem:s7], [sflag:$0x1] =	stream.indirect_vreg.gather [hbm4b:s5+s2], $0x80, v10, vm0, $0xb8;
	[tilespmem:$0x18300] =	vst v63  }
0x2a9: {  	v9 =	vadd.s32 v7, v9;
	s12 =	simm.s32 $0x3300;
	s6 =	sadd.s32 $0x600, s8  }
0x2aa: {  	[tilespmem:s12], [sflag:$0x1] =	stream.indirect_vreg.gather [hbm4b:s6+s2], $0x80, v10, vm0, $0xb8;
	[tilespmem:$0x18300] =	vst v63  }
0x2ab: {  	s19 =	simm.s32 $0x3B00;
	s7 =	sadd.s32 $0x700, s8  }
0x2ac: {  	[tilespmem:s19], [sflag:$0x1] =	stream.indirect_vreg.gather [hbm4b:s7+s2], $0x80, v10, vm0, $0xb8;
	[tilespmem:$0x18300] =	vst v63  }
0x2ad: {  	s19 =	simm.s32 $0x4300  }
0x2ae: {  	[tilespmem:s19], [sflag:$0x1] =	stream.indirect_vreg.gather [hbm4b:s8+s2], $0x80, v9, vm0, $0xb8;
	[tilespmem:$0x18300] =	vst v63  }
0x2af: {  	s19 =	simm.s32 $0x4B00  }
0x2b0: {  	[tilespmem:s19], [sflag:$0x1] =	stream.indirect_vreg.gather [hbm4b:s0+s2], $0x80, v9, vm0, $0xb8;
	[tilespmem:$0x18300] =	vst v63  }
0x2b1: {  	s19 =	simm.s32 $0x5300  }
0x2b2: {  	[tilespmem:s19], [sflag:$0x1] =	stream.indirect_vreg.gather [hbm4b:s1+s2], $0x80, v9, vm0, $0xb8;
	[tilespmem:$0x18300] =	vst v63  }
0x2b3: {  	s1 =	simm.s32 $0x5B00  }
0x2b4: {  	[tilespmem:s1], [sflag:$0x1] =	stream.indirect_vreg.gather [hbm4b:s3+s2], $0x80, v9, vm0, $0xb8;
	[tilespmem:$0x18300] =	vst v63  }
0x2b5: {  	s3 =	simm.s32 $0x6300  }
0x2b6: {  	[tilespmem:s3], [sflag:$0x1] =	stream.indirect_vreg.gather [hbm4b:s4+s2], $0x80, v9, vm0, $0xb8;
	[tilespmem:$0x18300] =	vst v63  }
0x2b7: {  	s4 =	simm.s32 $0x6B00  }
0x2b8: {  	[tilespmem:s4], [sflag:$0x1] =	stream.indirect_vreg.gather [hbm4b:s5+s2], $0x80, v9, vm0, $0xb8;
	[tilespmem:$0x18300] =	vst v63  }
0x2b9: {  	s8 =	simm.s32 $0x7300  }
0x2ba: {  	[tilespmem:s8], [sflag:$0x1] =	stream.indirect_vreg.gather [hbm4b:s6+s2], $0x80, v9, vm0, $0xb8;
	[tilespmem:$0x18300] =	vst v63  }
0x2bb: {  	s19 =	simm.s32 $0x7B00  }
0x2bc: {  	[tilespmem:s19], [sflag:$0x1] =	stream.indirect_vreg.gather [hbm4b:s7+s2], $0x80, v9, vm0, $0xb8;
	[tilespmem:$0x18300] =	vst v63  }
0x2bd: {  	_ =	swait.ge [sflag:s30], $0x8000  }
0x2be: {  	[sflag:s30] =	ssyncset.done $0x0  }
0x2bf: {  	s11 =	simm.s32 $0x8300;
	s1 =	rddreg [dreg:$0xd];
	[sflag:s30] =	ssyncadd.s32 $0xFFFF8000  }
0x2c0: {  	[hbm4b:s1+s9] =	stream.strided.scatter [tilespmem:s11], [sflag:$0x2], $0x8000, s10, s9, $0x38;
	[tilespmem:$0x18300] =	vst v63  }
0x2c1: {  	_ =	swait.ge [sflag:s28], $0x8000  }
0x2c2: {  	[sflag:s28] =	ssyncset.done $0x0  }
0x2c3: {  	[sflag:s28] =	ssyncadd.s32 $0xFFFF8000  }
0x2c4: {  	v9 =	vld [tilespmem:$0x180];
	_ =	sdelay $0x4  }
0x2c5: {  	v10 =	vshll.u32 v9, $0x6  }
0x2c6: {  	v9 =	vand.u32 $0x7, v9;
	v10 =	vand.u32 $0xFFFFFE00, v10  }
0x2c7: {  	v9 =	vor.u32 v9, v10  }
0x2c8: {  	v10 =	vperm.xlane v9, v6;
	_ =	sdelay $0x1  }
0x2c9: {  	v10 =	vadd.s32 v7, v10;
	_ =	sdelay $0x3  }
0x2ca: {  	s8 =	rddreg [dreg:$0x1c]  }
0x2cb: {  	[tilespmem:s11], [sflag:$0x1] =	stream.indirect_vreg.gather [hbm4b:s8+s2], $0x80, v10, vm0, $0xb8;
	[tilespmem:$0x18300] =	vst v63  }
0x2cc: {  	s3 =	simm.s32 $0x8B00;
	s0 =	sadd.s32 $0x100, s8  }
0x2cd: {  	[tilespmem:s3], [sflag:$0x1] =	stream.indirect_vreg.gather [hbm4b:s0+s2], $0x80, v10, vm0, $0xb8;
	[tilespmem:$0x18300] =	vst v63  }
0x2ce: {  	s4 =	simm.s32 $0x9300;
	s1 =	sadd.s32 $0x200, s8  }
0x2cf: {  	[tilespmem:s4], [sflag:$0x1] =	stream.indirect_vreg.gather [hbm4b:s1+s2], $0x80, v10, vm0, $0xb8;
	[tilespmem:$0x18300] =	vst v63  }
0x2d0: {  	s5 =	simm.s32 $0x9B00;
	s3 =	sadd.s32 $0x300, s8  }
0x2d1: {  	[tilespmem:s5], [sflag:$0x1] =	stream.indirect_vreg.gather [hbm4b:s3+s2], $0x80, v10, vm0, $0xb8;
	[tilespmem:$0x18300] =	vst v63  }
0x2d2: {  	s6 =	simm.s32 $0xA300;
	s4 =	sadd.s32 $0x400, s8  }
0x2d3: {  	[tilespmem:s6], [sflag:$0x1] =	stream.indirect_vreg.gather [hbm4b:s4+s2], $0x80, v10, vm0, $0xb8;
	[tilespmem:$0x18300] =	vst v63  }
0x2d4: {  	s7 =	simm.s32 $0xAB00;
	v9 =	vperm.xlane v9, v8;
	s5 =	sadd.s32 $0x500, s8  }
0x2d5: {  	[tilespmem:s7], [sflag:$0x1] =	stream.indirect_vreg.gather [hbm4b:s5+s2], $0x80, v10, vm0, $0xb8;
	[tilespmem:$0x18300] =	vst v63  }
0x2d6: {  	v9 =	vadd.s32 v7, v9;
	s11 =	simm.s32 $0xB300;
	s6 =	sadd.s32 $0x600, s8  }
0x2d7: {  	[tilespmem:s11], [sflag:$0x1] =	stream.indirect_vreg.gather [hbm4b:s6+s2], $0x80, v10, vm0, $0xb8;
	[tilespmem:$0x18300] =	vst v63  }
0x2d8: {  	s19 =	simm.s32 $0xBB00;
	s7 =	sadd.s32 $0x700, s8  }
0x2d9: {  	[tilespmem:s19], [sflag:$0x1] =	stream.indirect_vreg.gather [hbm4b:s7+s2], $0x80, v10, vm0, $0xb8;
	[tilespmem:$0x18300] =	vst v63  }
0x2da: {  	s26 =	simm.s32 $0xC300  }
0x2db: {  	[tilespmem:s26], [sflag:$0x1] =	stream.indirect_vreg.gather [hbm4b:s8+s2], $0x80, v9, vm0, $0xb8;
	[tilespmem:$0x18300] =	vst v63  }
0x2dc: {  	s11 =	simm.s32 $0xCB00  }
0x2dd: {  	[tilespmem:s11], [sflag:$0x1] =	stream.indirect_vreg.gather [hbm4b:s0+s2], $0x80, v9, vm0, $0xb8;
	[tilespmem:$0x18300] =	vst v63  }
0x2de: {  	s19 =	simm.s32 $0xD300  }
0x2df: {  	[tilespmem:s19], [sflag:$0x1] =	stream.indirect_vreg.gather [hbm4b:s1+s2], $0x80, v9, vm0, $0xb8;
	[tilespmem:$0x18300] =	vst v63  }
0x2e0: {  	_ = 	snop  }
0x2e1: {  	[tilespmem:s14], [sflag:$0x1] =	stream.indirect_vreg.gather [hbm4b:s3+s2], $0x80, v9, vm0, $0xb8;
	[tilespmem:$0x18300] =	vst v63  }
0x2e2: {  	_ = 	snop  }
0x2e3: {  	[tilespmem:s15], [sflag:$0x1] =	stream.indirect_vreg.gather [hbm4b:s4+s2], $0x80, v9, vm0, $0xb8;
	[tilespmem:$0x18300] =	vst v63  }
0x2e4: {  	s4 =	simm.s32 $0xEB00  }
0x2e5: {  	[tilespmem:s4], [sflag:$0x1] =	stream.indirect_vreg.gather [hbm4b:s5+s2], $0x80, v9, vm0, $0xb8;
	[tilespmem:$0x18300] =	vst v63  }
0x2e6: {  	s5 =	simm.s32 $0xF300  }
0x2e7: {  	[tilespmem:s5], [sflag:$0x1] =	stream.indirect_vreg.gather [hbm4b:s6+s2], $0x80, v9, vm0, $0xb8;
	[tilespmem:$0x18300] =	vst v63  }
0x2e8: {  	s6 =	simm.s32 $0xFB00  }
0x2e9: {  	[tilespmem:s6], [sflag:$0x1] =	stream.indirect_vreg.gather [hbm4b:s7+s2], $0x80, v9, vm0, $0xb8;
	[tilespmem:$0x18300] =	vst v63  }
0x2ea: {  	_ =	swait.ge [sflag:s30], $0x8000  }
0x2eb: {  	[sflag:s30] =	ssyncset.done $0x0  }
0x2ec: {  	s8 =	rddreg [dreg:$0xe];
	[sflag:s30] =	ssyncadd.s32 $0xFFFF8000  }
0x2ed: {  	[hbm4b:s8+s9] =	stream.strided.scatter [tilespmem:s13], [sflag:$0x2], $0x8000, s10, s9, $0x38;
	[tilespmem:$0x18300] =	vst v63  }
0x2ee: {  	_ =	swait.ge [sflag:s28], $0x8000  }
0x2ef: {  	[sflag:s28] =	ssyncset.done $0x0  }
0x2f0: {  	[sflag:s28] =	ssyncadd.s32 $0xFFFF8000  }
0x2f1: {  	v9 =	vld [tilespmem:$0x180];
	_ =	sdelay $0x4  }
0x2f2: {  	v10 =	vshll.u32 v9, $0x6  }
0x2f3: {  	v9 =	vand.u32 $0x7, v9;
	v10 =	vand.u32 $0xFFFFFE00, v10  }
0x2f4: {  	v9 =	vor.u32 v9, v10  }
0x2f5: {  	v10 =	vperm.xlane v9, v6;
	_ =	sdelay $0x1  }
0x2f6: {  	v10 =	vadd.s32 v7, v10;
	_ =	sdelay $0x1  }
0x2f7: {  	s8 =	sld [smem:$0x7F4];
	_ =	sdelay $0x2  }
0x2f8: {  	[tilespmem:s13], [sflag:$0x1] =	stream.indirect_vreg.gather [hbm4b:s8+s2], $0x80, v10, vm0, $0xb8;
	[tilespmem:$0x18300] =	vst v63  }
0x2f9: {  	s11 =	simm.s32 $0x10B00;
	s0 =	sadd.s32 $0x100, s8  }
0x2fa: {  	[tilespmem:s11], [sflag:$0x1] =	stream.indirect_vreg.gather [hbm4b:s0+s2], $0x80, v10, vm0, $0xb8;
	[tilespmem:$0x18300] =	vst v63  }
0x2fb: {  	s20 =	simm.s32 $0x11300;
	s1 =	sadd.s32 $0x200, s8  }
0x2fc: {  	[tilespmem:s20], [sflag:$0x1] =	stream.indirect_vreg.gather [hbm4b:s1+s2], $0x80, v10, vm0, $0xb8;
	[tilespmem:$0x18300] =	vst v63  }
0x2fd: {  	s16 =	simm.s32 $0x11B00;
	s3 =	sadd.s32 $0x300, s8  }
0x2fe: {  	[tilespmem:s16], [sflag:$0x1] =	stream.indirect_vreg.gather [hbm4b:s3+s2], $0x80, v10, vm0, $0xb8;
	[tilespmem:$0x18300] =	vst v63  }
0x2ff: {  	s17 =	simm.s32 $0x12300;
	s4 =	sadd.s32 $0x400, s8  }
0x300: {  	[tilespmem:s17], [sflag:$0x1] =	stream.indirect_vreg.gather [hbm4b:s4+s2], $0x80, v10, vm0, $0xb8;
	[tilespmem:$0x18300] =	vst v63  }
0x301: {  	s21 =	simm.s32 $0x12B00;
	s5 =	sadd.s32 $0x500, s8;
	v9 =	vperm.xlane v9, v8  }
0x302: {  	[tilespmem:s21], [sflag:$0x1] =	stream.indirect_vreg.gather [hbm4b:s5+s2], $0x80, v10, vm0, $0xb8;
	[tilespmem:$0x18300] =	vst v63  }
0x303: {  	s22 =	simm.s32 $0x13300;
	s6 =	sadd.s32 $0x600, s8;
	v9 =	vadd.s32 v7, v9  }
0x304: {  	[tilespmem:s22], [sflag:$0x1] =	stream.indirect_vreg.gather [hbm4b:s6+s2], $0x80, v10, vm0, $0xb8;
	[tilespmem:$0x18300] =	vst v63  }
0x305: {  	s7 =	sadd.s32 $0x700, s8;
	s17 =	simm.s32 $0x13B00  }
0x306: {  	[tilespmem:s17], [sflag:$0x1] =	stream.indirect_vreg.gather [hbm4b:s7+s2], $0x80, v10, vm0, $0xb8;
	[tilespmem:$0x18300] =	vst v63  }
0x307: {  	s25 =	simm.s32 $0x14300  }
0x308: {  	[tilespmem:s25], [sflag:$0x1] =	stream.indirect_vreg.gather [hbm4b:s8+s2], $0x80, v9, vm0, $0xb8;
	[tilespmem:$0x18300] =	vst v63  }
0x309: {  	s23 =	simm.s32 $0x14B00  }
0x30a: {  	[tilespmem:s23], [sflag:$0x1] =	stream.indirect_vreg.gather [hbm4b:s0+s2], $0x80, v9, vm0, $0xb8;
	[tilespmem:$0x18300] =	vst v63  }
0x30b: {  	s31 =	simm.s32 $0x15300  }
0x30c: {  	[tilespmem:s31], [sflag:$0x1] =	stream.indirect_vreg.gather [hbm4b:s1+s2], $0x80, v9, vm0, $0xb8;
	[tilespmem:$0x18300] =	vst v63  }
0x30d: {  	s29 =	simm.s32 $0x15B00  }
0x30e: {  	[tilespmem:s29], [sflag:$0x1] =	stream.indirect_vreg.gather [hbm4b:s3+s2], $0x80, v9, vm0, $0xb8;
	[tilespmem:$0x18300] =	vst v63  }
0x30f: {  	s24 =	simm.s32 $0x16300  }
0x310: {  	[tilespmem:s24], [sflag:$0x1] =	stream.indirect_vreg.gather [hbm4b:s4+s2], $0x80, v9, vm0, $0xb8;
	[tilespmem:$0x18300] =	vst v63  }
0x311: {  	s4 =	simm.s32 $0x16B00  }
0x312: {  	[tilespmem:s4], [sflag:$0x1] =	stream.indirect_vreg.gather [hbm4b:s5+s2], $0x80, v9, vm0, $0xb8;
	[tilespmem:$0x18300] =	vst v63  }
0x313: {  	s18 =	simm.s32 $0x17300  }
0x314: {  	[tilespmem:s18], [sflag:$0x1] =	stream.indirect_vreg.gather [hbm4b:s6+s2], $0x80, v9, vm0, $0xb8;
	[tilespmem:$0x18300] =	vst v63  }
0x315: {  	s8 =	simm.s32 $0x17B00  }
0x316: {  	[tilespmem:s8], [sflag:$0x1] =	stream.indirect_vreg.gather [hbm4b:s7+s2], $0x80, v9, vm0, $0xb8;
	[tilespmem:$0x18300] =	vst v63  }
0x317: {  	_ =	swait.ge [sflag:s30], $0x8000  }
0x318: {  	[sflag:s30] =	ssyncset.done $0x0  }
0x319: {  	s17 =	simm.s32 $0x300;
	s11 =	rddreg [dreg:$0xf];
	[sflag:s30] =	ssyncadd.s32 $0xFFFF8000  }
0x31a: {  	[hbm4b:s11+s9] =	stream.strided.scatter [tilespmem:s17], [sflag:$0x2], $0x8000, s10, s9, $0x38;
	[tilespmem:$0x18300] =	vst v63  }
0x31b: {  	_ =	swait.ge [sflag:s28], $0x8000  }
0x31c: {  	[sflag:s28] =	ssyncset.done $0x0  }
0x31d: {  	[sflag:s28] =	ssyncadd.s32 $0xFFFF8000  }
0x31e: {  	v9 =	vld [tilespmem:$0x180];
	_ =	sdelay $0x4  }
0x31f: {  	v10 =	vshll.u32 v9, $0x6  }
0x320: {  	v9 =	vand.u32 $0x7, v9;
	v10 =	vand.u32 $0xFFFFFE00, v10  }
0x321: {  	v9 =	vor.u32 v9, v10  }
0x322: {  	v10 =	vperm.xlane v9, v6;
	_ =	sdelay $0x1  }
0x323: {  	v10 =	vadd.s32 v7, v10;
	_ =	sdelay $0x1  }
0x324: {  	s8 =	sld [smem:$0x7FA];
	_ =	sdelay $0x2  }
0x325: {  	[tilespmem:s17], [sflag:$0x1] =	stream.indirect_vreg.gather [hbm4b:s8+s2], $0x80, v10, vm0, $0xb8;
	[tilespmem:$0x18300] =	vst v63  }
0x326: {  	s3 =	simm.s32 $0xB00;
	s0 =	sadd.s32 $0x100, s8  }
0x327: {  	[tilespmem:s3], [sflag:$0x1] =	stream.indirect_vreg.gather [hbm4b:s0+s2], $0x80, v10, vm0, $0xb8;
	[tilespmem:$0x18300] =	vst v63  }
0x328: {  	s4 =	simm.s32 $0x1300;
	s1 =	sadd.s32 $0x200, s8  }
0x329: {  	[tilespmem:s4], [sflag:$0x1] =	stream.indirect_vreg.gather [hbm4b:s1+s2], $0x80, v10, vm0, $0xb8;
	[tilespmem:$0x18300] =	vst v63  }
0x32a: {  	s5 =	simm.s32 $0x1B00;
	s3 =	sadd.s32 $0x300, s8  }
0x32b: {  	[tilespmem:s5], [sflag:$0x1] =	stream.indirect_vreg.gather [hbm4b:s3+s2], $0x80, v10, vm0, $0xb8;
	[tilespmem:$0x18300] =	vst v63  }
0x32c: {  	s6 =	simm.s32 $0x2300;
	s4 =	sadd.s32 $0x400, s8  }
0x32d: {  	[tilespmem:s6], [sflag:$0x1] =	stream.indirect_vreg.gather [hbm4b:s4+s2], $0x80, v10, vm0, $0xb8;
	[tilespmem:$0x18300] =	vst v63  }
0x32e: {  	s7 =	simm.s32 $0x2B00;
	v9 =	vperm.xlane v9, v8;
	s5 =	sadd.s32 $0x500, s8  }
0x32f: {  	[tilespmem:s7], [sflag:$0x1] =	stream.indirect_vreg.gather [hbm4b:s5+s2], $0x80, v10, vm0, $0xb8;
	[tilespmem:$0x18300] =	vst v63  }
0x330: {  	s11 =	simm.s32 $0x3300;
	v9 =	vadd.s32 v7, v9;
	s6 =	sadd.s32 $0x600, s8  }
0x331: {  	[tilespmem:s11], [sflag:$0x1] =	stream.indirect_vreg.gather [hbm4b:s6+s2], $0x80, v10, vm0, $0xb8;
	[tilespmem:$0x18300] =	vst v63  }
0x332: {  	s12 =	simm.s32 $0x3B00;
	s7 =	sadd.s32 $0x700, s8  }
0x333: {  	[tilespmem:s12], [sflag:$0x1] =	stream.indirect_vreg.gather [hbm4b:s7+s2], $0x80, v10, vm0, $0xb8;
	[tilespmem:$0x18300] =	vst v63  }
0x334: {  	s12 =	simm.s32 $0x4300  }
0x335: {  	[tilespmem:s12], [sflag:$0x1] =	stream.indirect_vreg.gather [hbm4b:s8+s2], $0x80, v9, vm0, $0xb8;
	[tilespmem:$0x18300] =	vst v63  }
0x336: {  	s11 =	simm.s32 $0x4B00  }
0x337: {  	[tilespmem:s11], [sflag:$0x1] =	stream.indirect_vreg.gather [hbm4b:s0+s2], $0x80, v9, vm0, $0xb8;
	[tilespmem:$0x18300] =	vst v63  }
0x338: {  	s12 =	simm.s32 $0x5300  }
0x339: {  	[tilespmem:s12], [sflag:$0x1] =	stream.indirect_vreg.gather [hbm4b:s1+s2], $0x80, v9, vm0, $0xb8;
	[tilespmem:$0x18300] =	vst v63  }
0x33a: {  	s1 =	simm.s32 $0x5B00  }
0x33b: {  	[tilespmem:s1], [sflag:$0x1] =	stream.indirect_vreg.gather [hbm4b:s3+s2], $0x80, v9, vm0, $0xb8;
	[tilespmem:$0x18300] =	vst v63  }
0x33c: {  	s3 =	simm.s32 $0x6300  }
0x33d: {  	[tilespmem:s3], [sflag:$0x1] =	stream.indirect_vreg.gather [hbm4b:s4+s2], $0x80, v9, vm0, $0xb8;
	[tilespmem:$0x18300] =	vst v63  }
0x33e: {  	s4 =	simm.s32 $0x6B00  }
0x33f: {  	[tilespmem:s4], [sflag:$0x1] =	stream.indirect_vreg.gather [hbm4b:s5+s2], $0x80, v9, vm0, $0xb8;
	[tilespmem:$0x18300] =	vst v63  }
0x340: {  	s5 =	simm.s32 $0x7300  }
0x341: {  	[tilespmem:s5], [sflag:$0x1] =	stream.indirect_vreg.gather [hbm4b:s6+s2], $0x80, v9, vm0, $0xb8;
	[tilespmem:$0x18300] =	vst v63  }
0x342: {  	s8 =	simm.s32 $0x7B00  }
0x343: {  	[tilespmem:s8], [sflag:$0x1] =	stream.indirect_vreg.gather [hbm4b:s7+s2], $0x80, v9, vm0, $0xb8;
	[tilespmem:$0x18300] =	vst v63  }
0x344: {  	_ =	swait.ge [sflag:s30], $0x8000  }
0x345: {  	[sflag:s30] =	ssyncset.done $0x0  }
0x346: {  	s12 =	simm.s32 $0x8300;
	s11 =	rddreg [dreg:$0x10];
	[sflag:s30] =	ssyncadd.s32 $0xFFFF8000  }
0x347: {  	[hbm4b:s11+s9] =	stream.strided.scatter [tilespmem:s12], [sflag:$0x2], $0x8000, s10, s9, $0x38;
	[tilespmem:$0x18300] =	vst v63  }
0x348: {  	_ =	swait.ge [sflag:s28], $0x8000  }
0x349: {  	[sflag:s28] =	ssyncset.done $0x0  }
0x34a: {  	[sflag:s28] =	ssyncadd.s32 $0xFFFF8000  }
0x34b: {  	v9 =	vld [tilespmem:$0x200];
	_ =	sdelay $0x4  }
0x34c: {  	v10 =	vshll.u32 v9, $0x6  }
0x34d: {  	v9 =	vand.u32 $0x7, v9;
	v10 =	vand.u32 $0xFFFFFE00, v10  }
0x34e: {  	v9 =	vor.u32 v9, v10  }
0x34f: {  	v10 =	vperm.xlane v9, v6;
	_ =	sdelay $0x1  }
0x350: {  	v10 =	vadd.s32 v7, v10;
	_ =	sdelay $0x1  }
0x351: {  	s8 =	sld [smem:$0x7F0];
	_ =	sdelay $0x2  }
0x352: {  	[tilespmem:s12], [sflag:$0x1] =	stream.indirect_vreg.gather [hbm4b:s8+s2], $0x80, v10, vm0, $0xb8;
	[tilespmem:$0x18300] =	vst v63  }
0x353: {  	s3 =	simm.s32 $0x8B00;
	s0 =	sadd.s32 $0x100, s8  }
0x354: {  	[tilespmem:s3], [sflag:$0x1] =	stream.indirect_vreg.gather [hbm4b:s0+s2], $0x80, v10, vm0, $0xb8;
	[tilespmem:$0x18300] =	vst v63  }
0x355: {  	s4 =	simm.s32 $0x9300;
	s1 =	sadd.s32 $0x200, s8  }
0x356: {  	[tilespmem:s4], [sflag:$0x1] =	stream.indirect_vreg.gather [hbm4b:s1+s2], $0x80, v10, vm0, $0xb8;
	[tilespmem:$0x18300] =	vst v63  }
0x357: {  	s5 =	simm.s32 $0x9B00;
	s3 =	sadd.s32 $0x300, s8  }
0x358: {  	[tilespmem:s5], [sflag:$0x1] =	stream.indirect_vreg.gather [hbm4b:s3+s2], $0x80, v10, vm0, $0xb8;
	[tilespmem:$0x18300] =	vst v63  }
0x359: {  	s6 =	simm.s32 $0xA300;
	s4 =	sadd.s32 $0x400, s8  }
0x35a: {  	[tilespmem:s6], [sflag:$0x1] =	stream.indirect_vreg.gather [hbm4b:s4+s2], $0x80, v10, vm0, $0xb8;
	[tilespmem:$0x18300] =	vst v63  }
0x35b: {  	s7 =	simm.s32 $0xAB00;
	v9 =	vperm.xlane v9, v8;
	s5 =	sadd.s32 $0x500, s8  }
0x35c: {  	[tilespmem:s7], [sflag:$0x1] =	stream.indirect_vreg.gather [hbm4b:s5+s2], $0x80, v10, vm0, $0xb8;
	[tilespmem:$0x18300] =	vst v63  }
0x35d: {  	v9 =	vadd.s32 v7, v9;
	s12 =	simm.s32 $0xB300;
	s6 =	sadd.s32 $0x600, s8  }
0x35e: {  	[tilespmem:s12], [sflag:$0x1] =	stream.indirect_vreg.gather [hbm4b:s6+s2], $0x80, v10, vm0, $0xb8;
	[tilespmem:$0x18300] =	vst v63  }
0x35f: {  	s7 =	sadd.s32 $0x700, s8;
	s12 =	simm.s32 $0xBB00  }
0x360: {  	[tilespmem:s12], [sflag:$0x1] =	stream.indirect_vreg.gather [hbm4b:s7+s2], $0x80, v10, vm0, $0xb8;
	[tilespmem:$0x18300] =	vst v63  }
0x361: {  	s26 =	simm.s32 $0xC300  }
0x362: {  	[tilespmem:s26], [sflag:$0x1] =	stream.indirect_vreg.gather [hbm4b:s8+s2], $0x80, v9, vm0, $0xb8;
	[tilespmem:$0x18300] =	vst v63  }
0x363: {  	s12 =	simm.s32 $0xCB00  }
0x364: {  	[tilespmem:s12], [sflag:$0x1] =	stream.indirect_vreg.gather [hbm4b:s0+s2], $0x80, v9, vm0, $0xb8;
	[tilespmem:$0x18300] =	vst v63  }
0x365: {  	s26 =	simm.s32 $0xD300  }
0x366: {  	[tilespmem:s26], [sflag:$0x1] =	stream.indirect_vreg.gather [hbm4b:s1+s2], $0x80, v9, vm0, $0xb8;
	[tilespmem:$0x18300] =	vst v63  }
0x367: {  	s14 =	simm.s32 $0xDB00  }
0x368: {  	[tilespmem:s14], [sflag:$0x1] =	stream.indirect_vreg.gather [hbm4b:s3+s2], $0x80, v9, vm0, $0xb8;
	[tilespmem:$0x18300] =	vst v63  }
0x369: {  	s15 =	simm.s32 $0xE300  }
0x36a: {  	[tilespmem:s15], [sflag:$0x1] =	stream.indirect_vreg.gather [hbm4b:s4+s2], $0x80, v9, vm0, $0xb8;
	[tilespmem:$0x18300] =	vst v63  }
0x36b: {  	s8 =	simm.s32 $0xEB00  }
0x36c: {  	[tilespmem:s8], [sflag:$0x1] =	stream.indirect_vreg.gather [hbm4b:s5+s2], $0x80, v9, vm0, $0xb8;
	[tilespmem:$0x18300] =	vst v63  }
0x36d: {  	s12 =	simm.s32 $0xF300  }
0x36e: {  	[tilespmem:s12], [sflag:$0x1] =	stream.indirect_vreg.gather [hbm4b:s6+s2], $0x80, v9, vm0, $0xb8;
	[tilespmem:$0x18300] =	vst v63  }
0x36f: {  	s26 =	simm.s32 $0xFB00  }
0x370: {  	[tilespmem:s26], [sflag:$0x1] =	stream.indirect_vreg.gather [hbm4b:s7+s2], $0x80, v9, vm0, $0xb8;
	[tilespmem:$0x18300] =	vst v63  }
0x371: {  	_ =	swait.ge [sflag:s30], $0x8000  }
0x372: {  	[sflag:s30] =	ssyncset.done $0x0  }
0x373: {  	s1 =	rddreg [dreg:$0x11];
	[sflag:s30] =	ssyncadd.s32 $0xFFFF8000  }
0x374: {  	[hbm4b:s1+s9] =	stream.strided.scatter [tilespmem:s13], [sflag:$0x2], $0x8000, s10, s9, $0x38;
	[tilespmem:$0x18300] =	vst v63  }
0x375: {  	_ =	swait.ge [sflag:s28], $0x8000  }
0x376: {  	[sflag:s28] =	ssyncset.done $0x0  }
0x377: {  	[sflag:s28] =	ssyncadd.s32 $0xFFFF8000  }
0x378: {  	v9 =	vld [tilespmem:$0x200];
	_ =	sdelay $0x4  }
0x379: {  	v10 =	vshll.u32 v9, $0x6  }
0x37a: {  	v9 =	vand.u32 $0x7, v9;
	v10 =	vand.u32 $0xFFFFFE00, v10  }
0x37b: {  	v9 =	vor.u32 v9, v10  }
0x37c: {  	v10 =	vperm.xlane v9, v6;
	_ =	sdelay $0x1  }
0x37d: {  	v10 =	vadd.s32 v7, v10;
	_ =	sdelay $0x3  }
0x37e: {  	s3 =	rddreg [dreg:$0x1d]  }
0x37f: {  	[tilespmem:s13], [sflag:$0x1] =	stream.indirect_vreg.gather [hbm4b:s3+s2], $0x80, v10, vm0, $0xb8;
	[tilespmem:$0x18300] =	vst v63  }
0x380: {  	s5 =	simm.s32 $0x10B00;
	s4 =	sadd.s32 $0x100, s3  }
0x381: {  	[tilespmem:s5], [sflag:$0x1] =	stream.indirect_vreg.gather [hbm4b:s4+s2], $0x80, v10, vm0, $0xb8;
	[tilespmem:$0x18300] =	vst v63  }
0x382: {  	s20 =	simm.s32 $0x11300;
	s6 =	sadd.s32 $0x200, s3  }
0x383: {  	[tilespmem:s20], [sflag:$0x1] =	stream.indirect_vreg.gather [hbm4b:s6+s2], $0x80, v10, vm0, $0xb8;
	[tilespmem:$0x18300] =	vst v63  }
0x384: {  	s16 =	simm.s32 $0x11B00;
	s7 =	sadd.s32 $0x300, s3  }
0x385: {  	[tilespmem:s16], [sflag:$0x1] =	stream.indirect_vreg.gather [hbm4b:s7+s2], $0x80, v10, vm0, $0xb8;
	[tilespmem:$0x18300] =	vst v63  }
0x386: {  	s19 =	simm.s32 $0x12300;
	s16 =	sadd.s32 $0x400, s3  }
0x387: {  	[tilespmem:s19], [sflag:$0x1] =	stream.indirect_vreg.gather [hbm4b:s16+s2], $0x80, v10, vm0, $0xb8;
	[tilespmem:$0x18300] =	vst v63  }
0x388: {  	s21 =	simm.s32 $0x12B00;
	v9 =	vperm.xlane v9, v8;
	s19 =	sadd.s32 $0x500, s3  }
0x389: {  	[tilespmem:s21], [sflag:$0x1] =	stream.indirect_vreg.gather [hbm4b:s19+s2], $0x80, v10, vm0, $0xb8;
	[tilespmem:$0x18300] =	vst v63  }
0x38a: {  	s22 =	simm.s32 $0x13300;
	v9 =	vadd.s32 v7, v9;
	s20 =	sadd.s32 $0x600, s3  }
0x38b: {  	[tilespmem:s22], [sflag:$0x1] =	stream.indirect_vreg.gather [hbm4b:s20+s2], $0x80, v10, vm0, $0xb8;
	[tilespmem:$0x18300] =	vst v63  }
0x38c: {  	s21 =	sadd.s32 $0x700, s3;
	s22 =	simm.s32 $0x13B00  }
0x38d: {  	[tilespmem:s22], [sflag:$0x1] =	stream.indirect_vreg.gather [hbm4b:s21+s2], $0x80, v10, vm0, $0xb8;
	[tilespmem:$0x18300] =	vst v63  }
0x38e: {  	s25 =	simm.s32 $0x14300  }
0x38f: {  	[tilespmem:s25], [sflag:$0x1] =	stream.indirect_vreg.gather [hbm4b:s3+s2], $0x80, v9, vm0, $0xb8;
	[tilespmem:$0x18300] =	vst v63  }
0x390: {  	s23 =	simm.s32 $0x14B00  }
0x391: {  	[tilespmem:s23], [sflag:$0x1] =	stream.indirect_vreg.gather [hbm4b:s4+s2], $0x80, v9, vm0, $0xb8;
	[tilespmem:$0x18300] =	vst v63  }
0x392: {  	s31 =	simm.s32 $0x15300  }
0x393: {  	[tilespmem:s31], [sflag:$0x1] =	stream.indirect_vreg.gather [hbm4b:s6+s2], $0x80, v9, vm0, $0xb8;
	[tilespmem:$0x18300] =	vst v63  }
0x394: {  	s29 =	simm.s32 $0x15B00  }
0x395: {  	[tilespmem:s29], [sflag:$0x1] =	stream.indirect_vreg.gather [hbm4b:s7+s2], $0x80, v9, vm0, $0xb8;
	[tilespmem:$0x18300] =	vst v63  }
0x396: {  	s24 =	simm.s32 $0x16300  }
0x397: {  	[tilespmem:s24], [sflag:$0x1] =	stream.indirect_vreg.gather [hbm4b:s16+s2], $0x80, v9, vm0, $0xb8;
	[tilespmem:$0x18300] =	vst v63  }
0x398: {  	s8 =	simm.s32 $0x16B00  }
0x399: {  	[tilespmem:s8], [sflag:$0x1] =	stream.indirect_vreg.gather [hbm4b:s19+s2], $0x80, v9, vm0, $0xb8;
	[tilespmem:$0x18300] =	vst v63  }
0x39a: {  	s18 =	simm.s32 $0x17300  }
0x39b: {  	[tilespmem:s18], [sflag:$0x1] =	stream.indirect_vreg.gather [hbm4b:s20+s2], $0x80, v9, vm0, $0xb8;
	[tilespmem:$0x18300] =	vst v63  }
0x39c: {  	s12 =	simm.s32 $0x17B00  }
0x39d: {  	[tilespmem:s12], [sflag:$0x1] =	stream.indirect_vreg.gather [hbm4b:s21+s2], $0x80, v9, vm0, $0xb8;
	[tilespmem:$0x18300] =	vst v63  }
0x39e: {  	_ =	swait.ge [sflag:s30], $0x8000  }
0x39f: {  	[sflag:s30] =	ssyncset.done $0x0  }
0x3a0: {  	s17 =	simm.s32 $0x300;
	s16 =	rddreg [dreg:$0x12];
	[sflag:s30] =	ssyncadd.s32 $0xFFFF8000  }
0x3a1: {  	[hbm4b:s16+s9] =	stream.strided.scatter [tilespmem:s17], [sflag:$0x2], $0x8000, s10, s9, $0x38;
	[tilespmem:$0x18300] =	vst v63  }
0x3a2: {  	_ =	swait.ge [sflag:s28], $0x8000  }
0x3a3: {  	[sflag:s28] =	ssyncset.done $0x0  }
0x3a4: {  	[sflag:s28] =	ssyncadd.s32 $0xFFFF8000  }
0x3a5: {  	v9 =	vld [tilespmem:$0x200];
	_ =	sdelay $0x4  }
0x3a6: {  	v10 =	vshll.u32 v9, $0x6  }
0x3a7: {  	v9 =	vand.u32 $0x7, v9;
	v10 =	vand.u32 $0xFFFFFE00, v10  }
0x3a8: {  	v9 =	vor.u32 v9, v10  }
0x3a9: {  	v10 =	vperm.xlane v9, v6;
	_ =	sdelay $0x1  }
0x3aa: {  	v10 =	vadd.s32 v7, v10;
	_ =	sdelay $0x1  }
0x3ab: {  	s18 =	sld [smem:$0x7F5];
	_ =	sdelay $0x2  }
0x3ac: {  	[tilespmem:s17], [sflag:$0x1] =	stream.indirect_vreg.gather [hbm4b:s18+s2], $0x80, v10, vm0, $0xb8;
	[tilespmem:$0x18300] =	vst v63  }
0x3ad: {  	s19 =	simm.s32 $0xB00;
	s0 =	sadd.s32 $0x100, s18  }
0x3ae: {  	[tilespmem:s19], [sflag:$0x1] =	stream.indirect_vreg.gather [hbm4b:s0+s2], $0x80, v10, vm0, $0xb8;
	[tilespmem:$0x18300] =	vst v63  }
0x3af: {  	s20 =	simm.s32 $0x1300;
	s1 =	sadd.s32 $0x200, s18  }
0x3b0: {  	[tilespmem:s20], [sflag:$0x1] =	stream.indirect_vreg.gather [hbm4b:s1+s2], $0x80, v10, vm0, $0xb8;
	[tilespmem:$0x18300] =	vst v63  }
0x3b1: {  	s21 =	simm.s32 $0x1B00;
	s3 =	sadd.s32 $0x300, s18  }
0x3b2: {  	[tilespmem:s21], [sflag:$0x1] =	stream.indirect_vreg.gather [hbm4b:s3+s2], $0x80, v10, vm0, $0xb8;
	[tilespmem:$0x18300] =	vst v63  }
0x3b3: {  	s22 =	simm.s32 $0x2300;
	s4 =	sadd.s32 $0x400, s18  }
0x3b4: {  	[tilespmem:s22], [sflag:$0x1] =	stream.indirect_vreg.gather [hbm4b:s4+s2], $0x80, v10, vm0, $0xb8;
	[tilespmem:$0x18300] =	vst v63  }
0x3b5: {  	s24 =	simm.s32 $0x2B00;
	s23 =	sadd.s32 $0x500, s18;
	v9 =	vperm.xlane v9, v8  }
0x3b6: {  	[tilespmem:s24], [sflag:$0x1] =	stream.indirect_vreg.gather [hbm4b:s23+s2], $0x80, v10, vm0, $0xb8;
	[tilespmem:$0x18300] =	vst v63  }
0x3b7: {  	s29 =	simm.s32 $0x3300;
	s25 =	sadd.s32 $0x600, s18;
	v9 =	vadd.s32 v7, v9  }
0x3b8: {  	[tilespmem:s29], [sflag:$0x1] =	stream.indirect_vreg.gather [hbm4b:s25+s2], $0x80, v10, vm0, $0xb8;
	[tilespmem:$0x18300] =	vst v63  }
0x3b9: {  	s16 =	simm.s32 $0x3B00;
	s31 =	sadd.s32 $0x700, s18  }
0x3ba: {  	[tilespmem:s16], [sflag:$0x1] =	stream.indirect_vreg.gather [hbm4b:s31+s2], $0x80, v10, vm0, $0xb8;
	[tilespmem:$0x18300] =	vst v63  }
0x3bb: {  	s17 =	simm.s32 $0x4300  }
0x3bc: {  	[tilespmem:s17], [sflag:$0x1] =	stream.indirect_vreg.gather [hbm4b:s18+s2], $0x80, v9, vm0, $0xb8;
	[tilespmem:$0x18300] =	vst v63  }
0x3bd: {  	s18 =	simm.s32 $0x4B00  }
0x3be: {  	[tilespmem:s18], [sflag:$0x1] =	stream.indirect_vreg.gather [hbm4b:s0+s2], $0x80, v9, vm0, $0xb8;
	[tilespmem:$0x18300] =	vst v63  }
0x3bf: {  	s19 =	simm.s32 $0x5300  }
0x3c0: {  	[tilespmem:s19], [sflag:$0x1] =	stream.indirect_vreg.gather [hbm4b:s1+s2], $0x80, v9, vm0, $0xb8;
	[tilespmem:$0x18300] =	vst v63  }
0x3c1: {  	s20 =	simm.s32 $0x5B00  }
0x3c2: {  	[tilespmem:s20], [sflag:$0x1] =	stream.indirect_vreg.gather [hbm4b:s3+s2], $0x80, v9, vm0, $0xb8;
	[tilespmem:$0x18300] =	vst v63  }
0x3c3: {  	s21 =	simm.s32 $0x6300  }
0x3c4: {  	[tilespmem:s21], [sflag:$0x1] =	stream.indirect_vreg.gather [hbm4b:s4+s2], $0x80, v9, vm0, $0xb8;
	[tilespmem:$0x18300] =	vst v63  }
0x3c5: {  	s22 =	simm.s32 $0x6B00  }
0x3c6: {  	[tilespmem:s22], [sflag:$0x1] =	stream.indirect_vreg.gather [hbm4b:s23+s2], $0x80, v9, vm0, $0xb8;
	[tilespmem:$0x18300] =	vst v63  }
0x3c7: {  	s23 =	simm.s32 $0x7300  }
0x3c8: {  	[tilespmem:s23], [sflag:$0x1] =	stream.indirect_vreg.gather [hbm4b:s25+s2], $0x80, v9, vm0, $0xb8;
	[tilespmem:$0x18300] =	vst v63  }
0x3c9: {  	s24 =	simm.s32 $0x7B00  }
0x3ca: {  	[tilespmem:s24], [sflag:$0x1] =	stream.indirect_vreg.gather [hbm4b:s31+s2], $0x80, v9, vm0, $0xb8;
	[tilespmem:$0x18300] =	vst v63  }
0x3cb: {  	_ =	swait.ge [sflag:s30], $0x8000  }
0x3cc: {  	[sflag:s30] =	ssyncset.done $0x0  }
0x3cd: {  	s11 =	simm.s32 $0x8300;
	s25 =	rddreg [dreg:$0x13];
	[sflag:s30] =	ssyncadd.s32 $0xFFFF8000  }
0x3ce: {  	[hbm4b:s25+s9] =	stream.strided.scatter [tilespmem:s11], [sflag:$0x2], $0x8000, s10, s9, $0x38;
	[tilespmem:$0x18300] =	vst v63  }
0x3cf: {  	_ =	swait.ge [sflag:s28], $0x8000  }
0x3d0: {  	[sflag:s28] =	ssyncset.done $0x0  }
0x3d1: {  	[sflag:s28] =	ssyncadd.s32 $0xFFFF8000  }
0x3d2: {  	v9 =	vld [tilespmem:$0x200];
	_ =	sdelay $0x4  }
0x3d3: {  	v10 =	vshll.u32 v9, $0x6  }
0x3d4: {  	v9 =	vand.u32 $0x7, v9;
	v10 =	vand.u32 $0xFFFFFE00, v10  }
0x3d5: {  	v9 =	vor.u32 v9, v10  }
0x3d6: {  	v10 =	vperm.xlane v9, v6;
	_ =	sdelay $0x1  }
0x3d7: {  	v10 =	vadd.s32 v7, v10;
	_ =	sdelay $0x1  }
0x3d8: {  	s29 =	sld [smem:$0x7FB];
	_ =	sdelay $0x2  }
0x3d9: {  	[tilespmem:s11], [sflag:$0x1] =	stream.indirect_vreg.gather [hbm4b:s29+s2], $0x80, v10, vm0, $0xb8;
	[tilespmem:$0x18300] =	vst v63  }
0x3da: {  	s4 =	simm.s32 $0x8B00;
	s31 =	sadd.s32 $0x100, s29  }
0x3db: {  	[tilespmem:s4], [sflag:$0x1] =	stream.indirect_vreg.gather [hbm4b:s31+s2], $0x80, v10, vm0, $0xb8;
	[tilespmem:$0x18300] =	vst v63  }
0x3dc: {  	s5 =	simm.s32 $0x9300;
	s1 =	sadd.s32 $0x200, s29  }
0x3dd: {  	[tilespmem:s5], [sflag:$0x1] =	stream.indirect_vreg.gather [hbm4b:s1+s2], $0x80, v10, vm0, $0xb8;
	[tilespmem:$0x18300] =	vst v63  }
0x3de: {  	s6 =	simm.s32 $0x9B00;
	s3 =	sadd.s32 $0x300, s29  }
0x3df: {  	[tilespmem:s6], [sflag:$0x1] =	stream.indirect_vreg.gather [hbm4b:s3+s2], $0x80, v10, vm0, $0xb8;
	[tilespmem:$0x18300] =	vst v63  }
0x3e0: {  	s7 =	simm.s32 $0xA300;
	s4 =	sadd.s32 $0x400, s29  }
0x3e1: {  	[tilespmem:s7], [sflag:$0x1] =	stream.indirect_vreg.gather [hbm4b:s4+s2], $0x80, v10, vm0, $0xb8;
	[tilespmem:$0x18300] =	vst v63  }
0x3e2: {  	v9 =	vperm.xlane v9, v8;
	s11 =	simm.s32 $0xAB00;
	s5 =	sadd.s32 $0x500, s29  }
0x3e3: {  	[tilespmem:s11], [sflag:$0x1] =	stream.indirect_vreg.gather [hbm4b:s5+s2], $0x80, v10, vm0, $0xb8;
	[tilespmem:$0x18300] =	vst v63  }
0x3e4: {  	s12 =	simm.s32 $0xB300;
	v9 =	vadd.s32 v7, v9;
	s6 =	sadd.s32 $0x600, s29  }
0x3e5: {  	[tilespmem:s12], [sflag:$0x1] =	stream.indirect_vreg.gather [hbm4b:s6+s2], $0x80, v10, vm0, $0xb8;
	[tilespmem:$0x18300] =	vst v63  }
0x3e6: {  	s17 =	simm.s32 $0xBB00;
	s7 =	sadd.s32 $0x700, s29  }
0x3e7: {  	[tilespmem:s17], [sflag:$0x1] =	stream.indirect_vreg.gather [hbm4b:s7+s2], $0x80, v10, vm0, $0xb8;
	[tilespmem:$0x18300] =	vst v63  }
0x3e8: {  	s24 =	simm.s32 $0xC300  }
0x3e9: {  	[tilespmem:s24], [sflag:$0x1] =	stream.indirect_vreg.gather [hbm4b:s29+s2], $0x80, v9, vm0, $0xb8;
	[tilespmem:$0x18300] =	vst v63  }
0x3ea: {  	s25 =	simm.s32 $0xCB00  }
0x3eb: {  	[tilespmem:s25], [sflag:$0x1] =	stream.indirect_vreg.gather [hbm4b:s31+s2], $0x80, v9, vm0, $0xb8;
	[tilespmem:$0x18300] =	vst v63  }
0x3ec: {  	s29 =	simm.s32 $0xD300  }
0x3ed: {  	[tilespmem:s29], [sflag:$0x1] =	stream.indirect_vreg.gather [hbm4b:s1+s2], $0x80, v9, vm0, $0xb8;
	[tilespmem:$0x18300] =	vst v63  }
0x3ee: {  	s14 =	simm.s32 $0xDB00  }
0x3ef: {  	[tilespmem:s14], [sflag:$0x1] =	stream.indirect_vreg.gather [hbm4b:s3+s2], $0x80, v9, vm0, $0xb8;
	[tilespmem:$0x18300] =	vst v63  }
0x3f0: {  	s15 =	simm.s32 $0xE300  }
0x3f1: {  	[tilespmem:s15], [sflag:$0x1] =	stream.indirect_vreg.gather [hbm4b:s4+s2], $0x80, v9, vm0, $0xb8;
	[tilespmem:$0x18300] =	vst v63  }
0x3f2: {  	s4 =	simm.s32 $0xEB00  }
0x3f3: {  	[tilespmem:s4], [sflag:$0x1] =	stream.indirect_vreg.gather [hbm4b:s5+s2], $0x80, v9, vm0, $0xb8;
	[tilespmem:$0x18300] =	vst v63  }
0x3f4: {  	s5 =	simm.s32 $0xF300  }
0x3f5: {  	[tilespmem:s5], [sflag:$0x1] =	stream.indirect_vreg.gather [hbm4b:s6+s2], $0x80, v9, vm0, $0xb8;
	[tilespmem:$0x18300] =	vst v63  }
0x3f6: {  	s8 =	simm.s32 $0xFB00  }
0x3f7: {  	[tilespmem:s8], [sflag:$0x1] =	stream.indirect_vreg.gather [hbm4b:s7+s2], $0x80, v9, vm0, $0xb8;
	[tilespmem:$0x18300] =	vst v63  }
0x3f8: {  	_ =	swait.ge [sflag:s30], $0x8000  }
0x3f9: {  	[sflag:s30] =	ssyncset.done $0x0  }
0x3fa: {  	s11 =	rddreg [dreg:$0x14];
	[sflag:s30] =	ssyncadd.s32 $0xFFFF8000  }
0x3fb: {  	[hbm4b:s11+s9] =	stream.strided.scatter [tilespmem:s13], [sflag:$0x2], $0x8000, s10, s9, $0x38;
	[tilespmem:$0x18300] =	vst v63  }
0x3fc: {  	_ =	swait.ge [sflag:s28], $0x8000  }
0x3fd: {  	[sflag:s28] =	ssyncset.done $0x0  }
0x3fe: {  	[sflag:s28] =	ssyncadd.s32 $0xFFFF8000  }
0x3ff: {  	v9 =	vld [tilespmem:$0x280];
	_ =	sdelay $0x4  }
0x400: {  	v10 =	vshll.u32 v9, $0x6  }
0x401: {  	v9 =	vand.u32 $0x7, v9;
	v10 =	vand.u32 $0xFFFFFE00, v10  }
0x402: {  	v9 =	vor.u32 v9, v10  }
0x403: {  	v10 =	vperm.xlane v9, v6;
	_ =	sdelay $0x1  }
0x404: {  	v10 =	vadd.s32 v7, v10;
	_ =	sdelay $0x1  }
0x405: {  	s8 =	sld [smem:$0x7F1];
	_ =	sdelay $0x2  }
0x406: {  	[tilespmem:s13], [sflag:$0x1] =	stream.indirect_vreg.gather [hbm4b:s8+s2], $0x80, v10, vm0, $0xb8;
	[tilespmem:$0x18300] =	vst v63  }
0x407: {  	s17 =	simm.s32 $0x10B00;
	s0 =	sadd.s32 $0x100, s8  }
0x408: {  	[tilespmem:s17], [sflag:$0x1] =	stream.indirect_vreg.gather [hbm4b:s0+s2], $0x80, v10, vm0, $0xb8;
	[tilespmem:$0x18300] =	vst v63  }
0x409: {  	s24 =	simm.s32 $0x11300;
	s1 =	sadd.s32 $0x200, s8  }
0x40a: {  	[tilespmem:s24], [sflag:$0x1] =	stream.indirect_vreg.gather [hbm4b:s1+s2], $0x80, v10, vm0, $0xb8;
	[tilespmem:$0x18300] =	vst v63  }
0x40b: {  	s25 =	simm.s32 $0x11B00;
	s3 =	sadd.s32 $0x300, s8  }
0x40c: {  	[tilespmem:s25], [sflag:$0x1] =	stream.indirect_vreg.gather [hbm4b:s3+s2], $0x80, v10, vm0, $0xb8;
	[tilespmem:$0x18300] =	vst v63  }
0x40d: {  	s29 =	simm.s32 $0x12300;
	s4 =	sadd.s32 $0x400, s8  }
0x40e: {  	[tilespmem:s29], [sflag:$0x1] =	stream.indirect_vreg.gather [hbm4b:s4+s2], $0x80, v10, vm0, $0xb8;
	[tilespmem:$0x18300] =	vst v63  }
0x40f: {  	s26 =	simm.s32 $0x12B00;
	s6 =	sadd.s32 $0x500, s8;
	v9 =	vperm.xlane v9, v8  }
0x410: {  	[tilespmem:s26], [sflag:$0x1] =	stream.indirect_vreg.gather [hbm4b:s6+s2], $0x80, v10, vm0, $0xb8;
	[tilespmem:$0x18300] =	vst v63  }
0x411: {  	s11 =	sadd.s32 $0x600, s8;
	v9 =	vadd.s32 v7, v9;
	s17 =	simm.s32 $0x13300  }
0x412: {  	[tilespmem:s17], [sflag:$0x1] =	stream.indirect_vreg.gather [hbm4b:s11+s2], $0x80, v10, vm0, $0xb8;
	[tilespmem:$0x18300] =	vst v63  }
0x413: {  	s7 =	sadd.s32 $0x700, s8;
	s24 =	simm.s32 $0x13B00  }
0x414: {  	[tilespmem:s24], [sflag:$0x1] =	stream.indirect_vreg.gather [hbm4b:s7+s2], $0x80, v10, vm0, $0xb8;
	[tilespmem:$0x18300] =	vst v63  }
0x415: {  	s25 =	simm.s32 $0x14300  }
0x416: {  	[tilespmem:s25], [sflag:$0x1] =	stream.indirect_vreg.gather [hbm4b:s8+s2], $0x80, v9, vm0, $0xb8;
	[tilespmem:$0x18300] =	vst v63  }
0x417: {  	s26 =	simm.s32 $0x14B00  }
0x418: {  	[tilespmem:s26], [sflag:$0x1] =	stream.indirect_vreg.gather [hbm4b:s0+s2], $0x80, v9, vm0, $0xb8;
	[tilespmem:$0x18300] =	vst v63  }
0x419: {  	s29 =	simm.s32 $0x15300  }
0x41a: {  	[tilespmem:s29], [sflag:$0x1] =	stream.indirect_vreg.gather [hbm4b:s1+s2], $0x80, v9, vm0, $0xb8;
	[tilespmem:$0x18300] =	vst v63  }
0x41b: {  	s1 =	simm.s32 $0x15B00  }
0x41c: {  	[tilespmem:s1], [sflag:$0x1] =	stream.indirect_vreg.gather [hbm4b:s3+s2], $0x80, v9, vm0, $0xb8;
	[tilespmem:$0x18300] =	vst v63  }
0x41d: {  	s3 =	simm.s32 $0x16300  }
0x41e: {  	[tilespmem:s3], [sflag:$0x1] =	stream.indirect_vreg.gather [hbm4b:s4+s2], $0x80, v9, vm0, $0xb8;
	[tilespmem:$0x18300] =	vst v63  }
0x41f: {  	s4 =	simm.s32 $0x16B00  }
0x420: {  	[tilespmem:s4], [sflag:$0x1] =	stream.indirect_vreg.gather [hbm4b:s6+s2], $0x80, v9, vm0, $0xb8;
	[tilespmem:$0x18300] =	vst v63  }
0x421: {  	s8 =	simm.s32 $0x17300  }
0x422: {  	[tilespmem:s8], [sflag:$0x1] =	stream.indirect_vreg.gather [hbm4b:s11+s2], $0x80, v9, vm0, $0xb8;
	[tilespmem:$0x18300] =	vst v63  }
0x423: {  	s11 =	simm.s32 $0x17B00  }
0x424: {  	[tilespmem:s11], [sflag:$0x1] =	stream.indirect_vreg.gather [hbm4b:s7+s2], $0x80, v9, vm0, $0xb8;
	[tilespmem:$0x18300] =	vst v63  }
0x425: {  	_ =	swait.ge [sflag:s30], $0x8000  }
0x426: {  	[sflag:s30] =	ssyncset.done $0x0  }
0x427: {  	s26 =	simm.s32 $0x300;
	s17 =	rddreg [dreg:$0x15];
	[sflag:s30] =	ssyncadd.s32 $0xFFFF8000  }
0x428: {  	[hbm4b:s17+s9] =	stream.strided.scatter [tilespmem:s26], [sflag:$0x2], $0x8000, s10, s9, $0x38;
	[tilespmem:$0x18300] =	vst v63  }
0x429: {  	_ =	swait.ge [sflag:s28], $0x8000  }
0x42a: {  	[sflag:s28] =	ssyncset.done $0x0  }
0x42b: {  	[sflag:s28] =	ssyncadd.s32 $0xFFFF8000  }
0x42c: {  	v9 =	vld [tilespmem:$0x280];
	_ =	sdelay $0x4  }
0x42d: {  	v10 =	vshll.u32 v9, $0x6  }
0x42e: {  	v9 =	vand.u32 $0x7, v9;
	v10 =	vand.u32 $0xFFFFFE00, v10  }
0x42f: {  	v9 =	vor.u32 v9, v10  }
0x430: {  	v10 =	vperm.xlane v9, v6;
	_ =	sdelay $0x1  }
0x431: {  	v10 =	vadd.s32 v7, v10;
	_ =	sdelay $0x3  }
0x432: {  	s8 =	rddreg [dreg:$0x1e]  }
0x433: {  	[tilespmem:s26], [sflag:$0x1] =	stream.indirect_vreg.gather [hbm4b:s8+s2], $0x80, v10, vm0, $0xb8;
	[tilespmem:$0x18300] =	vst v63  }
0x434: {  	s3 =	simm.s32 $0xB00;
	s0 =	sadd.s32 $0x100, s8  }
0x435: {  	[tilespmem:s3], [sflag:$0x1] =	stream.indirect_vreg.gather [hbm4b:s0+s2], $0x80, v10, vm0, $0xb8;
	[tilespmem:$0x18300] =	vst v63  }
0x436: {  	s4 =	simm.s32 $0x1300;
	s1 =	sadd.s32 $0x200, s8  }
0x437: {  	[tilespmem:s4], [sflag:$0x1] =	stream.indirect_vreg.gather [hbm4b:s1+s2], $0x80, v10, vm0, $0xb8;
	[tilespmem:$0x18300] =	vst v63  }
0x438: {  	s5 =	simm.s32 $0x1B00;
	s3 =	sadd.s32 $0x300, s8  }
0x439: {  	[tilespmem:s5], [sflag:$0x1] =	stream.indirect_vreg.gather [hbm4b:s3+s2], $0x80, v10, vm0, $0xb8;
	[tilespmem:$0x18300] =	vst v63  }
0x43a: {  	s6 =	simm.s32 $0x2300;
	s4 =	sadd.s32 $0x400, s8  }
0x43b: {  	[tilespmem:s6], [sflag:$0x1] =	stream.indirect_vreg.gather [hbm4b:s4+s2], $0x80, v10, vm0, $0xb8;
	[tilespmem:$0x18300] =	vst v63  }
0x43c: {  	s7 =	simm.s32 $0x2B00;
	v9 =	vperm.xlane v9, v8;
	s5 =	sadd.s32 $0x500, s8  }
0x43d: {  	[tilespmem:s7], [sflag:$0x1] =	stream.indirect_vreg.gather [hbm4b:s5+s2], $0x80, v10, vm0, $0xb8;
	[tilespmem:$0x18300] =	vst v63  }
0x43e: {  	v9 =	vadd.s32 v7, v9;
	s26 =	simm.s32 $0x3300;
	s6 =	sadd.s32 $0x600, s8  }
0x43f: {  	[tilespmem:s26], [sflag:$0x1] =	stream.indirect_vreg.gather [hbm4b:s6+s2], $0x80, v10, vm0, $0xb8;
	[tilespmem:$0x18300] =	vst v63  }
0x440: {  	s7 =	sadd.s32 $0x700, s8;
	s26 =	simm.s32 $0x3B00  }
0x441: {  	[tilespmem:s26], [sflag:$0x1] =	stream.indirect_vreg.gather [hbm4b:s7+s2], $0x80, v10, vm0, $0xb8;
	[tilespmem:$0x18300] =	vst v63  }
0x442: {  	s26 =	simm.s32 $0x4300  }
0x443: {  	[tilespmem:s26], [sflag:$0x1] =	stream.indirect_vreg.gather [hbm4b:s8+s2], $0x80, v9, vm0, $0xb8;
	[tilespmem:$0x18300] =	vst v63  }
0x444: {  	s16 =	simm.s32 $0x4B00  }
0x445: {  	[tilespmem:s16], [sflag:$0x1] =	stream.indirect_vreg.gather [hbm4b:s0+s2], $0x80, v9, vm0, $0xb8;
	[tilespmem:$0x18300] =	vst v63  }
0x446: {  	s18 =	simm.s32 $0x5300  }
0x447: {  	[tilespmem:s18], [sflag:$0x1] =	stream.indirect_vreg.gather [hbm4b:s1+s2], $0x80, v9, vm0, $0xb8;
	[tilespmem:$0x18300] =	vst v63  }
0x448: {  	s19 =	simm.s32 $0x5B00  }
0x449: {  	[tilespmem:s19], [sflag:$0x1] =	stream.indirect_vreg.gather [hbm4b:s3+s2], $0x80, v9, vm0, $0xb8;
	[tilespmem:$0x18300] =	vst v63  }
0x44a: {  	s20 =	simm.s32 $0x6300  }
0x44b: {  	[tilespmem:s20], [sflag:$0x1] =	stream.indirect_vreg.gather [hbm4b:s4+s2], $0x80, v9, vm0, $0xb8;
	[tilespmem:$0x18300] =	vst v63  }
0x44c: {  	s21 =	simm.s32 $0x6B00  }
0x44d: {  	[tilespmem:s21], [sflag:$0x1] =	stream.indirect_vreg.gather [hbm4b:s5+s2], $0x80, v9, vm0, $0xb8;
	[tilespmem:$0x18300] =	vst v63  }
0x44e: {  	s22 =	simm.s32 $0x7300  }
0x44f: {  	[tilespmem:s22], [sflag:$0x1] =	stream.indirect_vreg.gather [hbm4b:s6+s2], $0x80, v9, vm0, $0xb8;
	[tilespmem:$0x18300] =	vst v63  }
0x450: {  	s23 =	simm.s32 $0x7B00  }
0x451: {  	[tilespmem:s23], [sflag:$0x1] =	stream.indirect_vreg.gather [hbm4b:s7+s2], $0x80, v9, vm0, $0xb8;
	[tilespmem:$0x18300] =	vst v63  }
0x452: {  	_ =	swait.ge [sflag:s30], $0x8000  }
0x453: {  	[sflag:s30] =	ssyncset.done $0x0  }
0x454: {  	s4 =	simm.s32 $0x8300;
	s3 =	rddreg [dreg:$0x16];
	[sflag:s30] =	ssyncadd.s32 $0xFFFF8000  }
0x455: {  	[hbm4b:s3+s9] =	stream.strided.scatter [tilespmem:s4], [sflag:$0x2], $0x8000, s10, s9, $0x38;
	[tilespmem:$0x18300] =	vst v63  }
0x456: {  	_ =	swait.ge [sflag:s28], $0x8000  }
0x457: {  	[sflag:s28] =	ssyncset.done $0x0  }
0x458: {  	[sflag:s28] =	ssyncadd.s32 $0xFFFF8000  }
0x459: {  	v9 =	vld [tilespmem:$0x280];
	_ =	sdelay $0x4  }
0x45a: {  	v10 =	vshll.u32 v9, $0x6  }
0x45b: {  	v9 =	vand.u32 $0x7, v9;
	v10 =	vand.u32 $0xFFFFFE00, v10  }
0x45c: {  	v9 =	vor.u32 v9, v10  }
0x45d: {  	v10 =	vperm.xlane v9, v6;
	_ =	sdelay $0x1  }
0x45e: {  	v10 =	vadd.s32 v7, v10;
	_ =	sdelay $0x1  }
0x45f: {  	s8 =	sld [smem:$0x7F6];
	_ =	sdelay $0x2  }
0x460: {  	[tilespmem:s4], [sflag:$0x1] =	stream.indirect_vreg.gather [hbm4b:s8+s2], $0x80, v10, vm0, $0xb8;
	[tilespmem:$0x18300] =	vst v63  }
0x461: {  	s5 =	simm.s32 $0x8B00;
	s0 =	sadd.s32 $0x100, s8  }
0x462: {  	[tilespmem:s5], [sflag:$0x1] =	stream.indirect_vreg.gather [hbm4b:s0+s2], $0x80, v10, vm0, $0xb8;
	[tilespmem:$0x18300] =	vst v63  }
0x463: {  	s6 =	simm.s32 $0x9300;
	s1 =	sadd.s32 $0x200, s8  }
0x464: {  	[tilespmem:s6], [sflag:$0x1] =	stream.indirect_vreg.gather [hbm4b:s1+s2], $0x80, v10, vm0, $0xb8;
	[tilespmem:$0x18300] =	vst v63  }
0x465: {  	s7 =	simm.s32 $0x9B00;
	s3 =	sadd.s32 $0x300, s8  }
0x466: {  	[tilespmem:s7], [sflag:$0x1] =	stream.indirect_vreg.gather [hbm4b:s3+s2], $0x80, v10, vm0, $0xb8;
	[tilespmem:$0x18300] =	vst v63  }
0x467: {  	s16 =	simm.s32 $0xA300;
	s4 =	sadd.s32 $0x400, s8  }
0x468: {  	[tilespmem:s16], [sflag:$0x1] =	stream.indirect_vreg.gather [hbm4b:s4+s2], $0x80, v10, vm0, $0xb8;
	[tilespmem:$0x18300] =	vst v63  }
0x469: {  	s18 =	simm.s32 $0xAB00;
	v9 =	vperm.xlane v9, v8;
	s5 =	sadd.s32 $0x500, s8  }
0x46a: {  	[tilespmem:s18], [sflag:$0x1] =	stream.indirect_vreg.gather [hbm4b:s5+s2], $0x80, v10, vm0, $0xb8;
	[tilespmem:$0x18300] =	vst v63  }
0x46b: {  	s20 =	simm.s32 $0xB300;
	s19 =	sadd.s32 $0x600, s8;
	v9 =	vadd.s32 v7, v9  }
0x46c: {  	[tilespmem:s20], [sflag:$0x1] =	stream.indirect_vreg.gather [hbm4b:s19+s2], $0x80, v10, vm0, $0xb8;
	[tilespmem:$0x18300] =	vst v63  }
0x46d: {  	s22 =	simm.s32 $0xBB00;
	s21 =	sadd.s32 $0x700, s8  }
0x46e: {  	[tilespmem:s22], [sflag:$0x1] =	stream.indirect_vreg.gather [hbm4b:s21+s2], $0x80, v10, vm0, $0xb8;
	[tilespmem:$0x18300] =	vst v63  }
0x46f: {  	s23 =	simm.s32 $0xC300  }
0x470: {  	[tilespmem:s23], [sflag:$0x1] =	stream.indirect_vreg.gather [hbm4b:s8+s2], $0x80, v9, vm0, $0xb8;
	[tilespmem:$0x18300] =	vst v63  }
0x471: {  	s31 =	simm.s32 $0xCB00  }
0x472: {  	[tilespmem:s31], [sflag:$0x1] =	stream.indirect_vreg.gather [hbm4b:s0+s2], $0x80, v9, vm0, $0xb8;
	[tilespmem:$0x18300] =	vst v63  }
0x473: {  	s12 =	simm.s32 $0xD300  }
0x474: {  	[tilespmem:s12], [sflag:$0x1] =	stream.indirect_vreg.gather [hbm4b:s1+s2], $0x80, v9, vm0, $0xb8;
	[tilespmem:$0x18300] =	vst v63  }
0x475: {  	s8 =	simm.s32 $0xDB00  }
0x476: {  	[tilespmem:s8], [sflag:$0x1] =	stream.indirect_vreg.gather [hbm4b:s3+s2], $0x80, v9, vm0, $0xb8;
	[tilespmem:$0x18300] =	vst v63  }
0x477: {  	s12 =	simm.s32 $0xE300  }
0x478: {  	[tilespmem:s12], [sflag:$0x1] =	stream.indirect_vreg.gather [hbm4b:s4+s2], $0x80, v9, vm0, $0xb8;
	[tilespmem:$0x18300] =	vst v63  }
0x479: {  	s14 =	simm.s32 $0xEB00  }
0x47a: {  	[tilespmem:s14], [sflag:$0x1] =	stream.indirect_vreg.gather [hbm4b:s5+s2], $0x80, v9, vm0, $0xb8;
	[tilespmem:$0x18300] =	vst v63  }
0x47b: {  	s15 =	simm.s32 $0xF300  }
0x47c: {  	[tilespmem:s15], [sflag:$0x1] =	stream.indirect_vreg.gather [hbm4b:s19+s2], $0x80, v9, vm0, $0xb8;
	[tilespmem:$0x18300] =	vst v63  }
0x47d: {  	s14 =	simm.s32 $0xFB00  }
0x47e: {  	[tilespmem:s14], [sflag:$0x1] =	stream.indirect_vreg.gather [hbm4b:s21+s2], $0x80, v9, vm0, $0xb8;
	[tilespmem:$0x18300] =	vst v63  }
0x47f: {  	_ =	swait.ge [sflag:s30], $0x8000  }
0x480: {  	[sflag:s30] =	ssyncset.done $0x0  }
0x481: {  	s15 =	rddreg [dreg:$0x17];
	[sflag:s30] =	ssyncadd.s32 $0xFFFF8000  }
0x482: {  	[hbm4b:s15+s9] =	stream.strided.scatter [tilespmem:s13], [sflag:$0x2], $0x8000, s10, s9, $0x38;
	[tilespmem:$0x18300] =	vst v63  }
0x483: {  	_ =	swait.ge [sflag:s28], $0x8000  }
0x484: {  	[sflag:s28] =	ssyncset.done $0x0  }
0x485: {  	[sflag:s28] =	ssyncadd.s32 $0xFFFF8000  }
0x486: {  	v9 =	vld [tilespmem:$0x280];
	_ =	sdelay $0x4  }
0x487: {  	v10 =	vshll.u32 v9, $0x6  }
0x488: {  	v9 =	vand.u32 $0x7, v9;
	v10 =	vand.u32 $0xFFFFFE00, v10  }
0x489: {  	v9 =	vor.u32 v9, v10  }
0x48a: {  	v10 =	vperm.xlane v9, v6;
	_ =	sdelay $0x1  }
0x48b: {  	v10 =	vadd.s32 v7, v10;
	_ =	sdelay $0x1  }
0x48c: {  	s8 =	sld [smem:$0x7FC];
	_ =	sdelay $0x2  }
0x48d: {  	[tilespmem:s13], [sflag:$0x1] =	stream.indirect_vreg.gather [hbm4b:s8+s2], $0x80, v10, vm0, $0xb8;
	[tilespmem:$0x18300] =	vst v63  }
0x48e: {  	s16 =	simm.s32 $0x10B00;
	s0 =	sadd.s32 $0x100, s8  }
0x48f: {  	[tilespmem:s16], [sflag:$0x1] =	stream.indirect_vreg.gather [hbm4b:s0+s2], $0x80, v10, vm0, $0xb8;
	[tilespmem:$0x18300] =	vst v63  }
0x490: {  	s19 =	simm.s32 $0x11300;
	s18 =	sadd.s32 $0x200, s8  }
0x491: {  	[tilespmem:s19], [sflag:$0x1] =	stream.indirect_vreg.gather [hbm4b:s18+s2], $0x80, v10, vm0, $0xb8;
	[tilespmem:$0x18300] =	vst v63  }
0x492: {  	s21 =	simm.s32 $0x11B00;
	s20 =	sadd.s32 $0x300, s8  }
0x493: {  	[tilespmem:s21], [sflag:$0x1] =	stream.indirect_vreg.gather [hbm4b:s20+s2], $0x80, v10, vm0, $0xb8;
	[tilespmem:$0x18300] =	vst v63  }
0x494: {  	s23 =	simm.s32 $0x12300;
	s22 =	sadd.s32 $0x400, s8  }
0x495: {  	[tilespmem:s23], [sflag:$0x1] =	stream.indirect_vreg.gather [hbm4b:s22+s2], $0x80, v10, vm0, $0xb8;
	[tilespmem:$0x18300] =	vst v63  }
0x496: {  	s9 =	simm.s32 $0x12B00;
	s31 =	sadd.s32 $0x500, s8;
	v9 =	vperm.xlane v9, v8  }
0x497: {  	[tilespmem:s9], [sflag:$0x1] =	stream.indirect_vreg.gather [hbm4b:s31+s2], $0x80, v10, vm0, $0xb8;
	[tilespmem:$0x18300] =	vst v63  }
0x498: {  	s12 =	simm.s32 $0x13300;
	s10 =	sadd.s32 $0x600, s8;
	v9 =	vadd.s32 v7, v9  }
0x499: {  	[tilespmem:s12], [sflag:$0x1] =	stream.indirect_vreg.gather [hbm4b:s10+s2], $0x80, v10, vm0, $0xb8;
	[tilespmem:$0x18300] =	vst v63  }
0x49a: {  	s15 =	simm.s32 $0x13B00;
	s14 =	sadd.s32 $0x700, s8  }
0x49b: {  	[tilespmem:s15], [sflag:$0x1] =	stream.indirect_vreg.gather [hbm4b:s14+s2], $0x80, v10, vm0, $0xb8;
	[tilespmem:$0x18300] =	vst v63  }
0x49c: {  	s16 =	simm.s32 $0x14300  }
0x49d: {  	[tilespmem:s16], [sflag:$0x1] =	stream.indirect_vreg.gather [hbm4b:s8+s2], $0x80, v9, vm0, $0xb8;
	[tilespmem:$0x18300] =	vst v63  }
0x49e: {  	s24 =	simm.s32 $0x14B00  }
0x49f: {  	[tilespmem:s24], [sflag:$0x1] =	stream.indirect_vreg.gather [hbm4b:s0+s2], $0x80, v9, vm0, $0xb8;
	[tilespmem:$0x18300] =	vst v63  }
0x4a0: {  	s25 =	simm.s32 $0x15300  }
0x4a1: {  	[tilespmem:s25], [sflag:$0x1] =	stream.indirect_vreg.gather [hbm4b:s18+s2], $0x80, v9, vm0, $0xb8;
	[tilespmem:$0x18300] =	vst v63  }
0x4a2: {  	s29 =	simm.s32 $0x15B00  }
0x4a3: {  	[tilespmem:s29], [sflag:$0x1] =	stream.indirect_vreg.gather [hbm4b:s20+s2], $0x80, v9, vm0, $0xb8;
	[tilespmem:$0x18300] =	vst v63  }
0x4a4: {  	s18 =	simm.s32 $0x16300  }
0x4a5: {  	[tilespmem:s18], [sflag:$0x1] =	stream.indirect_vreg.gather [hbm4b:s22+s2], $0x80, v9, vm0, $0xb8;
	[tilespmem:$0x18300] =	vst v63  }
0x4a6: {  	s19 =	simm.s32 $0x16B00  }
0x4a7: {  	[tilespmem:s19], [sflag:$0x1] =	stream.indirect_vreg.gather [hbm4b:s31+s2], $0x80, v9, vm0, $0xb8;
	[tilespmem:$0x18300] =	vst v63  }
0x4a8: {  	s20 =	simm.s32 $0x17300  }
0x4a9: {  	[tilespmem:s20], [sflag:$0x1] =	stream.indirect_vreg.gather [hbm4b:s10+s2], $0x80, v9, vm0, $0xb8;
	[tilespmem:$0x18300] =	vst v63  }
0x4aa: {  	s11 =	simm.s32 $0x17B00  }
0x4ab: {  	[tilespmem:s11], [sflag:$0x1] =	stream.indirect_vreg.gather [hbm4b:s14+s2], $0x80, v9, vm0, $0xb8;
	[tilespmem:$0x18300] =	vst v63  }
0x4ac: {  	s21 =	sld [smem:$0x7ED];
	_ =	swait.ge [sflag:s30], $0x8000  }
0x4ad: {  	s17 =	simm.s32 $0x300;
	s23 =	simm.s32 $0x4000;
	[sflag:s30] =	ssyncset.done $0x0  }
0x4ae: {  	s24 =	simm.s32 $0x10000;
	s22 =	rddreg [dreg:$0x18];
	[sflag:s30] =	ssyncadd.s32 $0xFFFF8000  }
0x4af: {  	[hbm4b:s22+s23] =	stream.strided.scatter [tilespmem:s17], [sflag:$0x2], $0x8000, s24, s23, $0x38;
	[tilespmem:$0x18300] =	vst v63  }
0x4b0: {  	_ =	swait.ge [sflag:s28], $0x8000  }
0x4b1: {  	[sflag:s28] =	ssyncset.done $0x0  }
0x4b2: {  	[sflag:s28] =	ssyncadd.s32 $0xFFFF8000  }
0x4b3: {  	_ =	swait.ge [sflag:s30], $0x8000  }
0x4b4: {  	[sflag:s30] =	ssyncset.done $0x0  }
0x4b5: {  	s26 =	simm.s32 $0x8300;
	s25 =	rddreg [dreg:$0x19];
	[sflag:s30] =	ssyncadd.s32 $0xFFFF8000  }
0x4b6: {  	[hbm4b:s25+s23] =	stream.strided.scatter [tilespmem:s26], [sflag:$0x2], $0x8000, s24, s23, $0x38;
	[tilespmem:$0x18300] =	vst v63  }
0x4b7: {  	_ =	swait.ge [sflag:s28], $0x8000  }
0x4b8: {  	[sflag:s28] =	ssyncset.done $0x0  }
0x4b9: {  	[sflag:s28] =	ssyncadd.s32 $0xFFFF8000  }
0x4ba: {  	p0 =	sne.s32 s21, $0x1;
	_ =	swait.ge [sflag:s30], $0x8000  }
0x4bb: {  	s29 =	simm.s32 $0x4000;
	s26 =	simm.s32 $0x10000;
	[sflag:s30] =	ssyncset.done $0x0  }
.Ltmp0:
0x4bc: {  	s31 =	rddreg [dreg:$0x1a];
	[sflag:s30] =	ssyncadd.s32 $0xFFFF8000;
	(pc) =	sbr.rel @p0 .LBB2_1-.Ltmp0, $4  }
0x4bd: {  	[hbm4b:s31+s29] =	stream.strided.scatter [tilespmem:s13], [sflag:$0x2], $0x8000, s26, s29, $0x38;
	[tilespmem:$0x18300] =	vst v63  }
0x4be: {  	_ =	swait.ge [sflag:s28], $0x8000  }
0x4bf: {  	[sflag:s28] =	ssyncset.done $0x0  }
0x4c0: {  	s7 =	sadd.s32 $0xFFFFFFFF, s21;
	[sflag:s28] =	ssyncadd.s32 $0xFFFF8000  }
0x4c1: {  	_ =	sfence.sel $0x180000  }
0x4c2: {  	[bflag:$0x0] =	sbarrier.arrive $0xFFFF  }
0x4c3: {  	_ =	strace $0x90000047  }
0x4c4: {  	s0 =	stileid.u32;
	[bflag:$0x2] =	sbarrier.arrive $0xFFFF  }
0x4c5: {  	p0 =	sne.s32 s0, $0x0;
	s0 =	rddreg [dreg:$0x2]  }
0x4c6: {  	s0 =	sadd.s32 @!p0 $0x100000, s0  }
0x4c7: {  	[sflag:s0] =	ssyncadd.tile.s32 @!p0 $0x1;
	_ =	shalt  }
.Lfunc_end2:
_tile_overlayer_lowered:
.L_overlay_start_2:
0x4c8: {  	(tag) =	ssettag $0x2  }
0x4c9: {  	s0 =	rddreg [dreg:$0x0];
	s2 =	stileid.u32  }
0x4ca: {  	s1 =	rddreg [dreg:$0x1];
	p0 =	sne.s32 s2, $0x0  }
0x4cb: {  	s3 =	rddreg [dreg:$0x2];
	[bflag:$0x3] =	sbarrier.arrive $0xFFFF;
	s2 =	simm.s32 @!p0 $0x1C03  }
0x4cc: {  	[timem:s3], [sflag:s2] =	dma.local @!p0 [hbm:s0], s1  }
0x4cd: {  	s0 =	simm.s32 @!p0 $0x3  }
0x4ce: {  	_ =	swait.ge @!p0 [sflag:s0], s1  }
0x4cf: {  	s1 =	ssub.s32 @!p0 $0x0, s1;
	[sflag:s0] =	ssyncset.done @!p0 $0x0  }
0x4d0: {  	[sflag:s0] =	ssyncadd.s32 @!p0 s1  }
0x4d1: {  	[bflag:$0x3] =	sbarrier.arrive $0xFFFF  }
0x4d2: {  	_ =	shalt  }

</sc_bundles>
